<compile_context>
chip_gen: v7x
topology: tpu7x:2x2x1
jax: 0.10.2.dev20260603
libtpu: 0.0.44.dev20260713+nightly
codegen_flags: <defaults>
</compile_context>

<pallas_src>
import functools

import jax
import jax.numpy as jnp
from jax import lax
from jax.experimental import pallas as pl
from jax.experimental.pallas import tpu as pltpu
from jax.experimental.pallas import tpu_sc as plsc

B = 64
V = 1_000_000
EPSILON = 0.05

NW = 32
LANE = 128
FULL_TILES = V // LANE
TAIL = V - FULL_TILES * LANE
CT = 31
CHUNKC = CT * LANE
RING = 3
NCH = 39
QT = NCH * CT
QCOLS = QT * LANE
CSC = 4 * QCOLS
JGROUPS = CHUNKC // 64

TC_BLK = 62 * LANE
TC_BLK0 = CSC // TC_BLK
TC_STEPS = (FULL_TILES * LANE - CSC) // TC_BLK

_mesh = plsc.VectorSubcoreMesh(core_axis_name="c", subcore_axis_name="s")

_GATHER_DNUMS = lax.GatherDimensionNumbers(
    offset_dims=(), collapsed_slice_dims=(0,), start_index_map=(0,))


def _perm16(x, pidx):
    return lax.gather(x, pidx[:, None], _GATHER_DNUMS, (1,),
                      mode=lax.GatherScatterMode.PROMISE_IN_BOUNDS)


@functools.partial(
    pl.kernel,
    mesh=_mesh,
    out_type=[
        jax.ShapeDtypeStruct((4, B), jnp.float32),
        jax.ShapeDtypeStruct((4, B), jnp.int32),
    ],
    scratch_types=[
        pltpu.VMEM((8, CHUNKC), jnp.float32),
        pltpu.VMEM((8, CHUNKC), jnp.float32),
        pltpu.VMEM((8, CHUNKC), jnp.float32),
        pltpu.VMEM((8, TAIL), jnp.float32),
        pltpu.VMEM((16,), jnp.float32),
        pltpu.VMEM((16,), jnp.int32),
        pltpu.SemaphoreType.DMA,
        pltpu.SemaphoreType.DMA,
        pltpu.SemaphoreType.DMA,
    ],
)
def _sc_argmax(x_hbm, maxs_hbm, idxs_hbm, buf0, buf1, buf2, tailbuf,
               resm, resi, sem0, sem1, sem2):
    c = lax.axis_index("c")
    s = lax.axis_index("s")
    wid = c * 16 + s
    rb = c * 4 + s // 4
    kq = s % 4
    row0 = rb * 8
    lane = lax.iota(jnp.int32, 16)

    def start_dma(t, b, sem):
        col0 = kq * QCOLS + t * CHUNKC
        pltpu.make_async_copy(
            x_hbm.at[pl.ds(row0, 8), pl.ds(col0, CHUNKC)], b, sem).start()

    def wait_dma(b, sem):
        pltpu.make_async_copy(
            x_hbm.at[pl.ds(row0, 8), pl.ds(0, CHUNKC)], b, sem).wait()

    def process(b, t, ms, idxs):
        col0 = kq * QCOLS + t * CHUNKC
        pos0 = col0 + lane

        def jbody(j, carry):
            ms, idxs, pos = carry
            ms = list(ms)
            idxs = list(idxs)
            base = j * 64
            for du in range(4):
                p = pos + (du * 16) if du else pos
                for r in range(8):
                    v = b[r, pl.ds(base + du * 16, 16)]
                    gt = v > ms[r]
                    ms[r] = jnp.where(gt, v, ms[r])
                    idxs[r] = jnp.where(gt, p, idxs[r])
            return tuple(ms), tuple(idxs), pos + 64

        ms, idxs, _ = lax.fori_loop(0, JGROUPS, jbody, (ms, idxs, pos0))
        return ms, idxs

    ms = tuple(jnp.full((16,), -jnp.inf, jnp.float32) for _ in range(8))
    idxs = tuple(jnp.zeros((16,), jnp.int32) for _ in range(8))

    bufs = (buf0, buf1, buf2)[:RING]
    sems = (sem0, sem1, sem2)[:RING]
    for t in range(RING - 1):
        start_dma(t, bufs[t], sems[t])

    def ubody(u, carry):
        ms, idxs = carry
        t0 = u * RING
        for q in range(RING):
            nxt = t0 + RING - 1 + q

            @pl.when(nxt < NCH)
            def _(nxt=nxt, q=q):
                start_dma(nxt, bufs[(RING - 1 + q) % RING],
                          sems[(RING - 1 + q) % RING])

            wait_dma(bufs[q], sems[q])
            ms, idxs = process(bufs[q], t0 + q, ms, idxs)
        return ms, idxs

    ms, idxs = lax.fori_loop(0, NCH // RING, ubody, (ms, idxs))

    pltpu.sync_copy(x_hbm.at[pl.ds(row0, 8), pl.ds(FULL_TILES * LANE, TAIL)],
                    tailbuf)
    penalty = jnp.where(kq == 3, jnp.float32(0), jnp.float32(-jnp.inf))
    ms = list(ms)
    idxs = list(idxs)
    for j in range(TAIL // 16):
        p = FULL_TILES * LANE + j * 16 + lane
        for r in range(8):
            v = tailbuf[r, pl.ds(j * 16, 16)] + penalty
            gt = v > ms[r]
            ms[r] = jnp.where(gt, v, ms[r])
            idxs[r] = jnp.where(gt, p, idxs[r])

    for r in range(8):
        m, idx = ms[r], idxs[r]
        for d in (1, 2, 4, 8):
            pidx = lane ^ d
            mp = _perm16(m, pidx)
            ip = _perm16(idx, pidx)
            better = (mp > m) | ((mp == m) & (ip < idx))
            m = jnp.where(better, mp, m)
            idx = jnp.where(better, ip, idx)
        ms[r], idxs[r] = m, idx

    accm = jnp.full((16,), -jnp.inf, jnp.float32)
    acci = jnp.zeros((16,), jnp.int32)
    for r in range(8):
        accm = jnp.where(lane == r, ms[r], accm)
        acci = jnp.where(lane == r, idxs[r], acci)
    resm[...] = accm
    resi[...] = acci
    pltpu.sync_copy(resm.at[pl.ds(0, 8)], maxs_hbm.at[kq, pl.ds(row0, 8)])
    pltpu.sync_copy(resi.at[pl.ds(0, 8)], idxs_hbm.at[kq, pl.ds(row0, 8)])


def _tc_body(x_ref, maxs_ref, idxs_ref, mstate, istate):
    i = pl.program_id(0)

    @pl.when(i == 0)
    def _():
        mstate[...] = jnp.full((B, LANE), -jnp.inf, jnp.float32)
        istate[...] = jnp.zeros((B, LANE), jnp.int32)

    base = CSC + i * TC_BLK
    lane2 = lax.broadcasted_iota(jnp.int32, (B, LANE), 1)
    m = mstate[...]
    ii = istate[...]
    for j in range(TC_BLK // LANE):
        v = x_ref[:, j * LANE:(j + 1) * LANE]
        gt = v > m
        m = jnp.where(gt, v, m)
        ii = jnp.where(gt, (base + j * LANE) + lane2, ii)
    mstate[...] = m
    istate[...] = ii

    @pl.when(i == TC_STEPS - 1)
    def _():
        bm = jnp.max(m, axis=1, keepdims=True)
        bi = jnp.min(jnp.where(m == bm, ii, jnp.int32(2**31 - 1)),
                     axis=1, keepdims=True)
        maxs_ref[...] = bm
        idxs_ref[...] = bi


_tc_argmax = pl.pallas_call(
    _tc_body,
    grid=(TC_STEPS,),
    in_specs=[pl.BlockSpec((B, TC_BLK), lambda i: (0, TC_BLK0 + i))],
    out_specs=[pl.BlockSpec((B, 1), lambda i: (0, 0)),
               pl.BlockSpec((B, 1), lambda i: (0, 0))],
    out_shape=[jax.ShapeDtypeStruct((B, 1), jnp.float32),
               jax.ShapeDtypeStruct((B, 1), jnp.int32)],
    scratch_shapes=[pltpu.VMEM((B, LANE), jnp.float32),
                    pltpu.VMEM((B, LANE), jnp.int32)],
)


import numpy as np


def _rotl32(x, d):
    return ((x << np.uint32(d)) | (x >> np.uint32(32 - d))).astype(np.uint32)


def _threefry2x32(k0, k1, x0, x1):
    x0 = x0.astype(np.uint32).copy()
    x1 = x1.astype(np.uint32).copy()
    ks = [np.uint32(k0), np.uint32(k1),
          np.uint32(np.uint32(k0) ^ np.uint32(k1) ^ np.uint32(0x1BD11BDA))]
    rotations = [(13, 15, 26, 6), (17, 29, 16, 24)]
    x0 = (x0 + ks[0]).astype(np.uint32)
    x1 = (x1 + ks[1]).astype(np.uint32)
    for r in range(5):
        for d in rotations[r % 2]:
            x0 = (x0 + x1).astype(np.uint32)
            x1 = _rotl32(x1, d)
            x1 = (x1 ^ x0).astype(np.uint32)
        x0 = (x0 + ks[(r + 1) % 3]).astype(np.uint32)
        x1 = (x1 + ks[(r + 2) % 3] + np.uint32(r + 1)).astype(np.uint32)
    return x0, x1


def _random_bits_32(k0, k1, n):
    b1, b2 = _threefry2x32(k0, k1, np.zeros(n, np.uint32),
                           np.arange(n, dtype=np.uint32))
    return (b1 ^ b2).astype(np.uint32)


def _randint_np(seed, n, minval, maxval):
    k0, k1 = np.uint32(0), np.uint32(seed)
    c1 = np.zeros(2, np.uint32)
    c2 = np.arange(2, dtype=np.uint32)
    s1, s2 = _threefry2x32(k0, k1, c1, c2)
    higher = _random_bits_32(s1[0], s2[0], n)
    lower = _random_bits_32(s1[1], s2[1], n)
    span = np.uint32(maxval - minval)
    mult = np.uint32((2**16) % int(span))
    mult = np.uint32(int(mult) * int(mult) % 2**32 % int(span))
    with np.errstate(over="ignore"):
        off = ((higher % span) * mult + (lower % span)).astype(np.uint32)
        off = (off % span).astype(np.uint32)
    return (np.int32(minval) + off.astype(np.int32)).astype(np.int32)


def _bernoulli_np(seed, n, p):
    bits = _random_bits_32(np.uint32(0), np.uint32(seed), n)
    fb = (bits >> np.uint32(9)) | np.uint32(0x3F800000)
    u = fb.view(np.float32) - np.float32(1.0)
    return u < np.float32(p)


_SAMPLED = _randint_np(1, B, 0, V).reshape(1, B)
_BERN = _bernoulli_np(2, B, 1.0 - EPSILON).reshape(B, 1).astype(np.int32)

_BIG = np.int32(2**31 - 1)


def _merge_body(sm_ref, si_ref, tm_ref, ti_ref, samp_ref, bern_ref, out_ref):
    sm = sm_ref[...]
    scm_row = jnp.max(sm, axis=0, keepdims=True)
    sci_row = jnp.min(jnp.where(sm == scm_row, si_ref[...], _BIG),
                      axis=0, keepdims=True)
    eye = (lax.broadcasted_iota(jnp.int32, (B, B), 0)
           == lax.broadcasted_iota(jnp.int32, (B, B), 1)).astype(jnp.float32)
    dn = (((1,), (1,)), ((), ()))
    scm_col = lax.dot_general(eye, scm_row, dn,
                              precision=lax.Precision.HIGHEST,
                              preferred_element_type=jnp.float32)
    sci_col = lax.dot_general(eye, sci_row.astype(jnp.float32), dn,
                              precision=lax.Precision.HIGHEST,
                              preferred_element_type=jnp.float32
                              ).astype(jnp.int32)
    m2 = jnp.concatenate([scm_col, tm_ref[...]], axis=1)
    i2 = jnp.concatenate([sci_col, ti_ref[...]], axis=1)
    rowmax = jnp.max(m2, axis=1, keepdims=True)
    bests = jnp.min(jnp.where(m2 == rowmax, i2, _BIG),
                    axis=1, keepdims=True)
    out_ref[...] = jnp.where(bern_ref[...] != 0, bests, samp_ref[...])


_merge = pl.pallas_call(
    _merge_body,
    out_shape=jax.ShapeDtypeStruct((B, B), jnp.int32),
)


def kernel(x):
    staged_m, staged_i = _sc_argmax(x)
    tc_m, tc_i = _tc_argmax(x)
    return _merge(staged_m, staged_i, tc_m, tc_i,
                  jnp.asarray(_SAMPLED), jnp.asarray(_BERN))

# --- scband reference (transcript-rebuilt; emitter-appended) ---
"""Pipeline reference for scband-epsilon-greedy-21844203667644 (READ-ONLY COPY).

The authoritative reference and input builder live on the scoring server;
editing this copy changes nothing except your own understanding.
"""

import jax, jax.numpy as jnp
import numpy as np

EPSILON = 0.05

def setup_inputs(seed: int = 0) -> dict:
    key = jax.random.key(seed)
    x = jax.random.normal(key, (64, 1000000), dtype=jnp.float32)
    return {"x": x}

def reference(x):
    B, V = x.shape
    # bests = x.max(dim=1, keepdim=True)[1]
    bests = jnp.argmax(x, axis=1, keepdims=True).astype(jnp.int32)  # [B, 1]
    # Categorical(probs=ones_like(x)).sample() -> uniform over vocab per row
    k1 = jax.random.key(1)
    k2 = jax.random.key(2)
    sampled = jax.random.randint(k1, (B,), 0, V, dtype=jnp.int32)  # [B]
    # Bernoulli(probs=1 - epsilon).sample().long(), shape [B, 1]
    b = jax.random.bernoulli(k2, 1.0 - EPSILON, (B, 1)).astype(jnp.int32)  # [B, 1]
    # Faithful to torch broadcasting: [B,1] * [B] -> [B,B]
    ret = bests * b + (1 - b) * sampled
    return ret

if __name__ == "__main__":
    import jax
    _d = setup_inputs()
    print(jax.jit(kernel)(*tuple(_d.values())))

</pallas_src>

<mosaic_0001>
#map = affine_map<(d0, d1) -> (0, 0)>
module attributes {stable_mosaic.version = 14 : i64} {
  func.func @_sc_argmax(%arg0: i32, %arg1: i32, %arg2: memref<64x1000000xf32, #tpu.memory_space<hbm>>, %arg3: memref<4x64xf32, #tpu.memory_space<hbm>>, %arg4: memref<4x64xi32, #tpu.memory_space<hbm>>, %arg5: memref<8x3968xf32, #tpu.memory_space<vmem>>, %arg6: memref<8x3968xf32, #tpu.memory_space<vmem>>, %arg7: memref<8x3968xf32, #tpu.memory_space<vmem>>, %arg8: memref<8x64xf32, #tpu.memory_space<vmem>>, %arg9: memref<16xf32, #tpu.memory_space<vmem>>, %arg10: memref<16xi32, #tpu.memory_space<vmem>>, %arg11: memref<!tpu.dma_semaphore, #tpu.memory_space<semaphore_mem>>, %arg12: memref<!tpu.dma_semaphore, #tpu.memory_space<semaphore_mem>>, %arg13: memref<!tpu.dma_semaphore, #tpu.memory_space<semaphore_mem>>) attributes {dimension_semantics = [#tpu.dimension_semantics<core_parallel>, #tpu.dimension_semantics<subcore_parallel>], iteration_bounds = array<i64: 2, 16>, scalar_prefetch = 0 : i64, scratch_operands = 9 : i64, tpu.core_type = #tpu.core_type<sc_vector_subcore>, window_params = [{transform_indices = #map}, {transform_indices = #map}, {transform_indices = #map}]} {
    %mul3A = arith.constant 16 : i32
    %mul3A_0 = arith.muli %arg0, %mul3A : i32
    %add3A = arith.addi %mul3A_0, %arg1 : i32
    %mul3A_1 = arith.constant 4 : i32
    %mul3A_2 = arith.muli %arg0, %mul3A_1 : i32
    %jit3A = arith.constant 4 : i32
    %div3A = arith.divsi %arg1, %jit3A : i32
    %sign3A = arith.constant 0 : i32
    %sign3A_3 = arith.cmpi sgt, %arg1, %sign3A : i32
    %sign3A_4 = arith.extui %sign3A_3 : i1 to i32
    %sign3A_5 = arith.constant 0 : i32
    %sign3A_6 = arith.cmpi slt, %arg1, %sign3A_5 : i32
    %sign3A_7 = arith.extui %sign3A_6 : i1 to i32
    %sign3A_8 = arith.subi %sign3A_4, %sign3A_7 : i32
    %sign3A_9 = arith.constant 0 : i32
    %sign3A_10 = arith.cmpi sgt, %jit3A, %sign3A_9 : i32
    %sign3A_11 = arith.extui %sign3A_10 : i1 to i32
    %sign3A_12 = arith.constant 0 : i32
    %sign3A_13 = arith.cmpi slt, %jit3A, %sign3A_12 : i32
    %sign3A_14 = arith.extui %sign3A_13 : i1 to i32
    %sign3A_15 = arith.subi %sign3A_11, %sign3A_14 : i32
    %ne3A = arith.cmpi ne, %sign3A_8, %sign3A_15 : i32
    %rem3A = arith.remsi %arg1, %jit3A : i32
    %ne3A_16 = arith.constant 0 : i32
    %ne3A_17 = arith.cmpi ne, %rem3A, %ne3A_16 : i32
    %and3A = arith.andi %ne3A, %ne3A_17 : i1
    %sub3A = arith.constant 1 : i32
    %sub3A_18 = arith.subi %div3A, %sub3A : i32
    %select_n3A = arith.select %and3A, %sub3A_18, %div3A : i32
    %add3A_19 = arith.addi %mul3A_2, %select_n3A : i32
    %jit3A_20 = arith.constant 4 : i32
    %eq3A = arith.constant 0 : i32
    %eq3A_21 = arith.cmpi eq, %jit3A_20, %eq3A : i32
    %jit3A_22 = arith.constant 1 : i32
    %select_n3A_23 = arith.select %eq3A_21, %jit3A_22, %jit3A_20 : i32
    %rem3A_24 = arith.remsi %arg1, %select_n3A_23 : i32
    %ne3A_25 = arith.constant 0 : i32
    %ne3A_26 = arith.cmpi ne, %rem3A_24, %ne3A_25 : i32
    %lt3A = arith.constant 0 : i32
    %lt3A_27 = arith.cmpi slt, %rem3A_24, %lt3A : i32
    %lt3A_28 = arith.constant 0 : i32
    %lt3A_29 = arith.cmpi slt, %select_n3A_23, %lt3A_28 : i32
    %ne3A_30 = arith.xori %lt3A_27, %lt3A_29 : i1
    %and3A_31 = arith.andi %ne3A_30, %ne3A_26 : i1
    %add3A_32 = arith.addi %rem3A_24, %select_n3A_23 : i32
    %select_n3A_33 = arith.select %and3A_31, %add3A_32, %rem3A_24 : i32
    %mul3A_34 = arith.constant 8 : i32
    %mul3A_35 = arith.muli %add3A_19, %mul3A_34 : i32
    %iota3A = tpu.iota {dimensions = array<i32: 0>} : vector<16xi32>
    %broadcast_in_dim3A = arith.constant 0xFF800000 : f32
    %broadcast_in_dim3A_36 = vector.broadcast %broadcast_in_dim3A : f32 to vector<16xf32>
    %broadcast_in_dim3A_37 = arith.constant 0xFF800000 : f32
    %broadcast_in_dim3A_38 = vector.broadcast %broadcast_in_dim3A_37 : f32 to vector<16xf32>
    %broadcast_in_dim3A_39 = arith.constant 0xFF800000 : f32
    %broadcast_in_dim3A_40 = vector.broadcast %broadcast_in_dim3A_39 : f32 to vector<16xf32>
    %broadcast_in_dim3A_41 = arith.constant 0xFF800000 : f32
    %broadcast_in_dim3A_42 = vector.broadcast %broadcast_in_dim3A_41 : f32 to vector<16xf32>
    %broadcast_in_dim3A_43 = arith.constant 0xFF800000 : f32
    %broadcast_in_dim3A_44 = vector.broadcast %broadcast_in_dim3A_43 : f32 to vector<16xf32>
    %broadcast_in_dim3A_45 = arith.constant 0xFF800000 : f32
    %broadcast_in_dim3A_46 = vector.broadcast %broadcast_in_dim3A_45 : f32 to vector<16xf32>
    %broadcast_in_dim3A_47 = arith.constant 0xFF800000 : f32
    %broadcast_in_dim3A_48 = vector.broadcast %broadcast_in_dim3A_47 : f32 to vector<16xf32>
    %broadcast_in_dim3A_49 = arith.constant 0xFF800000 : f32
    %broadcast_in_dim3A_50 = vector.broadcast %broadcast_in_dim3A_49 : f32 to vector<16xf32>
    %broadcast_in_dim3A_51 = arith.constant 0 : i32
    %broadcast_in_dim3A_52 = vector.broadcast %broadcast_in_dim3A_51 : i32 to vector<16xi32>
    %broadcast_in_dim3A_53 = arith.constant 0 : i32
    %broadcast_in_dim3A_54 = vector.broadcast %broadcast_in_dim3A_53 : i32 to vector<16xi32>
    %broadcast_in_dim3A_55 = arith.constant 0 : i32
    %broadcast_in_dim3A_56 = vector.broadcast %broadcast_in_dim3A_55 : i32 to vector<16xi32>
    %broadcast_in_dim3A_57 = arith.constant 0 : i32
    %broadcast_in_dim3A_58 = vector.broadcast %broadcast_in_dim3A_57 : i32 to vector<16xi32>
    %broadcast_in_dim3A_59 = arith.constant 0 : i32
    %broadcast_in_dim3A_60 = vector.broadcast %broadcast_in_dim3A_59 : i32 to vector<16xi32>
    %broadcast_in_dim3A_61 = arith.constant 0 : i32
    %broadcast_in_dim3A_62 = vector.broadcast %broadcast_in_dim3A_61 : i32 to vector<16xi32>
    %broadcast_in_dim3A_63 = arith.constant 0 : i32
    %broadcast_in_dim3A_64 = vector.broadcast %broadcast_in_dim3A_63 : i32 to vector<16xi32>
    %broadcast_in_dim3A_65 = arith.constant 0 : i32
    %broadcast_in_dim3A_66 = vector.broadcast %broadcast_in_dim3A_65 : i32 to vector<16xi32>
    %mul3A_67 = arith.constant 154752 : i32
    %mul3A_68 = arith.muli %select_n3A_33, %mul3A_67 : i32
    %add3A_69 = arith.constant 0 : i32
    %add3A_70 = arith.addi %mul3A_68, %add3A_69 : i32
    %dma_start3A = tpu.memref_slice %arg2[%mul3A_35, %add3A_70] : memref<64x1000000xf32, #tpu.memory_space<hbm>> -> memref<8x3968xf32, #tpu.memory_space<hbm>>
    %dma_start3A_71 = tpu.memref_slice %arg2[%mul3A_35, %add3A_70] : memref<64x1000000xf32, #tpu.memory_space<hbm>> -> memref<8x3968xf32, #tpu.memory_space<hbm>>
    tpu.enqueue_dma source(%dma_start3A_71 : memref<8x3968xf32, #tpu.memory_space<hbm>>) target(%arg5 : memref<8x3968xf32, #tpu.memory_space<vmem>>) target_semaphore(%arg11 : memref<!tpu.dma_semaphore, #tpu.memory_space<semaphore_mem>>)
    %mul3A_72 = arith.constant 154752 : i32
    %mul3A_73 = arith.muli %select_n3A_33, %mul3A_72 : i32
    %add3A_74 = arith.constant 3968 : i32
    %add3A_75 = arith.addi %mul3A_73, %add3A_74 : i32
    %dma_start3A_76 = tpu.memref_slice %arg2[%mul3A_35, %add3A_75] : memref<64x1000000xf32, #tpu.memory_space<hbm>> -> memref<8x3968xf32, #tpu.memory_space<hbm>>
    %dma_start3A_77 = tpu.memref_slice %arg2[%mul3A_35, %add3A_75] : memref<64x1000000xf32, #tpu.memory_space<hbm>> -> memref<8x3968xf32, #tpu.memory_space<hbm>>
    tpu.enqueue_dma source(%dma_start3A_77 : memref<8x3968xf32, #tpu.memory_space<hbm>>) target(%arg6 : memref<8x3968xf32, #tpu.memory_space<vmem>>) target_semaphore(%arg12 : memref<!tpu.dma_semaphore, #tpu.memory_space<semaphore_mem>>)
    %scan3A = arith.constant 0 : i32
    %scan3A_78 = arith.constant 13 : i32
    %scan3A_79 = arith.addi %scan3A, %scan3A_78 : i32
    %scan3A_80 = arith.constant 1 : i32
    %scan3A_81:16 = scf.for %scan3A_1002 = %scan3A to %scan3A_79 step %scan3A_80 iter_args(%scan3A_1003 = %broadcast_in_dim3A_36, %scan3A_1004 = %broadcast_in_dim3A_38, %scan3A_1005 = %broadcast_in_dim3A_40, %scan3A_1006 = %broadcast_in_dim3A_42, %scan3A_1007 = %broadcast_in_dim3A_44, %scan3A_1008 = %broadcast_in_dim3A_46, %scan3A_1009 = %broadcast_in_dim3A_48, %scan3A_1010 = %broadcast_in_dim3A_50, %scan3A_1011 = %broadcast_in_dim3A_52, %scan3A_1012 = %broadcast_in_dim3A_54, %scan3A_1013 = %broadcast_in_dim3A_56, %scan3A_1014 = %broadcast_in_dim3A_58, %scan3A_1015 = %broadcast_in_dim3A_60, %scan3A_1016 = %broadcast_in_dim3A_62, %scan3A_1017 = %broadcast_in_dim3A_64, %scan3A_1018 = %broadcast_in_dim3A_66) -> (vector<16xf32>, vector<16xf32>, vector<16xf32>, vector<16xf32>, vector<16xf32>, vector<16xf32>, vector<16xf32>, vector<16xf32>, vector<16xi32>, vector<16xi32>, vector<16xi32>, vector<16xi32>, vector<16xi32>, vector<16xi32>, vector<16xi32>, vector<16xi32>)  : i32 {
      %mul3A_1019 = arith.constant 3 : i32
      %mul3A_1020 = arith.muli %scan3A_1002, %mul3A_1019 : i32
      %add3A_1021 = arith.constant 3 : i32
      %add3A_1022 = arith.addi %mul3A_1020, %add3A_1021 : i32
      %sub3A_1023 = arith.constant 1 : i32
      %sub3A_1024 = arith.subi %add3A_1022, %sub3A_1023 : i32
      %add3A_1025 = arith.constant 0 : i32
      %add3A_1026 = arith.addi %sub3A_1024, %add3A_1025 : i32
      %lt3A_1027 = arith.constant 39 : i32
      %lt3A_1028 = arith.cmpi slt, %add3A_1026, %lt3A_1027 : i32
      %convert_element_type3A = arith.extui %lt3A_1028 : i1 to i32
      %cond3A = arith.constant 0 : i32
      %cond3A_1029 = arith.cmpi ne, %convert_element_type3A, %cond3A : i32
      scf.if %cond3A_1029 {
        %mul3A_1108 = arith.constant 154752 : i32
        %mul3A_1109 = arith.muli %select_n3A_33, %mul3A_1108 : i32
        %mul3A_1110 = arith.constant 3968 : i32
        %mul3A_1111 = arith.muli %add3A_1026, %mul3A_1110 : i32
        %add3A_1112 = arith.addi %mul3A_1109, %mul3A_1111 : i32
        %dma_start3A_1113 = tpu.memref_slice %arg2[%mul3A_35, %add3A_1112] : memref<64x1000000xf32, #tpu.memory_space<hbm>> -> memref<8x3968xf32, #tpu.memory_space<hbm>>
        %dma_start3A_1114 = tpu.memref_slice %arg2[%mul3A_35, %add3A_1112] : memref<64x1000000xf32, #tpu.memory_space<hbm>> -> memref<8x3968xf32, #tpu.memory_space<hbm>>
        tpu.enqueue_dma source(%dma_start3A_1114 : memref<8x3968xf32, #tpu.memory_space<hbm>>) target(%arg7 : memref<8x3968xf32, #tpu.memory_space<vmem>>) target_semaphore(%arg13 : memref<!tpu.dma_semaphore, #tpu.memory_space<semaphore_mem>>)
      } else {
      }
      %dma_wait3A = arith.constant 0 : i32
      %dma_wait3A_1030 = tpu.memref_slice %arg2[%mul3A_35, %dma_wait3A] : memref<64x1000000xf32, #tpu.memory_space<hbm>> -> memref<8x3968xf32, #tpu.memory_space<hbm>>
      %dma_wait3A_1031 = arith.constant 0 : i32
      %dma_wait3A_1032 = tpu.memref_slice %arg2[%mul3A_35, %dma_wait3A_1031] : memref<64x1000000xf32, #tpu.memory_space<hbm>> -> memref<8x3968xf32, #tpu.memory_space<hbm>>
      tpu.wait_dma2 semaphore(%arg11 : memref<!tpu.dma_semaphore, #tpu.memory_space<semaphore_mem>>) src(%dma_wait3A_1032 : memref<8x3968xf32, #tpu.memory_space<hbm>>) dst(%arg5 : memref<8x3968xf32, #tpu.memory_space<vmem>>)
      %add3A_1033 = arith.constant 0 : i32
      %add3A_1034 = arith.addi %mul3A_1020, %add3A_1033 : i32
      %mul3A_1035 = arith.constant 154752 : i32
      %mul3A_1036 = arith.muli %select_n3A_33, %mul3A_1035 : i32
      %mul3A_1037 = arith.constant 3968 : i32
      %mul3A_1038 = arith.muli %add3A_1034, %mul3A_1037 : i32
      %add3A_1039 = arith.addi %mul3A_1036, %mul3A_1038 : i32
      %add3A_1040 = vector.broadcast %add3A_1039 : i32 to vector<16xi32>
      %add3A_1041 = arith.addi %add3A_1040, %iota3A : vector<16xi32>
      %scan3A_1042 = arith.constant 0 : i32
      %scan3A_1043 = arith.constant 62 : i32
      %scan3A_1044 = arith.addi %scan3A_1042, %scan3A_1043 : i32
      %scan3A_1045 = arith.constant 1 : i32
      %scan3A_1046:17 = scf.for %scan3A_1108 = %scan3A_1042 to %scan3A_1044 step %scan3A_1045 iter_args(%scan3A_1109 = %scan3A_1003, %scan3A_1110 = %scan3A_1004, %scan3A_1111 = %scan3A_1005, %scan3A_1112 = %scan3A_1006, %scan3A_1113 = %scan3A_1007, %scan3A_1114 = %scan3A_1008, %scan3A_1115 = %scan3A_1009, %scan3A_1116 = %scan3A_1010, %scan3A_1117 = %scan3A_1011, %scan3A_1118 = %scan3A_1012, %scan3A_1119 = %scan3A_1013, %scan3A_1120 = %scan3A_1014, %scan3A_1121 = %scan3A_1015, %scan3A_1122 = %scan3A_1016, %scan3A_1123 = %scan3A_1017, %scan3A_1124 = %scan3A_1018, %scan3A_1125 = %add3A_1041) -> (vector<16xf32>, vector<16xf32>, vector<16xf32>, vector<16xf32>, vector<16xf32>, vector<16xf32>, vector<16xf32>, vector<16xf32>, vector<16xi32>, vector<16xi32>, vector<16xi32>, vector<16xi32>, vector<16xi32>, vector<16xi32>, vector<16xi32>, vector<16xi32>, vector<16xi32>)  : i32 {
        %mul3A_1126 = arith.constant 64 : i32
        %mul3A_1127 = arith.muli %scan3A_1108, %mul3A_1126 : i32
        %add3A_1128 = arith.constant 0 : i32
        %add3A_1129 = arith.addi %mul3A_1127, %add3A_1128 : i32
        %get3A_1130 = arith.constant 0 : i32
        %get3A_1131 = arith.index_cast %get3A_1130 : i32 to index
        %get3A_1132 = arith.index_cast %add3A_1129 : i32 to index
        %get3A_1133 = tpu.vector_load %arg5[%get3A_1131, %get3A_1132] {strides = array<i32>} : memref<8x3968xf32, #tpu.memory_space<vmem>>, vector<1x16xf32>,
        %get3A_1134 = vector.shape_cast %get3A_1133 : vector<1x16xf32> to vector<16xf32>
        %gt3A_1135 = arith.cmpf ogt, %get3A_1134, %scan3A_1109 : vector<16xf32>
        %select_n3A_1136 = arith.select %gt3A_1135, %get3A_1134, %scan3A_1109 : vector<16xi1>, vector<16xf32>
        %select_n3A_1137 = arith.select %gt3A_1135, %scan3A_1125, %scan3A_1117 : vector<16xi1>, vector<16xi32>
        %add3A_1138 = arith.constant 0 : i32
        %add3A_1139 = arith.addi %mul3A_1127, %add3A_1138 : i32
        %get3A_1140 = arith.constant 1 : i32
        %get3A_1141 = arith.index_cast %get3A_1140 : i32 to index
        %get3A_1142 = arith.index_cast %add3A_1139 : i32 to index
        %get3A_1143 = tpu.vector_load %arg5[%get3A_1141, %get3A_1142] {strides = array<i32>} : memref<8x3968xf32, #tpu.memory_space<vmem>>, vector<1x16xf32>,
        %get3A_1144 = vector.shape_cast %get3A_1143 : vector<1x16xf32> to vector<16xf32>
        %gt3A_1145 = arith.cmpf ogt, %get3A_1144, %scan3A_1110 : vector<16xf32>
        %select_n3A_1146 = arith.select %gt3A_1145, %get3A_1144, %scan3A_1110 : vector<16xi1>, vector<16xf32>
        %select_n3A_1147 = arith.select %gt3A_1145, %scan3A_1125, %scan3A_1118 : vector<16xi1>, vector<16xi32>
        %add3A_1148 = arith.constant 0 : i32
        %add3A_1149 = arith.addi %mul3A_1127, %add3A_1148 : i32
        %get3A_1150 = arith.constant 2 : i32
        %get3A_1151 = arith.index_cast %get3A_1150 : i32 to index
        %get3A_1152 = arith.index_cast %add3A_1149 : i32 to index
        %get3A_1153 = tpu.vector_load %arg5[%get3A_1151, %get3A_1152] {strides = array<i32>} : memref<8x3968xf32, #tpu.memory_space<vmem>>, vector<1x16xf32>,
        %get3A_1154 = vector.shape_cast %get3A_1153 : vector<1x16xf32> to vector<16xf32>
        %gt3A_1155 = arith.cmpf ogt, %get3A_1154, %scan3A_1111 : vector<16xf32>
        %select_n3A_1156 = arith.select %gt3A_1155, %get3A_1154, %scan3A_1111 : vector<16xi1>, vector<16xf32>
        %select_n3A_1157 = arith.select %gt3A_1155, %scan3A_1125, %scan3A_1119 : vector<16xi1>, vector<16xi32>
        %add3A_1158 = arith.constant 0 : i32
        %add3A_1159 = arith.addi %mul3A_1127, %add3A_1158 : i32
        %get3A_1160 = arith.constant 3 : i32
        %get3A_1161 = arith.index_cast %get3A_1160 : i32 to index
        %get3A_1162 = arith.index_cast %add3A_1159 : i32 to index
        %get3A_1163 = tpu.vector_load %arg5[%get3A_1161, %get3A_1162] {strides = array<i32>} : memref<8x3968xf32, #tpu.memory_space<vmem>>, vector<1x16xf32>,
        %get3A_1164 = vector.shape_cast %get3A_1163 : vector<1x16xf32> to vector<16xf32>
        %gt3A_1165 = arith.cmpf ogt, %get3A_1164, %scan3A_1112 : vector<16xf32>
        %select_n3A_1166 = arith.select %gt3A_1165, %get3A_1164, %scan3A_1112 : vector<16xi1>, vector<16xf32>
        %select_n3A_1167 = arith.select %gt3A_1165, %scan3A_1125, %scan3A_1120 : vector<16xi1>, vector<16xi32>
        %add3A_1168 = arith.constant 0 : i32
        %add3A_1169 = arith.addi %mul3A_1127, %add3A_1168 : i32
        %get3A_1170 = arith.constant 4 : i32
        %get3A_1171 = arith.index_cast %get3A_1170 : i32 to index
        %get3A_1172 = arith.index_cast %add3A_1169 : i32 to index
        %get3A_1173 = tpu.vector_load %arg5[%get3A_1171, %get3A_1172] {strides = array<i32>} : memref<8x3968xf32, #tpu.memory_space<vmem>>, vector<1x16xf32>,
        %get3A_1174 = vector.shape_cast %get3A_1173 : vector<1x16xf32> to vector<16xf32>
        %gt3A_1175 = arith.cmpf ogt, %get3A_1174, %scan3A_1113 : vector<16xf32>
        %select_n3A_1176 = arith.select %gt3A_1175, %get3A_1174, %scan3A_1113 : vector<16xi1>, vector<16xf32>
        %select_n3A_1177 = arith.select %gt3A_1175, %scan3A_1125, %scan3A_1121 : vector<16xi1>, vector<16xi32>
        %add3A_1178 = arith.constant 0 : i32
        %add3A_1179 = arith.addi %mul3A_1127, %add3A_1178 : i32
        %get3A_1180 = arith.constant 5 : i32
        %get3A_1181 = arith.index_cast %get3A_1180 : i32 to index
        %get3A_1182 = arith.index_cast %add3A_1179 : i32 to index
        %get3A_1183 = tpu.vector_load %arg5[%get3A_1181, %get3A_1182] {strides = array<i32>} : memref<8x3968xf32, #tpu.memory_space<vmem>>, vector<1x16xf32>,
        %get3A_1184 = vector.shape_cast %get3A_1183 : vector<1x16xf32> to vector<16xf32>
        %gt3A_1185 = arith.cmpf ogt, %get3A_1184, %scan3A_1114 : vector<16xf32>
        %select_n3A_1186 = arith.select %gt3A_1185, %get3A_1184, %scan3A_1114 : vector<16xi1>, vector<16xf32>
        %select_n3A_1187 = arith.select %gt3A_1185, %scan3A_1125, %scan3A_1122 : vector<16xi1>, vector<16xi32>
        %add3A_1188 = arith.constant 0 : i32
        %add3A_1189 = arith.addi %mul3A_1127, %add3A_1188 : i32
        %get3A_1190 = arith.constant 6 : i32
        %get3A_1191 = arith.index_cast %get3A_1190 : i32 to index
        %get3A_1192 = arith.index_cast %add3A_1189 : i32 to index
        %get3A_1193 = tpu.vector_load %arg5[%get3A_1191, %get3A_1192] {strides = array<i32>} : memref<8x3968xf32, #tpu.memory_space<vmem>>, vector<1x16xf32>,
        %get3A_1194 = vector.shape_cast %get3A_1193 : vector<1x16xf32> to vector<16xf32>
        %gt3A_1195 = arith.cmpf ogt, %get3A_1194, %scan3A_1115 : vector<16xf32>
        %select_n3A_1196 = arith.select %gt3A_1195, %get3A_1194, %scan3A_1115 : vector<16xi1>, vector<16xf32>
        %select_n3A_1197 = arith.select %gt3A_1195, %scan3A_1125, %scan3A_1123 : vector<16xi1>, vector<16xi32>
        %add3A_1198 = arith.constant 0 : i32
        %add3A_1199 = arith.addi %mul3A_1127, %add3A_1198 : i32
        %get3A_1200 = arith.constant 7 : i32
        %get3A_1201 = arith.index_cast %get3A_1200 : i32 to index
        %get3A_1202 = arith.index_cast %add3A_1199 : i32 to index
        %get3A_1203 = tpu.vector_load %arg5[%get3A_1201, %get3A_1202] {strides = array<i32>} : memref<8x3968xf32, #tpu.memory_space<vmem>>, vector<1x16xf32>,
        %get3A_1204 = vector.shape_cast %get3A_1203 : vector<1x16xf32> to vector<16xf32>
        %gt3A_1205 = arith.cmpf ogt, %get3A_1204, %scan3A_1116 : vector<16xf32>
        %select_n3A_1206 = arith.select %gt3A_1205, %get3A_1204, %scan3A_1116 : vector<16xi1>, vector<16xf32>
        %select_n3A_1207 = arith.select %gt3A_1205, %scan3A_1125, %scan3A_1124 : vector<16xi1>, vector<16xi32>
        %add3A_1208 = arith.constant 16 : i32
        %add3A_1209 = vector.broadcast %add3A_1208 : i32 to vector<16xi32>
        %add3A_1210 = arith.addi %scan3A_1125, %add3A_1209 : vector<16xi32>
        %add3A_1211 = arith.constant 16 : i32
        %add3A_1212 = arith.addi %mul3A_1127, %add3A_1211 : i32
        %get3A_1213 = arith.constant 0 : i32
        %get3A_1214 = arith.index_cast %get3A_1213 : i32 to index
        %get3A_1215 = arith.index_cast %add3A_1212 : i32 to index
        %get3A_1216 = tpu.vector_load %arg5[%get3A_1214, %get3A_1215] {strides = array<i32>} : memref<8x3968xf32, #tpu.memory_space<vmem>>, vector<1x16xf32>,
        %get3A_1217 = vector.shape_cast %get3A_1216 : vector<1x16xf32> to vector<16xf32>
        %gt3A_1218 = arith.cmpf ogt, %get3A_1217, %select_n3A_1136 : vector<16xf32>
        %select_n3A_1219 = arith.select %gt3A_1218, %get3A_1217, %select_n3A_1136 : vector<16xi1>, vector<16xf32>
        %select_n3A_1220 = arith.select %gt3A_1218, %add3A_1210, %select_n3A_1137 : vector<16xi1>, vector<16xi32>
        %add3A_1221 = arith.constant 16 : i32
        %add3A_1222 = arith.addi %mul3A_1127, %add3A_1221 : i32
        %get3A_1223 = arith.constant 1 : i32
        %get3A_1224 = arith.index_cast %get3A_1223 : i32 to index
        %get3A_1225 = arith.index_cast %add3A_1222 : i32 to index
        %get3A_1226 = tpu.vector_load %arg5[%get3A_1224, %get3A_1225] {strides = array<i32>} : memref<8x3968xf32, #tpu.memory_space<vmem>>, vector<1x16xf32>,
        %get3A_1227 = vector.shape_cast %get3A_1226 : vector<1x16xf32> to vector<16xf32>
        %gt3A_1228 = arith.cmpf ogt, %get3A_1227, %select_n3A_1146 : vector<16xf32>
        %select_n3A_1229 = arith.select %gt3A_1228, %get3A_1227, %select_n3A_1146 : vector<16xi1>, vector<16xf32>
        %select_n3A_1230 = arith.select %gt3A_1228, %add3A_1210, %select_n3A_1147 : vector<16xi1>, vector<16xi32>
        %add3A_1231 = arith.constant 16 : i32
        %add3A_1232 = arith.addi %mul3A_1127, %add3A_1231 : i32
        %get3A_1233 = arith.constant 2 : i32
        %get3A_1234 = arith.index_cast %get3A_1233 : i32 to index
        %get3A_1235 = arith.index_cast %add3A_1232 : i32 to index
        %get3A_1236 = tpu.vector_load %arg5[%get3A_1234, %get3A_1235] {strides = array<i32>} : memref<8x3968xf32, #tpu.memory_space<vmem>>, vector<1x16xf32>,
        %get3A_1237 = vector.shape_cast %get3A_1236 : vector<1x16xf32> to vector<16xf32>
        %gt3A_1238 = arith.cmpf ogt, %get3A_1237, %select_n3A_1156 : vector<16xf32>
        %select_n3A_1239 = arith.select %gt3A_1238, %get3A_1237, %select_n3A_1156 : vector<16xi1>, vector<16xf32>
        %select_n3A_1240 = arith.select %gt3A_1238, %add3A_1210, %select_n3A_1157 : vector<16xi1>, vector<16xi32>
        %add3A_1241 = arith.constant 16 : i32
        %add3A_1242 = arith.addi %mul3A_1127, %add3A_1241 : i32
        %get3A_1243 = arith.constant 3 : i32
        %get3A_1244 = arith.index_cast %get3A_1243 : i32 to index
        %get3A_1245 = arith.index_cast %add3A_1242 : i32 to index
        %get3A_1246 = tpu.vector_load %arg5[%get3A_1244, %get3A_1245] {strides = array<i32>} : memref<8x3968xf32, #tpu.memory_space<vmem>>, vector<1x16xf32>,
        %get3A_1247 = vector.shape_cast %get3A_1246 : vector<1x16xf32> to vector<16xf32>
        %gt3A_1248 = arith.cmpf ogt, %get3A_1247, %select_n3A_1166 : vector<16xf32>
        %select_n3A_1249 = arith.select %gt3A_1248, %get3A_1247, %select_n3A_1166 : vector<16xi1>, vector<16xf32>
        %select_n3A_1250 = arith.select %gt3A_1248, %add3A_1210, %select_n3A_1167 : vector<16xi1>, vector<16xi32>
        %add3A_1251 = arith.constant 16 : i32
        %add3A_1252 = arith.addi %mul3A_1127, %add3A_1251 : i32
        %get3A_1253 = arith.constant 4 : i32
        %get3A_1254 = arith.index_cast %get3A_1253 : i32 to index
        %get3A_1255 = arith.index_cast %add3A_1252 : i32 to index
        %get3A_1256 = tpu.vector_load %arg5[%get3A_1254, %get3A_1255] {strides = array<i32>} : memref<8x3968xf32, #tpu.memory_space<vmem>>, vector<1x16xf32>,
        %get3A_1257 = vector.shape_cast %get3A_1256 : vector<1x16xf32> to vector<16xf32>
        %gt3A_1258 = arith.cmpf ogt, %get3A_1257, %select_n3A_1176 : vector<16xf32>
        %select_n3A_1259 = arith.select %gt3A_1258, %get3A_1257, %select_n3A_1176 : vector<16xi1>, vector<16xf32>
        %select_n3A_1260 = arith.select %gt3A_1258, %add3A_1210, %select_n3A_1177 : vector<16xi1>, vector<16xi32>
        %add3A_1261 = arith.constant 16 : i32
        %add3A_1262 = arith.addi %mul3A_1127, %add3A_1261 : i32
        %get3A_1263 = arith.constant 5 : i32
        %get3A_1264 = arith.index_cast %get3A_1263 : i32 to index
        %get3A_1265 = arith.index_cast %add3A_1262 : i32 to index
        %get3A_1266 = tpu.vector_load %arg5[%get3A_1264, %get3A_1265] {strides = array<i32>} : memref<8x3968xf32, #tpu.memory_space<vmem>>, vector<1x16xf32>,
        %get3A_1267 = vector.shape_cast %get3A_1266 : vector<1x16xf32> to vector<16xf32>
        %gt3A_1268 = arith.cmpf ogt, %get3A_1267, %select_n3A_1186 : vector<16xf32>
        %select_n3A_1269 = arith.select %gt3A_1268, %get3A_1267, %select_n3A_1186 : vector<16xi1>, vector<16xf32>
        %select_n3A_1270 = arith.select %gt3A_1268, %add3A_1210, %select_n3A_1187 : vector<16xi1>, vector<16xi32>
        %add3A_1271 = arith.constant 16 : i32
        %add3A_1272 = arith.addi %mul3A_1127, %add3A_1271 : i32
        %get3A_1273 = arith.constant 6 : i32
        %get3A_1274 = arith.index_cast %get3A_1273 : i32 to index
        %get3A_1275 = arith.index_cast %add3A_1272 : i32 to index
        %get3A_1276 = tpu.vector_load %arg5[%get3A_1274, %get3A_1275] {strides = array<i32>} : memref<8x3968xf32, #tpu.memory_space<vmem>>, vector<1x16xf32>,
        %get3A_1277 = vector.shape_cast %get3A_1276 : vector<1x16xf32> to vector<16xf32>
        %gt3A_1278 = arith.cmpf ogt, %get3A_1277, %select_n3A_1196 : vector<16xf32>
        %select_n3A_1279 = arith.select %gt3A_1278, %get3A_1277, %select_n3A_1196 : vector<16xi1>, vector<16xf32>
        %select_n3A_1280 = arith.select %gt3A_1278, %add3A_1210, %select_n3A_1197 : vector<16xi1>, vector<16xi32>
        %add3A_1281 = arith.constant 16 : i32
        %add3A_1282 = arith.addi %mul3A_1127, %add3A_1281 : i32
        %get3A_1283 = arith.constant 7 : i32
        %get3A_1284 = arith.index_cast %get3A_1283 : i32 to index
        %get3A_1285 = arith.index_cast %add3A_1282 : i32 to index
        %get3A_1286 = tpu.vector_load %arg5[%get3A_1284, %get3A_1285] {strides = array<i32>} : memref<8x3968xf32, #tpu.memory_space<vmem>>, vector<1x16xf32>,
        %get3A_1287 = vector.shape_cast %get3A_1286 : vector<1x16xf32> to vector<16xf32>
        %gt3A_1288 = arith.cmpf ogt, %get3A_1287, %select_n3A_1206 : vector<16xf32>
        %select_n3A_1289 = arith.select %gt3A_1288, %get3A_1287, %select_n3A_1206 : vector<16xi1>, vector<16xf32>
        %select_n3A_1290 = arith.select %gt3A_1288, %add3A_1210, %select_n3A_1207 : vector<16xi1>, vector<16xi32>
        %add3A_1291 = arith.constant 32 : i32
        %add3A_1292 = vector.broadcast %add3A_1291 : i32 to vector<16xi32>
        %add3A_1293 = arith.addi %scan3A_1125, %add3A_1292 : vector<16xi32>
        %add3A_1294 = arith.constant 32 : i32
        %add3A_1295 = arith.addi %mul3A_1127, %add3A_1294 : i32
        %get3A_1296 = arith.constant 0 : i32
        %get3A_1297 = arith.index_cast %get3A_1296 : i32 to index
        %get3A_1298 = arith.index_cast %add3A_1295 : i32 to index
        %get3A_1299 = tpu.vector_load %arg5[%get3A_1297, %get3A_1298] {strides = array<i32>} : memref<8x3968xf32, #tpu.memory_space<vmem>>, vector<1x16xf32>,
        %get3A_1300 = vector.shape_cast %get3A_1299 : vector<1x16xf32> to vector<16xf32>
        %gt3A_1301 = arith.cmpf ogt, %get3A_1300, %select_n3A_1219 : vector<16xf32>
        %select_n3A_1302 = arith.select %gt3A_1301, %get3A_1300, %select_n3A_1219 : vector<16xi1>, vector<16xf32>
        %select_n3A_1303 = arith.select %gt3A_1301, %add3A_1293, %select_n3A_1220 : vector<16xi1>, vector<16xi32>
        %add3A_1304 = arith.constant 32 : i32
        %add3A_1305 = arith.addi %mul3A_1127, %add3A_1304 : i32
        %get3A_1306 = arith.constant 1 : i32
        %get3A_1307 = arith.index_cast %get3A_1306 : i32 to index
        %get3A_1308 = arith.index_cast %add3A_1305 : i32 to index
        %get3A_1309 = tpu.vector_load %arg5[%get3A_1307, %get3A_1308] {strides = array<i32>} : memref<8x3968xf32, #tpu.memory_space<vmem>>, vector<1x16xf32>,
        %get3A_1310 = vector.shape_cast %get3A_1309 : vector<1x16xf32> to vector<16xf32>
        %gt3A_1311 = arith.cmpf ogt, %get3A_1310, %select_n3A_1229 : vector<16xf32>
        %select_n3A_1312 = arith.select %gt3A_1311, %get3A_1310, %select_n3A_1229 : vector<16xi1>, vector<16xf32>
        %select_n3A_1313 = arith.select %gt3A_1311, %add3A_1293, %select_n3A_1230 : vector<16xi1>, vector<16xi32>
        %add3A_1314 = arith.constant 32 : i32
        %add3A_1315 = arith.addi %mul3A_1127, %add3A_1314 : i32
        %get3A_1316 = arith.constant 2 : i32
        %get3A_1317 = arith.index_cast %get3A_1316 : i32 to index
        %get3A_1318 = arith.index_cast %add3A_1315 : i32 to index
        %get3A_1319 = tpu.vector_load %arg5[%get3A_1317, %get3A_1318] {strides = array<i32>} : memref<8x3968xf32, #tpu.memory_space<vmem>>, vector<1x16xf32>,
        %get3A_1320 = vector.shape_cast %get3A_1319 : vector<1x16xf32> to vector<16xf32>
        %gt3A_1321 = arith.cmpf ogt, %get3A_1320, %select_n3A_1239 : vector<16xf32>
        %select_n3A_1322 = arith.select %gt3A_1321, %get3A_1320, %select_n3A_1239 : vector<16xi1>, vector<16xf32>
        %select_n3A_1323 = arith.select %gt3A_1321, %add3A_1293, %select_n3A_1240 : vector<16xi1>, vector<16xi32>
        %add3A_1324 = arith.constant 32 : i32
        %add3A_1325 = arith.addi %mul3A_1127, %add3A_1324 : i32
        %get3A_1326 = arith.constant 3 : i32
        %get3A_1327 = arith.index_cast %get3A_1326 : i32 to index
        %get3A_1328 = arith.index_cast %add3A_1325 : i32 to index
        %get3A_1329 = tpu.vector_load %arg5[%get3A_1327, %get3A_1328] {strides = array<i32>} : memref<8x3968xf32, #tpu.memory_space<vmem>>, vector<1x16xf32>,
        %get3A_1330 = vector.shape_cast %get3A_1329 : vector<1x16xf32> to vector<16xf32>
        %gt3A_1331 = arith.cmpf ogt, %get3A_1330, %select_n3A_1249 : vector<16xf32>
        %select_n3A_1332 = arith.select %gt3A_1331, %get3A_1330, %select_n3A_1249 : vector<16xi1>, vector<16xf32>
        %select_n3A_1333 = arith.select %gt3A_1331, %add3A_1293, %select_n3A_1250 : vector<16xi1>, vector<16xi32>
        %add3A_1334 = arith.constant 32 : i32
        %add3A_1335 = arith.addi %mul3A_1127, %add3A_1334 : i32
        %get3A_1336 = arith.constant 4 : i32
        %get3A_1337 = arith.index_cast %get3A_1336 : i32 to index
        %get3A_1338 = arith.index_cast %add3A_1335 : i32 to index
        %get3A_1339 = tpu.vector_load %arg5[%get3A_1337, %get3A_1338] {strides = array<i32>} : memref<8x3968xf32, #tpu.memory_space<vmem>>, vector<1x16xf32>,
        %get3A_1340 = vector.shape_cast %get3A_1339 : vector<1x16xf32> to vector<16xf32>
        %gt3A_1341 = arith.cmpf ogt, %get3A_1340, %select_n3A_1259 : vector<16xf32>
        %select_n3A_1342 = arith.select %gt3A_1341, %get3A_1340, %select_n3A_1259 : vector<16xi1>, vector<16xf32>
        %select_n3A_1343 = arith.select %gt3A_1341, %add3A_1293, %select_n3A_1260 : vector<16xi1>, vector<16xi32>
        %add3A_1344 = arith.constant 32 : i32
        %add3A_1345 = arith.addi %mul3A_1127, %add3A_1344 : i32
        %get3A_1346 = arith.constant 5 : i32
        %get3A_1347 = arith.index_cast %get3A_1346 : i32 to index
        %get3A_1348 = arith.index_cast %add3A_1345 : i32 to index
        %get3A_1349 = tpu.vector_load %arg5[%get3A_1347, %get3A_1348] {strides = array<i32>} : memref<8x3968xf32, #tpu.memory_space<vmem>>, vector<1x16xf32>,
        %get3A_1350 = vector.shape_cast %get3A_1349 : vector<1x16xf32> to vector<16xf32>
        %gt3A_1351 = arith.cmpf ogt, %get3A_1350, %select_n3A_1269 : vector<16xf32>
        %select_n3A_1352 = arith.select %gt3A_1351, %get3A_1350, %select_n3A_1269 : vector<16xi1>, vector<16xf32>
        %select_n3A_1353 = arith.select %gt3A_1351, %add3A_1293, %select_n3A_1270 : vector<16xi1>, vector<16xi32>
        %add3A_1354 = arith.constant 32 : i32
        %add3A_1355 = arith.addi %mul3A_1127, %add3A_1354 : i32
        %get3A_1356 = arith.constant 6 : i32
        %get3A_1357 = arith.index_cast %get3A_1356 : i32 to index
        %get3A_1358 = arith.index_cast %add3A_1355 : i32 to index
        %get3A_1359 = tpu.vector_load %arg5[%get3A_1357, %get3A_1358] {strides = array<i32>} : memref<8x3968xf32, #tpu.memory_space<vmem>>, vector<1x16xf32>,
        %get3A_1360 = vector.shape_cast %get3A_1359 : vector<1x16xf32> to vector<16xf32>
        %gt3A_1361 = arith.cmpf ogt, %get3A_1360, %select_n3A_1279 : vector<16xf32>
        %select_n3A_1362 = arith.select %gt3A_1361, %get3A_1360, %select_n3A_1279 : vector<16xi1>, vector<16xf32>
        %select_n3A_1363 = arith.select %gt3A_1361, %add3A_1293, %select_n3A_1280 : vector<16xi1>, vector<16xi32>
        %add3A_1364 = arith.constant 32 : i32
        %add3A_1365 = arith.addi %mul3A_1127, %add3A_1364 : i32
        %get3A_1366 = arith.constant 7 : i32
        %get3A_1367 = arith.index_cast %get3A_1366 : i32 to index
        %get3A_1368 = arith.index_cast %add3A_1365 : i32 to index
        %get3A_1369 = tpu.vector_load %arg5[%get3A_1367, %get3A_1368] {strides = array<i32>} : memref<8x3968xf32, #tpu.memory_space<vmem>>, vector<1x16xf32>,
        %get3A_1370 = vector.shape_cast %get3A_1369 : vector<1x16xf32> to vector<16xf32>
        %gt3A_1371 = arith.cmpf ogt, %get3A_1370, %select_n3A_1289 : vector<16xf32>
        %select_n3A_1372 = arith.select %gt3A_1371, %get3A_1370, %select_n3A_1289 : vector<16xi1>, vector<16xf32>
        %select_n3A_1373 = arith.select %gt3A_1371, %add3A_1293, %select_n3A_1290 : vector<16xi1>, vector<16xi32>
        %add3A_1374 = arith.constant 48 : i32
        %add3A_1375 = vector.broadcast %add3A_1374 : i32 to vector<16xi32>
        %add3A_1376 = arith.addi %scan3A_1125, %add3A_1375 : vector<16xi32>
        %add3A_1377 = arith.constant 48 : i32
        %add3A_1378 = arith.addi %mul3A_1127, %add3A_1377 : i32
        %get3A_1379 = arith.constant 0 : i32
        %get3A_1380 = arith.index_cast %get3A_1379 : i32 to index
        %get3A_1381 = arith.index_cast %add3A_1378 : i32 to index
        %get3A_1382 = tpu.vector_load %arg5[%get3A_1380, %get3A_1381] {strides = array<i32>} : memref<8x3968xf32, #tpu.memory_space<vmem>>, vector<1x16xf32>,
        %get3A_1383 = vector.shape_cast %get3A_1382 : vector<1x16xf32> to vector<16xf32>
        %gt3A_1384 = arith.cmpf ogt, %get3A_1383, %select_n3A_1302 : vector<16xf32>
        %select_n3A_1385 = arith.select %gt3A_1384, %get3A_1383, %select_n3A_1302 : vector<16xi1>, vector<16xf32>
        %select_n3A_1386 = arith.select %gt3A_1384, %add3A_1376, %select_n3A_1303 : vector<16xi1>, vector<16xi32>
        %add3A_1387 = arith.constant 48 : i32
        %add3A_1388 = arith.addi %mul3A_1127, %add3A_1387 : i32
        %get3A_1389 = arith.constant 1 : i32
        %get3A_1390 = arith.index_cast %get3A_1389 : i32 to index
        %get3A_1391 = arith.index_cast %add3A_1388 : i32 to index
        %get3A_1392 = tpu.vector_load %arg5[%get3A_1390, %get3A_1391] {strides = array<i32>} : memref<8x3968xf32, #tpu.memory_space<vmem>>, vector<1x16xf32>,
        %get3A_1393 = vector.shape_cast %get3A_1392 : vector<1x16xf32> to vector<16xf32>
        %gt3A_1394 = arith.cmpf ogt, %get3A_1393, %select_n3A_1312 : vector<16xf32>
        %select_n3A_1395 = arith.select %gt3A_1394, %get3A_1393, %select_n3A_1312 : vector<16xi1>, vector<16xf32>
        %select_n3A_1396 = arith.select %gt3A_1394, %add3A_1376, %select_n3A_1313 : vector<16xi1>, vector<16xi32>
        %add3A_1397 = arith.constant 48 : i32
        %add3A_1398 = arith.addi %mul3A_1127, %add3A_1397 : i32
        %get3A_1399 = arith.constant 2 : i32
        %get3A_1400 = arith.index_cast %get3A_1399 : i32 to index
        %get3A_1401 = arith.index_cast %add3A_1398 : i32 to index
        %get3A_1402 = tpu.vector_load %arg5[%get3A_1400, %get3A_1401] {strides = array<i32>} : memref<8x3968xf32, #tpu.memory_space<vmem>>, vector<1x16xf32>,
        %get3A_1403 = vector.shape_cast %get3A_1402 : vector<1x16xf32> to vector<16xf32>
        %gt3A_1404 = arith.cmpf ogt, %get3A_1403, %select_n3A_1322 : vector<16xf32>
        %select_n3A_1405 = arith.select %gt3A_1404, %get3A_1403, %select_n3A_1322 : vector<16xi1>, vector<16xf32>
        %select_n3A_1406 = arith.select %gt3A_1404, %add3A_1376, %select_n3A_1323 : vector<16xi1>, vector<16xi32>
        %add3A_1407 = arith.constant 48 : i32
        %add3A_1408 = arith.addi %mul3A_1127, %add3A_1407 : i32
        %get3A_1409 = arith.constant 3 : i32
        %get3A_1410 = arith.index_cast %get3A_1409 : i32 to index
        %get3A_1411 = arith.index_cast %add3A_1408 : i32 to index
        %get3A_1412 = tpu.vector_load %arg5[%get3A_1410, %get3A_1411] {strides = array<i32>} : memref<8x3968xf32, #tpu.memory_space<vmem>>, vector<1x16xf32>,
        %get3A_1413 = vector.shape_cast %get3A_1412 : vector<1x16xf32> to vector<16xf32>
        %gt3A_1414 = arith.cmpf ogt, %get3A_1413, %select_n3A_1332 : vector<16xf32>
        %select_n3A_1415 = arith.select %gt3A_1414, %get3A_1413, %select_n3A_1332 : vector<16xi1>, vector<16xf32>
        %select_n3A_1416 = arith.select %gt3A_1414, %add3A_1376, %select_n3A_1333 : vector<16xi1>, vector<16xi32>
        %add3A_1417 = arith.constant 48 : i32
        %add3A_1418 = arith.addi %mul3A_1127, %add3A_1417 : i32
        %get3A_1419 = arith.constant 4 : i32
        %get3A_1420 = arith.index_cast %get3A_1419 : i32 to index
        %get3A_1421 = arith.index_cast %add3A_1418 : i32 to index
        %get3A_1422 = tpu.vector_load %arg5[%get3A_1420, %get3A_1421] {strides = array<i32>} : memref<8x3968xf32, #tpu.memory_space<vmem>>, vector<1x16xf32>,
        %get3A_1423 = vector.shape_cast %get3A_1422 : vector<1x16xf32> to vector<16xf32>
        %gt3A_1424 = arith.cmpf ogt, %get3A_1423, %select_n3A_1342 : vector<16xf32>
        %select_n3A_1425 = arith.select %gt3A_1424, %get3A_1423, %select_n3A_1342 : vector<16xi1>, vector<16xf32>
        %select_n3A_1426 = arith.select %gt3A_1424, %add3A_1376, %select_n3A_1343 : vector<16xi1>, vector<16xi32>
        %add3A_1427 = arith.constant 48 : i32
        %add3A_1428 = arith.addi %mul3A_1127, %add3A_1427 : i32
        %get3A_1429 = arith.constant 5 : i32
        %get3A_1430 = arith.index_cast %get3A_1429 : i32 to index
        %get3A_1431 = arith.index_cast %add3A_1428 : i32 to index
        %get3A_1432 = tpu.vector_load %arg5[%get3A_1430, %get3A_1431] {strides = array<i32>} : memref<8x3968xf32, #tpu.memory_space<vmem>>, vector<1x16xf32>,
        %get3A_1433 = vector.shape_cast %get3A_1432 : vector<1x16xf32> to vector<16xf32>
        %gt3A_1434 = arith.cmpf ogt, %get3A_1433, %select_n3A_1352 : vector<16xf32>
        %select_n3A_1435 = arith.select %gt3A_1434, %get3A_1433, %select_n3A_1352 : vector<16xi1>, vector<16xf32>
        %select_n3A_1436 = arith.select %gt3A_1434, %add3A_1376, %select_n3A_1353 : vector<16xi1>, vector<16xi32>
        %add3A_1437 = arith.constant 48 : i32
        %add3A_1438 = arith.addi %mul3A_1127, %add3A_1437 : i32
        %get3A_1439 = arith.constant 6 : i32
        %get3A_1440 = arith.index_cast %get3A_1439 : i32 to index
        %get3A_1441 = arith.index_cast %add3A_1438 : i32 to index
        %get3A_1442 = tpu.vector_load %arg5[%get3A_1440, %get3A_1441] {strides = array<i32>} : memref<8x3968xf32, #tpu.memory_space<vmem>>, vector<1x16xf32>,
        %get3A_1443 = vector.shape_cast %get3A_1442 : vector<1x16xf32> to vector<16xf32>
        %gt3A_1444 = arith.cmpf ogt, %get3A_1443, %select_n3A_1362 : vector<16xf32>
        %select_n3A_1445 = arith.select %gt3A_1444, %get3A_1443, %select_n3A_1362 : vector<16xi1>, vector<16xf32>
        %select_n3A_1446 = arith.select %gt3A_1444, %add3A_1376, %select_n3A_1363 : vector<16xi1>, vector<16xi32>
        %add3A_1447 = arith.constant 48 : i32
        %add3A_1448 = arith.addi %mul3A_1127, %add3A_1447 : i32
        %get3A_1449 = arith.constant 7 : i32
        %get3A_1450 = arith.index_cast %get3A_1449 : i32 to index
        %get3A_1451 = arith.index_cast %add3A_1448 : i32 to index
        %get3A_1452 = tpu.vector_load %arg5[%get3A_1450, %get3A_1451] {strides = array<i32>} : memref<8x3968xf32, #tpu.memory_space<vmem>>, vector<1x16xf32>,
        %get3A_1453 = vector.shape_cast %get3A_1452 : vector<1x16xf32> to vector<16xf32>
        %gt3A_1454 = arith.cmpf ogt, %get3A_1453, %select_n3A_1372 : vector<16xf32>
        %select_n3A_1455 = arith.select %gt3A_1454, %get3A_1453, %select_n3A_1372 : vector<16xi1>, vector<16xf32>
        %select_n3A_1456 = arith.select %gt3A_1454, %add3A_1376, %select_n3A_1373 : vector<16xi1>, vector<16xi32>
        %add3A_1457 = arith.constant 64 : i32
        %add3A_1458 = vector.broadcast %add3A_1457 : i32 to vector<16xi32>
        %add3A_1459 = arith.addi %scan3A_1125, %add3A_1458 : vector<16xi32>
        scf.yield %select_n3A_1385, %select_n3A_1395, %select_n3A_1405, %select_n3A_1415, %select_n3A_1425, %select_n3A_1435, %select_n3A_1445, %select_n3A_1455, %select_n3A_1386, %select_n3A_1396, %select_n3A_1406, %select_n3A_1416, %select_n3A_1426, %select_n3A_1436, %select_n3A_1446, %select_n3A_1456, %add3A_1459 : vector<16xf32>, vector<16xf32>, vector<16xf32>, vector<16xf32>, vector<16xf32>, vector<16xf32>, vector<16xf32>, vector<16xf32>, vector<16xi32>, vector<16xi32>, vector<16xi32>, vector<16xi32>, vector<16xi32>, vector<16xi32>, vector<16xi32>, vector<16xi32>, vector<16xi32>
      }
      %scan3A_1047 = arith.constant 62 : i32
      %add3A_1048 = arith.constant 3 : i32
      %add3A_1049 = arith.addi %mul3A_1020, %add3A_1048 : i32
      %sub3A_1050 = arith.constant 1 : i32
      %sub3A_1051 = arith.subi %add3A_1049, %sub3A_1050 : i32
      %add3A_1052 = arith.constant 1 : i32
      %add3A_1053 = arith.addi %sub3A_1051, %add3A_1052 : i32
      %lt3A_1054 = arith.constant 39 : i32
      %lt3A_1055 = arith.cmpi slt, %add3A_1053, %lt3A_1054 : i32
      %convert_element_type3A_1056 = arith.extui %lt3A_1055 : i1 to i32
      %cond3A_1057 = arith.constant 0 : i32
      %cond3A_1058 = arith.cmpi ne, %convert_element_type3A_1056, %cond3A_1057 : i32
      scf.if %cond3A_1058 {
        %mul3A_1108 = arith.constant 154752 : i32
        %mul3A_1109 = arith.muli %select_n3A_33, %mul3A_1108 : i32
        %mul3A_1110 = arith.constant 3968 : i32
        %mul3A_1111 = arith.muli %add3A_1053, %mul3A_1110 : i32
        %add3A_1112 = arith.addi %mul3A_1109, %mul3A_1111 : i32
        %dma_start3A_1113 = tpu.memref_slice %arg2[%mul3A_35, %add3A_1112] : memref<64x1000000xf32, #tpu.memory_space<hbm>> -> memref<8x3968xf32, #tpu.memory_space<hbm>>
        %dma_start3A_1114 = tpu.memref_slice %arg2[%mul3A_35, %add3A_1112] : memref<64x1000000xf32, #tpu.memory_space<hbm>> -> memref<8x3968xf32, #tpu.memory_space<hbm>>
        tpu.enqueue_dma source(%dma_start3A_1114 : memref<8x3968xf32, #tpu.memory_space<hbm>>) target(%arg5 : memref<8x3968xf32, #tpu.memory_space<vmem>>) target_semaphore(%arg11 : memref<!tpu.dma_semaphore, #tpu.memory_space<semaphore_mem>>)
      } else {
      }
      %dma_wait3A_1059 = arith.constant 0 : i32
      %dma_wait3A_1060 = tpu.memref_slice %arg2[%mul3A_35, %dma_wait3A_1059] : memref<64x1000000xf32, #tpu.memory_space<hbm>> -> memref<8x3968xf32, #tpu.memory_space<hbm>>
      %dma_wait3A_1061 = arith.constant 0 : i32
      %dma_wait3A_1062 = tpu.memref_slice %arg2[%mul3A_35, %dma_wait3A_1061] : memref<64x1000000xf32, #tpu.memory_space<hbm>> -> memref<8x3968xf32, #tpu.memory_space<hbm>>
      tpu.wait_dma2 semaphore(%arg12 : memref<!tpu.dma_semaphore, #tpu.memory_space<semaphore_mem>>) src(%dma_wait3A_1062 : memref<8x3968xf32, #tpu.memory_space<hbm>>) dst(%arg6 : memref<8x3968xf32, #tpu.memory_space<vmem>>)
      %add3A_1063 = arith.constant 1 : i32
      %add3A_1064 = arith.addi %mul3A_1020, %add3A_1063 : i32
      %mul3A_1065 = arith.constant 154752 : i32
      %mul3A_1066 = arith.muli %select_n3A_33, %mul3A_1065 : i32
      %mul3A_1067 = arith.constant 3968 : i32
      %mul3A_1068 = arith.muli %add3A_1064, %mul3A_1067 : i32
      %add3A_1069 = arith.addi %mul3A_1066, %mul3A_1068 : i32
      %add3A_1070 = vector.broadcast %add3A_1069 : i32 to vector<16xi32>
      %add3A_1071 = arith.addi %add3A_1070, %iota3A : vector<16xi32>
      %scan3A_1072 = arith.constant 0 : i32
      %scan3A_1073 = arith.constant 62 : i32
      %scan3A_1074 = arith.addi %scan3A_1072, %scan3A_1073 : i32
      %scan3A_1075 = arith.constant 1 : i32
      %scan3A_1076:17 = scf.for %scan3A_1108 = %scan3A_1072 to %scan3A_1074 step %scan3A_1075 iter_args(%scan3A_1109 = %scan3A_1046#0, %scan3A_1110 = %scan3A_1046#1, %scan3A_1111 = %scan3A_1046#2, %scan3A_1112 = %scan3A_1046#3, %scan3A_1113 = %scan3A_1046#4, %scan3A_1114 = %scan3A_1046#5, %scan3A_1115 = %scan3A_1046#6, %scan3A_1116 = %scan3A_1046#7, %scan3A_1117 = %scan3A_1046#8, %scan3A_1118 = %scan3A_1046#9, %scan3A_1119 = %scan3A_1046#10, %scan3A_1120 = %scan3A_1046#11, %scan3A_1121 = %scan3A_1046#12, %scan3A_1122 = %scan3A_1046#13, %scan3A_1123 = %scan3A_1046#14, %scan3A_1124 = %scan3A_1046#15, %scan3A_1125 = %add3A_1071) -> (vector<16xf32>, vector<16xf32>, vector<16xf32>, vector<16xf32>, vector<16xf32>, vector<16xf32>, vector<16xf32>, vector<16xf32>, vector<16xi32>, vector<16xi32>, vector<16xi32>, vector<16xi32>, vector<16xi32>, vector<16xi32>, vector<16xi32>, vector<16xi32>, vector<16xi32>)  : i32 {
        %mul3A_1126 = arith.constant 64 : i32
        %mul3A_1127 = arith.muli %scan3A_1108, %mul3A_1126 : i32
        %add3A_1128 = arith.constant 0 : i32
        %add3A_1129 = arith.addi %mul3A_1127, %add3A_1128 : i32
        %get3A_1130 = arith.constant 0 : i32
        %get3A_1131 = arith.index_cast %get3A_1130 : i32 to index
        %get3A_1132 = arith.index_cast %add3A_1129 : i32 to index
        %get3A_1133 = tpu.vector_load %arg6[%get3A_1131, %get3A_1132] {strides = array<i32>} : memref<8x3968xf32, #tpu.memory_space<vmem>>, vector<1x16xf32>,
        %get3A_1134 = vector.shape_cast %get3A_1133 : vector<1x16xf32> to vector<16xf32>
        %gt3A_1135 = arith.cmpf ogt, %get3A_1134, %scan3A_1109 : vector<16xf32>
        %select_n3A_1136 = arith.select %gt3A_1135, %get3A_1134, %scan3A_1109 : vector<16xi1>, vector<16xf32>
        %select_n3A_1137 = arith.select %gt3A_1135, %scan3A_1125, %scan3A_1117 : vector<16xi1>, vector<16xi32>
        %add3A_1138 = arith.constant 0 : i32
        %add3A_1139 = arith.addi %mul3A_1127, %add3A_1138 : i32
        %get3A_1140 = arith.constant 1 : i32
        %get3A_1141 = arith.index_cast %get3A_1140 : i32 to index
        %get3A_1142 = arith.index_cast %add3A_1139 : i32 to index
        %get3A_1143 = tpu.vector_load %arg6[%get3A_1141, %get3A_1142] {strides = array<i32>} : memref<8x3968xf32, #tpu.memory_space<vmem>>, vector<1x16xf32>,
        %get3A_1144 = vector.shape_cast %get3A_1143 : vector<1x16xf32> to vector<16xf32>
        %gt3A_1145 = arith.cmpf ogt, %get3A_1144, %scan3A_1110 : vector<16xf32>
        %select_n3A_1146 = arith.select %gt3A_1145, %get3A_1144, %scan3A_1110 : vector<16xi1>, vector<16xf32>
        %select_n3A_1147 = arith.select %gt3A_1145, %scan3A_1125, %scan3A_1118 : vector<16xi1>, vector<16xi32>
        %add3A_1148 = arith.constant 0 : i32
        %add3A_1149 = arith.addi %mul3A_1127, %add3A_1148 : i32
        %get3A_1150 = arith.constant 2 : i32
        %get3A_1151 = arith.index_cast %get3A_1150 : i32 to index
        %get3A_1152 = arith.index_cast %add3A_1149 : i32 to index
        %get3A_1153 = tpu.vector_load %arg6[%get3A_1151, %get3A_1152] {strides = array<i32>} : memref<8x3968xf32, #tpu.memory_space<vmem>>, vector<1x16xf32>,
        %get3A_1154 = vector.shape_cast %get3A_1153 : vector<1x16xf32> to vector<16xf32>
        %gt3A_1155 = arith.cmpf ogt, %get3A_1154, %scan3A_1111 : vector<16xf32>
        %select_n3A_1156 = arith.select %gt3A_1155, %get3A_1154, %scan3A_1111 : vector<16xi1>, vector<16xf32>
        %select_n3A_1157 = arith.select %gt3A_1155, %scan3A_1125, %scan3A_1119 : vector<16xi1>, vector<16xi32>
        %add3A_1158 = arith.constant 0 : i32
        %add3A_1159 = arith.addi %mul3A_1127, %add3A_1158 : i32
        %get3A_1160 = arith.constant 3 : i32
        %get3A_1161 = arith.index_cast %get3A_1160 : i32 to index
        %get3A_1162 = arith.index_cast %add3A_1159 : i32 to index
        %get3A_1163 = tpu.vector_load %arg6[%get3A_1161, %get3A_1162] {strides = array<i32>} : memref<8x3968xf32, #tpu.memory_space<vmem>>, vector<1x16xf32>,
        %get3A_1164 = vector.shape_cast %get3A_1163 : vector<1x16xf32> to vector<16xf32>
        %gt3A_1165 = arith.cmpf ogt, %get3A_1164, %scan3A_1112 : vector<16xf32>
        %select_n3A_1166 = arith.select %gt3A_1165, %get3A_1164, %scan3A_1112 : vector<16xi1>, vector<16xf32>
        %select_n3A_1167 = arith.select %gt3A_1165, %scan3A_1125, %scan3A_1120 : vector<16xi1>, vector<16xi32>
        %add3A_1168 = arith.constant 0 : i32
        %add3A_1169 = arith.addi %mul3A_1127, %add3A_1168 : i32
        %get3A_1170 = arith.constant 4 : i32
        %get3A_1171 = arith.index_cast %get3A_1170 : i32 to index
        %get3A_1172 = arith.index_cast %add3A_1169 : i32 to index
        %get3A_1173 = tpu.vector_load %arg6[%get3A_1171, %get3A_1172] {strides = array<i32>} : memref<8x3968xf32, #tpu.memory_space<vmem>>, vector<1x16xf32>,
        %get3A_1174 = vector.shape_cast %get3A_1173 : vector<1x16xf32> to vector<16xf32>
        %gt3A_1175 = arith.cmpf ogt, %get3A_1174, %scan3A_1113 : vector<16xf32>
        %select_n3A_1176 = arith.select %gt3A_1175, %get3A_1174, %scan3A_1113 : vector<16xi1>, vector<16xf32>
        %select_n3A_1177 = arith.select %gt3A_1175, %scan3A_1125, %scan3A_1121 : vector<16xi1>, vector<16xi32>
        %add3A_1178 = arith.constant 0 : i32
        %add3A_1179 = arith.addi %mul3A_1127, %add3A_1178 : i32
        %get3A_1180 = arith.constant 5 : i32
        %get3A_1181 = arith.index_cast %get3A_1180 : i32 to index
        %get3A_1182 = arith.index_cast %add3A_1179 : i32 to index
        %get3A_1183 = tpu.vector_load %arg6[%get3A_1181, %get3A_1182] {strides = array<i32>} : memref<8x3968xf32, #tpu.memory_space<vmem>>, vector<1x16xf32>,
        %get3A_1184 = vector.shape_cast %get3A_1183 : vector<1x16xf32> to vector<16xf32>
        %gt3A_1185 = arith.cmpf ogt, %get3A_1184, %scan3A_1114 : vector<16xf32>
        %select_n3A_1186 = arith.select %gt3A_1185, %get3A_1184, %scan3A_1114 : vector<16xi1>, vector<16xf32>
        %select_n3A_1187 = arith.select %gt3A_1185, %scan3A_1125, %scan3A_1122 : vector<16xi1>, vector<16xi32>
        %add3A_1188 = arith.constant 0 : i32
        %add3A_1189 = arith.addi %mul3A_1127, %add3A_1188 : i32
        %get3A_1190 = arith.constant 6 : i32
        %get3A_1191 = arith.index_cast %get3A_1190 : i32 to index
        %get3A_1192 = arith.index_cast %add3A_1189 : i32 to index
        %get3A_1193 = tpu.vector_load %arg6[%get3A_1191, %get3A_1192] {strides = array<i32>} : memref<8x3968xf32, #tpu.memory_space<vmem>>, vector<1x16xf32>,
        %get3A_1194 = vector.shape_cast %get3A_1193 : vector<1x16xf32> to vector<16xf32>
        %gt3A_1195 = arith.cmpf ogt, %get3A_1194, %scan3A_1115 : vector<16xf32>
        %select_n3A_1196 = arith.select %gt3A_1195, %get3A_1194, %scan3A_1115 : vector<16xi1>, vector<16xf32>
        %select_n3A_1197 = arith.select %gt3A_1195, %scan3A_1125, %scan3A_1123 : vector<16xi1>, vector<16xi32>
        %add3A_1198 = arith.constant 0 : i32
        %add3A_1199 = arith.addi %mul3A_1127, %add3A_1198 : i32
        %get3A_1200 = arith.constant 7 : i32
        %get3A_1201 = arith.index_cast %get3A_1200 : i32 to index
        %get3A_1202 = arith.index_cast %add3A_1199 : i32 to index
        %get3A_1203 = tpu.vector_load %arg6[%get3A_1201, %get3A_1202] {strides = array<i32>} : memref<8x3968xf32, #tpu.memory_space<vmem>>, vector<1x16xf32>,
        %get3A_1204 = vector.shape_cast %get3A_1203 : vector<1x16xf32> to vector<16xf32>
        %gt3A_1205 = arith.cmpf ogt, %get3A_1204, %scan3A_1116 : vector<16xf32>
        %select_n3A_1206 = arith.select %gt3A_1205, %get3A_1204, %scan3A_1116 : vector<16xi1>, vector<16xf32>
        %select_n3A_1207 = arith.select %gt3A_1205, %scan3A_1125, %scan3A_1124 : vector<16xi1>, vector<16xi32>
        %add3A_1208 = arith.constant 16 : i32
        %add3A_1209 = vector.broadcast %add3A_1208 : i32 to vector<16xi32>
        %add3A_1210 = arith.addi %scan3A_1125, %add3A_1209 : vector<16xi32>
        %add3A_1211 = arith.constant 16 : i32
        %add3A_1212 = arith.addi %mul3A_1127, %add3A_1211 : i32
        %get3A_1213 = arith.constant 0 : i32
        %get3A_1214 = arith.index_cast %get3A_1213 : i32 to index
        %get3A_1215 = arith.index_cast %add3A_1212 : i32 to index
        %get3A_1216 = tpu.vector_load %arg6[%get3A_1214, %get3A_1215] {strides = array<i32>} : memref<8x3968xf32, #tpu.memory_space<vmem>>, vector<1x16xf32>,
        %get3A_1217 = vector.shape_cast %get3A_1216 : vector<1x16xf32> to vector<16xf32>
        %gt3A_1218 = arith.cmpf ogt, %get3A_1217, %select_n3A_1136 : vector<16xf32>
        %select_n3A_1219 = arith.select %gt3A_1218, %get3A_1217, %select_n3A_1136 : vector<16xi1>, vector<16xf32>
        %select_n3A_1220 = arith.select %gt3A_1218, %add3A_1210, %select_n3A_1137 : vector<16xi1>, vector<16xi32>
        %add3A_1221 = arith.constant 16 : i32
        %add3A_1222 = arith.addi %mul3A_1127, %add3A_1221 : i32
        %get3A_1223 = arith.constant 1 : i32
        %get3A_1224 = arith.index_cast %get3A_1223 : i32 to index
        %get3A_1225 = arith.index_cast %add3A_1222 : i32 to index
        %get3A_1226 = tpu.vector_load %arg6[%get3A_1224, %get3A_1225] {strides = array<i32>} : memref<8x3968xf32, #tpu.memory_space<vmem>>, vector<1x16xf32>,
        %get3A_1227 = vector.shape_cast %get3A_1226 : vector<1x16xf32> to vector<16xf32>
        %gt3A_1228 = arith.cmpf ogt, %get3A_1227, %select_n3A_1146 : vector<16xf32>
        %select_n3A_1229 = arith.select %gt3A_1228, %get3A_1227, %select_n3A_1146 : vector<16xi1>, vector<16xf32>
        %select_n3A_1230 = arith.select %gt3A_1228, %add3A_1210, %select_n3A_1147 : vector<16xi1>, vector<16xi32>
        %add3A_1231 = arith.constant 16 : i32
        %add3A_1232 = arith.addi %mul3A_1127, %add3A_1231 : i32
        %get3A_1233 = arith.constant 2 : i32
        %get3A_1234 = arith.index_cast %get3A_1233 : i32 to index
        %get3A_1235 = arith.index_cast %add3A_1232 : i32 to index
        %get3A_1236 = tpu.vector_load %arg6[%get3A_1234, %get3A_1235] {strides = array<i32>} : memref<8x3968xf32, #tpu.memory_space<vmem>>, vector<1x16xf32>,
        %get3A_1237 = vector.shape_cast %get3A_1236 : vector<1x16xf32> to vector<16xf32>
        %gt3A_1238 = arith.cmpf ogt, %get3A_1237, %select_n3A_1156 : vector<16xf32>
        %select_n3A_1239 = arith.select %gt3A_1238, %get3A_1237, %select_n3A_1156 : vector<16xi1>, vector<16xf32>
        %select_n3A_1240 = arith.select %gt3A_1238, %add3A_1210, %select_n3A_1157 : vector<16xi1>, vector<16xi32>
        %add3A_1241 = arith.constant 16 : i32
        %add3A_1242 = arith.addi %mul3A_1127, %add3A_1241 : i32
        %get3A_1243 = arith.constant 3 : i32
        %get3A_1244 = arith.index_cast %get3A_1243 : i32 to index
        %get3A_1245 = arith.index_cast %add3A_1242 : i32 to index
        %get3A_1246 = tpu.vector_load %arg6[%get3A_1244, %get3A_1245] {strides = array<i32>} : memref<8x3968xf32, #tpu.memory_space<vmem>>, vector<1x16xf32>,
        %get3A_1247 = vector.shape_cast %get3A_1246 : vector<1x16xf32> to vector<16xf32>
        %gt3A_1248 = arith.cmpf ogt, %get3A_1247, %select_n3A_1166 : vector<16xf32>
        %select_n3A_1249 = arith.select %gt3A_1248, %get3A_1247, %select_n3A_1166 : vector<16xi1>, vector<16xf32>
        %select_n3A_1250 = arith.select %gt3A_1248, %add3A_1210, %select_n3A_1167 : vector<16xi1>, vector<16xi32>
        %add3A_1251 = arith.constant 16 : i32
        %add3A_1252 = arith.addi %mul3A_1127, %add3A_1251 : i32
        %get3A_1253 = arith.constant 4 : i32
        %get3A_1254 = arith.index_cast %get3A_1253 : i32 to index
        %get3A_1255 = arith.index_cast %add3A_1252 : i32 to index
        %get3A_1256 = tpu.vector_load %arg6[%get3A_1254, %get3A_1255] {strides = array<i32>} : memref<8x3968xf32, #tpu.memory_space<vmem>>, vector<1x16xf32>,
        %get3A_1257 = vector.shape_cast %get3A_1256 : vector<1x16xf32> to vector<16xf32>
        %gt3A_1258 = arith.cmpf ogt, %get3A_1257, %select_n3A_1176 : vector<16xf32>
        %select_n3A_1259 = arith.select %gt3A_1258, %get3A_1257, %select_n3A_1176 : vector<16xi1>, vector<16xf32>
        %select_n3A_1260 = arith.select %gt3A_1258, %add3A_1210, %select_n3A_1177 : vector<16xi1>, vector<16xi32>
        %add3A_1261 = arith.constant 16 : i32
        %add3A_1262 = arith.addi %mul3A_1127, %add3A_1261 : i32
        %get3A_1263 = arith.constant 5 : i32
        %get3A_1264 = arith.index_cast %get3A_1263 : i32 to index
        %get3A_1265 = arith.index_cast %add3A_1262 : i32 to index
        %get3A_1266 = tpu.vector_load %arg6[%get3A_1264, %get3A_1265] {strides = array<i32>} : memref<8x3968xf32, #tpu.memory_space<vmem>>, vector<1x16xf32>,
        %get3A_1267 = vector.shape_cast %get3A_1266 : vector<1x16xf32> to vector<16xf32>
        %gt3A_1268 = arith.cmpf ogt, %get3A_1267, %select_n3A_1186 : vector<16xf32>
        %select_n3A_1269 = arith.select %gt3A_1268, %get3A_1267, %select_n3A_1186 : vector<16xi1>, vector<16xf32>
        %select_n3A_1270 = arith.select %gt3A_1268, %add3A_1210, %select_n3A_1187 : vector<16xi1>, vector<16xi32>
        %add3A_1271 = arith.constant 16 : i32
        %add3A_1272 = arith.addi %mul3A_1127, %add3A_1271 : i32
        %get3A_1273 = arith.constant 6 : i32
        %get3A_1274 = arith.index_cast %get3A_1273 : i32 to index
        %get3A_1275 = arith.index_cast %add3A_1272 : i32 to index
        %get3A_1276 = tpu.vector_load %arg6[%get3A_1274, %get3A_1275] {strides = array<i32>} : memref<8x3968xf32, #tpu.memory_space<vmem>>, vector<1x16xf32>,
        %get3A_1277 = vector.shape_cast %get3A_1276 : vector<1x16xf32> to vector<16xf32>
        %gt3A_1278 = arith.cmpf ogt, %get3A_1277, %select_n3A_1196 : vector<16xf32>
        %select_n3A_1279 = arith.select %gt3A_1278, %get3A_1277, %select_n3A_1196 : vector<16xi1>, vector<16xf32>
        %select_n3A_1280 = arith.select %gt3A_1278, %add3A_1210, %select_n3A_1197 : vector<16xi1>, vector<16xi32>
        %add3A_1281 = arith.constant 16 : i32
        %add3A_1282 = arith.addi %mul3A_1127, %add3A_1281 : i32
        %get3A_1283 = arith.constant 7 : i32
        %get3A_1284 = arith.index_cast %get3A_1283 : i32 to index
        %get3A_1285 = arith.index_cast %add3A_1282 : i32 to index
        %get3A_1286 = tpu.vector_load %arg6[%get3A_1284, %get3A_1285] {strides = array<i32>} : memref<8x3968xf32, #tpu.memory_space<vmem>>, vector<1x16xf32>,
        %get3A_1287 = vector.shape_cast %get3A_1286 : vector<1x16xf32> to vector<16xf32>
        %gt3A_1288 = arith.cmpf ogt, %get3A_1287, %select_n3A_1206 : vector<16xf32>
        %select_n3A_1289 = arith.select %gt3A_1288, %get3A_1287, %select_n3A_1206 : vector<16xi1>, vector<16xf32>
        %select_n3A_1290 = arith.select %gt3A_1288, %add3A_1210, %select_n3A_1207 : vector<16xi1>, vector<16xi32>
        %add3A_1291 = arith.constant 32 : i32
        %add3A_1292 = vector.broadcast %add3A_1291 : i32 to vector<16xi32>
        %add3A_1293 = arith.addi %scan3A_1125, %add3A_1292 : vector<16xi32>
        %add3A_1294 = arith.constant 32 : i32
        %add3A_1295 = arith.addi %mul3A_1127, %add3A_1294 : i32
        %get3A_1296 = arith.constant 0 : i32
        %get3A_1297 = arith.index_cast %get3A_1296 : i32 to index
        %get3A_1298 = arith.index_cast %add3A_1295 : i32 to index
        %get3A_1299 = tpu.vector_load %arg6[%get3A_1297, %get3A_1298] {strides = array<i32>} : memref<8x3968xf32, #tpu.memory_space<vmem>>, vector<1x16xf32>,
        %get3A_1300 = vector.shape_cast %get3A_1299 : vector<1x16xf32> to vector<16xf32>
        %gt3A_1301 = arith.cmpf ogt, %get3A_1300, %select_n3A_1219 : vector<16xf32>
        %select_n3A_1302 = arith.select %gt3A_1301, %get3A_1300, %select_n3A_1219 : vector<16xi1>, vector<16xf32>
        %select_n3A_1303 = arith.select %gt3A_1301, %add3A_1293, %select_n3A_1220 : vector<16xi1>, vector<16xi32>
        %add3A_1304 = arith.constant 32 : i32
        %add3A_1305 = arith.addi %mul3A_1127, %add3A_1304 : i32
        %get3A_1306 = arith.constant 1 : i32
        %get3A_1307 = arith.index_cast %get3A_1306 : i32 to index
        %get3A_1308 = arith.index_cast %add3A_1305 : i32 to index
        %get3A_1309 = tpu.vector_load %arg6[%get3A_1307, %get3A_1308] {strides = array<i32>} : memref<8x3968xf32, #tpu.memory_space<vmem>>, vector<1x16xf32>,
        %get3A_1310 = vector.shape_cast %get3A_1309 : vector<1x16xf32> to vector<16xf32>
        %gt3A_1311 = arith.cmpf ogt, %get3A_1310, %select_n3A_1229 : vector<16xf32>
        %select_n3A_1312 = arith.select %gt3A_1311, %get3A_1310, %select_n3A_1229 : vector<16xi1>, vector<16xf32>
        %select_n3A_1313 = arith.select %gt3A_1311, %add3A_1293, %select_n3A_1230 : vector<16xi1>, vector<16xi32>
        %add3A_1314 = arith.constant 32 : i32
        %add3A_1315 = arith.addi %mul3A_1127, %add3A_1314 : i32
        %get3A_1316 = arith.constant 2 : i32
        %get3A_1317 = arith.index_cast %get3A_1316 : i32 to index
        %get3A_1318 = arith.index_cast %add3A_1315 : i32 to index
        %get3A_1319 = tpu.vector_load %arg6[%get3A_1317, %get3A_1318] {strides = array<i32>} : memref<8x3968xf32, #tpu.memory_space<vmem>>, vector<1x16xf32>,
        %get3A_1320 = vector.shape_cast %get3A_1319 : vector<1x16xf32> to vector<16xf32>
        %gt3A_1321 = arith.cmpf ogt, %get3A_1320, %select_n3A_1239 : vector<16xf32>
        %select_n3A_1322 = arith.select %gt3A_1321, %get3A_1320, %select_n3A_1239 : vector<16xi1>, vector<16xf32>
        %select_n3A_1323 = arith.select %gt3A_1321, %add3A_1293, %select_n3A_1240 : vector<16xi1>, vector<16xi32>
        %add3A_1324 = arith.constant 32 : i32
        %add3A_1325 = arith.addi %mul3A_1127, %add3A_1324 : i32
        %get3A_1326 = arith.constant 3 : i32
        %get3A_1327 = arith.index_cast %get3A_1326 : i32 to index
        %get3A_1328 = arith.index_cast %add3A_1325 : i32 to index
        %get3A_1329 = tpu.vector_load %arg6[%get3A_1327, %get3A_1328] {strides = array<i32>} : memref<8x3968xf32, #tpu.memory_space<vmem>>, vector<1x16xf32>,
        %get3A_1330 = vector.shape_cast %get3A_1329 : vector<1x16xf32> to vector<16xf32>
        %gt3A_1331 = arith.cmpf ogt, %get3A_1330, %select_n3A_1249 : vector<16xf32>
        %select_n3A_1332 = arith.select %gt3A_1331, %get3A_1330, %select_n3A_1249 : vector<16xi1>, vector<16xf32>
        %select_n3A_1333 = arith.select %gt3A_1331, %add3A_1293, %select_n3A_1250 : vector<16xi1>, vector<16xi32>
        %add3A_1334 = arith.constant 32 : i32
        %add3A_1335 = arith.addi %mul3A_1127, %add3A_1334 : i32
        %get3A_1336 = arith.constant 4 : i32
        %get3A_1337 = arith.index_cast %get3A_1336 : i32 to index
        %get3A_1338 = arith.index_cast %add3A_1335 : i32 to index
        %get3A_1339 = tpu.vector_load %arg6[%get3A_1337, %get3A_1338] {strides = array<i32>} : memref<8x3968xf32, #tpu.memory_space<vmem>>, vector<1x16xf32>,
        %get3A_1340 = vector.shape_cast %get3A_1339 : vector<1x16xf32> to vector<16xf32>
        %gt3A_1341 = arith.cmpf ogt, %get3A_1340, %select_n3A_1259 : vector<16xf32>
        %select_n3A_1342 = arith.select %gt3A_1341, %get3A_1340, %select_n3A_1259 : vector<16xi1>, vector<16xf32>
        %select_n3A_1343 = arith.select %gt3A_1341, %add3A_1293, %select_n3A_1260 : vector<16xi1>, vector<16xi32>
        %add3A_1344 = arith.constant 32 : i32
        %add3A_1345 = arith.addi %mul3A_1127, %add3A_1344 : i32
        %get3A_1346 = arith.constant 5 : i32
        %get3A_1347 = arith.index_cast %get3A_1346 : i32 to index
        %get3A_1348 = arith.index_cast %add3A_1345 : i32 to index
        %get3A_1349 = tpu.vector_load %arg6[%get3A_1347, %get3A_1348] {strides = array<i32>} : memref<8x3968xf32, #tpu.memory_space<vmem>>, vector<1x16xf32>,
        %get3A_1350 = vector.shape_cast %get3A_1349 : vector<1x16xf32> to vector<16xf32>
        %gt3A_1351 = arith.cmpf ogt, %get3A_1350, %select_n3A_1269 : vector<16xf32>
        %select_n3A_1352 = arith.select %gt3A_1351, %get3A_1350, %select_n3A_1269 : vector<16xi1>, vector<16xf32>
        %select_n3A_1353 = arith.select %gt3A_1351, %add3A_1293, %select_n3A_1270 : vector<16xi1>, vector<16xi32>
        %add3A_1354 = arith.constant 32 : i32
        %add3A_1355 = arith.addi %mul3A_1127, %add3A_1354 : i32
        %get3A_1356 = arith.constant 6 : i32
        %get3A_1357 = arith.index_cast %get3A_1356 : i32 to index
        %get3A_1358 = arith.index_cast %add3A_1355 : i32 to index
        %get3A_1359 = tpu.vector_load %arg6[%get3A_1357, %get3A_1358] {strides = array<i32>} : memref<8x3968xf32, #tpu.memory_space<vmem>>, vector<1x16xf32>,
        %get3A_1360 = vector.shape_cast %get3A_1359 : vector<1x16xf32> to vector<16xf32>
        %gt3A_1361 = arith.cmpf ogt, %get3A_1360, %select_n3A_1279 : vector<16xf32>
        %select_n3A_1362 = arith.select %gt3A_1361, %get3A_1360, %select_n3A_1279 : vector<16xi1>, vector<16xf32>
        %select_n3A_1363 = arith.select %gt3A_1361, %add3A_1293, %select_n3A_1280 : vector<16xi1>, vector<16xi32>
        %add3A_1364 = arith.constant 32 : i32
        %add3A_1365 = arith.addi %mul3A_1127, %add3A_1364 : i32
        %get3A_1366 = arith.constant 7 : i32
        %get3A_1367 = arith.index_cast %get3A_1366 : i32 to index
        %get3A_1368 = arith.index_cast %add3A_1365 : i32 to index
        %get3A_1369 = tpu.vector_load %arg6[%get3A_1367, %get3A_1368] {strides = array<i32>} : memref<8x3968xf32, #tpu.memory_space<vmem>>, vector<1x16xf32>,
        %get3A_1370 = vector.shape_cast %get3A_1369 : vector<1x16xf32> to vector<16xf32>
        %gt3A_1371 = arith.cmpf ogt, %get3A_1370, %select_n3A_1289 : vector<16xf32>
        %select_n3A_1372 = arith.select %gt3A_1371, %get3A_1370, %select_n3A_1289 : vector<16xi1>, vector<16xf32>
        %select_n3A_1373 = arith.select %gt3A_1371, %add3A_1293, %select_n3A_1290 : vector<16xi1>, vector<16xi32>
        %add3A_1374 = arith.constant 48 : i32
        %add3A_1375 = vector.broadcast %add3A_1374 : i32 to vector<16xi32>
        %add3A_1376 = arith.addi %scan3A_1125, %add3A_1375 : vector<16xi32>
        %add3A_1377 = arith.constant 48 : i32
        %add3A_1378 = arith.addi %mul3A_1127, %add3A_1377 : i32
        %get3A_1379 = arith.constant 0 : i32
        %get3A_1380 = arith.index_cast %get3A_1379 : i32 to index
        %get3A_1381 = arith.index_cast %add3A_1378 : i32 to index
        %get3A_1382 = tpu.vector_load %arg6[%get3A_1380, %get3A_1381] {strides = array<i32>} : memref<8x3968xf32, #tpu.memory_space<vmem>>, vector<1x16xf32>,
        %get3A_1383 = vector.shape_cast %get3A_1382 : vector<1x16xf32> to vector<16xf32>
        %gt3A_1384 = arith.cmpf ogt, %get3A_1383, %select_n3A_1302 : vector<16xf32>
        %select_n3A_1385 = arith.select %gt3A_1384, %get3A_1383, %select_n3A_1302 : vector<16xi1>, vector<16xf32>
        %select_n3A_1386 = arith.select %gt3A_1384, %add3A_1376, %select_n3A_1303 : vector<16xi1>, vector<16xi32>
        %add3A_1387 = arith.constant 48 : i32
        %add3A_1388 = arith.addi %mul3A_1127, %add3A_1387 : i32
        %get3A_1389 = arith.constant 1 : i32
        %get3A_1390 = arith.index_cast %get3A_1389 : i32 to index
        %get3A_1391 = arith.index_cast %add3A_1388 : i32 to index
        %get3A_1392 = tpu.vector_load %arg6[%get3A_1390, %get3A_1391] {strides = array<i32>} : memref<8x3968xf32, #tpu.memory_space<vmem>>, vector<1x16xf32>,
        %get3A_1393 = vector.shape_cast %get3A_1392 : vector<1x16xf32> to vector<16xf32>
        %gt3A_1394 = arith.cmpf ogt, %get3A_1393, %select_n3A_1312 : vector<16xf32>
        %select_n3A_1395 = arith.select %gt3A_1394, %get3A_1393, %select_n3A_1312 : vector<16xi1>, vector<16xf32>
        %select_n3A_1396 = arith.select %gt3A_1394, %add3A_1376, %select_n3A_1313 : vector<16xi1>, vector<16xi32>
        %add3A_1397 = arith.constant 48 : i32
        %add3A_1398 = arith.addi %mul3A_1127, %add3A_1397 : i32
        %get3A_1399 = arith.constant 2 : i32
        %get3A_1400 = arith.index_cast %get3A_1399 : i32 to index
        %get3A_1401 = arith.index_cast %add3A_1398 : i32 to index
        %get3A_1402 = tpu.vector_load %arg6[%get3A_1400, %get3A_1401] {strides = array<i32>} : memref<8x3968xf32, #tpu.memory_space<vmem>>, vector<1x16xf32>,
        %get3A_1403 = vector.shape_cast %get3A_1402 : vector<1x16xf32> to vector<16xf32>
        %gt3A_1404 = arith.cmpf ogt, %get3A_1403, %select_n3A_1322 : vector<16xf32>
        %select_n3A_1405 = arith.select %gt3A_1404, %get3A_1403, %select_n3A_1322 : vector<16xi1>, vector<16xf32>
        %select_n3A_1406 = arith.select %gt3A_1404, %add3A_1376, %select_n3A_1323 : vector<16xi1>, vector<16xi32>
        %add3A_1407 = arith.constant 48 : i32
        %add3A_1408 = arith.addi %mul3A_1127, %add3A_1407 : i32
        %get3A_1409 = arith.constant 3 : i32
        %get3A_1410 = arith.index_cast %get3A_1409 : i32 to index
        %get3A_1411 = arith.index_cast %add3A_1408 : i32 to index
        %get3A_1412 = tpu.vector_load %arg6[%get3A_1410, %get3A_1411] {strides = array<i32>} : memref<8x3968xf32, #tpu.memory_space<vmem>>, vector<1x16xf32>,
        %get3A_1413 = vector.shape_cast %get3A_1412 : vector<1x16xf32> to vector<16xf32>
        %gt3A_1414 = arith.cmpf ogt, %get3A_1413, %select_n3A_1332 : vector<16xf32>
        %select_n3A_1415 = arith.select %gt3A_1414, %get3A_1413, %select_n3A_1332 : vector<16xi1>, vector<16xf32>
        %select_n3A_1416 = arith.select %gt3A_1414, %add3A_1376, %select_n3A_1333 : vector<16xi1>, vector<16xi32>
        %add3A_1417 = arith.constant 48 : i32
        %add3A_1418 = arith.addi %mul3A_1127, %add3A_1417 : i32
        %get3A_1419 = arith.constant 4 : i32
        %get3A_1420 = arith.index_cast %get3A_1419 : i32 to index
        %get3A_1421 = arith.index_cast %add3A_1418 : i32 to index
        %get3A_1422 = tpu.vector_load %arg6[%get3A_1420, %get3A_1421] {strides = array<i32>} : memref<8x3968xf32, #tpu.memory_space<vmem>>, vector<1x16xf32>,
        %get3A_1423 = vector.shape_cast %get3A_1422 : vector<1x16xf32> to vector<16xf32>
        %gt3A_1424 = arith.cmpf ogt, %get3A_1423, %select_n3A_1342 : vector<16xf32>
        %select_n3A_1425 = arith.select %gt3A_1424, %get3A_1423, %select_n3A_1342 : vector<16xi1>, vector<16xf32>
        %select_n3A_1426 = arith.select %gt3A_1424, %add3A_1376, %select_n3A_1343 : vector<16xi1>, vector<16xi32>
        %add3A_1427 = arith.constant 48 : i32
        %add3A_1428 = arith.addi %mul3A_1127, %add3A_1427 : i32
        %get3A_1429 = arith.constant 5 : i32
        %get3A_1430 = arith.index_cast %get3A_1429 : i32 to index
        %get3A_1431 = arith.index_cast %add3A_1428 : i32 to index
        %get3A_1432 = tpu.vector_load %arg6[%get3A_1430, %get3A_1431] {strides = array<i32>} : memref<8x3968xf32, #tpu.memory_space<vmem>>, vector<1x16xf32>,
        %get3A_1433 = vector.shape_cast %get3A_1432 : vector<1x16xf32> to vector<16xf32>
        %gt3A_1434 = arith.cmpf ogt, %get3A_1433, %select_n3A_1352 : vector<16xf32>
        %select_n3A_1435 = arith.select %gt3A_1434, %get3A_1433, %select_n3A_1352 : vector<16xi1>, vector<16xf32>
        %select_n3A_1436 = arith.select %gt3A_1434, %add3A_1376, %select_n3A_1353 : vector<16xi1>, vector<16xi32>
        %add3A_1437 = arith.constant 48 : i32
        %add3A_1438 = arith.addi %mul3A_1127, %add3A_1437 : i32
        %get3A_1439 = arith.constant 6 : i32
        %get3A_1440 = arith.index_cast %get3A_1439 : i32 to index
        %get3A_1441 = arith.index_cast %add3A_1438 : i32 to index
        %get3A_1442 = tpu.vector_load %arg6[%get3A_1440, %get3A_1441] {strides = array<i32>} : memref<8x3968xf32, #tpu.memory_space<vmem>>, vector<1x16xf32>,
        %get3A_1443 = vector.shape_cast %get3A_1442 : vector<1x16xf32> to vector<16xf32>
        %gt3A_1444 = arith.cmpf ogt, %get3A_1443, %select_n3A_1362 : vector<16xf32>
        %select_n3A_1445 = arith.select %gt3A_1444, %get3A_1443, %select_n3A_1362 : vector<16xi1>, vector<16xf32>
        %select_n3A_1446 = arith.select %gt3A_1444, %add3A_1376, %select_n3A_1363 : vector<16xi1>, vector<16xi32>
        %add3A_1447 = arith.constant 48 : i32
        %add3A_1448 = arith.addi %mul3A_1127, %add3A_1447 : i32
        %get3A_1449 = arith.constant 7 : i32
        %get3A_1450 = arith.index_cast %get3A_1449 : i32 to index
        %get3A_1451 = arith.index_cast %add3A_1448 : i32 to index
        %get3A_1452 = tpu.vector_load %arg6[%get3A_1450, %get3A_1451] {strides = array<i32>} : memref<8x3968xf32, #tpu.memory_space<vmem>>, vector<1x16xf32>,
        %get3A_1453 = vector.shape_cast %get3A_1452 : vector<1x16xf32> to vector<16xf32>
        %gt3A_1454 = arith.cmpf ogt, %get3A_1453, %select_n3A_1372 : vector<16xf32>
        %select_n3A_1455 = arith.select %gt3A_1454, %get3A_1453, %select_n3A_1372 : vector<16xi1>, vector<16xf32>
        %select_n3A_1456 = arith.select %gt3A_1454, %add3A_1376, %select_n3A_1373 : vector<16xi1>, vector<16xi32>
        %add3A_1457 = arith.constant 64 : i32
        %add3A_1458 = vector.broadcast %add3A_1457 : i32 to vector<16xi32>
        %add3A_1459 = arith.addi %scan3A_1125, %add3A_1458 : vector<16xi32>
        scf.yield %select_n3A_1385, %select_n3A_1395, %select_n3A_1405, %select_n3A_1415, %select_n3A_1425, %select_n3A_1435, %select_n3A_1445, %select_n3A_1455, %select_n3A_1386, %select_n3A_1396, %select_n3A_1406, %select_n3A_1416, %select_n3A_1426, %select_n3A_1436, %select_n3A_1446, %select_n3A_1456, %add3A_1459 : vector<16xf32>, vector<16xf32>, vector<16xf32>, vector<16xf32>, vector<16xf32>, vector<16xf32>, vector<16xf32>, vector<16xf32>, vector<16xi32>, vector<16xi32>, vector<16xi32>, vector<16xi32>, vector<16xi32>, vector<16xi32>, vector<16xi32>, vector<16xi32>, vector<16xi32>
      }
      %scan3A_1077 = arith.constant 62 : i32
      %add3A_1078 = arith.constant 3 : i32
      %add3A_1079 = arith.addi %mul3A_1020, %add3A_1078 : i32
      %sub3A_1080 = arith.constant 1 : i32
      %sub3A_1081 = arith.subi %add3A_1079, %sub3A_1080 : i32
      %add3A_1082 = arith.constant 2 : i32
      %add3A_1083 = arith.addi %sub3A_1081, %add3A_1082 : i32
      %lt3A_1084 = arith.constant 39 : i32
      %lt3A_1085 = arith.cmpi slt, %add3A_1083, %lt3A_1084 : i32
      %convert_element_type3A_1086 = arith.extui %lt3A_1085 : i1 to i32
      %cond3A_1087 = arith.constant 0 : i32
      %cond3A_1088 = arith.cmpi ne, %convert_element_type3A_1086, %cond3A_1087 : i32
      scf.if %cond3A_1088 {
        %mul3A_1108 = arith.constant 154752 : i32
        %mul3A_1109 = arith.muli %select_n3A_33, %mul3A_1108 : i32
        %mul3A_1110 = arith.constant 3968 : i32
        %mul3A_1111 = arith.muli %add3A_1083, %mul3A_1110 : i32
        %add3A_1112 = arith.addi %mul3A_1109, %mul3A_1111 : i32
        %dma_start3A_1113 = tpu.memref_slice %arg2[%mul3A_35, %add3A_1112] : memref<64x1000000xf32, #tpu.memory_space<hbm>> -> memref<8x3968xf32, #tpu.memory_space<hbm>>
        %dma_start3A_1114 = tpu.memref_slice %arg2[%mul3A_35, %add3A_1112] : memref<64x1000000xf32, #tpu.memory_space<hbm>> -> memref<8x3968xf32, #tpu.memory_space<hbm>>
        tpu.enqueue_dma source(%dma_start3A_1114 : memref<8x3968xf32, #tpu.memory_space<hbm>>) target(%arg6 : memref<8x3968xf32, #tpu.memory_space<vmem>>) target_semaphore(%arg12 : memref<!tpu.dma_semaphore, #tpu.memory_space<semaphore_mem>>)
      } else {
      }
      %dma_wait3A_1089 = arith.constant 0 : i32
      %dma_wait3A_1090 = tpu.memref_slice %arg2[%mul3A_35, %dma_wait3A_1089] : memref<64x1000000xf32, #tpu.memory_space<hbm>> -> memref<8x3968xf32, #tpu.memory_space<hbm>>
      %dma_wait3A_1091 = arith.constant 0 : i32
      %dma_wait3A_1092 = tpu.memref_slice %arg2[%mul3A_35, %dma_wait3A_1091] : memref<64x1000000xf32, #tpu.memory_space<hbm>> -> memref<8x3968xf32, #tpu.memory_space<hbm>>
      tpu.wait_dma2 semaphore(%arg13 : memref<!tpu.dma_semaphore, #tpu.memory_space<semaphore_mem>>) src(%dma_wait3A_1092 : memref<8x3968xf32, #tpu.memory_space<hbm>>) dst(%arg7 : memref<8x3968xf32, #tpu.memory_space<vmem>>)
      %add3A_1093 = arith.constant 2 : i32
      %add3A_1094 = arith.addi %mul3A_1020, %add3A_1093 : i32
      %mul3A_1095 = arith.constant 154752 : i32
      %mul3A_1096 = arith.muli %select_n3A_33, %mul3A_1095 : i32
      %mul3A_1097 = arith.constant 3968 : i32
      %mul3A_1098 = arith.muli %add3A_1094, %mul3A_1097 : i32
      %add3A_1099 = arith.addi %mul3A_1096, %mul3A_1098 : i32
      %add3A_1100 = vector.broadcast %add3A_1099 : i32 to vector<16xi32>
      %add3A_1101 = arith.addi %add3A_1100, %iota3A : vector<16xi32>
      %scan3A_1102 = arith.constant 0 : i32
      %scan3A_1103 = arith.constant 62 : i32
      %scan3A_1104 = arith.addi %scan3A_1102, %scan3A_1103 : i32
      %scan3A_1105 = arith.constant 1 : i32
      %scan3A_1106:17 = scf.for %scan3A_1108 = %scan3A_1102 to %scan3A_1104 step %scan3A_1105 iter_args(%scan3A_1109 = %scan3A_1076#0, %scan3A_1110 = %scan3A_1076#1, %scan3A_1111 = %scan3A_1076#2, %scan3A_1112 = %scan3A_1076#3, %scan3A_1113 = %scan3A_1076#4, %scan3A_1114 = %scan3A_1076#5, %scan3A_1115 = %scan3A_1076#6, %scan3A_1116 = %scan3A_1076#7, %scan3A_1117 = %scan3A_1076#8, %scan3A_1118 = %scan3A_1076#9, %scan3A_1119 = %scan3A_1076#10, %scan3A_1120 = %scan3A_1076#11, %scan3A_1121 = %scan3A_1076#12, %scan3A_1122 = %scan3A_1076#13, %scan3A_1123 = %scan3A_1076#14, %scan3A_1124 = %scan3A_1076#15, %scan3A_1125 = %add3A_1101) -> (vector<16xf32>, vector<16xf32>, vector<16xf32>, vector<16xf32>, vector<16xf32>, vector<16xf32>, vector<16xf32>, vector<16xf32>, vector<16xi32>, vector<16xi32>, vector<16xi32>, vector<16xi32>, vector<16xi32>, vector<16xi32>, vector<16xi32>, vector<16xi32>, vector<16xi32>)  : i32 {
        %mul3A_1126 = arith.constant 64 : i32
        %mul3A_1127 = arith.muli %scan3A_1108, %mul3A_1126 : i32
        %add3A_1128 = arith.constant 0 : i32
        %add3A_1129 = arith.addi %mul3A_1127, %add3A_1128 : i32
        %get3A_1130 = arith.constant 0 : i32
        %get3A_1131 = arith.index_cast %get3A_1130 : i32 to index
        %get3A_1132 = arith.index_cast %add3A_1129 : i32 to index
        %get3A_1133 = tpu.vector_load %arg7[%get3A_1131, %get3A_1132] {strides = array<i32>} : memref<8x3968xf32, #tpu.memory_space<vmem>>, vector<1x16xf32>,
        %get3A_1134 = vector.shape_cast %get3A_1133 : vector<1x16xf32> to vector<16xf32>
        %gt3A_1135 = arith.cmpf ogt, %get3A_1134, %scan3A_1109 : vector<16xf32>
        %select_n3A_1136 = arith.select %gt3A_1135, %get3A_1134, %scan3A_1109 : vector<16xi1>, vector<16xf32>
        %select_n3A_1137 = arith.select %gt3A_1135, %scan3A_1125, %scan3A_1117 : vector<16xi1>, vector<16xi32>
        %add3A_1138 = arith.constant 0 : i32
        %add3A_1139 = arith.addi %mul3A_1127, %add3A_1138 : i32
        %get3A_1140 = arith.constant 1 : i32
        %get3A_1141 = arith.index_cast %get3A_1140 : i32 to index
        %get3A_1142 = arith.index_cast %add3A_1139 : i32 to index
        %get3A_1143 = tpu.vector_load %arg7[%get3A_1141, %get3A_1142] {strides = array<i32>} : memref<8x3968xf32, #tpu.memory_space<vmem>>, vector<1x16xf32>,
        %get3A_1144 = vector.shape_cast %get3A_1143 : vector<1x16xf32> to vector<16xf32>
        %gt3A_1145 = arith.cmpf ogt, %get3A_1144, %scan3A_1110 : vector<16xf32>
        %select_n3A_1146 = arith.select %gt3A_1145, %get3A_1144, %scan3A_1110 : vector<16xi1>, vector<16xf32>
        %select_n3A_1147 = arith.select %gt3A_1145, %scan3A_1125, %scan3A_1118 : vector<16xi1>, vector<16xi32>
        %add3A_1148 = arith.constant 0 : i32
        %add3A_1149 = arith.addi %mul3A_1127, %add3A_1148 : i32
        %get3A_1150 = arith.constant 2 : i32
        %get3A_1151 = arith.index_cast %get3A_1150 : i32 to index
        %get3A_1152 = arith.index_cast %add3A_1149 : i32 to index
        %get3A_1153 = tpu.vector_load %arg7[%get3A_1151, %get3A_1152] {strides = array<i32>} : memref<8x3968xf32, #tpu.memory_space<vmem>>, vector<1x16xf32>,
        %get3A_1154 = vector.shape_cast %get3A_1153 : vector<1x16xf32> to vector<16xf32>
        %gt3A_1155 = arith.cmpf ogt, %get3A_1154, %scan3A_1111 : vector<16xf32>
        %select_n3A_1156 = arith.select %gt3A_1155, %get3A_1154, %scan3A_1111 : vector<16xi1>, vector<16xf32>
        %select_n3A_1157 = arith.select %gt3A_1155, %scan3A_1125, %scan3A_1119 : vector<16xi1>, vector<16xi32>
        %add3A_1158 = arith.constant 0 : i32
        %add3A_1159 = arith.addi %mul3A_1127, %add3A_1158 : i32
        %get3A_1160 = arith.constant 3 : i32
        %get3A_1161 = arith.index_cast %get3A_1160 : i32 to index
        %get3A_1162 = arith.index_cast %add3A_1159 : i32 to index
        %get3A_1163 = tpu.vector_load %arg7[%get3A_1161, %get3A_1162] {strides = array<i32>} : memref<8x3968xf32, #tpu.memory_space<vmem>>, vector<1x16xf32>,
        %get3A_1164 = vector.shape_cast %get3A_1163 : vector<1x16xf32> to vector<16xf32>
        %gt3A_1165 = arith.cmpf ogt, %get3A_1164, %scan3A_1112 : vector<16xf32>
        %select_n3A_1166 = arith.select %gt3A_1165, %get3A_1164, %scan3A_1112 : vector<16xi1>, vector<16xf32>
        %select_n3A_1167 = arith.select %gt3A_1165, %scan3A_1125, %scan3A_1120 : vector<16xi1>, vector<16xi32>
        %add3A_1168 = arith.constant 0 : i32
        %add3A_1169 = arith.addi %mul3A_1127, %add3A_1168 : i32
        %get3A_1170 = arith.constant 4 : i32
        %get3A_1171 = arith.index_cast %get3A_1170 : i32 to index
        %get3A_1172 = arith.index_cast %add3A_1169 : i32 to index
        %get3A_1173 = tpu.vector_load %arg7[%get3A_1171, %get3A_1172] {strides = array<i32>} : memref<8x3968xf32, #tpu.memory_space<vmem>>, vector<1x16xf32>,
        %get3A_1174 = vector.shape_cast %get3A_1173 : vector<1x16xf32> to vector<16xf32>
        %gt3A_1175 = arith.cmpf ogt, %get3A_1174, %scan3A_1113 : vector<16xf32>
        %select_n3A_1176 = arith.select %gt3A_1175, %get3A_1174, %scan3A_1113 : vector<16xi1>, vector<16xf32>
        %select_n3A_1177 = arith.select %gt3A_1175, %scan3A_1125, %scan3A_1121 : vector<16xi1>, vector<16xi32>
        %add3A_1178 = arith.constant 0 : i32
        %add3A_1179 = arith.addi %mul3A_1127, %add3A_1178 : i32
        %get3A_1180 = arith.constant 5 : i32
        %get3A_1181 = arith.index_cast %get3A_1180 : i32 to index
        %get3A_1182 = arith.index_cast %add3A_1179 : i32 to index
        %get3A_1183 = tpu.vector_load %arg7[%get3A_1181, %get3A_1182] {strides = array<i32>} : memref<8x3968xf32, #tpu.memory_space<vmem>>, vector<1x16xf32>,
        %get3A_1184 = vector.shape_cast %get3A_1183 : vector<1x16xf32> to vector<16xf32>
        %gt3A_1185 = arith.cmpf ogt, %get3A_1184, %scan3A_1114 : vector<16xf32>
        %select_n3A_1186 = arith.select %gt3A_1185, %get3A_1184, %scan3A_1114 : vector<16xi1>, vector<16xf32>
        %select_n3A_1187 = arith.select %gt3A_1185, %scan3A_1125, %scan3A_1122 : vector<16xi1>, vector<16xi32>
        %add3A_1188 = arith.constant 0 : i32
        %add3A_1189 = arith.addi %mul3A_1127, %add3A_1188 : i32
        %get3A_1190 = arith.constant 6 : i32
        %get3A_1191 = arith.index_cast %get3A_1190 : i32 to index
        %get3A_1192 = arith.index_cast %add3A_1189 : i32 to index
        %get3A_1193 = tpu.vector_load %arg7[%get3A_1191, %get3A_1192] {strides = array<i32>} : memref<8x3968xf32, #tpu.memory_space<vmem>>, vector<1x16xf32>,
        %get3A_1194 = vector.shape_cast %get3A_1193 : vector<1x16xf32> to vector<16xf32>
        %gt3A_1195 = arith.cmpf ogt, %get3A_1194, %scan3A_1115 : vector<16xf32>
        %select_n3A_1196 = arith.select %gt3A_1195, %get3A_1194, %scan3A_1115 : vector<16xi1>, vector<16xf32>
        %select_n3A_1197 = arith.select %gt3A_1195, %scan3A_1125, %scan3A_1123 : vector<16xi1>, vector<16xi32>
        %add3A_1198 = arith.constant 0 : i32
        %add3A_1199 = arith.addi %mul3A_1127, %add3A_1198 : i32
        %get3A_1200 = arith.constant 7 : i32
        %get3A_1201 = arith.index_cast %get3A_1200 : i32 to index
        %get3A_1202 = arith.index_cast %add3A_1199 : i32 to index
        %get3A_1203 = tpu.vector_load %arg7[%get3A_1201, %get3A_1202] {strides = array<i32>} : memref<8x3968xf32, #tpu.memory_space<vmem>>, vector<1x16xf32>,
        %get3A_1204 = vector.shape_cast %get3A_1203 : vector<1x16xf32> to vector<16xf32>
        %gt3A_1205 = arith.cmpf ogt, %get3A_1204, %scan3A_1116 : vector<16xf32>
        %select_n3A_1206 = arith.select %gt3A_1205, %get3A_1204, %scan3A_1116 : vector<16xi1>, vector<16xf32>
        %select_n3A_1207 = arith.select %gt3A_1205, %scan3A_1125, %scan3A_1124 : vector<16xi1>, vector<16xi32>
        %add3A_1208 = arith.constant 16 : i32
        %add3A_1209 = vector.broadcast %add3A_1208 : i32 to vector<16xi32>
        %add3A_1210 = arith.addi %scan3A_1125, %add3A_1209 : vector<16xi32>
        %add3A_1211 = arith.constant 16 : i32
        %add3A_1212 = arith.addi %mul3A_1127, %add3A_1211 : i32
        %get3A_1213 = arith.constant 0 : i32
        %get3A_1214 = arith.index_cast %get3A_1213 : i32 to index
        %get3A_1215 = arith.index_cast %add3A_1212 : i32 to index
        %get3A_1216 = tpu.vector_load %arg7[%get3A_1214, %get3A_1215] {strides = array<i32>} : memref<8x3968xf32, #tpu.memory_space<vmem>>, vector<1x16xf32>,
        %get3A_1217 = vector.shape_cast %get3A_1216 : vector<1x16xf32> to vector<16xf32>
        %gt3A_1218 = arith.cmpf ogt, %get3A_1217, %select_n3A_1136 : vector<16xf32>
        %select_n3A_1219 = arith.select %gt3A_1218, %get3A_1217, %select_n3A_1136 : vector<16xi1>, vector<16xf32>
        %select_n3A_1220 = arith.select %gt3A_1218, %add3A_1210, %select_n3A_1137 : vector<16xi1>, vector<16xi32>
        %add3A_1221 = arith.constant 16 : i32
        %add3A_1222 = arith.addi %mul3A_1127, %add3A_1221 : i32
        %get3A_1223 = arith.constant 1 : i32
        %get3A_1224 = arith.index_cast %get3A_1223 : i32 to index
        %get3A_1225 = arith.index_cast %add3A_1222 : i32 to index
        %get3A_1226 = tpu.vector_load %arg7[%get3A_1224, %get3A_1225] {strides = array<i32>} : memref<8x3968xf32, #tpu.memory_space<vmem>>, vector<1x16xf32>,
        %get3A_1227 = vector.shape_cast %get3A_1226 : vector<1x16xf32> to vector<16xf32>
        %gt3A_1228 = arith.cmpf ogt, %get3A_1227, %select_n3A_1146 : vector<16xf32>
        %select_n3A_1229 = arith.select %gt3A_1228, %get3A_1227, %select_n3A_1146 : vector<16xi1>, vector<16xf32>
        %select_n3A_1230 = arith.select %gt3A_1228, %add3A_1210, %select_n3A_1147 : vector<16xi1>, vector<16xi32>
        %add3A_1231 = arith.constant 16 : i32
        %add3A_1232 = arith.addi %mul3A_1127, %add3A_1231 : i32
        %get3A_1233 = arith.constant 2 : i32
        %get3A_1234 = arith.index_cast %get3A_1233 : i32 to index
        %get3A_1235 = arith.index_cast %add3A_1232 : i32 to index
        %get3A_1236 = tpu.vector_load %arg7[%get3A_1234, %get3A_1235] {strides = array<i32>} : memref<8x3968xf32, #tpu.memory_space<vmem>>, vector<1x16xf32>,
        %get3A_1237 = vector.shape_cast %get3A_1236 : vector<1x16xf32> to vector<16xf32>
        %gt3A_1238 = arith.cmpf ogt, %get3A_1237, %select_n3A_1156 : vector<16xf32>
        %select_n3A_1239 = arith.select %gt3A_1238, %get3A_1237, %select_n3A_1156 : vector<16xi1>, vector<16xf32>
        %select_n3A_1240 = arith.select %gt3A_1238, %add3A_1210, %select_n3A_1157 : vector<16xi1>, vector<16xi32>
        %add3A_1241 = arith.constant 16 : i32
        %add3A_1242 = arith.addi %mul3A_1127, %add3A_1241 : i32
        %get3A_1243 = arith.constant 3 : i32
        %get3A_1244 = arith.index_cast %get3A_1243 : i32 to index
        %get3A_1245 = arith.index_cast %add3A_1242 : i32 to index
        %get3A_1246 = tpu.vector_load %arg7[%get3A_1244, %get3A_1245] {strides = array<i32>} : memref<8x3968xf32, #tpu.memory_space<vmem>>, vector<1x16xf32>,
        %get3A_1247 = vector.shape_cast %get3A_1246 : vector<1x16xf32> to vector<16xf32>
        %gt3A_1248 = arith.cmpf ogt, %get3A_1247, %select_n3A_1166 : vector<16xf32>
        %select_n3A_1249 = arith.select %gt3A_1248, %get3A_1247, %select_n3A_1166 : vector<16xi1>, vector<16xf32>
        %select_n3A_1250 = arith.select %gt3A_1248, %add3A_1210, %select_n3A_1167 : vector<16xi1>, vector<16xi32>
        %add3A_1251 = arith.constant 16 : i32
        %add3A_1252 = arith.addi %mul3A_1127, %add3A_1251 : i32
        %get3A_1253 = arith.constant 4 : i32
        %get3A_1254 = arith.index_cast %get3A_1253 : i32 to index
        %get3A_1255 = arith.index_cast %add3A_1252 : i32 to index
        %get3A_1256 = tpu.vector_load %arg7[%get3A_1254, %get3A_1255] {strides = array<i32>} : memref<8x3968xf32, #tpu.memory_space<vmem>>, vector<1x16xf32>,
        %get3A_1257 = vector.shape_cast %get3A_1256 : vector<1x16xf32> to vector<16xf32>
        %gt3A_1258 = arith.cmpf ogt, %get3A_1257, %select_n3A_1176 : vector<16xf32>
        %select_n3A_1259 = arith.select %gt3A_1258, %get3A_1257, %select_n3A_1176 : vector<16xi1>, vector<16xf32>
        %select_n3A_1260 = arith.select %gt3A_1258, %add3A_1210, %select_n3A_1177 : vector<16xi1>, vector<16xi32>
        %add3A_1261 = arith.constant 16 : i32
        %add3A_1262 = arith.addi %mul3A_1127, %add3A_1261 : i32
        %get3A_1263 = arith.constant 5 : i32
        %get3A_1264 = arith.index_cast %get3A_1263 : i32 to index
        %get3A_1265 = arith.index_cast %add3A_1262 : i32 to index
        %get3A_1266 = tpu.vector_load %arg7[%get3A_1264, %get3A_1265] {strides = array<i32>} : memref<8x3968xf32, #tpu.memory_space<vmem>>, vector<1x16xf32>,
        %get3A_1267 = vector.shape_cast %get3A_1266 : vector<1x16xf32> to vector<16xf32>
        %gt3A_1268 = arith.cmpf ogt, %get3A_1267, %select_n3A_1186 : vector<16xf32>
        %select_n3A_1269 = arith.select %gt3A_1268, %get3A_1267, %select_n3A_1186 : vector<16xi1>, vector<16xf32>
        %select_n3A_1270 = arith.select %gt3A_1268, %add3A_1210, %select_n3A_1187 : vector<16xi1>, vector<16xi32>
        %add3A_1271 = arith.constant 16 : i32
        %add3A_1272 = arith.addi %mul3A_1127, %add3A_1271 : i32
        %get3A_1273 = arith.constant 6 : i32
        %get3A_1274 = arith.index_cast %get3A_1273 : i32 to index
        %get3A_1275 = arith.index_cast %add3A_1272 : i32 to index
        %get3A_1276 = tpu.vector_load %arg7[%get3A_1274, %get3A_1275] {strides = array<i32>} : memref<8x3968xf32, #tpu.memory_space<vmem>>, vector<1x16xf32>,
        %get3A_1277 = vector.shape_cast %get3A_1276 : vector<1x16xf32> to vector<16xf32>
        %gt3A_1278 = arith.cmpf ogt, %get3A_1277, %select_n3A_1196 : vector<16xf32>
        %select_n3A_1279 = arith.select %gt3A_1278, %get3A_1277, %select_n3A_1196 : vector<16xi1>, vector<16xf32>
        %select_n3A_1280 = arith.select %gt3A_1278, %add3A_1210, %select_n3A_1197 : vector<16xi1>, vector<16xi32>
        %add3A_1281 = arith.constant 16 : i32
        %add3A_1282 = arith.addi %mul3A_1127, %add3A_1281 : i32
        %get3A_1283 = arith.constant 7 : i32
        %get3A_1284 = arith.index_cast %get3A_1283 : i32 to index
        %get3A_1285 = arith.index_cast %add3A_1282 : i32 to index
        %get3A_1286 = tpu.vector_load %arg7[%get3A_1284, %get3A_1285] {strides = array<i32>} : memref<8x3968xf32, #tpu.memory_space<vmem>>, vector<1x16xf32>,
        %get3A_1287 = vector.shape_cast %get3A_1286 : vector<1x16xf32> to vector<16xf32>
        %gt3A_1288 = arith.cmpf ogt, %get3A_1287, %select_n3A_1206 : vector<16xf32>
        %select_n3A_1289 = arith.select %gt3A_1288, %get3A_1287, %select_n3A_1206 : vector<16xi1>, vector<16xf32>
        %select_n3A_1290 = arith.select %gt3A_1288, %add3A_1210, %select_n3A_1207 : vector<16xi1>, vector<16xi32>
        %add3A_1291 = arith.constant 32 : i32
        %add3A_1292 = vector.broadcast %add3A_1291 : i32 to vector<16xi32>
        %add3A_1293 = arith.addi %scan3A_1125, %add3A_1292 : vector<16xi32>
        %add3A_1294 = arith.constant 32 : i32
        %add3A_1295 = arith.addi %mul3A_1127, %add3A_1294 : i32
        %get3A_1296 = arith.constant 0 : i32
        %get3A_1297 = arith.index_cast %get3A_1296 : i32 to index
        %get3A_1298 = arith.index_cast %add3A_1295 : i32 to index
        %get3A_1299 = tpu.vector_load %arg7[%get3A_1297, %get3A_1298] {strides = array<i32>} : memref<8x3968xf32, #tpu.memory_space<vmem>>, vector<1x16xf32>,
        %get3A_1300 = vector.shape_cast %get3A_1299 : vector<1x16xf32> to vector<16xf32>
        %gt3A_1301 = arith.cmpf ogt, %get3A_1300, %select_n3A_1219 : vector<16xf32>
        %select_n3A_1302 = arith.select %gt3A_1301, %get3A_1300, %select_n3A_1219 : vector<16xi1>, vector<16xf32>
        %select_n3A_1303 = arith.select %gt3A_1301, %add3A_1293, %select_n3A_1220 : vector<16xi1>, vector<16xi32>
        %add3A_1304 = arith.constant 32 : i32
        %add3A_1305 = arith.addi %mul3A_1127, %add3A_1304 : i32
        %get3A_1306 = arith.constant 1 : i32
        %get3A_1307 = arith.index_cast %get3A_1306 : i32 to index
        %get3A_1308 = arith.index_cast %add3A_1305 : i32 to index
        %get3A_1309 = tpu.vector_load %arg7[%get3A_1307, %get3A_1308] {strides = array<i32>} : memref<8x3968xf32, #tpu.memory_space<vmem>>, vector<1x16xf32>,
        %get3A_1310 = vector.shape_cast %get3A_1309 : vector<1x16xf32> to vector<16xf32>
        %gt3A_1311 = arith.cmpf ogt, %get3A_1310, %select_n3A_1229 : vector<16xf32>
        %select_n3A_1312 = arith.select %gt3A_1311, %get3A_1310, %select_n3A_1229 : vector<16xi1>, vector<16xf32>
        %select_n3A_1313 = arith.select %gt3A_1311, %add3A_1293, %select_n3A_1230 : vector<16xi1>, vector<16xi32>
        %add3A_1314 = arith.constant 32 : i32
        %add3A_1315 = arith.addi %mul3A_1127, %add3A_1314 : i32
        %get3A_1316 = arith.constant 2 : i32
        %get3A_1317 = arith.index_cast %get3A_1316 : i32 to index
        %get3A_1318 = arith.index_cast %add3A_1315 : i32 to index
        %get3A_1319 = tpu.vector_load %arg7[%get3A_1317, %get3A_1318] {strides = array<i32>} : memref<8x3968xf32, #tpu.memory_space<vmem>>, vector<1x16xf32>,
        %get3A_1320 = vector.shape_cast %get3A_1319 : vector<1x16xf32> to vector<16xf32>
        %gt3A_1321 = arith.cmpf ogt, %get3A_1320, %select_n3A_1239 : vector<16xf32>
        %select_n3A_1322 = arith.select %gt3A_1321, %get3A_1320, %select_n3A_1239 : vector<16xi1>, vector<16xf32>
        %select_n3A_1323 = arith.select %gt3A_1321, %add3A_1293, %select_n3A_1240 : vector<16xi1>, vector<16xi32>
        %add3A_1324 = arith.constant 32 : i32
        %add3A_1325 = arith.addi %mul3A_1127, %add3A_1324 : i32
        %get3A_1326 = arith.constant 3 : i32
        %get3A_1327 = arith.index_cast %get3A_1326 : i32 to index
        %get3A_1328 = arith.index_cast %add3A_1325 : i32 to index
        %get3A_1329 = tpu.vector_load %arg7[%get3A_1327, %get3A_1328] {strides = array<i32>} : memref<8x3968xf32, #tpu.memory_space<vmem>>, vector<1x16xf32>,
        %get3A_1330 = vector.shape_cast %get3A_1329 : vector<1x16xf32> to vector<16xf32>
        %gt3A_1331 = arith.cmpf ogt, %get3A_1330, %select_n3A_1249 : vector<16xf32>
        %select_n3A_1332 = arith.select %gt3A_1331, %get3A_1330, %select_n3A_1249 : vector<16xi1>, vector<16xf32>
        %select_n3A_1333 = arith.select %gt3A_1331, %add3A_1293, %select_n3A_1250 : vector<16xi1>, vector<16xi32>
        %add3A_1334 = arith.constant 32 : i32
        %add3A_1335 = arith.addi %mul3A_1127, %add3A_1334 : i32
        %get3A_1336 = arith.constant 4 : i32
        %get3A_1337 = arith.index_cast %get3A_1336 : i32 to index
        %get3A_1338 = arith.index_cast %add3A_1335 : i32 to index
        %get3A_1339 = tpu.vector_load %arg7[%get3A_1337, %get3A_1338] {strides = array<i32>} : memref<8x3968xf32, #tpu.memory_space<vmem>>, vector<1x16xf32>,
        %get3A_1340 = vector.shape_cast %get3A_1339 : vector<1x16xf32> to vector<16xf32>
        %gt3A_1341 = arith.cmpf ogt, %get3A_1340, %select_n3A_1259 : vector<16xf32>
        %select_n3A_1342 = arith.select %gt3A_1341, %get3A_1340, %select_n3A_1259 : vector<16xi1>, vector<16xf32>
        %select_n3A_1343 = arith.select %gt3A_1341, %add3A_1293, %select_n3A_1260 : vector<16xi1>, vector<16xi32>
        %add3A_1344 = arith.constant 32 : i32
        %add3A_1345 = arith.addi %mul3A_1127, %add3A_1344 : i32
        %get3A_1346 = arith.constant 5 : i32
        %get3A_1347 = arith.index_cast %get3A_1346 : i32 to index
        %get3A_1348 = arith.index_cast %add3A_1345 : i32 to index
        %get3A_1349 = tpu.vector_load %arg7[%get3A_1347, %get3A_1348] {strides = array<i32>} : memref<8x3968xf32, #tpu.memory_space<vmem>>, vector<1x16xf32>,
        %get3A_1350 = vector.shape_cast %get3A_1349 : vector<1x16xf32> to vector<16xf32>
        %gt3A_1351 = arith.cmpf ogt, %get3A_1350, %select_n3A_1269 : vector<16xf32>
        %select_n3A_1352 = arith.select %gt3A_1351, %get3A_1350, %select_n3A_1269 : vector<16xi1>, vector<16xf32>
        %select_n3A_1353 = arith.select %gt3A_1351, %add3A_1293, %select_n3A_1270 : vector<16xi1>, vector<16xi32>
        %add3A_1354 = arith.constant 32 : i32
        %add3A_1355 = arith.addi %mul3A_1127, %add3A_1354 : i32
        %get3A_1356 = arith.constant 6 : i32
        %get3A_1357 = arith.index_cast %get3A_1356 : i32 to index
        %get3A_1358 = arith.index_cast %add3A_1355 : i32 to index
        %get3A_1359 = tpu.vector_load %arg7[%get3A_1357, %get3A_1358] {strides = array<i32>} : memref<8x3968xf32, #tpu.memory_space<vmem>>, vector<1x16xf32>,
        %get3A_1360 = vector.shape_cast %get3A_1359 : vector<1x16xf32> to vector<16xf32>
        %gt3A_1361 = arith.cmpf ogt, %get3A_1360, %select_n3A_1279 : vector<16xf32>
        %select_n3A_1362 = arith.select %gt3A_1361, %get3A_1360, %select_n3A_1279 : vector<16xi1>, vector<16xf32>
        %select_n3A_1363 = arith.select %gt3A_1361, %add3A_1293, %select_n3A_1280 : vector<16xi1>, vector<16xi32>
        %add3A_1364 = arith.constant 32 : i32
        %add3A_1365 = arith.addi %mul3A_1127, %add3A_1364 : i32
        %get3A_1366 = arith.constant 7 : i32
        %get3A_1367 = arith.index_cast %get3A_1366 : i32 to index
        %get3A_1368 = arith.index_cast %add3A_1365 : i32 to index
        %get3A_1369 = tpu.vector_load %arg7[%get3A_1367, %get3A_1368] {strides = array<i32>} : memref<8x3968xf32, #tpu.memory_space<vmem>>, vector<1x16xf32>,
        %get3A_1370 = vector.shape_cast %get3A_1369 : vector<1x16xf32> to vector<16xf32>
        %gt3A_1371 = arith.cmpf ogt, %get3A_1370, %select_n3A_1289 : vector<16xf32>
        %select_n3A_1372 = arith.select %gt3A_1371, %get3A_1370, %select_n3A_1289 : vector<16xi1>, vector<16xf32>
        %select_n3A_1373 = arith.select %gt3A_1371, %add3A_1293, %select_n3A_1290 : vector<16xi1>, vector<16xi32>
        %add3A_1374 = arith.constant 48 : i32
        %add3A_1375 = vector.broadcast %add3A_1374 : i32 to vector<16xi32>
        %add3A_1376 = arith.addi %scan3A_1125, %add3A_1375 : vector<16xi32>
        %add3A_1377 = arith.constant 48 : i32
        %add3A_1378 = arith.addi %mul3A_1127, %add3A_1377 : i32
        %get3A_1379 = arith.constant 0 : i32
        %get3A_1380 = arith.index_cast %get3A_1379 : i32 to index
        %get3A_1381 = arith.index_cast %add3A_1378 : i32 to index
        %get3A_1382 = tpu.vector_load %arg7[%get3A_1380, %get3A_1381] {strides = array<i32>} : memref<8x3968xf32, #tpu.memory_space<vmem>>, vector<1x16xf32>,
        %get3A_1383 = vector.shape_cast %get3A_1382 : vector<1x16xf32> to vector<16xf32>
        %gt3A_1384 = arith.cmpf ogt, %get3A_1383, %select_n3A_1302 : vector<16xf32>
        %select_n3A_1385 = arith.select %gt3A_1384, %get3A_1383, %select_n3A_1302 : vector<16xi1>, vector<16xf32>
        %select_n3A_1386 = arith.select %gt3A_1384, %add3A_1376, %select_n3A_1303 : vector<16xi1>, vector<16xi32>
        %add3A_1387 = arith.constant 48 : i32
        %add3A_1388 = arith.addi %mul3A_1127, %add3A_1387 : i32
        %get3A_1389 = arith.constant 1 : i32
        %get3A_1390 = arith.index_cast %get3A_1389 : i32 to index
        %get3A_1391 = arith.index_cast %add3A_1388 : i32 to index
        %get3A_1392 = tpu.vector_load %arg7[%get3A_1390, %get3A_1391] {strides = array<i32>} : memref<8x3968xf32, #tpu.memory_space<vmem>>, vector<1x16xf32>,
        %get3A_1393 = vector.shape_cast %get3A_1392 : vector<1x16xf32> to vector<16xf32>
        %gt3A_1394 = arith.cmpf ogt, %get3A_1393, %select_n3A_1312 : vector<16xf32>
        %select_n3A_1395 = arith.select %gt3A_1394, %get3A_1393, %select_n3A_1312 : vector<16xi1>, vector<16xf32>
        %select_n3A_1396 = arith.select %gt3A_1394, %add3A_1376, %select_n3A_1313 : vector<16xi1>, vector<16xi32>
        %add3A_1397 = arith.constant 48 : i32
        %add3A_1398 = arith.addi %mul3A_1127, %add3A_1397 : i32
        %get3A_1399 = arith.constant 2 : i32
        %get3A_1400 = arith.index_cast %get3A_1399 : i32 to index
        %get3A_1401 = arith.index_cast %add3A_1398 : i32 to index
        %get3A_1402 = tpu.vector_load %arg7[%get3A_1400, %get3A_1401] {strides = array<i32>} : memref<8x3968xf32, #tpu.memory_space<vmem>>, vector<1x16xf32>,
        %get3A_1403 = vector.shape_cast %get3A_1402 : vector<1x16xf32> to vector<16xf32>
        %gt3A_1404 = arith.cmpf ogt, %get3A_1403, %select_n3A_1322 : vector<16xf32>
        %select_n3A_1405 = arith.select %gt3A_1404, %get3A_1403, %select_n3A_1322 : vector<16xi1>, vector<16xf32>
        %select_n3A_1406 = arith.select %gt3A_1404, %add3A_1376, %select_n3A_1323 : vector<16xi1>, vector<16xi32>
        %add3A_1407 = arith.constant 48 : i32
        %add3A_1408 = arith.addi %mul3A_1127, %add3A_1407 : i32
        %get3A_1409 = arith.constant 3 : i32
        %get3A_1410 = arith.index_cast %get3A_1409 : i32 to index
        %get3A_1411 = arith.index_cast %add3A_1408 : i32 to index
        %get3A_1412 = tpu.vector_load %arg7[%get3A_1410, %get3A_1411] {strides = array<i32>} : memref<8x3968xf32, #tpu.memory_space<vmem>>, vector<1x16xf32>,
        %get3A_1413 = vector.shape_cast %get3A_1412 : vector<1x16xf32> to vector<16xf32>
        %gt3A_1414 = arith.cmpf ogt, %get3A_1413, %select_n3A_1332 : vector<16xf32>
        %select_n3A_1415 = arith.select %gt3A_1414, %get3A_1413, %select_n3A_1332 : vector<16xi1>, vector<16xf32>
        %select_n3A_1416 = arith.select %gt3A_1414, %add3A_1376, %select_n3A_1333 : vector<16xi1>, vector<16xi32>
        %add3A_1417 = arith.constant 48 : i32
        %add3A_1418 = arith.addi %mul3A_1127, %add3A_1417 : i32
        %get3A_1419 = arith.constant 4 : i32
        %get3A_1420 = arith.index_cast %get3A_1419 : i32 to index
        %get3A_1421 = arith.index_cast %add3A_1418 : i32 to index
        %get3A_1422 = tpu.vector_load %arg7[%get3A_1420, %get3A_1421] {strides = array<i32>} : memref<8x3968xf32, #tpu.memory_space<vmem>>, vector<1x16xf32>,
        %get3A_1423 = vector.shape_cast %get3A_1422 : vector<1x16xf32> to vector<16xf32>
        %gt3A_1424 = arith.cmpf ogt, %get3A_1423, %select_n3A_1342 : vector<16xf32>
        %select_n3A_1425 = arith.select %gt3A_1424, %get3A_1423, %select_n3A_1342 : vector<16xi1>, vector<16xf32>
        %select_n3A_1426 = arith.select %gt3A_1424, %add3A_1376, %select_n3A_1343 : vector<16xi1>, vector<16xi32>
        %add3A_1427 = arith.constant 48 : i32
        %add3A_1428 = arith.addi %mul3A_1127, %add3A_1427 : i32
        %get3A_1429 = arith.constant 5 : i32
        %get3A_1430 = arith.index_cast %get3A_1429 : i32 to index
        %get3A_1431 = arith.index_cast %add3A_1428 : i32 to index
        %get3A_1432 = tpu.vector_load %arg7[%get3A_1430, %get3A_1431] {strides = array<i32>} : memref<8x3968xf32, #tpu.memory_space<vmem>>, vector<1x16xf32>,
        %get3A_1433 = vector.shape_cast %get3A_1432 : vector<1x16xf32> to vector<16xf32>
        %gt3A_1434 = arith.cmpf ogt, %get3A_1433, %select_n3A_1352 : vector<16xf32>
        %select_n3A_1435 = arith.select %gt3A_1434, %get3A_1433, %select_n3A_1352 : vector<16xi1>, vector<16xf32>
        %select_n3A_1436 = arith.select %gt3A_1434, %add3A_1376, %select_n3A_1353 : vector<16xi1>, vector<16xi32>
        %add3A_1437 = arith.constant 48 : i32
        %add3A_1438 = arith.addi %mul3A_1127, %add3A_1437 : i32
        %get3A_1439 = arith.constant 6 : i32
        %get3A_1440 = arith.index_cast %get3A_1439 : i32 to index
        %get3A_1441 = arith.index_cast %add3A_1438 : i32 to index
        %get3A_1442 = tpu.vector_load %arg7[%get3A_1440, %get3A_1441] {strides = array<i32>} : memref<8x3968xf32, #tpu.memory_space<vmem>>, vector<1x16xf32>,
        %get3A_1443 = vector.shape_cast %get3A_1442 : vector<1x16xf32> to vector<16xf32>
        %gt3A_1444 = arith.cmpf ogt, %get3A_1443, %select_n3A_1362 : vector<16xf32>
        %select_n3A_1445 = arith.select %gt3A_1444, %get3A_1443, %select_n3A_1362 : vector<16xi1>, vector<16xf32>
        %select_n3A_1446 = arith.select %gt3A_1444, %add3A_1376, %select_n3A_1363 : vector<16xi1>, vector<16xi32>
        %add3A_1447 = arith.constant 48 : i32
        %add3A_1448 = arith.addi %mul3A_1127, %add3A_1447 : i32
        %get3A_1449 = arith.constant 7 : i32
        %get3A_1450 = arith.index_cast %get3A_1449 : i32 to index
        %get3A_1451 = arith.index_cast %add3A_1448 : i32 to index
        %get3A_1452 = tpu.vector_load %arg7[%get3A_1450, %get3A_1451] {strides = array<i32>} : memref<8x3968xf32, #tpu.memory_space<vmem>>, vector<1x16xf32>,
        %get3A_1453 = vector.shape_cast %get3A_1452 : vector<1x16xf32> to vector<16xf32>
        %gt3A_1454 = arith.cmpf ogt, %get3A_1453, %select_n3A_1372 : vector<16xf32>
        %select_n3A_1455 = arith.select %gt3A_1454, %get3A_1453, %select_n3A_1372 : vector<16xi1>, vector<16xf32>
        %select_n3A_1456 = arith.select %gt3A_1454, %add3A_1376, %select_n3A_1373 : vector<16xi1>, vector<16xi32>
        %add3A_1457 = arith.constant 64 : i32
        %add3A_1458 = vector.broadcast %add3A_1457 : i32 to vector<16xi32>
        %add3A_1459 = arith.addi %scan3A_1125, %add3A_1458 : vector<16xi32>
        scf.yield %select_n3A_1385, %select_n3A_1395, %select_n3A_1405, %select_n3A_1415, %select_n3A_1425, %select_n3A_1435, %select_n3A_1445, %select_n3A_1455, %select_n3A_1386, %select_n3A_1396, %select_n3A_1406, %select_n3A_1416, %select_n3A_1426, %select_n3A_1436, %select_n3A_1446, %select_n3A_1456, %add3A_1459 : vector<16xf32>, vector<16xf32>, vector<16xf32>, vector<16xf32>, vector<16xf32>, vector<16xf32>, vector<16xf32>, vector<16xf32>, vector<16xi32>, vector<16xi32>, vector<16xi32>, vector<16xi32>, vector<16xi32>, vector<16xi32>, vector<16xi32>, vector<16xi32>, vector<16xi32>
      }
      %scan3A_1107 = arith.constant 62 : i32
      scf.yield %scan3A_1106#0, %scan3A_1106#1, %scan3A_1106#2, %scan3A_1106#3, %scan3A_1106#4, %scan3A_1106#5, %scan3A_1106#6, %scan3A_1106#7, %scan3A_1106#8, %scan3A_1106#9, %scan3A_1106#10, %scan3A_1106#11, %scan3A_1106#12, %scan3A_1106#13, %scan3A_1106#14, %scan3A_1106#15 : vector<16xf32>, vector<16xf32>, vector<16xf32>, vector<16xf32>, vector<16xf32>, vector<16xf32>, vector<16xf32>, vector<16xf32>, vector<16xi32>, vector<16xi32>, vector<16xi32>, vector<16xi32>, vector<16xi32>, vector<16xi32>, vector<16xi32>, vector<16xi32>
    }
    %scan3A_82 = arith.constant 13 : i32
    "tpu.region"() ({
      %run_scoped3A = tpu.sem_alloc : memref<!tpu.dma_semaphore, #tpu.memory_space<semaphore_mem>>
      %dma_start3A_1002 = arith.constant 999936 : i32
      %dma_start3A_1003 = tpu.memref_slice %arg2[%mul3A_35, %dma_start3A_1002] : memref<64x1000000xf32, #tpu.memory_space<hbm>> -> memref<8x64xf32, #tpu.memory_space<hbm>>
      %dma_start3A_1004 = arith.constant 999936 : i32
      %dma_start3A_1005 = tpu.memref_slice %arg2[%mul3A_35, %dma_start3A_1004] : memref<64x1000000xf32, #tpu.memory_space<hbm>> -> memref<8x64xf32, #tpu.memory_space<hbm>>
      tpu.enqueue_dma source(%dma_start3A_1005 : memref<8x64xf32, #tpu.memory_space<hbm>>) target(%arg8 : memref<8x64xf32, #tpu.memory_space<vmem>>) target_semaphore(%run_scoped3A : memref<!tpu.dma_semaphore, #tpu.memory_space<semaphore_mem>>)
      %dma_wait3A = arith.constant 999936 : i32
      %dma_wait3A_1006 = tpu.memref_slice %arg2[%mul3A_35, %dma_wait3A] : memref<64x1000000xf32, #tpu.memory_space<hbm>> -> memref<8x64xf32, #tpu.memory_space<hbm>>
      %dma_wait3A_1007 = arith.constant 999936 : i32
      %dma_wait3A_1008 = tpu.memref_slice %arg2[%mul3A_35, %dma_wait3A_1007] : memref<64x1000000xf32, #tpu.memory_space<hbm>> -> memref<8x64xf32, #tpu.memory_space<hbm>>
      tpu.wait_dma2 semaphore(%run_scoped3A : memref<!tpu.dma_semaphore, #tpu.memory_space<semaphore_mem>>) src(%dma_wait3A_1008 : memref<8x64xf32, #tpu.memory_space<hbm>>) dst(%arg8 : memref<8x64xf32, #tpu.memory_space<vmem>>)
      tpu.yield
    }) : () -> ()
    %eq3A_83 = arith.constant 3 : i32
    %eq3A_84 = arith.cmpi eq, %select_n3A_33, %eq3A_83 : i32
    %jit3A_85 = arith.constant 0.000000e+00 : f32
    %jit3A_86 = arith.constant 0xFF800000 : f32
    %select_n3A_87 = arith.select %eq3A_84, %jit3A_85, %jit3A_86 : f32
    %add3A_88 = arith.constant 999936 : i32
    %add3A_89 = vector.broadcast %add3A_88 : i32 to vector<16xi32>
    %add3A_90 = arith.addi %add3A_89, %iota3A : vector<16xi32>
    %get3A = arith.constant 0 : i32
    %get3A_91 = arith.index_cast %get3A : i32 to index
    %get3A_92 = arith.constant 0 : index
    %get3A_93 = tpu.vector_load %arg8[%get3A_91, %get3A_92] {strides = array<i32>} : memref<8x64xf32, #tpu.memory_space<vmem>>, vector<1x16xf32>,
    %get3A_94 = vector.shape_cast %get3A_93 : vector<1x16xf32> to vector<16xf32>
    %add3A_95 = vector.broadcast %select_n3A_87 : f32 to vector<16xf32>
    %add3A_96 = arith.addf %get3A_94, %add3A_95 : vector<16xf32>
    %gt3A = arith.cmpf ogt, %add3A_96, %scan3A_81#0 : vector<16xf32>
    %select_n3A_97 = arith.select %gt3A, %add3A_96, %scan3A_81#0 : vector<16xi1>, vector<16xf32>
    %select_n3A_98 = arith.select %gt3A, %add3A_90, %scan3A_81#8 : vector<16xi1>, vector<16xi32>
    %get3A_99 = arith.constant 1 : i32
    %get3A_100 = arith.index_cast %get3A_99 : i32 to index
    %get3A_101 = arith.constant 0 : index
    %get3A_102 = tpu.vector_load %arg8[%get3A_100, %get3A_101] {strides = array<i32>} : memref<8x64xf32, #tpu.memory_space<vmem>>, vector<1x16xf32>,
    %get3A_103 = vector.shape_cast %get3A_102 : vector<1x16xf32> to vector<16xf32>
    %add3A_104 = vector.broadcast %select_n3A_87 : f32 to vector<16xf32>
    %add3A_105 = arith.addf %get3A_103, %add3A_104 : vector<16xf32>
    %gt3A_106 = arith.cmpf ogt, %add3A_105, %scan3A_81#1 : vector<16xf32>
    %select_n3A_107 = arith.select %gt3A_106, %add3A_105, %scan3A_81#1 : vector<16xi1>, vector<16xf32>
    %select_n3A_108 = arith.select %gt3A_106, %add3A_90, %scan3A_81#9 : vector<16xi1>, vector<16xi32>
    %get3A_109 = arith.constant 2 : i32
    %get3A_110 = arith.index_cast %get3A_109 : i32 to index
    %get3A_111 = arith.constant 0 : index
    %get3A_112 = tpu.vector_load %arg8[%get3A_110, %get3A_111] {strides = array<i32>} : memref<8x64xf32, #tpu.memory_space<vmem>>, vector<1x16xf32>,
    %get3A_113 = vector.shape_cast %get3A_112 : vector<1x16xf32> to vector<16xf32>
    %add3A_114 = vector.broadcast %select_n3A_87 : f32 to vector<16xf32>
    %add3A_115 = arith.addf %get3A_113, %add3A_114 : vector<16xf32>
    %gt3A_116 = arith.cmpf ogt, %add3A_115, %scan3A_81#2 : vector<16xf32>
    %select_n3A_117 = arith.select %gt3A_116, %add3A_115, %scan3A_81#2 : vector<16xi1>, vector<16xf32>
    %select_n3A_118 = arith.select %gt3A_116, %add3A_90, %scan3A_81#10 : vector<16xi1>, vector<16xi32>
    %get3A_119 = arith.constant 3 : i32
    %get3A_120 = arith.index_cast %get3A_119 : i32 to index
    %get3A_121 = arith.constant 0 : index
    %get3A_122 = tpu.vector_load %arg8[%get3A_120, %get3A_121] {strides = array<i32>} : memref<8x64xf32, #tpu.memory_space<vmem>>, vector<1x16xf32>,
    %get3A_123 = vector.shape_cast %get3A_122 : vector<1x16xf32> to vector<16xf32>
    %add3A_124 = vector.broadcast %select_n3A_87 : f32 to vector<16xf32>
    %add3A_125 = arith.addf %get3A_123, %add3A_124 : vector<16xf32>
    %gt3A_126 = arith.cmpf ogt, %add3A_125, %scan3A_81#3 : vector<16xf32>
    %select_n3A_127 = arith.select %gt3A_126, %add3A_125, %scan3A_81#3 : vector<16xi1>, vector<16xf32>
    %select_n3A_128 = arith.select %gt3A_126, %add3A_90, %scan3A_81#11 : vector<16xi1>, vector<16xi32>
    %get3A_129 = arith.constant 4 : i32
    %get3A_130 = arith.index_cast %get3A_129 : i32 to index
    %get3A_131 = arith.constant 0 : index
    %get3A_132 = tpu.vector_load %arg8[%get3A_130, %get3A_131] {strides = array<i32>} : memref<8x64xf32, #tpu.memory_space<vmem>>, vector<1x16xf32>,
    %get3A_133 = vector.shape_cast %get3A_132 : vector<1x16xf32> to vector<16xf32>
    %add3A_134 = vector.broadcast %select_n3A_87 : f32 to vector<16xf32>
    %add3A_135 = arith.addf %get3A_133, %add3A_134 : vector<16xf32>
    %gt3A_136 = arith.cmpf ogt, %add3A_135, %scan3A_81#4 : vector<16xf32>
    %select_n3A_137 = arith.select %gt3A_136, %add3A_135, %scan3A_81#4 : vector<16xi1>, vector<16xf32>
    %select_n3A_138 = arith.select %gt3A_136, %add3A_90, %scan3A_81#12 : vector<16xi1>, vector<16xi32>
    %get3A_139 = arith.constant 5 : i32
    %get3A_140 = arith.index_cast %get3A_139 : i32 to index
    %get3A_141 = arith.constant 0 : index
    %get3A_142 = tpu.vector_load %arg8[%get3A_140, %get3A_141] {strides = array<i32>} : memref<8x64xf32, #tpu.memory_space<vmem>>, vector<1x16xf32>,
    %get3A_143 = vector.shape_cast %get3A_142 : vector<1x16xf32> to vector<16xf32>
    %add3A_144 = vector.broadcast %select_n3A_87 : f32 to vector<16xf32>
    %add3A_145 = arith.addf %get3A_143, %add3A_144 : vector<16xf32>
    %gt3A_146 = arith.cmpf ogt, %add3A_145, %scan3A_81#5 : vector<16xf32>
    %select_n3A_147 = arith.select %gt3A_146, %add3A_145, %scan3A_81#5 : vector<16xi1>, vector<16xf32>
    %select_n3A_148 = arith.select %gt3A_146, %add3A_90, %scan3A_81#13 : vector<16xi1>, vector<16xi32>
    %get3A_149 = arith.constant 6 : i32
    %get3A_150 = arith.index_cast %get3A_149 : i32 to index
    %get3A_151 = arith.constant 0 : index
    %get3A_152 = tpu.vector_load %arg8[%get3A_150, %get3A_151] {strides = array<i32>} : memref<8x64xf32, #tpu.memory_space<vmem>>, vector<1x16xf32>,
    %get3A_153 = vector.shape_cast %get3A_152 : vector<1x16xf32> to vector<16xf32>
    %add3A_154 = vector.broadcast %select_n3A_87 : f32 to vector<16xf32>
    %add3A_155 = arith.addf %get3A_153, %add3A_154 : vector<16xf32>
    %gt3A_156 = arith.cmpf ogt, %add3A_155, %scan3A_81#6 : vector<16xf32>
    %select_n3A_157 = arith.select %gt3A_156, %add3A_155, %scan3A_81#6 : vector<16xi1>, vector<16xf32>
    %select_n3A_158 = arith.select %gt3A_156, %add3A_90, %scan3A_81#14 : vector<16xi1>, vector<16xi32>
    %get3A_159 = arith.constant 7 : i32
    %get3A_160 = arith.index_cast %get3A_159 : i32 to index
    %get3A_161 = arith.constant 0 : index
    %get3A_162 = tpu.vector_load %arg8[%get3A_160, %get3A_161] {strides = array<i32>} : memref<8x64xf32, #tpu.memory_space<vmem>>, vector<1x16xf32>,
    %get3A_163 = vector.shape_cast %get3A_162 : vector<1x16xf32> to vector<16xf32>
    %add3A_164 = vector.broadcast %select_n3A_87 : f32 to vector<16xf32>
    %add3A_165 = arith.addf %get3A_163, %add3A_164 : vector<16xf32>
    %gt3A_166 = arith.cmpf ogt, %add3A_165, %scan3A_81#7 : vector<16xf32>
    %select_n3A_167 = arith.select %gt3A_166, %add3A_165, %scan3A_81#7 : vector<16xi1>, vector<16xf32>
    %select_n3A_168 = arith.select %gt3A_166, %add3A_90, %scan3A_81#15 : vector<16xi1>, vector<16xi32>
    %add3A_169 = arith.constant 999952 : i32
    %add3A_170 = vector.broadcast %add3A_169 : i32 to vector<16xi32>
    %add3A_171 = arith.addi %add3A_170, %iota3A : vector<16xi32>
    %get3A_172 = arith.constant 0 : i32
    %get3A_173 = arith.index_cast %get3A_172 : i32 to index
    %get3A_174 = arith.constant 16 : index
    %get3A_175 = tpu.vector_load %arg8[%get3A_173, %get3A_174] {strides = array<i32>} : memref<8x64xf32, #tpu.memory_space<vmem>>, vector<1x16xf32>,
    %get3A_176 = vector.shape_cast %get3A_175 : vector<1x16xf32> to vector<16xf32>
    %add3A_177 = vector.broadcast %select_n3A_87 : f32 to vector<16xf32>
    %add3A_178 = arith.addf %get3A_176, %add3A_177 : vector<16xf32>
    %gt3A_179 = arith.cmpf ogt, %add3A_178, %select_n3A_97 : vector<16xf32>
    %select_n3A_180 = arith.select %gt3A_179, %add3A_178, %select_n3A_97 : vector<16xi1>, vector<16xf32>
    %select_n3A_181 = arith.select %gt3A_179, %add3A_171, %select_n3A_98 : vector<16xi1>, vector<16xi32>
    %get3A_182 = arith.constant 1 : i32
    %get3A_183 = arith.index_cast %get3A_182 : i32 to index
    %get3A_184 = arith.constant 16 : index
    %get3A_185 = tpu.vector_load %arg8[%get3A_183, %get3A_184] {strides = array<i32>} : memref<8x64xf32, #tpu.memory_space<vmem>>, vector<1x16xf32>,
    %get3A_186 = vector.shape_cast %get3A_185 : vector<1x16xf32> to vector<16xf32>
    %add3A_187 = vector.broadcast %select_n3A_87 : f32 to vector<16xf32>
    %add3A_188 = arith.addf %get3A_186, %add3A_187 : vector<16xf32>
    %gt3A_189 = arith.cmpf ogt, %add3A_188, %select_n3A_107 : vector<16xf32>
    %select_n3A_190 = arith.select %gt3A_189, %add3A_188, %select_n3A_107 : vector<16xi1>, vector<16xf32>
    %select_n3A_191 = arith.select %gt3A_189, %add3A_171, %select_n3A_108 : vector<16xi1>, vector<16xi32>
    %get3A_192 = arith.constant 2 : i32
    %get3A_193 = arith.index_cast %get3A_192 : i32 to index
    %get3A_194 = arith.constant 16 : index
    %get3A_195 = tpu.vector_load %arg8[%get3A_193, %get3A_194] {strides = array<i32>} : memref<8x64xf32, #tpu.memory_space<vmem>>, vector<1x16xf32>,
    %get3A_196 = vector.shape_cast %get3A_195 : vector<1x16xf32> to vector<16xf32>
    %add3A_197 = vector.broadcast %select_n3A_87 : f32 to vector<16xf32>
    %add3A_198 = arith.addf %get3A_196, %add3A_197 : vector<16xf32>
    %gt3A_199 = arith.cmpf ogt, %add3A_198, %select_n3A_117 : vector<16xf32>
    %select_n3A_200 = arith.select %gt3A_199, %add3A_198, %select_n3A_117 : vector<16xi1>, vector<16xf32>
    %select_n3A_201 = arith.select %gt3A_199, %add3A_171, %select_n3A_118 : vector<16xi1>, vector<16xi32>
    %get3A_202 = arith.constant 3 : i32
    %get3A_203 = arith.index_cast %get3A_202 : i32 to index
    %get3A_204 = arith.constant 16 : index
    %get3A_205 = tpu.vector_load %arg8[%get3A_203, %get3A_204] {strides = array<i32>} : memref<8x64xf32, #tpu.memory_space<vmem>>, vector<1x16xf32>,
    %get3A_206 = vector.shape_cast %get3A_205 : vector<1x16xf32> to vector<16xf32>
    %add3A_207 = vector.broadcast %select_n3A_87 : f32 to vector<16xf32>
    %add3A_208 = arith.addf %get3A_206, %add3A_207 : vector<16xf32>
    %gt3A_209 = arith.cmpf ogt, %add3A_208, %select_n3A_127 : vector<16xf32>
    %select_n3A_210 = arith.select %gt3A_209, %add3A_208, %select_n3A_127 : vector<16xi1>, vector<16xf32>
    %select_n3A_211 = arith.select %gt3A_209, %add3A_171, %select_n3A_128 : vector<16xi1>, vector<16xi32>
    %get3A_212 = arith.constant 4 : i32
    %get3A_213 = arith.index_cast %get3A_212 : i32 to index
    %get3A_214 = arith.constant 16 : index
    %get3A_215 = tpu.vector_load %arg8[%get3A_213, %get3A_214] {strides = array<i32>} : memref<8x64xf32, #tpu.memory_space<vmem>>, vector<1x16xf32>,
    %get3A_216 = vector.shape_cast %get3A_215 : vector<1x16xf32> to vector<16xf32>
    %add3A_217 = vector.broadcast %select_n3A_87 : f32 to vector<16xf32>
    %add3A_218 = arith.addf %get3A_216, %add3A_217 : vector<16xf32>
    %gt3A_219 = arith.cmpf ogt, %add3A_218, %select_n3A_137 : vector<16xf32>
    %select_n3A_220 = arith.select %gt3A_219, %add3A_218, %select_n3A_137 : vector<16xi1>, vector<16xf32>
    %select_n3A_221 = arith.select %gt3A_219, %add3A_171, %select_n3A_138 : vector<16xi1>, vector<16xi32>
    %get3A_222 = arith.constant 5 : i32
    %get3A_223 = arith.index_cast %get3A_222 : i32 to index
    %get3A_224 = arith.constant 16 : index
    %get3A_225 = tpu.vector_load %arg8[%get3A_223, %get3A_224] {strides = array<i32>} : memref<8x64xf32, #tpu.memory_space<vmem>>, vector<1x16xf32>,
    %get3A_226 = vector.shape_cast %get3A_225 : vector<1x16xf32> to vector<16xf32>
    %add3A_227 = vector.broadcast %select_n3A_87 : f32 to vector<16xf32>
    %add3A_228 = arith.addf %get3A_226, %add3A_227 : vector<16xf32>
    %gt3A_229 = arith.cmpf ogt, %add3A_228, %select_n3A_147 : vector<16xf32>
    %select_n3A_230 = arith.select %gt3A_229, %add3A_228, %select_n3A_147 : vector<16xi1>, vector<16xf32>
    %select_n3A_231 = arith.select %gt3A_229, %add3A_171, %select_n3A_148 : vector<16xi1>, vector<16xi32>
    %get3A_232 = arith.constant 6 : i32
    %get3A_233 = arith.index_cast %get3A_232 : i32 to index
    %get3A_234 = arith.constant 16 : index
    %get3A_235 = tpu.vector_load %arg8[%get3A_233, %get3A_234] {strides = array<i32>} : memref<8x64xf32, #tpu.memory_space<vmem>>, vector<1x16xf32>,
    %get3A_236 = vector.shape_cast %get3A_235 : vector<1x16xf32> to vector<16xf32>
    %add3A_237 = vector.broadcast %select_n3A_87 : f32 to vector<16xf32>
    %add3A_238 = arith.addf %get3A_236, %add3A_237 : vector<16xf32>
    %gt3A_239 = arith.cmpf ogt, %add3A_238, %select_n3A_157 : vector<16xf32>
    %select_n3A_240 = arith.select %gt3A_239, %add3A_238, %select_n3A_157 : vector<16xi1>, vector<16xf32>
    %select_n3A_241 = arith.select %gt3A_239, %add3A_171, %select_n3A_158 : vector<16xi1>, vector<16xi32>
    %get3A_242 = arith.constant 7 : i32
    %get3A_243 = arith.index_cast %get3A_242 : i32 to index
    %get3A_244 = arith.constant 16 : index
    %get3A_245 = tpu.vector_load %arg8[%get3A_243, %get3A_244] {strides = array<i32>} : memref<8x64xf32, #tpu.memory_space<vmem>>, vector<1x16xf32>,
    %get3A_246 = vector.shape_cast %get3A_245 : vector<1x16xf32> to vector<16xf32>
    %add3A_247 = vector.broadcast %select_n3A_87 : f32 to vector<16xf32>
    %add3A_248 = arith.addf %get3A_246, %add3A_247 : vector<16xf32>
    %gt3A_249 = arith.cmpf ogt, %add3A_248, %select_n3A_167 : vector<16xf32>
    %select_n3A_250 = arith.select %gt3A_249, %add3A_248, %select_n3A_167 : vector<16xi1>, vector<16xf32>
    %select_n3A_251 = arith.select %gt3A_249, %add3A_171, %select_n3A_168 : vector<16xi1>, vector<16xi32>
    %add3A_252 = arith.constant 999968 : i32
    %add3A_253 = vector.broadcast %add3A_252 : i32 to vector<16xi32>
    %add3A_254 = arith.addi %add3A_253, %iota3A : vector<16xi32>
    %get3A_255 = arith.constant 0 : i32
    %get3A_256 = arith.index_cast %get3A_255 : i32 to index
    %get3A_257 = arith.constant 32 : index
    %get3A_258 = tpu.vector_load %arg8[%get3A_256, %get3A_257] {strides = array<i32>} : memref<8x64xf32, #tpu.memory_space<vmem>>, vector<1x16xf32>,
    %get3A_259 = vector.shape_cast %get3A_258 : vector<1x16xf32> to vector<16xf32>
    %add3A_260 = vector.broadcast %select_n3A_87 : f32 to vector<16xf32>
    %add3A_261 = arith.addf %get3A_259, %add3A_260 : vector<16xf32>
    %gt3A_262 = arith.cmpf ogt, %add3A_261, %select_n3A_180 : vector<16xf32>
    %select_n3A_263 = arith.select %gt3A_262, %add3A_261, %select_n3A_180 : vector<16xi1>, vector<16xf32>
    %select_n3A_264 = arith.select %gt3A_262, %add3A_254, %select_n3A_181 : vector<16xi1>, vector<16xi32>
    %get3A_265 = arith.constant 1 : i32
    %get3A_266 = arith.index_cast %get3A_265 : i32 to index
    %get3A_267 = arith.constant 32 : index
    %get3A_268 = tpu.vector_load %arg8[%get3A_266, %get3A_267] {strides = array<i32>} : memref<8x64xf32, #tpu.memory_space<vmem>>, vector<1x16xf32>,
    %get3A_269 = vector.shape_cast %get3A_268 : vector<1x16xf32> to vector<16xf32>
    %add3A_270 = vector.broadcast %select_n3A_87 : f32 to vector<16xf32>
    %add3A_271 = arith.addf %get3A_269, %add3A_270 : vector<16xf32>
    %gt3A_272 = arith.cmpf ogt, %add3A_271, %select_n3A_190 : vector<16xf32>
    %select_n3A_273 = arith.select %gt3A_272, %add3A_271, %select_n3A_190 : vector<16xi1>, vector<16xf32>
    %select_n3A_274 = arith.select %gt3A_272, %add3A_254, %select_n3A_191 : vector<16xi1>, vector<16xi32>
    %get3A_275 = arith.constant 2 : i32
    %get3A_276 = arith.index_cast %get3A_275 : i32 to index
    %get3A_277 = arith.constant 32 : index
    %get3A_278 = tpu.vector_load %arg8[%get3A_276, %get3A_277] {strides = array<i32>} : memref<8x64xf32, #tpu.memory_space<vmem>>, vector<1x16xf32>,
    %get3A_279 = vector.shape_cast %get3A_278 : vector<1x16xf32> to vector<16xf32>
    %add3A_280 = vector.broadcast %select_n3A_87 : f32 to vector<16xf32>
    %add3A_281 = arith.addf %get3A_279, %add3A_280 : vector<16xf32>
    %gt3A_282 = arith.cmpf ogt, %add3A_281, %select_n3A_200 : vector<16xf32>
    %select_n3A_283 = arith.select %gt3A_282, %add3A_281, %select_n3A_200 : vector<16xi1>, vector<16xf32>
    %select_n3A_284 = arith.select %gt3A_282, %add3A_254, %select_n3A_201 : vector<16xi1>, vector<16xi32>
    %get3A_285 = arith.constant 3 : i32
    %get3A_286 = arith.index_cast %get3A_285 : i32 to index
    %get3A_287 = arith.constant 32 : index
    %get3A_288 = tpu.vector_load %arg8[%get3A_286, %get3A_287] {strides = array<i32>} : memref<8x64xf32, #tpu.memory_space<vmem>>, vector<1x16xf32>,
    %get3A_289 = vector.shape_cast %get3A_288 : vector<1x16xf32> to vector<16xf32>
    %add3A_290 = vector.broadcast %select_n3A_87 : f32 to vector<16xf32>
    %add3A_291 = arith.addf %get3A_289, %add3A_290 : vector<16xf32>
    %gt3A_292 = arith.cmpf ogt, %add3A_291, %select_n3A_210 : vector<16xf32>
    %select_n3A_293 = arith.select %gt3A_292, %add3A_291, %select_n3A_210 : vector<16xi1>, vector<16xf32>
    %select_n3A_294 = arith.select %gt3A_292, %add3A_254, %select_n3A_211 : vector<16xi1>, vector<16xi32>
    %get3A_295 = arith.constant 4 : i32
    %get3A_296 = arith.index_cast %get3A_295 : i32 to index
    %get3A_297 = arith.constant 32 : index
    %get3A_298 = tpu.vector_load %arg8[%get3A_296, %get3A_297] {strides = array<i32>} : memref<8x64xf32, #tpu.memory_space<vmem>>, vector<1x16xf32>,
    %get3A_299 = vector.shape_cast %get3A_298 : vector<1x16xf32> to vector<16xf32>
    %add3A_300 = vector.broadcast %select_n3A_87 : f32 to vector<16xf32>
    %add3A_301 = arith.addf %get3A_299, %add3A_300 : vector<16xf32>
    %gt3A_302 = arith.cmpf ogt, %add3A_301, %select_n3A_220 : vector<16xf32>
    %select_n3A_303 = arith.select %gt3A_302, %add3A_301, %select_n3A_220 : vector<16xi1>, vector<16xf32>
    %select_n3A_304 = arith.select %gt3A_302, %add3A_254, %select_n3A_221 : vector<16xi1>, vector<16xi32>
    %get3A_305 = arith.constant 5 : i32
    %get3A_306 = arith.index_cast %get3A_305 : i32 to index
    %get3A_307 = arith.constant 32 : index
    %get3A_308 = tpu.vector_load %arg8[%get3A_306, %get3A_307] {strides = array<i32>} : memref<8x64xf32, #tpu.memory_space<vmem>>, vector<1x16xf32>,
    %get3A_309 = vector.shape_cast %get3A_308 : vector<1x16xf32> to vector<16xf32>
    %add3A_310 = vector.broadcast %select_n3A_87 : f32 to vector<16xf32>
    %add3A_311 = arith.addf %get3A_309, %add3A_310 : vector<16xf32>
    %gt3A_312 = arith.cmpf ogt, %add3A_311, %select_n3A_230 : vector<16xf32>
    %select_n3A_313 = arith.select %gt3A_312, %add3A_311, %select_n3A_230 : vector<16xi1>, vector<16xf32>
    %select_n3A_314 = arith.select %gt3A_312, %add3A_254, %select_n3A_231 : vector<16xi1>, vector<16xi32>
    %get3A_315 = arith.constant 6 : i32
    %get3A_316 = arith.index_cast %get3A_315 : i32 to index
    %get3A_317 = arith.constant 32 : index
    %get3A_318 = tpu.vector_load %arg8[%get3A_316, %get3A_317] {strides = array<i32>} : memref<8x64xf32, #tpu.memory_space<vmem>>, vector<1x16xf32>,
    %get3A_319 = vector.shape_cast %get3A_318 : vector<1x16xf32> to vector<16xf32>
    %add3A_320 = vector.broadcast %select_n3A_87 : f32 to vector<16xf32>
    %add3A_321 = arith.addf %get3A_319, %add3A_320 : vector<16xf32>
    %gt3A_322 = arith.cmpf ogt, %add3A_321, %select_n3A_240 : vector<16xf32>
    %select_n3A_323 = arith.select %gt3A_322, %add3A_321, %select_n3A_240 : vector<16xi1>, vector<16xf32>
    %select_n3A_324 = arith.select %gt3A_322, %add3A_254, %select_n3A_241 : vector<16xi1>, vector<16xi32>
    %get3A_325 = arith.constant 7 : i32
    %get3A_326 = arith.index_cast %get3A_325 : i32 to index
    %get3A_327 = arith.constant 32 : index
    %get3A_328 = tpu.vector_load %arg8[%get3A_326, %get3A_327] {strides = array<i32>} : memref<8x64xf32, #tpu.memory_space<vmem>>, vector<1x16xf32>,
    %get3A_329 = vector.shape_cast %get3A_328 : vector<1x16xf32> to vector<16xf32>
    %add3A_330 = vector.broadcast %select_n3A_87 : f32 to vector<16xf32>
    %add3A_331 = arith.addf %get3A_329, %add3A_330 : vector<16xf32>
    %gt3A_332 = arith.cmpf ogt, %add3A_331, %select_n3A_250 : vector<16xf32>
    %select_n3A_333 = arith.select %gt3A_332, %add3A_331, %select_n3A_250 : vector<16xi1>, vector<16xf32>
    %select_n3A_334 = arith.select %gt3A_332, %add3A_254, %select_n3A_251 : vector<16xi1>, vector<16xi32>
    %add3A_335 = arith.constant 999984 : i32
    %add3A_336 = vector.broadcast %add3A_335 : i32 to vector<16xi32>
    %add3A_337 = arith.addi %add3A_336, %iota3A : vector<16xi32>
    %get3A_338 = arith.constant 0 : i32
    %get3A_339 = arith.index_cast %get3A_338 : i32 to index
    %get3A_340 = arith.constant 48 : index
    %get3A_341 = tpu.vector_load %arg8[%get3A_339, %get3A_340] {strides = array<i32>} : memref<8x64xf32, #tpu.memory_space<vmem>>, vector<1x16xf32>,
    %get3A_342 = vector.shape_cast %get3A_341 : vector<1x16xf32> to vector<16xf32>
    %add3A_343 = vector.broadcast %select_n3A_87 : f32 to vector<16xf32>
    %add3A_344 = arith.addf %get3A_342, %add3A_343 : vector<16xf32>
    %gt3A_345 = arith.cmpf ogt, %add3A_344, %select_n3A_263 : vector<16xf32>
    %select_n3A_346 = arith.select %gt3A_345, %add3A_344, %select_n3A_263 : vector<16xi1>, vector<16xf32>
    %select_n3A_347 = arith.select %gt3A_345, %add3A_337, %select_n3A_264 : vector<16xi1>, vector<16xi32>
    %get3A_348 = arith.constant 1 : i32
    %get3A_349 = arith.index_cast %get3A_348 : i32 to index
    %get3A_350 = arith.constant 48 : index
    %get3A_351 = tpu.vector_load %arg8[%get3A_349, %get3A_350] {strides = array<i32>} : memref<8x64xf32, #tpu.memory_space<vmem>>, vector<1x16xf32>,
    %get3A_352 = vector.shape_cast %get3A_351 : vector<1x16xf32> to vector<16xf32>
    %add3A_353 = vector.broadcast %select_n3A_87 : f32 to vector<16xf32>
    %add3A_354 = arith.addf %get3A_352, %add3A_353 : vector<16xf32>
    %gt3A_355 = arith.cmpf ogt, %add3A_354, %select_n3A_273 : vector<16xf32>
    %select_n3A_356 = arith.select %gt3A_355, %add3A_354, %select_n3A_273 : vector<16xi1>, vector<16xf32>
    %select_n3A_357 = arith.select %gt3A_355, %add3A_337, %select_n3A_274 : vector<16xi1>, vector<16xi32>
    %get3A_358 = arith.constant 2 : i32
    %get3A_359 = arith.index_cast %get3A_358 : i32 to index
    %get3A_360 = arith.constant 48 : index
    %get3A_361 = tpu.vector_load %arg8[%get3A_359, %get3A_360] {strides = array<i32>} : memref<8x64xf32, #tpu.memory_space<vmem>>, vector<1x16xf32>,
    %get3A_362 = vector.shape_cast %get3A_361 : vector<1x16xf32> to vector<16xf32>
    %add3A_363 = vector.broadcast %select_n3A_87 : f32 to vector<16xf32>
    %add3A_364 = arith.addf %get3A_362, %add3A_363 : vector<16xf32>
    %gt3A_365 = arith.cmpf ogt, %add3A_364, %select_n3A_283 : vector<16xf32>
    %select_n3A_366 = arith.select %gt3A_365, %add3A_364, %select_n3A_283 : vector<16xi1>, vector<16xf32>
    %select_n3A_367 = arith.select %gt3A_365, %add3A_337, %select_n3A_284 : vector<16xi1>, vector<16xi32>
    %get3A_368 = arith.constant 3 : i32
    %get3A_369 = arith.index_cast %get3A_368 : i32 to index
    %get3A_370 = arith.constant 48 : index
    %get3A_371 = tpu.vector_load %arg8[%get3A_369, %get3A_370] {strides = array<i32>} : memref<8x64xf32, #tpu.memory_space<vmem>>, vector<1x16xf32>,
    %get3A_372 = vector.shape_cast %get3A_371 : vector<1x16xf32> to vector<16xf32>
    %add3A_373 = vector.broadcast %select_n3A_87 : f32 to vector<16xf32>
    %add3A_374 = arith.addf %get3A_372, %add3A_373 : vector<16xf32>
    %gt3A_375 = arith.cmpf ogt, %add3A_374, %select_n3A_293 : vector<16xf32>
    %select_n3A_376 = arith.select %gt3A_375, %add3A_374, %select_n3A_293 : vector<16xi1>, vector<16xf32>
    %select_n3A_377 = arith.select %gt3A_375, %add3A_337, %select_n3A_294 : vector<16xi1>, vector<16xi32>
    %get3A_378 = arith.constant 4 : i32
    %get3A_379 = arith.index_cast %get3A_378 : i32 to index
    %get3A_380 = arith.constant 48 : index
    %get3A_381 = tpu.vector_load %arg8[%get3A_379, %get3A_380] {strides = array<i32>} : memref<8x64xf32, #tpu.memory_space<vmem>>, vector<1x16xf32>,
    %get3A_382 = vector.shape_cast %get3A_381 : vector<1x16xf32> to vector<16xf32>
    %add3A_383 = vector.broadcast %select_n3A_87 : f32 to vector<16xf32>
    %add3A_384 = arith.addf %get3A_382, %add3A_383 : vector<16xf32>
    %gt3A_385 = arith.cmpf ogt, %add3A_384, %select_n3A_303 : vector<16xf32>
    %select_n3A_386 = arith.select %gt3A_385, %add3A_384, %select_n3A_303 : vector<16xi1>, vector<16xf32>
    %select_n3A_387 = arith.select %gt3A_385, %add3A_337, %select_n3A_304 : vector<16xi1>, vector<16xi32>
    %get3A_388 = arith.constant 5 : i32
    %get3A_389 = arith.index_cast %get3A_388 : i32 to index
    %get3A_390 = arith.constant 48 : index
    %get3A_391 = tpu.vector_load %arg8[%get3A_389, %get3A_390] {strides = array<i32>} : memref<8x64xf32, #tpu.memory_space<vmem>>, vector<1x16xf32>,
    %get3A_392 = vector.shape_cast %get3A_391 : vector<1x16xf32> to vector<16xf32>
    %add3A_393 = vector.broadcast %select_n3A_87 : f32 to vector<16xf32>
    %add3A_394 = arith.addf %get3A_392, %add3A_393 : vector<16xf32>
    %gt3A_395 = arith.cmpf ogt, %add3A_394, %select_n3A_313 : vector<16xf32>
    %select_n3A_396 = arith.select %gt3A_395, %add3A_394, %select_n3A_313 : vector<16xi1>, vector<16xf32>
    %select_n3A_397 = arith.select %gt3A_395, %add3A_337, %select_n3A_314 : vector<16xi1>, vector<16xi32>
    %get3A_398 = arith.constant 6 : i32
    %get3A_399 = arith.index_cast %get3A_398 : i32 to index
    %get3A_400 = arith.constant 48 : index
    %get3A_401 = tpu.vector_load %arg8[%get3A_399, %get3A_400] {strides = array<i32>} : memref<8x64xf32, #tpu.memory_space<vmem>>, vector<1x16xf32>,
    %get3A_402 = vector.shape_cast %get3A_401 : vector<1x16xf32> to vector<16xf32>
    %add3A_403 = vector.broadcast %select_n3A_87 : f32 to vector<16xf32>
    %add3A_404 = arith.addf %get3A_402, %add3A_403 : vector<16xf32>
    %gt3A_405 = arith.cmpf ogt, %add3A_404, %select_n3A_323 : vector<16xf32>
    %select_n3A_406 = arith.select %gt3A_405, %add3A_404, %select_n3A_323 : vector<16xi1>, vector<16xf32>
    %select_n3A_407 = arith.select %gt3A_405, %add3A_337, %select_n3A_324 : vector<16xi1>, vector<16xi32>
    %get3A_408 = arith.constant 7 : i32
    %get3A_409 = arith.index_cast %get3A_408 : i32 to index
    %get3A_410 = arith.constant 48 : index
    %get3A_411 = tpu.vector_load %arg8[%get3A_409, %get3A_410] {strides = array<i32>} : memref<8x64xf32, #tpu.memory_space<vmem>>, vector<1x16xf32>,
    %get3A_412 = vector.shape_cast %get3A_411 : vector<1x16xf32> to vector<16xf32>
    %add3A_413 = vector.broadcast %select_n3A_87 : f32 to vector<16xf32>
    %add3A_414 = arith.addf %get3A_412, %add3A_413 : vector<16xf32>
    %gt3A_415 = arith.cmpf ogt, %add3A_414, %select_n3A_333 : vector<16xf32>
    %select_n3A_416 = arith.select %gt3A_415, %add3A_414, %select_n3A_333 : vector<16xi1>, vector<16xf32>
    %select_n3A_417 = arith.select %gt3A_415, %add3A_337, %select_n3A_334 : vector<16xi1>, vector<16xi32>
    %xor3A = arith.constant 1 : i32
    %xor3A_418 = vector.broadcast %xor3A : i32 to vector<16xi32>
    %xor3A_419 = arith.xori %iota3A, %xor3A_418 : vector<16xi32>
    %broadcast_in_dim3A_420 = vector.shape_cast %xor3A_419 : vector<16xi32> to vector<16x1xi32>
    %gather3A = vector.shape_cast %broadcast_in_dim3A_420 : vector<16x1xi32> to vector<16xi32>
    %gather3A_421 = tpu.dynamic_gather %select_n3A_346[%gather3A] in [0] : vector<16xf32>, vector<16xi32> -> vector<16xf32>
    %broadcast_in_dim3A_422 = vector.shape_cast %xor3A_419 : vector<16xi32> to vector<16x1xi32>
    %gather3A_423 = vector.shape_cast %broadcast_in_dim3A_422 : vector<16x1xi32> to vector<16xi32>
    %gather3A_424 = tpu.dynamic_gather %select_n3A_347[%gather3A_423] in [0] : vector<16xi32>, vector<16xi32> -> vector<16xi32>
    %gt3A_425 = arith.cmpf ogt, %gather3A_421, %select_n3A_346 : vector<16xf32>
    %eq3A_426 = arith.cmpf oeq, %gather3A_421, %select_n3A_346 : vector<16xf32>
    %lt3A_427 = arith.cmpi slt, %gather3A_424, %select_n3A_347 : vector<16xi32>
    %and3A_428 = arith.andi %eq3A_426, %lt3A_427 : vector<16xi1>
    %or3A = arith.ori %gt3A_425, %and3A_428 : vector<16xi1>
    %select_n3A_429 = arith.select %or3A, %gather3A_421, %select_n3A_346 : vector<16xi1>, vector<16xf32>
    %select_n3A_430 = arith.select %or3A, %gather3A_424, %select_n3A_347 : vector<16xi1>, vector<16xi32>
    %xor3A_431 = arith.constant 2 : i32
    %xor3A_432 = vector.broadcast %xor3A_431 : i32 to vector<16xi32>
    %xor3A_433 = arith.xori %iota3A, %xor3A_432 : vector<16xi32>
    %broadcast_in_dim3A_434 = vector.shape_cast %xor3A_433 : vector<16xi32> to vector<16x1xi32>
    %gather3A_435 = vector.shape_cast %broadcast_in_dim3A_434 : vector<16x1xi32> to vector<16xi32>
    %gather3A_436 = tpu.dynamic_gather %select_n3A_429[%gather3A_435] in [0] : vector<16xf32>, vector<16xi32> -> vector<16xf32>
    %broadcast_in_dim3A_437 = vector.shape_cast %xor3A_433 : vector<16xi32> to vector<16x1xi32>
    %gather3A_438 = vector.shape_cast %broadcast_in_dim3A_437 : vector<16x1xi32> to vector<16xi32>
    %gather3A_439 = tpu.dynamic_gather %select_n3A_430[%gather3A_438] in [0] : vector<16xi32>, vector<16xi32> -> vector<16xi32>
    %gt3A_440 = arith.cmpf ogt, %gather3A_436, %select_n3A_429 : vector<16xf32>
    %eq3A_441 = arith.cmpf oeq, %gather3A_436, %select_n3A_429 : vector<16xf32>
    %lt3A_442 = arith.cmpi slt, %gather3A_439, %select_n3A_430 : vector<16xi32>
    %and3A_443 = arith.andi %eq3A_441, %lt3A_442 : vector<16xi1>
    %or3A_444 = arith.ori %gt3A_440, %and3A_443 : vector<16xi1>
    %select_n3A_445 = arith.select %or3A_444, %gather3A_436, %select_n3A_429 : vector<16xi1>, vector<16xf32>
    %select_n3A_446 = arith.select %or3A_444, %gather3A_439, %select_n3A_430 : vector<16xi1>, vector<16xi32>
    %xor3A_447 = arith.constant 4 : i32
    %xor3A_448 = vector.broadcast %xor3A_447 : i32 to vector<16xi32>
    %xor3A_449 = arith.xori %iota3A, %xor3A_448 : vector<16xi32>
    %broadcast_in_dim3A_450 = vector.shape_cast %xor3A_449 : vector<16xi32> to vector<16x1xi32>
    %gather3A_451 = vector.shape_cast %broadcast_in_dim3A_450 : vector<16x1xi32> to vector<16xi32>
    %gather3A_452 = tpu.dynamic_gather %select_n3A_445[%gather3A_451] in [0] : vector<16xf32>, vector<16xi32> -> vector<16xf32>
    %broadcast_in_dim3A_453 = vector.shape_cast %xor3A_449 : vector<16xi32> to vector<16x1xi32>
    %gather3A_454 = vector.shape_cast %broadcast_in_dim3A_453 : vector<16x1xi32> to vector<16xi32>
    %gather3A_455 = tpu.dynamic_gather %select_n3A_446[%gather3A_454] in [0] : vector<16xi32>, vector<16xi32> -> vector<16xi32>
    %gt3A_456 = arith.cmpf ogt, %gather3A_452, %select_n3A_445 : vector<16xf32>
    %eq3A_457 = arith.cmpf oeq, %gather3A_452, %select_n3A_445 : vector<16xf32>
    %lt3A_458 = arith.cmpi slt, %gather3A_455, %select_n3A_446 : vector<16xi32>
    %and3A_459 = arith.andi %eq3A_457, %lt3A_458 : vector<16xi1>
    %or3A_460 = arith.ori %gt3A_456, %and3A_459 : vector<16xi1>
    %select_n3A_461 = arith.select %or3A_460, %gather3A_452, %select_n3A_445 : vector<16xi1>, vector<16xf32>
    %select_n3A_462 = arith.select %or3A_460, %gather3A_455, %select_n3A_446 : vector<16xi1>, vector<16xi32>
    %xor3A_463 = arith.constant 8 : i32
    %xor3A_464 = vector.broadcast %xor3A_463 : i32 to vector<16xi32>
    %xor3A_465 = arith.xori %iota3A, %xor3A_464 : vector<16xi32>
    %broadcast_in_dim3A_466 = vector.shape_cast %xor3A_465 : vector<16xi32> to vector<16x1xi32>
    %gather3A_467 = vector.shape_cast %broadcast_in_dim3A_466 : vector<16x1xi32> to vector<16xi32>
    %gather3A_468 = tpu.dynamic_gather %select_n3A_461[%gather3A_467] in [0] : vector<16xf32>, vector<16xi32> -> vector<16xf32>
    %broadcast_in_dim3A_469 = vector.shape_cast %xor3A_465 : vector<16xi32> to vector<16x1xi32>
    %gather3A_470 = vector.shape_cast %broadcast_in_dim3A_469 : vector<16x1xi32> to vector<16xi32>
    %gather3A_471 = tpu.dynamic_gather %select_n3A_462[%gather3A_470] in [0] : vector<16xi32>, vector<16xi32> -> vector<16xi32>
    %gt3A_472 = arith.cmpf ogt, %gather3A_468, %select_n3A_461 : vector<16xf32>
    %eq3A_473 = arith.cmpf oeq, %gather3A_468, %select_n3A_461 : vector<16xf32>
    %lt3A_474 = arith.cmpi slt, %gather3A_471, %select_n3A_462 : vector<16xi32>
    %and3A_475 = arith.andi %eq3A_473, %lt3A_474 : vector<16xi1>
    %or3A_476 = arith.ori %gt3A_472, %and3A_475 : vector<16xi1>
    %select_n3A_477 = arith.select %or3A_476, %gather3A_468, %select_n3A_461 : vector<16xi1>, vector<16xf32>
    %select_n3A_478 = arith.select %or3A_476, %gather3A_471, %select_n3A_462 : vector<16xi1>, vector<16xi32>
    %xor3A_479 = arith.constant 1 : i32
    %xor3A_480 = vector.broadcast %xor3A_479 : i32 to vector<16xi32>
    %xor3A_481 = arith.xori %iota3A, %xor3A_480 : vector<16xi32>
    %broadcast_in_dim3A_482 = vector.shape_cast %xor3A_481 : vector<16xi32> to vector<16x1xi32>
    %gather3A_483 = vector.shape_cast %broadcast_in_dim3A_482 : vector<16x1xi32> to vector<16xi32>
    %gather3A_484 = tpu.dynamic_gather %select_n3A_356[%gather3A_483] in [0] : vector<16xf32>, vector<16xi32> -> vector<16xf32>
    %broadcast_in_dim3A_485 = vector.shape_cast %xor3A_481 : vector<16xi32> to vector<16x1xi32>
    %gather3A_486 = vector.shape_cast %broadcast_in_dim3A_485 : vector<16x1xi32> to vector<16xi32>
    %gather3A_487 = tpu.dynamic_gather %select_n3A_357[%gather3A_486] in [0] : vector<16xi32>, vector<16xi32> -> vector<16xi32>
    %gt3A_488 = arith.cmpf ogt, %gather3A_484, %select_n3A_356 : vector<16xf32>
    %eq3A_489 = arith.cmpf oeq, %gather3A_484, %select_n3A_356 : vector<16xf32>
    %lt3A_490 = arith.cmpi slt, %gather3A_487, %select_n3A_357 : vector<16xi32>
    %and3A_491 = arith.andi %eq3A_489, %lt3A_490 : vector<16xi1>
    %or3A_492 = arith.ori %gt3A_488, %and3A_491 : vector<16xi1>
    %select_n3A_493 = arith.select %or3A_492, %gather3A_484, %select_n3A_356 : vector<16xi1>, vector<16xf32>
    %select_n3A_494 = arith.select %or3A_492, %gather3A_487, %select_n3A_357 : vector<16xi1>, vector<16xi32>
    %xor3A_495 = arith.constant 2 : i32
    %xor3A_496 = vector.broadcast %xor3A_495 : i32 to vector<16xi32>
    %xor3A_497 = arith.xori %iota3A, %xor3A_496 : vector<16xi32>
    %broadcast_in_dim3A_498 = vector.shape_cast %xor3A_497 : vector<16xi32> to vector<16x1xi32>
    %gather3A_499 = vector.shape_cast %broadcast_in_dim3A_498 : vector<16x1xi32> to vector<16xi32>
    %gather3A_500 = tpu.dynamic_gather %select_n3A_493[%gather3A_499] in [0] : vector<16xf32>, vector<16xi32> -> vector<16xf32>
    %broadcast_in_dim3A_501 = vector.shape_cast %xor3A_497 : vector<16xi32> to vector<16x1xi32>
    %gather3A_502 = vector.shape_cast %broadcast_in_dim3A_501 : vector<16x1xi32> to vector<16xi32>
    %gather3A_503 = tpu.dynamic_gather %select_n3A_494[%gather3A_502] in [0] : vector<16xi32>, vector<16xi32> -> vector<16xi32>
    %gt3A_504 = arith.cmpf ogt, %gather3A_500, %select_n3A_493 : vector<16xf32>
    %eq3A_505 = arith.cmpf oeq, %gather3A_500, %select_n3A_493 : vector<16xf32>
    %lt3A_506 = arith.cmpi slt, %gather3A_503, %select_n3A_494 : vector<16xi32>
    %and3A_507 = arith.andi %eq3A_505, %lt3A_506 : vector<16xi1>
    %or3A_508 = arith.ori %gt3A_504, %and3A_507 : vector<16xi1>
    %select_n3A_509 = arith.select %or3A_508, %gather3A_500, %select_n3A_493 : vector<16xi1>, vector<16xf32>
    %select_n3A_510 = arith.select %or3A_508, %gather3A_503, %select_n3A_494 : vector<16xi1>, vector<16xi32>
    %xor3A_511 = arith.constant 4 : i32
    %xor3A_512 = vector.broadcast %xor3A_511 : i32 to vector<16xi32>
    %xor3A_513 = arith.xori %iota3A, %xor3A_512 : vector<16xi32>
    %broadcast_in_dim3A_514 = vector.shape_cast %xor3A_513 : vector<16xi32> to vector<16x1xi32>
    %gather3A_515 = vector.shape_cast %broadcast_in_dim3A_514 : vector<16x1xi32> to vector<16xi32>
    %gather3A_516 = tpu.dynamic_gather %select_n3A_509[%gather3A_515] in [0] : vector<16xf32>, vector<16xi32> -> vector<16xf32>
    %broadcast_in_dim3A_517 = vector.shape_cast %xor3A_513 : vector<16xi32> to vector<16x1xi32>
    %gather3A_518 = vector.shape_cast %broadcast_in_dim3A_517 : vector<16x1xi32> to vector<16xi32>
    %gather3A_519 = tpu.dynamic_gather %select_n3A_510[%gather3A_518] in [0] : vector<16xi32>, vector<16xi32> -> vector<16xi32>
    %gt3A_520 = arith.cmpf ogt, %gather3A_516, %select_n3A_509 : vector<16xf32>
    %eq3A_521 = arith.cmpf oeq, %gather3A_516, %select_n3A_509 : vector<16xf32>
    %lt3A_522 = arith.cmpi slt, %gather3A_519, %select_n3A_510 : vector<16xi32>
    %and3A_523 = arith.andi %eq3A_521, %lt3A_522 : vector<16xi1>
    %or3A_524 = arith.ori %gt3A_520, %and3A_523 : vector<16xi1>
    %select_n3A_525 = arith.select %or3A_524, %gather3A_516, %select_n3A_509 : vector<16xi1>, vector<16xf32>
    %select_n3A_526 = arith.select %or3A_524, %gather3A_519, %select_n3A_510 : vector<16xi1>, vector<16xi32>
    %xor3A_527 = arith.constant 8 : i32
    %xor3A_528 = vector.broadcast %xor3A_527 : i32 to vector<16xi32>
    %xor3A_529 = arith.xori %iota3A, %xor3A_528 : vector<16xi32>
    %broadcast_in_dim3A_530 = vector.shape_cast %xor3A_529 : vector<16xi32> to vector<16x1xi32>
    %gather3A_531 = vector.shape_cast %broadcast_in_dim3A_530 : vector<16x1xi32> to vector<16xi32>
    %gather3A_532 = tpu.dynamic_gather %select_n3A_525[%gather3A_531] in [0] : vector<16xf32>, vector<16xi32> -> vector<16xf32>
    %broadcast_in_dim3A_533 = vector.shape_cast %xor3A_529 : vector<16xi32> to vector<16x1xi32>
    %gather3A_534 = vector.shape_cast %broadcast_in_dim3A_533 : vector<16x1xi32> to vector<16xi32>
    %gather3A_535 = tpu.dynamic_gather %select_n3A_526[%gather3A_534] in [0] : vector<16xi32>, vector<16xi32> -> vector<16xi32>
    %gt3A_536 = arith.cmpf ogt, %gather3A_532, %select_n3A_525 : vector<16xf32>
    %eq3A_537 = arith.cmpf oeq, %gather3A_532, %select_n3A_525 : vector<16xf32>
    %lt3A_538 = arith.cmpi slt, %gather3A_535, %select_n3A_526 : vector<16xi32>
    %and3A_539 = arith.andi %eq3A_537, %lt3A_538 : vector<16xi1>
    %or3A_540 = arith.ori %gt3A_536, %and3A_539 : vector<16xi1>
    %select_n3A_541 = arith.select %or3A_540, %gather3A_532, %select_n3A_525 : vector<16xi1>, vector<16xf32>
    %select_n3A_542 = arith.select %or3A_540, %gather3A_535, %select_n3A_526 : vector<16xi1>, vector<16xi32>
    %xor3A_543 = arith.constant 1 : i32
    %xor3A_544 = vector.broadcast %xor3A_543 : i32 to vector<16xi32>
    %xor3A_545 = arith.xori %iota3A, %xor3A_544 : vector<16xi32>
    %broadcast_in_dim3A_546 = vector.shape_cast %xor3A_545 : vector<16xi32> to vector<16x1xi32>
    %gather3A_547 = vector.shape_cast %broadcast_in_dim3A_546 : vector<16x1xi32> to vector<16xi32>
    %gather3A_548 = tpu.dynamic_gather %select_n3A_366[%gather3A_547] in [0] : vector<16xf32>, vector<16xi32> -> vector<16xf32>
    %broadcast_in_dim3A_549 = vector.shape_cast %xor3A_545 : vector<16xi32> to vector<16x1xi32>
    %gather3A_550 = vector.shape_cast %broadcast_in_dim3A_549 : vector<16x1xi32> to vector<16xi32>
    %gather3A_551 = tpu.dynamic_gather %select_n3A_367[%gather3A_550] in [0] : vector<16xi32>, vector<16xi32> -> vector<16xi32>
    %gt3A_552 = arith.cmpf ogt, %gather3A_548, %select_n3A_366 : vector<16xf32>
    %eq3A_553 = arith.cmpf oeq, %gather3A_548, %select_n3A_366 : vector<16xf32>
    %lt3A_554 = arith.cmpi slt, %gather3A_551, %select_n3A_367 : vector<16xi32>
    %and3A_555 = arith.andi %eq3A_553, %lt3A_554 : vector<16xi1>
    %or3A_556 = arith.ori %gt3A_552, %and3A_555 : vector<16xi1>
    %select_n3A_557 = arith.select %or3A_556, %gather3A_548, %select_n3A_366 : vector<16xi1>, vector<16xf32>
    %select_n3A_558 = arith.select %or3A_556, %gather3A_551, %select_n3A_367 : vector<16xi1>, vector<16xi32>
    %xor3A_559 = arith.constant 2 : i32
    %xor3A_560 = vector.broadcast %xor3A_559 : i32 to vector<16xi32>
    %xor3A_561 = arith.xori %iota3A, %xor3A_560 : vector<16xi32>
    %broadcast_in_dim3A_562 = vector.shape_cast %xor3A_561 : vector<16xi32> to vector<16x1xi32>
    %gather3A_563 = vector.shape_cast %broadcast_in_dim3A_562 : vector<16x1xi32> to vector<16xi32>
    %gather3A_564 = tpu.dynamic_gather %select_n3A_557[%gather3A_563] in [0] : vector<16xf32>, vector<16xi32> -> vector<16xf32>
    %broadcast_in_dim3A_565 = vector.shape_cast %xor3A_561 : vector<16xi32> to vector<16x1xi32>
    %gather3A_566 = vector.shape_cast %broadcast_in_dim3A_565 : vector<16x1xi32> to vector<16xi32>
    %gather3A_567 = tpu.dynamic_gather %select_n3A_558[%gather3A_566] in [0] : vector<16xi32>, vector<16xi32> -> vector<16xi32>
    %gt3A_568 = arith.cmpf ogt, %gather3A_564, %select_n3A_557 : vector<16xf32>
    %eq3A_569 = arith.cmpf oeq, %gather3A_564, %select_n3A_557 : vector<16xf32>
    %lt3A_570 = arith.cmpi slt, %gather3A_567, %select_n3A_558 : vector<16xi32>
    %and3A_571 = arith.andi %eq3A_569, %lt3A_570 : vector<16xi1>
    %or3A_572 = arith.ori %gt3A_568, %and3A_571 : vector<16xi1>
    %select_n3A_573 = arith.select %or3A_572, %gather3A_564, %select_n3A_557 : vector<16xi1>, vector<16xf32>
    %select_n3A_574 = arith.select %or3A_572, %gather3A_567, %select_n3A_558 : vector<16xi1>, vector<16xi32>
    %xor3A_575 = arith.constant 4 : i32
    %xor3A_576 = vector.broadcast %xor3A_575 : i32 to vector<16xi32>
    %xor3A_577 = arith.xori %iota3A, %xor3A_576 : vector<16xi32>
    %broadcast_in_dim3A_578 = vector.shape_cast %xor3A_577 : vector<16xi32> to vector<16x1xi32>
    %gather3A_579 = vector.shape_cast %broadcast_in_dim3A_578 : vector<16x1xi32> to vector<16xi32>
    %gather3A_580 = tpu.dynamic_gather %select_n3A_573[%gather3A_579] in [0] : vector<16xf32>, vector<16xi32> -> vector<16xf32>
    %broadcast_in_dim3A_581 = vector.shape_cast %xor3A_577 : vector<16xi32> to vector<16x1xi32>
    %gather3A_582 = vector.shape_cast %broadcast_in_dim3A_581 : vector<16x1xi32> to vector<16xi32>
    %gather3A_583 = tpu.dynamic_gather %select_n3A_574[%gather3A_582] in [0] : vector<16xi32>, vector<16xi32> -> vector<16xi32>
    %gt3A_584 = arith.cmpf ogt, %gather3A_580, %select_n3A_573 : vector<16xf32>
    %eq3A_585 = arith.cmpf oeq, %gather3A_580, %select_n3A_573 : vector<16xf32>
    %lt3A_586 = arith.cmpi slt, %gather3A_583, %select_n3A_574 : vector<16xi32>
    %and3A_587 = arith.andi %eq3A_585, %lt3A_586 : vector<16xi1>
    %or3A_588 = arith.ori %gt3A_584, %and3A_587 : vector<16xi1>
    %select_n3A_589 = arith.select %or3A_588, %gather3A_580, %select_n3A_573 : vector<16xi1>, vector<16xf32>
    %select_n3A_590 = arith.select %or3A_588, %gather3A_583, %select_n3A_574 : vector<16xi1>, vector<16xi32>
    %xor3A_591 = arith.constant 8 : i32
    %xor3A_592 = vector.broadcast %xor3A_591 : i32 to vector<16xi32>
    %xor3A_593 = arith.xori %iota3A, %xor3A_592 : vector<16xi32>
    %broadcast_in_dim3A_594 = vector.shape_cast %xor3A_593 : vector<16xi32> to vector<16x1xi32>
    %gather3A_595 = vector.shape_cast %broadcast_in_dim3A_594 : vector<16x1xi32> to vector<16xi32>
    %gather3A_596 = tpu.dynamic_gather %select_n3A_589[%gather3A_595] in [0] : vector<16xf32>, vector<16xi32> -> vector<16xf32>
    %broadcast_in_dim3A_597 = vector.shape_cast %xor3A_593 : vector<16xi32> to vector<16x1xi32>
    %gather3A_598 = vector.shape_cast %broadcast_in_dim3A_597 : vector<16x1xi32> to vector<16xi32>
    %gather3A_599 = tpu.dynamic_gather %select_n3A_590[%gather3A_598] in [0] : vector<16xi32>, vector<16xi32> -> vector<16xi32>
    %gt3A_600 = arith.cmpf ogt, %gather3A_596, %select_n3A_589 : vector<16xf32>
    %eq3A_601 = arith.cmpf oeq, %gather3A_596, %select_n3A_589 : vector<16xf32>
    %lt3A_602 = arith.cmpi slt, %gather3A_599, %select_n3A_590 : vector<16xi32>
    %and3A_603 = arith.andi %eq3A_601, %lt3A_602 : vector<16xi1>
    %or3A_604 = arith.ori %gt3A_600, %and3A_603 : vector<16xi1>
    %select_n3A_605 = arith.select %or3A_604, %gather3A_596, %select_n3A_589 : vector<16xi1>, vector<16xf32>
    %select_n3A_606 = arith.select %or3A_604, %gather3A_599, %select_n3A_590 : vector<16xi1>, vector<16xi32>
    %xor3A_607 = arith.constant 1 : i32
    %xor3A_608 = vector.broadcast %xor3A_607 : i32 to vector<16xi32>
    %xor3A_609 = arith.xori %iota3A, %xor3A_608 : vector<16xi32>
    %broadcast_in_dim3A_610 = vector.shape_cast %xor3A_609 : vector<16xi32> to vector<16x1xi32>
    %gather3A_611 = vector.shape_cast %broadcast_in_dim3A_610 : vector<16x1xi32> to vector<16xi32>
    %gather3A_612 = tpu.dynamic_gather %select_n3A_376[%gather3A_611] in [0] : vector<16xf32>, vector<16xi32> -> vector<16xf32>
    %broadcast_in_dim3A_613 = vector.shape_cast %xor3A_609 : vector<16xi32> to vector<16x1xi32>
    %gather3A_614 = vector.shape_cast %broadcast_in_dim3A_613 : vector<16x1xi32> to vector<16xi32>
    %gather3A_615 = tpu.dynamic_gather %select_n3A_377[%gather3A_614] in [0] : vector<16xi32>, vector<16xi32> -> vector<16xi32>
    %gt3A_616 = arith.cmpf ogt, %gather3A_612, %select_n3A_376 : vector<16xf32>
    %eq3A_617 = arith.cmpf oeq, %gather3A_612, %select_n3A_376 : vector<16xf32>
    %lt3A_618 = arith.cmpi slt, %gather3A_615, %select_n3A_377 : vector<16xi32>
    %and3A_619 = arith.andi %eq3A_617, %lt3A_618 : vector<16xi1>
    %or3A_620 = arith.ori %gt3A_616, %and3A_619 : vector<16xi1>
    %select_n3A_621 = arith.select %or3A_620, %gather3A_612, %select_n3A_376 : vector<16xi1>, vector<16xf32>
    %select_n3A_622 = arith.select %or3A_620, %gather3A_615, %select_n3A_377 : vector<16xi1>, vector<16xi32>
    %xor3A_623 = arith.constant 2 : i32
    %xor3A_624 = vector.broadcast %xor3A_623 : i32 to vector<16xi32>
    %xor3A_625 = arith.xori %iota3A, %xor3A_624 : vector<16xi32>
    %broadcast_in_dim3A_626 = vector.shape_cast %xor3A_625 : vector<16xi32> to vector<16x1xi32>
    %gather3A_627 = vector.shape_cast %broadcast_in_dim3A_626 : vector<16x1xi32> to vector<16xi32>
    %gather3A_628 = tpu.dynamic_gather %select_n3A_621[%gather3A_627] in [0] : vector<16xf32>, vector<16xi32> -> vector<16xf32>
    %broadcast_in_dim3A_629 = vector.shape_cast %xor3A_625 : vector<16xi32> to vector<16x1xi32>
    %gather3A_630 = vector.shape_cast %broadcast_in_dim3A_629 : vector<16x1xi32> to vector<16xi32>
    %gather3A_631 = tpu.dynamic_gather %select_n3A_622[%gather3A_630] in [0] : vector<16xi32>, vector<16xi32> -> vector<16xi32>
    %gt3A_632 = arith.cmpf ogt, %gather3A_628, %select_n3A_621 : vector<16xf32>
    %eq3A_633 = arith.cmpf oeq, %gather3A_628, %select_n3A_621 : vector<16xf32>
    %lt3A_634 = arith.cmpi slt, %gather3A_631, %select_n3A_622 : vector<16xi32>
    %and3A_635 = arith.andi %eq3A_633, %lt3A_634 : vector<16xi1>
    %or3A_636 = arith.ori %gt3A_632, %and3A_635 : vector<16xi1>
    %select_n3A_637 = arith.select %or3A_636, %gather3A_628, %select_n3A_621 : vector<16xi1>, vector<16xf32>
    %select_n3A_638 = arith.select %or3A_636, %gather3A_631, %select_n3A_622 : vector<16xi1>, vector<16xi32>
    %xor3A_639 = arith.constant 4 : i32
    %xor3A_640 = vector.broadcast %xor3A_639 : i32 to vector<16xi32>
    %xor3A_641 = arith.xori %iota3A, %xor3A_640 : vector<16xi32>
    %broadcast_in_dim3A_642 = vector.shape_cast %xor3A_641 : vector<16xi32> to vector<16x1xi32>
    %gather3A_643 = vector.shape_cast %broadcast_in_dim3A_642 : vector<16x1xi32> to vector<16xi32>
    %gather3A_644 = tpu.dynamic_gather %select_n3A_637[%gather3A_643] in [0] : vector<16xf32>, vector<16xi32> -> vector<16xf32>
    %broadcast_in_dim3A_645 = vector.shape_cast %xor3A_641 : vector<16xi32> to vector<16x1xi32>
    %gather3A_646 = vector.shape_cast %broadcast_in_dim3A_645 : vector<16x1xi32> to vector<16xi32>
    %gather3A_647 = tpu.dynamic_gather %select_n3A_638[%gather3A_646] in [0] : vector<16xi32>, vector<16xi32> -> vector<16xi32>
    %gt3A_648 = arith.cmpf ogt, %gather3A_644, %select_n3A_637 : vector<16xf32>
    %eq3A_649 = arith.cmpf oeq, %gather3A_644, %select_n3A_637 : vector<16xf32>
    %lt3A_650 = arith.cmpi slt, %gather3A_647, %select_n3A_638 : vector<16xi32>
    %and3A_651 = arith.andi %eq3A_649, %lt3A_650 : vector<16xi1>
    %or3A_652 = arith.ori %gt3A_648, %and3A_651 : vector<16xi1>
    %select_n3A_653 = arith.select %or3A_652, %gather3A_644, %select_n3A_637 : vector<16xi1>, vector<16xf32>
    %select_n3A_654 = arith.select %or3A_652, %gather3A_647, %select_n3A_638 : vector<16xi1>, vector<16xi32>
    %xor3A_655 = arith.constant 8 : i32
    %xor3A_656 = vector.broadcast %xor3A_655 : i32 to vector<16xi32>
    %xor3A_657 = arith.xori %iota3A, %xor3A_656 : vector<16xi32>
    %broadcast_in_dim3A_658 = vector.shape_cast %xor3A_657 : vector<16xi32> to vector<16x1xi32>
    %gather3A_659 = vector.shape_cast %broadcast_in_dim3A_658 : vector<16x1xi32> to vector<16xi32>
    %gather3A_660 = tpu.dynamic_gather %select_n3A_653[%gather3A_659] in [0] : vector<16xf32>, vector<16xi32> -> vector<16xf32>
    %broadcast_in_dim3A_661 = vector.shape_cast %xor3A_657 : vector<16xi32> to vector<16x1xi32>
    %gather3A_662 = vector.shape_cast %broadcast_in_dim3A_661 : vector<16x1xi32> to vector<16xi32>
    %gather3A_663 = tpu.dynamic_gather %select_n3A_654[%gather3A_662] in [0] : vector<16xi32>, vector<16xi32> -> vector<16xi32>
    %gt3A_664 = arith.cmpf ogt, %gather3A_660, %select_n3A_653 : vector<16xf32>
    %eq3A_665 = arith.cmpf oeq, %gather3A_660, %select_n3A_653 : vector<16xf32>
    %lt3A_666 = arith.cmpi slt, %gather3A_663, %select_n3A_654 : vector<16xi32>
    %and3A_667 = arith.andi %eq3A_665, %lt3A_666 : vector<16xi1>
    %or3A_668 = arith.ori %gt3A_664, %and3A_667 : vector<16xi1>
    %select_n3A_669 = arith.select %or3A_668, %gather3A_660, %select_n3A_653 : vector<16xi1>, vector<16xf32>
    %select_n3A_670 = arith.select %or3A_668, %gather3A_663, %select_n3A_654 : vector<16xi1>, vector<16xi32>
    %xor3A_671 = arith.constant 1 : i32
    %xor3A_672 = vector.broadcast %xor3A_671 : i32 to vector<16xi32>
    %xor3A_673 = arith.xori %iota3A, %xor3A_672 : vector<16xi32>
    %broadcast_in_dim3A_674 = vector.shape_cast %xor3A_673 : vector<16xi32> to vector<16x1xi32>
    %gather3A_675 = vector.shape_cast %broadcast_in_dim3A_674 : vector<16x1xi32> to vector<16xi32>
    %gather3A_676 = tpu.dynamic_gather %select_n3A_386[%gather3A_675] in [0] : vector<16xf32>, vector<16xi32> -> vector<16xf32>
    %broadcast_in_dim3A_677 = vector.shape_cast %xor3A_673 : vector<16xi32> to vector<16x1xi32>
    %gather3A_678 = vector.shape_cast %broadcast_in_dim3A_677 : vector<16x1xi32> to vector<16xi32>
    %gather3A_679 = tpu.dynamic_gather %select_n3A_387[%gather3A_678] in [0] : vector<16xi32>, vector<16xi32> -> vector<16xi32>
    %gt3A_680 = arith.cmpf ogt, %gather3A_676, %select_n3A_386 : vector<16xf32>
    %eq3A_681 = arith.cmpf oeq, %gather3A_676, %select_n3A_386 : vector<16xf32>
    %lt3A_682 = arith.cmpi slt, %gather3A_679, %select_n3A_387 : vector<16xi32>
    %and3A_683 = arith.andi %eq3A_681, %lt3A_682 : vector<16xi1>
    %or3A_684 = arith.ori %gt3A_680, %and3A_683 : vector<16xi1>
    %select_n3A_685 = arith.select %or3A_684, %gather3A_676, %select_n3A_386 : vector<16xi1>, vector<16xf32>
    %select_n3A_686 = arith.select %or3A_684, %gather3A_679, %select_n3A_387 : vector<16xi1>, vector<16xi32>
    %xor3A_687 = arith.constant 2 : i32
    %xor3A_688 = vector.broadcast %xor3A_687 : i32 to vector<16xi32>
    %xor3A_689 = arith.xori %iota3A, %xor3A_688 : vector<16xi32>
    %broadcast_in_dim3A_690 = vector.shape_cast %xor3A_689 : vector<16xi32> to vector<16x1xi32>
    %gather3A_691 = vector.shape_cast %broadcast_in_dim3A_690 : vector<16x1xi32> to vector<16xi32>
    %gather3A_692 = tpu.dynamic_gather %select_n3A_685[%gather3A_691] in [0] : vector<16xf32>, vector<16xi32> -> vector<16xf32>
    %broadcast_in_dim3A_693 = vector.shape_cast %xor3A_689 : vector<16xi32> to vector<16x1xi32>
    %gather3A_694 = vector.shape_cast %broadcast_in_dim3A_693 : vector<16x1xi32> to vector<16xi32>
    %gather3A_695 = tpu.dynamic_gather %select_n3A_686[%gather3A_694] in [0] : vector<16xi32>, vector<16xi32> -> vector<16xi32>
    %gt3A_696 = arith.cmpf ogt, %gather3A_692, %select_n3A_685 : vector<16xf32>
    %eq3A_697 = arith.cmpf oeq, %gather3A_692, %select_n3A_685 : vector<16xf32>
    %lt3A_698 = arith.cmpi slt, %gather3A_695, %select_n3A_686 : vector<16xi32>
    %and3A_699 = arith.andi %eq3A_697, %lt3A_698 : vector<16xi1>
    %or3A_700 = arith.ori %gt3A_696, %and3A_699 : vector<16xi1>
    %select_n3A_701 = arith.select %or3A_700, %gather3A_692, %select_n3A_685 : vector<16xi1>, vector<16xf32>
    %select_n3A_702 = arith.select %or3A_700, %gather3A_695, %select_n3A_686 : vector<16xi1>, vector<16xi32>
    %xor3A_703 = arith.constant 4 : i32
    %xor3A_704 = vector.broadcast %xor3A_703 : i32 to vector<16xi32>
    %xor3A_705 = arith.xori %iota3A, %xor3A_704 : vector<16xi32>
    %broadcast_in_dim3A_706 = vector.shape_cast %xor3A_705 : vector<16xi32> to vector<16x1xi32>
    %gather3A_707 = vector.shape_cast %broadcast_in_dim3A_706 : vector<16x1xi32> to vector<16xi32>
    %gather3A_708 = tpu.dynamic_gather %select_n3A_701[%gather3A_707] in [0] : vector<16xf32>, vector<16xi32> -> vector<16xf32>
    %broadcast_in_dim3A_709 = vector.shape_cast %xor3A_705 : vector<16xi32> to vector<16x1xi32>
    %gather3A_710 = vector.shape_cast %broadcast_in_dim3A_709 : vector<16x1xi32> to vector<16xi32>
    %gather3A_711 = tpu.dynamic_gather %select_n3A_702[%gather3A_710] in [0] : vector<16xi32>, vector<16xi32> -> vector<16xi32>
    %gt3A_712 = arith.cmpf ogt, %gather3A_708, %select_n3A_701 : vector<16xf32>
    %eq3A_713 = arith.cmpf oeq, %gather3A_708, %select_n3A_701 : vector<16xf32>
    %lt3A_714 = arith.cmpi slt, %gather3A_711, %select_n3A_702 : vector<16xi32>
    %and3A_715 = arith.andi %eq3A_713, %lt3A_714 : vector<16xi1>
    %or3A_716 = arith.ori %gt3A_712, %and3A_715 : vector<16xi1>
    %select_n3A_717 = arith.select %or3A_716, %gather3A_708, %select_n3A_701 : vector<16xi1>, vector<16xf32>
    %select_n3A_718 = arith.select %or3A_716, %gather3A_711, %select_n3A_702 : vector<16xi1>, vector<16xi32>
    %xor3A_719 = arith.constant 8 : i32
    %xor3A_720 = vector.broadcast %xor3A_719 : i32 to vector<16xi32>
    %xor3A_721 = arith.xori %iota3A, %xor3A_720 : vector<16xi32>
    %broadcast_in_dim3A_722 = vector.shape_cast %xor3A_721 : vector<16xi32> to vector<16x1xi32>
    %gather3A_723 = vector.shape_cast %broadcast_in_dim3A_722 : vector<16x1xi32> to vector<16xi32>
    %gather3A_724 = tpu.dynamic_gather %select_n3A_717[%gather3A_723] in [0] : vector<16xf32>, vector<16xi32> -> vector<16xf32>
    %broadcast_in_dim3A_725 = vector.shape_cast %xor3A_721 : vector<16xi32> to vector<16x1xi32>
    %gather3A_726 = vector.shape_cast %broadcast_in_dim3A_725 : vector<16x1xi32> to vector<16xi32>
    %gather3A_727 = tpu.dynamic_gather %select_n3A_718[%gather3A_726] in [0] : vector<16xi32>, vector<16xi32> -> vector<16xi32>
    %gt3A_728 = arith.cmpf ogt, %gather3A_724, %select_n3A_717 : vector<16xf32>
    %eq3A_729 = arith.cmpf oeq, %gather3A_724, %select_n3A_717 : vector<16xf32>
    %lt3A_730 = arith.cmpi slt, %gather3A_727, %select_n3A_718 : vector<16xi32>
    %and3A_731 = arith.andi %eq3A_729, %lt3A_730 : vector<16xi1>
    %or3A_732 = arith.ori %gt3A_728, %and3A_731 : vector<16xi1>
    %select_n3A_733 = arith.select %or3A_732, %gather3A_724, %select_n3A_717 : vector<16xi1>, vector<16xf32>
    %select_n3A_734 = arith.select %or3A_732, %gather3A_727, %select_n3A_718 : vector<16xi1>, vector<16xi32>
    %xor3A_735 = arith.constant 1 : i32
    %xor3A_736 = vector.broadcast %xor3A_735 : i32 to vector<16xi32>
    %xor3A_737 = arith.xori %iota3A, %xor3A_736 : vector<16xi32>
    %broadcast_in_dim3A_738 = vector.shape_cast %xor3A_737 : vector<16xi32> to vector<16x1xi32>
    %gather3A_739 = vector.shape_cast %broadcast_in_dim3A_738 : vector<16x1xi32> to vector<16xi32>
    %gather3A_740 = tpu.dynamic_gather %select_n3A_396[%gather3A_739] in [0] : vector<16xf32>, vector<16xi32> -> vector<16xf32>
    %broadcast_in_dim3A_741 = vector.shape_cast %xor3A_737 : vector<16xi32> to vector<16x1xi32>
    %gather3A_742 = vector.shape_cast %broadcast_in_dim3A_741 : vector<16x1xi32> to vector<16xi32>
    %gather3A_743 = tpu.dynamic_gather %select_n3A_397[%gather3A_742] in [0] : vector<16xi32>, vector<16xi32> -> vector<16xi32>
    %gt3A_744 = arith.cmpf ogt, %gather3A_740, %select_n3A_396 : vector<16xf32>
    %eq3A_745 = arith.cmpf oeq, %gather3A_740, %select_n3A_396 : vector<16xf32>
    %lt3A_746 = arith.cmpi slt, %gather3A_743, %select_n3A_397 : vector<16xi32>
    %and3A_747 = arith.andi %eq3A_745, %lt3A_746 : vector<16xi1>
    %or3A_748 = arith.ori %gt3A_744, %and3A_747 : vector<16xi1>
    %select_n3A_749 = arith.select %or3A_748, %gather3A_740, %select_n3A_396 : vector<16xi1>, vector<16xf32>
    %select_n3A_750 = arith.select %or3A_748, %gather3A_743, %select_n3A_397 : vector<16xi1>, vector<16xi32>
    %xor3A_751 = arith.constant 2 : i32
    %xor3A_752 = vector.broadcast %xor3A_751 : i32 to vector<16xi32>
    %xor3A_753 = arith.xori %iota3A, %xor3A_752 : vector<16xi32>
    %broadcast_in_dim3A_754 = vector.shape_cast %xor3A_753 : vector<16xi32> to vector<16x1xi32>
    %gather3A_755 = vector.shape_cast %broadcast_in_dim3A_754 : vector<16x1xi32> to vector<16xi32>
    %gather3A_756 = tpu.dynamic_gather %select_n3A_749[%gather3A_755] in [0] : vector<16xf32>, vector<16xi32> -> vector<16xf32>
    %broadcast_in_dim3A_757 = vector.shape_cast %xor3A_753 : vector<16xi32> to vector<16x1xi32>
    %gather3A_758 = vector.shape_cast %broadcast_in_dim3A_757 : vector<16x1xi32> to vector<16xi32>
    %gather3A_759 = tpu.dynamic_gather %select_n3A_750[%gather3A_758] in [0] : vector<16xi32>, vector<16xi32> -> vector<16xi32>
    %gt3A_760 = arith.cmpf ogt, %gather3A_756, %select_n3A_749 : vector<16xf32>
    %eq3A_761 = arith.cmpf oeq, %gather3A_756, %select_n3A_749 : vector<16xf32>
    %lt3A_762 = arith.cmpi slt, %gather3A_759, %select_n3A_750 : vector<16xi32>
    %and3A_763 = arith.andi %eq3A_761, %lt3A_762 : vector<16xi1>
    %or3A_764 = arith.ori %gt3A_760, %and3A_763 : vector<16xi1>
    %select_n3A_765 = arith.select %or3A_764, %gather3A_756, %select_n3A_749 : vector<16xi1>, vector<16xf32>
    %select_n3A_766 = arith.select %or3A_764, %gather3A_759, %select_n3A_750 : vector<16xi1>, vector<16xi32>
    %xor3A_767 = arith.constant 4 : i32
    %xor3A_768 = vector.broadcast %xor3A_767 : i32 to vector<16xi32>
    %xor3A_769 = arith.xori %iota3A, %xor3A_768 : vector<16xi32>
    %broadcast_in_dim3A_770 = vector.shape_cast %xor3A_769 : vector<16xi32> to vector<16x1xi32>
    %gather3A_771 = vector.shape_cast %broadcast_in_dim3A_770 : vector<16x1xi32> to vector<16xi32>
    %gather3A_772 = tpu.dynamic_gather %select_n3A_765[%gather3A_771] in [0] : vector<16xf32>, vector<16xi32> -> vector<16xf32>
    %broadcast_in_dim3A_773 = vector.shape_cast %xor3A_769 : vector<16xi32> to vector<16x1xi32>
    %gather3A_774 = vector.shape_cast %broadcast_in_dim3A_773 : vector<16x1xi32> to vector<16xi32>
    %gather3A_775 = tpu.dynamic_gather %select_n3A_766[%gather3A_774] in [0] : vector<16xi32>, vector<16xi32> -> vector<16xi32>
    %gt3A_776 = arith.cmpf ogt, %gather3A_772, %select_n3A_765 : vector<16xf32>
    %eq3A_777 = arith.cmpf oeq, %gather3A_772, %select_n3A_765 : vector<16xf32>
    %lt3A_778 = arith.cmpi slt, %gather3A_775, %select_n3A_766 : vector<16xi32>
    %and3A_779 = arith.andi %eq3A_777, %lt3A_778 : vector<16xi1>
    %or3A_780 = arith.ori %gt3A_776, %and3A_779 : vector<16xi1>
    %select_n3A_781 = arith.select %or3A_780, %gather3A_772, %select_n3A_765 : vector<16xi1>, vector<16xf32>
    %select_n3A_782 = arith.select %or3A_780, %gather3A_775, %select_n3A_766 : vector<16xi1>, vector<16xi32>
    %xor3A_783 = arith.constant 8 : i32
    %xor3A_784 = vector.broadcast %xor3A_783 : i32 to vector<16xi32>
    %xor3A_785 = arith.xori %iota3A, %xor3A_784 : vector<16xi32>
    %broadcast_in_dim3A_786 = vector.shape_cast %xor3A_785 : vector<16xi32> to vector<16x1xi32>
    %gather3A_787 = vector.shape_cast %broadcast_in_dim3A_786 : vector<16x1xi32> to vector<16xi32>
    %gather3A_788 = tpu.dynamic_gather %select_n3A_781[%gather3A_787] in [0] : vector<16xf32>, vector<16xi32> -> vector<16xf32>
    %broadcast_in_dim3A_789 = vector.shape_cast %xor3A_785 : vector<16xi32> to vector<16x1xi32>
    %gather3A_790 = vector.shape_cast %broadcast_in_dim3A_789 : vector<16x1xi32> to vector<16xi32>
    %gather3A_791 = tpu.dynamic_gather %select_n3A_782[%gather3A_790] in [0] : vector<16xi32>, vector<16xi32> -> vector<16xi32>
    %gt3A_792 = arith.cmpf ogt, %gather3A_788, %select_n3A_781 : vector<16xf32>
    %eq3A_793 = arith.cmpf oeq, %gather3A_788, %select_n3A_781 : vector<16xf32>
    %lt3A_794 = arith.cmpi slt, %gather3A_791, %select_n3A_782 : vector<16xi32>
    %and3A_795 = arith.andi %eq3A_793, %lt3A_794 : vector<16xi1>
    %or3A_796 = arith.ori %gt3A_792, %and3A_795 : vector<16xi1>
    %select_n3A_797 = arith.select %or3A_796, %gather3A_788, %select_n3A_781 : vector<16xi1>, vector<16xf32>
    %select_n3A_798 = arith.select %or3A_796, %gather3A_791, %select_n3A_782 : vector<16xi1>, vector<16xi32>
    %xor3A_799 = arith.constant 1 : i32
    %xor3A_800 = vector.broadcast %xor3A_799 : i32 to vector<16xi32>
    %xor3A_801 = arith.xori %iota3A, %xor3A_800 : vector<16xi32>
    %broadcast_in_dim3A_802 = vector.shape_cast %xor3A_801 : vector<16xi32> to vector<16x1xi32>
    %gather3A_803 = vector.shape_cast %broadcast_in_dim3A_802 : vector<16x1xi32> to vector<16xi32>
    %gather3A_804 = tpu.dynamic_gather %select_n3A_406[%gather3A_803] in [0] : vector<16xf32>, vector<16xi32> -> vector<16xf32>
    %broadcast_in_dim3A_805 = vector.shape_cast %xor3A_801 : vector<16xi32> to vector<16x1xi32>
    %gather3A_806 = vector.shape_cast %broadcast_in_dim3A_805 : vector<16x1xi32> to vector<16xi32>
    %gather3A_807 = tpu.dynamic_gather %select_n3A_407[%gather3A_806] in [0] : vector<16xi32>, vector<16xi32> -> vector<16xi32>
    %gt3A_808 = arith.cmpf ogt, %gather3A_804, %select_n3A_406 : vector<16xf32>
    %eq3A_809 = arith.cmpf oeq, %gather3A_804, %select_n3A_406 : vector<16xf32>
    %lt3A_810 = arith.cmpi slt, %gather3A_807, %select_n3A_407 : vector<16xi32>
    %and3A_811 = arith.andi %eq3A_809, %lt3A_810 : vector<16xi1>
    %or3A_812 = arith.ori %gt3A_808, %and3A_811 : vector<16xi1>
    %select_n3A_813 = arith.select %or3A_812, %gather3A_804, %select_n3A_406 : vector<16xi1>, vector<16xf32>
    %select_n3A_814 = arith.select %or3A_812, %gather3A_807, %select_n3A_407 : vector<16xi1>, vector<16xi32>
    %xor3A_815 = arith.constant 2 : i32
    %xor3A_816 = vector.broadcast %xor3A_815 : i32 to vector<16xi32>
    %xor3A_817 = arith.xori %iota3A, %xor3A_816 : vector<16xi32>
    %broadcast_in_dim3A_818 = vector.shape_cast %xor3A_817 : vector<16xi32> to vector<16x1xi32>
    %gather3A_819 = vector.shape_cast %broadcast_in_dim3A_818 : vector<16x1xi32> to vector<16xi32>
    %gather3A_820 = tpu.dynamic_gather %select_n3A_813[%gather3A_819] in [0] : vector<16xf32>, vector<16xi32> -> vector<16xf32>
    %broadcast_in_dim3A_821 = vector.shape_cast %xor3A_817 : vector<16xi32> to vector<16x1xi32>
    %gather3A_822 = vector.shape_cast %broadcast_in_dim3A_821 : vector<16x1xi32> to vector<16xi32>
    %gather3A_823 = tpu.dynamic_gather %select_n3A_814[%gather3A_822] in [0] : vector<16xi32>, vector<16xi32> -> vector<16xi32>
    %gt3A_824 = arith.cmpf ogt, %gather3A_820, %select_n3A_813 : vector<16xf32>
    %eq3A_825 = arith.cmpf oeq, %gather3A_820, %select_n3A_813 : vector<16xf32>
    %lt3A_826 = arith.cmpi slt, %gather3A_823, %select_n3A_814 : vector<16xi32>
    %and3A_827 = arith.andi %eq3A_825, %lt3A_826 : vector<16xi1>
    %or3A_828 = arith.ori %gt3A_824, %and3A_827 : vector<16xi1>
    %select_n3A_829 = arith.select %or3A_828, %gather3A_820, %select_n3A_813 : vector<16xi1>, vector<16xf32>
    %select_n3A_830 = arith.select %or3A_828, %gather3A_823, %select_n3A_814 : vector<16xi1>, vector<16xi32>
    %xor3A_831 = arith.constant 4 : i32
    %xor3A_832 = vector.broadcast %xor3A_831 : i32 to vector<16xi32>
    %xor3A_833 = arith.xori %iota3A, %xor3A_832 : vector<16xi32>
    %broadcast_in_dim3A_834 = vector.shape_cast %xor3A_833 : vector<16xi32> to vector<16x1xi32>
    %gather3A_835 = vector.shape_cast %broadcast_in_dim3A_834 : vector<16x1xi32> to vector<16xi32>
    %gather3A_836 = tpu.dynamic_gather %select_n3A_829[%gather3A_835] in [0] : vector<16xf32>, vector<16xi32> -> vector<16xf32>
    %broadcast_in_dim3A_837 = vector.shape_cast %xor3A_833 : vector<16xi32> to vector<16x1xi32>
    %gather3A_838 = vector.shape_cast %broadcast_in_dim3A_837 : vector<16x1xi32> to vector<16xi32>
    %gather3A_839 = tpu.dynamic_gather %select_n3A_830[%gather3A_838] in [0] : vector<16xi32>, vector<16xi32> -> vector<16xi32>
    %gt3A_840 = arith.cmpf ogt, %gather3A_836, %select_n3A_829 : vector<16xf32>
    %eq3A_841 = arith.cmpf oeq, %gather3A_836, %select_n3A_829 : vector<16xf32>
    %lt3A_842 = arith.cmpi slt, %gather3A_839, %select_n3A_830 : vector<16xi32>
    %and3A_843 = arith.andi %eq3A_841, %lt3A_842 : vector<16xi1>
    %or3A_844 = arith.ori %gt3A_840, %and3A_843 : vector<16xi1>
    %select_n3A_845 = arith.select %or3A_844, %gather3A_836, %select_n3A_829 : vector<16xi1>, vector<16xf32>
    %select_n3A_846 = arith.select %or3A_844, %gather3A_839, %select_n3A_830 : vector<16xi1>, vector<16xi32>
    %xor3A_847 = arith.constant 8 : i32
    %xor3A_848 = vector.broadcast %xor3A_847 : i32 to vector<16xi32>
    %xor3A_849 = arith.xori %iota3A, %xor3A_848 : vector<16xi32>
    %broadcast_in_dim3A_850 = vector.shape_cast %xor3A_849 : vector<16xi32> to vector<16x1xi32>
    %gather3A_851 = vector.shape_cast %broadcast_in_dim3A_850 : vector<16x1xi32> to vector<16xi32>
    %gather3A_852 = tpu.dynamic_gather %select_n3A_845[%gather3A_851] in [0] : vector<16xf32>, vector<16xi32> -> vector<16xf32>
    %broadcast_in_dim3A_853 = vector.shape_cast %xor3A_849 : vector<16xi32> to vector<16x1xi32>
    %gather3A_854 = vector.shape_cast %broadcast_in_dim3A_853 : vector<16x1xi32> to vector<16xi32>
    %gather3A_855 = tpu.dynamic_gather %select_n3A_846[%gather3A_854] in [0] : vector<16xi32>, vector<16xi32> -> vector<16xi32>
    %gt3A_856 = arith.cmpf ogt, %gather3A_852, %select_n3A_845 : vector<16xf32>
    %eq3A_857 = arith.cmpf oeq, %gather3A_852, %select_n3A_845 : vector<16xf32>
    %lt3A_858 = arith.cmpi slt, %gather3A_855, %select_n3A_846 : vector<16xi32>
    %and3A_859 = arith.andi %eq3A_857, %lt3A_858 : vector<16xi1>
    %or3A_860 = arith.ori %gt3A_856, %and3A_859 : vector<16xi1>
    %select_n3A_861 = arith.select %or3A_860, %gather3A_852, %select_n3A_845 : vector<16xi1>, vector<16xf32>
    %select_n3A_862 = arith.select %or3A_860, %gather3A_855, %select_n3A_846 : vector<16xi1>, vector<16xi32>
    %xor3A_863 = arith.constant 1 : i32
    %xor3A_864 = vector.broadcast %xor3A_863 : i32 to vector<16xi32>
    %xor3A_865 = arith.xori %iota3A, %xor3A_864 : vector<16xi32>
    %broadcast_in_dim3A_866 = vector.shape_cast %xor3A_865 : vector<16xi32> to vector<16x1xi32>
    %gather3A_867 = vector.shape_cast %broadcast_in_dim3A_866 : vector<16x1xi32> to vector<16xi32>
    %gather3A_868 = tpu.dynamic_gather %select_n3A_416[%gather3A_867] in [0] : vector<16xf32>, vector<16xi32> -> vector<16xf32>
    %broadcast_in_dim3A_869 = vector.shape_cast %xor3A_865 : vector<16xi32> to vector<16x1xi32>
    %gather3A_870 = vector.shape_cast %broadcast_in_dim3A_869 : vector<16x1xi32> to vector<16xi32>
    %gather3A_871 = tpu.dynamic_gather %select_n3A_417[%gather3A_870] in [0] : vector<16xi32>, vector<16xi32> -> vector<16xi32>
    %gt3A_872 = arith.cmpf ogt, %gather3A_868, %select_n3A_416 : vector<16xf32>
    %eq3A_873 = arith.cmpf oeq, %gather3A_868, %select_n3A_416 : vector<16xf32>
    %lt3A_874 = arith.cmpi slt, %gather3A_871, %select_n3A_417 : vector<16xi32>
    %and3A_875 = arith.andi %eq3A_873, %lt3A_874 : vector<16xi1>
    %or3A_876 = arith.ori %gt3A_872, %and3A_875 : vector<16xi1>
    %select_n3A_877 = arith.select %or3A_876, %gather3A_868, %select_n3A_416 : vector<16xi1>, vector<16xf32>
    %select_n3A_878 = arith.select %or3A_876, %gather3A_871, %select_n3A_417 : vector<16xi1>, vector<16xi32>
    %xor3A_879 = arith.constant 2 : i32
    %xor3A_880 = vector.broadcast %xor3A_879 : i32 to vector<16xi32>
    %xor3A_881 = arith.xori %iota3A, %xor3A_880 : vector<16xi32>
    %broadcast_in_dim3A_882 = vector.shape_cast %xor3A_881 : vector<16xi32> to vector<16x1xi32>
    %gather3A_883 = vector.shape_cast %broadcast_in_dim3A_882 : vector<16x1xi32> to vector<16xi32>
    %gather3A_884 = tpu.dynamic_gather %select_n3A_877[%gather3A_883] in [0] : vector<16xf32>, vector<16xi32> -> vector<16xf32>
    %broadcast_in_dim3A_885 = vector.shape_cast %xor3A_881 : vector<16xi32> to vector<16x1xi32>
    %gather3A_886 = vector.shape_cast %broadcast_in_dim3A_885 : vector<16x1xi32> to vector<16xi32>
    %gather3A_887 = tpu.dynamic_gather %select_n3A_878[%gather3A_886] in [0] : vector<16xi32>, vector<16xi32> -> vector<16xi32>
    %gt3A_888 = arith.cmpf ogt, %gather3A_884, %select_n3A_877 : vector<16xf32>
    %eq3A_889 = arith.cmpf oeq, %gather3A_884, %select_n3A_877 : vector<16xf32>
    %lt3A_890 = arith.cmpi slt, %gather3A_887, %select_n3A_878 : vector<16xi32>
    %and3A_891 = arith.andi %eq3A_889, %lt3A_890 : vector<16xi1>
    %or3A_892 = arith.ori %gt3A_888, %and3A_891 : vector<16xi1>
    %select_n3A_893 = arith.select %or3A_892, %gather3A_884, %select_n3A_877 : vector<16xi1>, vector<16xf32>
    %select_n3A_894 = arith.select %or3A_892, %gather3A_887, %select_n3A_878 : vector<16xi1>, vector<16xi32>
    %xor3A_895 = arith.constant 4 : i32
    %xor3A_896 = vector.broadcast %xor3A_895 : i32 to vector<16xi32>
    %xor3A_897 = arith.xori %iota3A, %xor3A_896 : vector<16xi32>
    %broadcast_in_dim3A_898 = vector.shape_cast %xor3A_897 : vector<16xi32> to vector<16x1xi32>
    %gather3A_899 = vector.shape_cast %broadcast_in_dim3A_898 : vector<16x1xi32> to vector<16xi32>
    %gather3A_900 = tpu.dynamic_gather %select_n3A_893[%gather3A_899] in [0] : vector<16xf32>, vector<16xi32> -> vector<16xf32>
    %broadcast_in_dim3A_901 = vector.shape_cast %xor3A_897 : vector<16xi32> to vector<16x1xi32>
    %gather3A_902 = vector.shape_cast %broadcast_in_dim3A_901 : vector<16x1xi32> to vector<16xi32>
    %gather3A_903 = tpu.dynamic_gather %select_n3A_894[%gather3A_902] in [0] : vector<16xi32>, vector<16xi32> -> vector<16xi32>
    %gt3A_904 = arith.cmpf ogt, %gather3A_900, %select_n3A_893 : vector<16xf32>
    %eq3A_905 = arith.cmpf oeq, %gather3A_900, %select_n3A_893 : vector<16xf32>
    %lt3A_906 = arith.cmpi slt, %gather3A_903, %select_n3A_894 : vector<16xi32>
    %and3A_907 = arith.andi %eq3A_905, %lt3A_906 : vector<16xi1>
    %or3A_908 = arith.ori %gt3A_904, %and3A_907 : vector<16xi1>
    %select_n3A_909 = arith.select %or3A_908, %gather3A_900, %select_n3A_893 : vector<16xi1>, vector<16xf32>
    %select_n3A_910 = arith.select %or3A_908, %gather3A_903, %select_n3A_894 : vector<16xi1>, vector<16xi32>
    %xor3A_911 = arith.constant 8 : i32
    %xor3A_912 = vector.broadcast %xor3A_911 : i32 to vector<16xi32>
    %xor3A_913 = arith.xori %iota3A, %xor3A_912 : vector<16xi32>
    %broadcast_in_dim3A_914 = vector.shape_cast %xor3A_913 : vector<16xi32> to vector<16x1xi32>
    %gather3A_915 = vector.shape_cast %broadcast_in_dim3A_914 : vector<16x1xi32> to vector<16xi32>
    %gather3A_916 = tpu.dynamic_gather %select_n3A_909[%gather3A_915] in [0] : vector<16xf32>, vector<16xi32> -> vector<16xf32>
    %broadcast_in_dim3A_917 = vector.shape_cast %xor3A_913 : vector<16xi32> to vector<16x1xi32>
    %gather3A_918 = vector.shape_cast %broadcast_in_dim3A_917 : vector<16x1xi32> to vector<16xi32>
    %gather3A_919 = tpu.dynamic_gather %select_n3A_910[%gather3A_918] in [0] : vector<16xi32>, vector<16xi32> -> vector<16xi32>
    %gt3A_920 = arith.cmpf ogt, %gather3A_916, %select_n3A_909 : vector<16xf32>
    %eq3A_921 = arith.cmpf oeq, %gather3A_916, %select_n3A_909 : vector<16xf32>
    %lt3A_922 = arith.cmpi slt, %gather3A_919, %select_n3A_910 : vector<16xi32>
    %and3A_923 = arith.andi %eq3A_921, %lt3A_922 : vector<16xi1>
    %or3A_924 = arith.ori %gt3A_920, %and3A_923 : vector<16xi1>
    %select_n3A_925 = arith.select %or3A_924, %gather3A_916, %select_n3A_909 : vector<16xi1>, vector<16xf32>
    %select_n3A_926 = arith.select %or3A_924, %gather3A_919, %select_n3A_910 : vector<16xi1>, vector<16xi32>
    %broadcast_in_dim3A_927 = arith.constant 0xFF800000 : f32
    %broadcast_in_dim3A_928 = vector.broadcast %broadcast_in_dim3A_927 : f32 to vector<16xf32>
    %broadcast_in_dim3A_929 = arith.constant 0 : i32
    %broadcast_in_dim3A_930 = vector.broadcast %broadcast_in_dim3A_929 : i32 to vector<16xi32>
    %eq3A_931 = arith.constant 0 : i32
    %eq3A_932 = vector.broadcast %eq3A_931 : i32 to vector<16xi32>
    %eq3A_933 = arith.cmpi eq, %iota3A, %eq3A_932 : vector<16xi32>
    %select_n3A_934 = arith.select %eq3A_933, %select_n3A_477, %broadcast_in_dim3A_928 : vector<16xi1>, vector<16xf32>
    %eq3A_935 = arith.constant 0 : i32
    %eq3A_936 = vector.broadcast %eq3A_935 : i32 to vector<16xi32>
    %eq3A_937 = arith.cmpi eq, %iota3A, %eq3A_936 : vector<16xi32>
    %select_n3A_938 = arith.select %eq3A_937, %select_n3A_478, %broadcast_in_dim3A_930 : vector<16xi1>, vector<16xi32>
    %eq3A_939 = arith.constant 1 : i32
    %eq3A_940 = vector.broadcast %eq3A_939 : i32 to vector<16xi32>
    %eq3A_941 = arith.cmpi eq, %iota3A, %eq3A_940 : vector<16xi32>
    %select_n3A_942 = arith.select %eq3A_941, %select_n3A_541, %select_n3A_934 : vector<16xi1>, vector<16xf32>
    %eq3A_943 = arith.constant 1 : i32
    %eq3A_944 = vector.broadcast %eq3A_943 : i32 to vector<16xi32>
    %eq3A_945 = arith.cmpi eq, %iota3A, %eq3A_944 : vector<16xi32>
    %select_n3A_946 = arith.select %eq3A_945, %select_n3A_542, %select_n3A_938 : vector<16xi1>, vector<16xi32>
    %eq3A_947 = arith.constant 2 : i32
    %eq3A_948 = vector.broadcast %eq3A_947 : i32 to vector<16xi32>
    %eq3A_949 = arith.cmpi eq, %iota3A, %eq3A_948 : vector<16xi32>
    %select_n3A_950 = arith.select %eq3A_949, %select_n3A_605, %select_n3A_942 : vector<16xi1>, vector<16xf32>
    %eq3A_951 = arith.constant 2 : i32
    %eq3A_952 = vector.broadcast %eq3A_951 : i32 to vector<16xi32>
    %eq3A_953 = arith.cmpi eq, %iota3A, %eq3A_952 : vector<16xi32>
    %select_n3A_954 = arith.select %eq3A_953, %select_n3A_606, %select_n3A_946 : vector<16xi1>, vector<16xi32>
    %eq3A_955 = arith.constant 3 : i32
    %eq3A_956 = vector.broadcast %eq3A_955 : i32 to vector<16xi32>
    %eq3A_957 = arith.cmpi eq, %iota3A, %eq3A_956 : vector<16xi32>
    %select_n3A_958 = arith.select %eq3A_957, %select_n3A_669, %select_n3A_950 : vector<16xi1>, vector<16xf32>
    %eq3A_959 = arith.constant 3 : i32
    %eq3A_960 = vector.broadcast %eq3A_959 : i32 to vector<16xi32>
    %eq3A_961 = arith.cmpi eq, %iota3A, %eq3A_960 : vector<16xi32>
    %select_n3A_962 = arith.select %eq3A_961, %select_n3A_670, %select_n3A_954 : vector<16xi1>, vector<16xi32>
    %eq3A_963 = arith.constant 4 : i32
    %eq3A_964 = vector.broadcast %eq3A_963 : i32 to vector<16xi32>
    %eq3A_965 = arith.cmpi eq, %iota3A, %eq3A_964 : vector<16xi32>
    %select_n3A_966 = arith.select %eq3A_965, %select_n3A_733, %select_n3A_958 : vector<16xi1>, vector<16xf32>
    %eq3A_967 = arith.constant 4 : i32
    %eq3A_968 = vector.broadcast %eq3A_967 : i32 to vector<16xi32>
    %eq3A_969 = arith.cmpi eq, %iota3A, %eq3A_968 : vector<16xi32>
    %select_n3A_970 = arith.select %eq3A_969, %select_n3A_734, %select_n3A_962 : vector<16xi1>, vector<16xi32>
    %eq3A_971 = arith.constant 5 : i32
    %eq3A_972 = vector.broadcast %eq3A_971 : i32 to vector<16xi32>
    %eq3A_973 = arith.cmpi eq, %iota3A, %eq3A_972 : vector<16xi32>
    %select_n3A_974 = arith.select %eq3A_973, %select_n3A_797, %select_n3A_966 : vector<16xi1>, vector<16xf32>
    %eq3A_975 = arith.constant 5 : i32
    %eq3A_976 = vector.broadcast %eq3A_975 : i32 to vector<16xi32>
    %eq3A_977 = arith.cmpi eq, %iota3A, %eq3A_976 : vector<16xi32>
    %select_n3A_978 = arith.select %eq3A_977, %select_n3A_798, %select_n3A_970 : vector<16xi1>, vector<16xi32>
    %eq3A_979 = arith.constant 6 : i32
    %eq3A_980 = vector.broadcast %eq3A_979 : i32 to vector<16xi32>
    %eq3A_981 = arith.cmpi eq, %iota3A, %eq3A_980 : vector<16xi32>
    %select_n3A_982 = arith.select %eq3A_981, %select_n3A_861, %select_n3A_974 : vector<16xi1>, vector<16xf32>
    %eq3A_983 = arith.constant 6 : i32
    %eq3A_984 = vector.broadcast %eq3A_983 : i32 to vector<16xi32>
    %eq3A_985 = arith.cmpi eq, %iota3A, %eq3A_984 : vector<16xi32>
    %select_n3A_986 = arith.select %eq3A_985, %select_n3A_862, %select_n3A_978 : vector<16xi1>, vector<16xi32>
    %eq3A_987 = arith.constant 7 : i32
    %eq3A_988 = vector.broadcast %eq3A_987 : i32 to vector<16xi32>
    %eq3A_989 = arith.cmpi eq, %iota3A, %eq3A_988 : vector<16xi32>
    %select_n3A_990 = arith.select %eq3A_989, %select_n3A_925, %select_n3A_982 : vector<16xi1>, vector<16xf32>
    %eq3A_991 = arith.constant 7 : i32
    %eq3A_992 = vector.broadcast %eq3A_991 : i32 to vector<16xi32>
    %eq3A_993 = arith.cmpi eq, %iota3A, %eq3A_992 : vector<16xi32>
    %select_n3A_994 = arith.select %eq3A_993, %select_n3A_926, %select_n3A_986 : vector<16xi1>, vector<16xi32>
    %swap3A = arith.constant 0 : index
    %swap3A_995 = tpu.vector_load %arg9[%swap3A] {strides = array<i32>} : memref<16xf32, #tpu.memory_space<vmem>>, vector<16xf32>,
    %swap3A_996 = vector.shape_cast %swap3A_995 : vector<16xf32> to vector<16xf32>
    %swap3A_997 = vector.shape_cast %select_n3A_990 : vector<16xf32> to vector<16xf32>
    tpu.vector_store %arg9[%swap3A], %swap3A_997 {strides = array<i32>} : memref<16xf32, #tpu.memory_space<vmem>>, vector<16xf32>,
    %swap3A_998 = arith.constant 0 : index
    %swap3A_999 = tpu.vector_load %arg10[%swap3A_998] {strides = array<i32>} : memref<16xi32, #tpu.memory_space<vmem>>, vector<16xi32>,
    %swap3A_1000 = vector.shape_cast %swap3A_999 : vector<16xi32> to vector<16xi32>
    %swap3A_1001 = vector.shape_cast %select_n3A_994 : vector<16xi32> to vector<16xi32>
    tpu.vector_store %arg10[%swap3A_998], %swap3A_1001 {strides = array<i32>} : memref<16xi32, #tpu.memory_space<vmem>>, vector<16xi32>,
    "tpu.region"() ({
      %run_scoped3A = tpu.sem_alloc : memref<!tpu.dma_semaphore, #tpu.memory_space<semaphore_mem>>
      %dma_start3A_1002 = arith.constant 0 : i32
      %dma_start3A_1003 = tpu.memref_slice %arg9[%dma_start3A_1002] : memref<16xf32, #tpu.memory_space<vmem>> -> memref<8xf32, #tpu.memory_space<vmem>>
      %dma_start3A_1004 = tpu.memref_slice %arg3[%select_n3A_33, %mul3A_35] : memref<4x64xf32, #tpu.memory_space<hbm>> -> memref<1x8xf32, #tpu.memory_space<hbm>>
      %dma_start3A_1005 = tpu.memref_squeeze %dma_start3A_1004 : memref<1x8xf32, #tpu.memory_space<hbm>> -> memref<8xf32, #tpu.memory_space<hbm>>
      %dma_start3A_1006 = tpu.memref_slice %arg3[%select_n3A_33, %mul3A_35] : memref<4x64xf32, #tpu.memory_space<hbm>> -> memref<1x8xf32, #tpu.memory_space<hbm>>
      %dma_start3A_1007 = tpu.memref_squeeze %dma_start3A_1006 : memref<1x8xf32, #tpu.memory_space<hbm>> -> memref<8xf32, #tpu.memory_space<hbm>>
      %dma_start3A_1008 = arith.constant 0 : i32
      %dma_start3A_1009 = tpu.memref_slice %arg9[%dma_start3A_1008] : memref<16xf32, #tpu.memory_space<vmem>> -> memref<8xf32, #tpu.memory_space<vmem>>
      tpu.enqueue_dma source(%dma_start3A_1009 : memref<8xf32, #tpu.memory_space<vmem>>) target(%dma_start3A_1007 : memref<8xf32, #tpu.memory_space<hbm>>) target_semaphore(%run_scoped3A : memref<!tpu.dma_semaphore, #tpu.memory_space<semaphore_mem>>)
      %dma_wait3A = arith.constant 0 : i32
      %dma_wait3A_1010 = tpu.memref_slice %arg9[%dma_wait3A] : memref<16xf32, #tpu.memory_space<vmem>> -> memref<8xf32, #tpu.memory_space<vmem>>
      %dma_wait3A_1011 = tpu.memref_slice %arg3[%select_n3A_33, %mul3A_35] : memref<4x64xf32, #tpu.memory_space<hbm>> -> memref<1x8xf32, #tpu.memory_space<hbm>>
      %dma_wait3A_1012 = tpu.memref_squeeze %dma_wait3A_1011 : memref<1x8xf32, #tpu.memory_space<hbm>> -> memref<8xf32, #tpu.memory_space<hbm>>
      %dma_wait3A_1013 = tpu.memref_slice %arg3[%select_n3A_33, %mul3A_35] : memref<4x64xf32, #tpu.memory_space<hbm>> -> memref<1x8xf32, #tpu.memory_space<hbm>>
      %dma_wait3A_1014 = tpu.memref_squeeze %dma_wait3A_1013 : memref<1x8xf32, #tpu.memory_space<hbm>> -> memref<8xf32, #tpu.memory_space<hbm>>
      %dma_wait3A_1015 = arith.constant 0 : i32
      %dma_wait3A_1016 = tpu.memref_slice %arg9[%dma_wait3A_1015] : memref<16xf32, #tpu.memory_space<vmem>> -> memref<8xf32, #tpu.memory_space<vmem>>
      tpu.wait_dma2 semaphore(%run_scoped3A : memref<!tpu.dma_semaphore, #tpu.memory_space<semaphore_mem>>) src(%dma_wait3A_1016 : memref<8xf32, #tpu.memory_space<vmem>>) dst(%dma_wait3A_1014 : memref<8xf32, #tpu.memory_space<hbm>>)
      tpu.yield
    }) : () -> ()
    "tpu.region"() ({
      %run_scoped3A = tpu.sem_alloc : memref<!tpu.dma_semaphore, #tpu.memory_space<semaphore_mem>>
      %dma_start3A_1002 = arith.constant 0 : i32
      %dma_start3A_1003 = tpu.memref_slice %arg10[%dma_start3A_1002] : memref<16xi32, #tpu.memory_space<vmem>> -> memref<8xi32, #tpu.memory_space<vmem>>
      %dma_start3A_1004 = tpu.memref_slice %arg4[%select_n3A_33, %mul3A_35] : memref<4x64xi32, #tpu.memory_space<hbm>> -> memref<1x8xi32, #tpu.memory_space<hbm>>
      %dma_start3A_1005 = tpu.memref_squeeze %dma_start3A_1004 : memref<1x8xi32, #tpu.memory_space<hbm>> -> memref<8xi32, #tpu.memory_space<hbm>>
      %dma_start3A_1006 = tpu.memref_slice %arg4[%select_n3A_33, %mul3A_35] : memref<4x64xi32, #tpu.memory_space<hbm>> -> memref<1x8xi32, #tpu.memory_space<hbm>>
      %dma_start3A_1007 = tpu.memref_squeeze %dma_start3A_1006 : memref<1x8xi32, #tpu.memory_space<hbm>> -> memref<8xi32, #tpu.memory_space<hbm>>
      %dma_start3A_1008 = arith.constant 0 : i32
      %dma_start3A_1009 = tpu.memref_slice %arg10[%dma_start3A_1008] : memref<16xi32, #tpu.memory_space<vmem>> -> memref<8xi32, #tpu.memory_space<vmem>>
      tpu.enqueue_dma source(%dma_start3A_1009 : memref<8xi32, #tpu.memory_space<vmem>>) target(%dma_start3A_1007 : memref<8xi32, #tpu.memory_space<hbm>>) target_semaphore(%run_scoped3A : memref<!tpu.dma_semaphore, #tpu.memory_space<semaphore_mem>>)
      %dma_wait3A = arith.constant 0 : i32
      %dma_wait3A_1010 = tpu.memref_slice %arg10[%dma_wait3A] : memref<16xi32, #tpu.memory_space<vmem>> -> memref<8xi32, #tpu.memory_space<vmem>>
      %dma_wait3A_1011 = tpu.memref_slice %arg4[%select_n3A_33, %mul3A_35] : memref<4x64xi32, #tpu.memory_space<hbm>> -> memref<1x8xi32, #tpu.memory_space<hbm>>
      %dma_wait3A_1012 = tpu.memref_squeeze %dma_wait3A_1011 : memref<1x8xi32, #tpu.memory_space<hbm>> -> memref<8xi32, #tpu.memory_space<hbm>>
      %dma_wait3A_1013 = tpu.memref_slice %arg4[%select_n3A_33, %mul3A_35] : memref<4x64xi32, #tpu.memory_space<hbm>> -> memref<1x8xi32, #tpu.memory_space<hbm>>
      %dma_wait3A_1014 = tpu.memref_squeeze %dma_wait3A_1013 : memref<1x8xi32, #tpu.memory_space<hbm>> -> memref<8xi32, #tpu.memory_space<hbm>>
      %dma_wait3A_1015 = arith.constant 0 : i32
      %dma_wait3A_1016 = tpu.memref_slice %arg10[%dma_wait3A_1015] : memref<16xi32, #tpu.memory_space<vmem>> -> memref<8xi32, #tpu.memory_space<vmem>>
      tpu.wait_dma2 semaphore(%run_scoped3A : memref<!tpu.dma_semaphore, #tpu.memory_space<semaphore_mem>>) src(%dma_wait3A_1016 : memref<8xi32, #tpu.memory_space<vmem>>) dst(%dma_wait3A_1014 : memref<8xi32, #tpu.memory_space<hbm>>)
      tpu.yield
    }) : () -> ()
    return
  }
}

module attributes {stable_mosaic.version = 14 : i64} {
  func.func @_tc_body(%arg0: i32, %arg1: memref<64x7936xf32, #tpu.memory_space<vmem>>, %arg2: memref<64x1xf32, #tpu.memory_space<vmem>>, %arg3: memref<64x1xi32, #tpu.memory_space<vmem>>, %arg4: memref<64x128xf32, #tpu.memory_space<vmem>>, %arg5: memref<64x128xi32, #tpu.memory_space<vmem>>) attributes {dimension_semantics = [#tpu.dimension_semantics<arbitrary>], iteration_bounds = array<i64: 48>, scalar_prefetch = 0 : i64, scratch_operands = 2 : i64, tpu.core_type = #tpu.core_type<tc>, window_params = [{transform_indices = @transform_0, window_bounds = array<i64: 64, 7936>}, {pipeline_mode = #tpu.pipeline_mode<synchronous>, transform_indices = @transform_1, window_bounds = array<i64: 64, 1>}, {pipeline_mode = #tpu.pipeline_mode<synchronous>, transform_indices = @transform_2, window_bounds = array<i64: 64, 1>}]} {
    %eq3A = arith.constant 0 : i32
    %eq3A_0 = arith.cmpi eq, %arg0, %eq3A : i32
    %convert_element_type3A = arith.extui %eq3A_0 : i1 to i32
    %cond3A = arith.constant 0 : i32
    %cond3A_1 = arith.cmpi ne, %convert_element_type3A, %cond3A : i32
    scf.if %cond3A_1 {
      %broadcast_in_dim3A = arith.constant 0xFF800000 : f32
      %broadcast_in_dim3A_637 = vector.broadcast %broadcast_in_dim3A : f32 to vector<64x128xf32>
      %swap3A_638 = arith.constant 0 : index
      %swap3A_639 = arith.constant 0 : index
      %swap3A_640 = vector.load %arg4[%swap3A_638, %swap3A_639] : memref<64x128xf32, #tpu.memory_space<vmem>>, vector<64x128xf32>
      tpu.vector_store %arg4[%swap3A_638, %swap3A_639], %broadcast_in_dim3A_637 {strides = array<i32>} : memref<64x128xf32, #tpu.memory_space<vmem>>, vector<64x128xf32>,
      %broadcast_in_dim3A_641 = arith.constant 0 : i32
      %broadcast_in_dim3A_642 = vector.broadcast %broadcast_in_dim3A_641 : i32 to vector<64x128xi32>
      %swap3A_643 = arith.constant 0 : index
      %swap3A_644 = arith.constant 0 : index
      %swap3A_645 = vector.load %arg5[%swap3A_643, %swap3A_644] : memref<64x128xi32, #tpu.memory_space<vmem>>, vector<64x128xi32>
      tpu.vector_store %arg5[%swap3A_643, %swap3A_644], %broadcast_in_dim3A_642 {strides = array<i32>} : memref<64x128xi32, #tpu.memory_space<vmem>>, vector<64x128xi32>,
    } else {
    }
    %mul3A = arith.constant 7936 : i32
    %mul3A_2 = arith.muli %arg0, %mul3A : i32
    %add3A = arith.constant 619008 : i32
    %add3A_3 = arith.addi %add3A, %mul3A_2 : i32
    %iota3A = tpu.iota {dimensions = array<i32: 1>} : vector<64x128xi32>
    %get3A = arith.constant 0 : index
    %get3A_4 = arith.constant 0 : index
    %get3A_5 = vector.load %arg4[%get3A, %get3A_4] : memref<64x128xf32, #tpu.memory_space<vmem>>, vector<64x128xf32>
    %get3A_6 = arith.constant 0 : index
    %get3A_7 = arith.constant 0 : index
    %get3A_8 = vector.load %arg5[%get3A_6, %get3A_7] : memref<64x128xi32, #tpu.memory_space<vmem>>, vector<64x128xi32>
    %get3A_9 = arith.constant 0 : index
    %get3A_10 = arith.constant 0 : index
    %get3A_11 = vector.load %arg1[%get3A_9, %get3A_10] : memref<64x7936xf32, #tpu.memory_space<vmem>>, vector<64x128xf32>
    %gt3A = arith.cmpf ogt, %get3A_11, %get3A_5 : vector<64x128xf32>
    %select_n3A = arith.select %gt3A, %get3A_11, %get3A_5 : vector<64x128xi1>, vector<64x128xf32>
    %add3A_12 = arith.constant 0 : i32
    %add3A_13 = arith.addi %add3A_3, %add3A_12 : i32
    %add3A_14 = vector.broadcast %add3A_13 : i32 to vector<64x128xi32>
    %add3A_15 = arith.addi %add3A_14, %iota3A : vector<64x128xi32>
    %select_n3A_16 = arith.select %gt3A, %add3A_15, %get3A_8 : vector<64x128xi1>, vector<64x128xi32>
    %get3A_17 = arith.constant 0 : index
    %get3A_18 = arith.constant 128 : index
    %get3A_19 = vector.load %arg1[%get3A_17, %get3A_18] : memref<64x7936xf32, #tpu.memory_space<vmem>>, vector<64x128xf32>
    %gt3A_20 = arith.cmpf ogt, %get3A_19, %select_n3A : vector<64x128xf32>
    %select_n3A_21 = arith.select %gt3A_20, %get3A_19, %select_n3A : vector<64x128xi1>, vector<64x128xf32>
    %add3A_22 = arith.constant 128 : i32
    %add3A_23 = arith.addi %add3A_3, %add3A_22 : i32
    %add3A_24 = vector.broadcast %add3A_23 : i32 to vector<64x128xi32>
    %add3A_25 = arith.addi %add3A_24, %iota3A : vector<64x128xi32>
    %select_n3A_26 = arith.select %gt3A_20, %add3A_25, %select_n3A_16 : vector<64x128xi1>, vector<64x128xi32>
    %get3A_27 = arith.constant 0 : index
    %get3A_28 = arith.constant 256 : index
    %get3A_29 = vector.load %arg1[%get3A_27, %get3A_28] : memref<64x7936xf32, #tpu.memory_space<vmem>>, vector<64x128xf32>
    %gt3A_30 = arith.cmpf ogt, %get3A_29, %select_n3A_21 : vector<64x128xf32>
    %select_n3A_31 = arith.select %gt3A_30, %get3A_29, %select_n3A_21 : vector<64x128xi1>, vector<64x128xf32>
    %add3A_32 = arith.constant 256 : i32
    %add3A_33 = arith.addi %add3A_3, %add3A_32 : i32
    %add3A_34 = vector.broadcast %add3A_33 : i32 to vector<64x128xi32>
    %add3A_35 = arith.addi %add3A_34, %iota3A : vector<64x128xi32>
    %select_n3A_36 = arith.select %gt3A_30, %add3A_35, %select_n3A_26 : vector<64x128xi1>, vector<64x128xi32>
    %get3A_37 = arith.constant 0 : index
    %get3A_38 = arith.constant 384 : index
    %get3A_39 = vector.load %arg1[%get3A_37, %get3A_38] : memref<64x7936xf32, #tpu.memory_space<vmem>>, vector<64x128xf32>
    %gt3A_40 = arith.cmpf ogt, %get3A_39, %select_n3A_31 : vector<64x128xf32>
    %select_n3A_41 = arith.select %gt3A_40, %get3A_39, %select_n3A_31 : vector<64x128xi1>, vector<64x128xf32>
    %add3A_42 = arith.constant 384 : i32
    %add3A_43 = arith.addi %add3A_3, %add3A_42 : i32
    %add3A_44 = vector.broadcast %add3A_43 : i32 to vector<64x128xi32>
    %add3A_45 = arith.addi %add3A_44, %iota3A : vector<64x128xi32>
    %select_n3A_46 = arith.select %gt3A_40, %add3A_45, %select_n3A_36 : vector<64x128xi1>, vector<64x128xi32>
    %get3A_47 = arith.constant 0 : index
    %get3A_48 = arith.constant 512 : index
    %get3A_49 = vector.load %arg1[%get3A_47, %get3A_48] : memref<64x7936xf32, #tpu.memory_space<vmem>>, vector<64x128xf32>
    %gt3A_50 = arith.cmpf ogt, %get3A_49, %select_n3A_41 : vector<64x128xf32>
    %select_n3A_51 = arith.select %gt3A_50, %get3A_49, %select_n3A_41 : vector<64x128xi1>, vector<64x128xf32>
    %add3A_52 = arith.constant 512 : i32
    %add3A_53 = arith.addi %add3A_3, %add3A_52 : i32
    %add3A_54 = vector.broadcast %add3A_53 : i32 to vector<64x128xi32>
    %add3A_55 = arith.addi %add3A_54, %iota3A : vector<64x128xi32>
    %select_n3A_56 = arith.select %gt3A_50, %add3A_55, %select_n3A_46 : vector<64x128xi1>, vector<64x128xi32>
    %get3A_57 = arith.constant 0 : index
    %get3A_58 = arith.constant 640 : index
    %get3A_59 = vector.load %arg1[%get3A_57, %get3A_58] : memref<64x7936xf32, #tpu.memory_space<vmem>>, vector<64x128xf32>
    %gt3A_60 = arith.cmpf ogt, %get3A_59, %select_n3A_51 : vector<64x128xf32>
    %select_n3A_61 = arith.select %gt3A_60, %get3A_59, %select_n3A_51 : vector<64x128xi1>, vector<64x128xf32>
    %add3A_62 = arith.constant 640 : i32
    %add3A_63 = arith.addi %add3A_3, %add3A_62 : i32
    %add3A_64 = vector.broadcast %add3A_63 : i32 to vector<64x128xi32>
    %add3A_65 = arith.addi %add3A_64, %iota3A : vector<64x128xi32>
    %select_n3A_66 = arith.select %gt3A_60, %add3A_65, %select_n3A_56 : vector<64x128xi1>, vector<64x128xi32>
    %get3A_67 = arith.constant 0 : index
    %get3A_68 = arith.constant 768 : index
    %get3A_69 = vector.load %arg1[%get3A_67, %get3A_68] : memref<64x7936xf32, #tpu.memory_space<vmem>>, vector<64x128xf32>
    %gt3A_70 = arith.cmpf ogt, %get3A_69, %select_n3A_61 : vector<64x128xf32>
    %select_n3A_71 = arith.select %gt3A_70, %get3A_69, %select_n3A_61 : vector<64x128xi1>, vector<64x128xf32>
    %add3A_72 = arith.constant 768 : i32
    %add3A_73 = arith.addi %add3A_3, %add3A_72 : i32
    %add3A_74 = vector.broadcast %add3A_73 : i32 to vector<64x128xi32>
    %add3A_75 = arith.addi %add3A_74, %iota3A : vector<64x128xi32>
    %select_n3A_76 = arith.select %gt3A_70, %add3A_75, %select_n3A_66 : vector<64x128xi1>, vector<64x128xi32>
    %get3A_77 = arith.constant 0 : index
    %get3A_78 = arith.constant 896 : index
    %get3A_79 = vector.load %arg1[%get3A_77, %get3A_78] : memref<64x7936xf32, #tpu.memory_space<vmem>>, vector<64x128xf32>
    %gt3A_80 = arith.cmpf ogt, %get3A_79, %select_n3A_71 : vector<64x128xf32>
    %select_n3A_81 = arith.select %gt3A_80, %get3A_79, %select_n3A_71 : vector<64x128xi1>, vector<64x128xf32>
    %add3A_82 = arith.constant 896 : i32
    %add3A_83 = arith.addi %add3A_3, %add3A_82 : i32
    %add3A_84 = vector.broadcast %add3A_83 : i32 to vector<64x128xi32>
    %add3A_85 = arith.addi %add3A_84, %iota3A : vector<64x128xi32>
    %select_n3A_86 = arith.select %gt3A_80, %add3A_85, %select_n3A_76 : vector<64x128xi1>, vector<64x128xi32>
    %get3A_87 = arith.constant 0 : index
    %get3A_88 = arith.constant 1024 : index
    %get3A_89 = vector.load %arg1[%get3A_87, %get3A_88] : memref<64x7936xf32, #tpu.memory_space<vmem>>, vector<64x128xf32>
    %gt3A_90 = arith.cmpf ogt, %get3A_89, %select_n3A_81 : vector<64x128xf32>
    %select_n3A_91 = arith.select %gt3A_90, %get3A_89, %select_n3A_81 : vector<64x128xi1>, vector<64x128xf32>
    %add3A_92 = arith.constant 1024 : i32
    %add3A_93 = arith.addi %add3A_3, %add3A_92 : i32
    %add3A_94 = vector.broadcast %add3A_93 : i32 to vector<64x128xi32>
    %add3A_95 = arith.addi %add3A_94, %iota3A : vector<64x128xi32>
    %select_n3A_96 = arith.select %gt3A_90, %add3A_95, %select_n3A_86 : vector<64x128xi1>, vector<64x128xi32>
    %get3A_97 = arith.constant 0 : index
    %get3A_98 = arith.constant 1152 : index
    %get3A_99 = vector.load %arg1[%get3A_97, %get3A_98] : memref<64x7936xf32, #tpu.memory_space<vmem>>, vector<64x128xf32>
    %gt3A_100 = arith.cmpf ogt, %get3A_99, %select_n3A_91 : vector<64x128xf32>
    %select_n3A_101 = arith.select %gt3A_100, %get3A_99, %select_n3A_91 : vector<64x128xi1>, vector<64x128xf32>
    %add3A_102 = arith.constant 1152 : i32
    %add3A_103 = arith.addi %add3A_3, %add3A_102 : i32
    %add3A_104 = vector.broadcast %add3A_103 : i32 to vector<64x128xi32>
    %add3A_105 = arith.addi %add3A_104, %iota3A : vector<64x128xi32>
    %select_n3A_106 = arith.select %gt3A_100, %add3A_105, %select_n3A_96 : vector<64x128xi1>, vector<64x128xi32>
    %get3A_107 = arith.constant 0 : index
    %get3A_108 = arith.constant 1280 : index
    %get3A_109 = vector.load %arg1[%get3A_107, %get3A_108] : memref<64x7936xf32, #tpu.memory_space<vmem>>, vector<64x128xf32>
    %gt3A_110 = arith.cmpf ogt, %get3A_109, %select_n3A_101 : vector<64x128xf32>
    %select_n3A_111 = arith.select %gt3A_110, %get3A_109, %select_n3A_101 : vector<64x128xi1>, vector<64x128xf32>
    %add3A_112 = arith.constant 1280 : i32
    %add3A_113 = arith.addi %add3A_3, %add3A_112 : i32
    %add3A_114 = vector.broadcast %add3A_113 : i32 to vector<64x128xi32>
    %add3A_115 = arith.addi %add3A_114, %iota3A : vector<64x128xi32>
    %select_n3A_116 = arith.select %gt3A_110, %add3A_115, %select_n3A_106 : vector<64x128xi1>, vector<64x128xi32>
    %get3A_117 = arith.constant 0 : index
    %get3A_118 = arith.constant 1408 : index
    %get3A_119 = vector.load %arg1[%get3A_117, %get3A_118] : memref<64x7936xf32, #tpu.memory_space<vmem>>, vector<64x128xf32>
    %gt3A_120 = arith.cmpf ogt, %get3A_119, %select_n3A_111 : vector<64x128xf32>
    %select_n3A_121 = arith.select %gt3A_120, %get3A_119, %select_n3A_111 : vector<64x128xi1>, vector<64x128xf32>
    %add3A_122 = arith.constant 1408 : i32
    %add3A_123 = arith.addi %add3A_3, %add3A_122 : i32
    %add3A_124 = vector.broadcast %add3A_123 : i32 to vector<64x128xi32>
    %add3A_125 = arith.addi %add3A_124, %iota3A : vector<64x128xi32>
    %select_n3A_126 = arith.select %gt3A_120, %add3A_125, %select_n3A_116 : vector<64x128xi1>, vector<64x128xi32>
    %get3A_127 = arith.constant 0 : index
    %get3A_128 = arith.constant 1536 : index
    %get3A_129 = vector.load %arg1[%get3A_127, %get3A_128] : memref<64x7936xf32, #tpu.memory_space<vmem>>, vector<64x128xf32>
    %gt3A_130 = arith.cmpf ogt, %get3A_129, %select_n3A_121 : vector<64x128xf32>
    %select_n3A_131 = arith.select %gt3A_130, %get3A_129, %select_n3A_121 : vector<64x128xi1>, vector<64x128xf32>
    %add3A_132 = arith.constant 1536 : i32
    %add3A_133 = arith.addi %add3A_3, %add3A_132 : i32
    %add3A_134 = vector.broadcast %add3A_133 : i32 to vector<64x128xi32>
    %add3A_135 = arith.addi %add3A_134, %iota3A : vector<64x128xi32>
    %select_n3A_136 = arith.select %gt3A_130, %add3A_135, %select_n3A_126 : vector<64x128xi1>, vector<64x128xi32>
    %get3A_137 = arith.constant 0 : index
    %get3A_138 = arith.constant 1664 : index
    %get3A_139 = vector.load %arg1[%get3A_137, %get3A_138] : memref<64x7936xf32, #tpu.memory_space<vmem>>, vector<64x128xf32>
    %gt3A_140 = arith.cmpf ogt, %get3A_139, %select_n3A_131 : vector<64x128xf32>
    %select_n3A_141 = arith.select %gt3A_140, %get3A_139, %select_n3A_131 : vector<64x128xi1>, vector<64x128xf32>
    %add3A_142 = arith.constant 1664 : i32
    %add3A_143 = arith.addi %add3A_3, %add3A_142 : i32
    %add3A_144 = vector.broadcast %add3A_143 : i32 to vector<64x128xi32>
    %add3A_145 = arith.addi %add3A_144, %iota3A : vector<64x128xi32>
    %select_n3A_146 = arith.select %gt3A_140, %add3A_145, %select_n3A_136 : vector<64x128xi1>, vector<64x128xi32>
    %get3A_147 = arith.constant 0 : index
    %get3A_148 = arith.constant 1792 : index
    %get3A_149 = vector.load %arg1[%get3A_147, %get3A_148] : memref<64x7936xf32, #tpu.memory_space<vmem>>, vector<64x128xf32>
    %gt3A_150 = arith.cmpf ogt, %get3A_149, %select_n3A_141 : vector<64x128xf32>
    %select_n3A_151 = arith.select %gt3A_150, %get3A_149, %select_n3A_141 : vector<64x128xi1>, vector<64x128xf32>
    %add3A_152 = arith.constant 1792 : i32
    %add3A_153 = arith.addi %add3A_3, %add3A_152 : i32
    %add3A_154 = vector.broadcast %add3A_153 : i32 to vector<64x128xi32>
    %add3A_155 = arith.addi %add3A_154, %iota3A : vector<64x128xi32>
    %select_n3A_156 = arith.select %gt3A_150, %add3A_155, %select_n3A_146 : vector<64x128xi1>, vector<64x128xi32>
    %get3A_157 = arith.constant 0 : index
    %get3A_158 = arith.constant 1920 : index
    %get3A_159 = vector.load %arg1[%get3A_157, %get3A_158] : memref<64x7936xf32, #tpu.memory_space<vmem>>, vector<64x128xf32>
    %gt3A_160 = arith.cmpf ogt, %get3A_159, %select_n3A_151 : vector<64x128xf32>
    %select_n3A_161 = arith.select %gt3A_160, %get3A_159, %select_n3A_151 : vector<64x128xi1>, vector<64x128xf32>
    %add3A_162 = arith.constant 1920 : i32
    %add3A_163 = arith.addi %add3A_3, %add3A_162 : i32
    %add3A_164 = vector.broadcast %add3A_163 : i32 to vector<64x128xi32>
    %add3A_165 = arith.addi %add3A_164, %iota3A : vector<64x128xi32>
    %select_n3A_166 = arith.select %gt3A_160, %add3A_165, %select_n3A_156 : vector<64x128xi1>, vector<64x128xi32>
    %get3A_167 = arith.constant 0 : index
    %get3A_168 = arith.constant 2048 : index
    %get3A_169 = vector.load %arg1[%get3A_167, %get3A_168] : memref<64x7936xf32, #tpu.memory_space<vmem>>, vector<64x128xf32>
    %gt3A_170 = arith.cmpf ogt, %get3A_169, %select_n3A_161 : vector<64x128xf32>
    %select_n3A_171 = arith.select %gt3A_170, %get3A_169, %select_n3A_161 : vector<64x128xi1>, vector<64x128xf32>
    %add3A_172 = arith.constant 2048 : i32
    %add3A_173 = arith.addi %add3A_3, %add3A_172 : i32
    %add3A_174 = vector.broadcast %add3A_173 : i32 to vector<64x128xi32>
    %add3A_175 = arith.addi %add3A_174, %iota3A : vector<64x128xi32>
    %select_n3A_176 = arith.select %gt3A_170, %add3A_175, %select_n3A_166 : vector<64x128xi1>, vector<64x128xi32>
    %get3A_177 = arith.constant 0 : index
    %get3A_178 = arith.constant 2176 : index
    %get3A_179 = vector.load %arg1[%get3A_177, %get3A_178] : memref<64x7936xf32, #tpu.memory_space<vmem>>, vector<64x128xf32>
    %gt3A_180 = arith.cmpf ogt, %get3A_179, %select_n3A_171 : vector<64x128xf32>
    %select_n3A_181 = arith.select %gt3A_180, %get3A_179, %select_n3A_171 : vector<64x128xi1>, vector<64x128xf32>
    %add3A_182 = arith.constant 2176 : i32
    %add3A_183 = arith.addi %add3A_3, %add3A_182 : i32
    %add3A_184 = vector.broadcast %add3A_183 : i32 to vector<64x128xi32>
    %add3A_185 = arith.addi %add3A_184, %iota3A : vector<64x128xi32>
    %select_n3A_186 = arith.select %gt3A_180, %add3A_185, %select_n3A_176 : vector<64x128xi1>, vector<64x128xi32>
    %get3A_187 = arith.constant 0 : index
    %get3A_188 = arith.constant 2304 : index
    %get3A_189 = vector.load %arg1[%get3A_187, %get3A_188] : memref<64x7936xf32, #tpu.memory_space<vmem>>, vector<64x128xf32>
    %gt3A_190 = arith.cmpf ogt, %get3A_189, %select_n3A_181 : vector<64x128xf32>
    %select_n3A_191 = arith.select %gt3A_190, %get3A_189, %select_n3A_181 : vector<64x128xi1>, vector<64x128xf32>
    %add3A_192 = arith.constant 2304 : i32
    %add3A_193 = arith.addi %add3A_3, %add3A_192 : i32
    %add3A_194 = vector.broadcast %add3A_193 : i32 to vector<64x128xi32>
    %add3A_195 = arith.addi %add3A_194, %iota3A : vector<64x128xi32>
    %select_n3A_196 = arith.select %gt3A_190, %add3A_195, %select_n3A_186 : vector<64x128xi1>, vector<64x128xi32>
    %get3A_197 = arith.constant 0 : index
    %get3A_198 = arith.constant 2432 : index
    %get3A_199 = vector.load %arg1[%get3A_197, %get3A_198] : memref<64x7936xf32, #tpu.memory_space<vmem>>, vector<64x128xf32>
    %gt3A_200 = arith.cmpf ogt, %get3A_199, %select_n3A_191 : vector<64x128xf32>
    %select_n3A_201 = arith.select %gt3A_200, %get3A_199, %select_n3A_191 : vector<64x128xi1>, vector<64x128xf32>
    %add3A_202 = arith.constant 2432 : i32
    %add3A_203 = arith.addi %add3A_3, %add3A_202 : i32
    %add3A_204 = vector.broadcast %add3A_203 : i32 to vector<64x128xi32>
    %add3A_205 = arith.addi %add3A_204, %iota3A : vector<64x128xi32>
    %select_n3A_206 = arith.select %gt3A_200, %add3A_205, %select_n3A_196 : vector<64x128xi1>, vector<64x128xi32>
    %get3A_207 = arith.constant 0 : index
    %get3A_208 = arith.constant 2560 : index
    %get3A_209 = vector.load %arg1[%get3A_207, %get3A_208] : memref<64x7936xf32, #tpu.memory_space<vmem>>, vector<64x128xf32>
    %gt3A_210 = arith.cmpf ogt, %get3A_209, %select_n3A_201 : vector<64x128xf32>
    %select_n3A_211 = arith.select %gt3A_210, %get3A_209, %select_n3A_201 : vector<64x128xi1>, vector<64x128xf32>
    %add3A_212 = arith.constant 2560 : i32
    %add3A_213 = arith.addi %add3A_3, %add3A_212 : i32
    %add3A_214 = vector.broadcast %add3A_213 : i32 to vector<64x128xi32>
    %add3A_215 = arith.addi %add3A_214, %iota3A : vector<64x128xi32>
    %select_n3A_216 = arith.select %gt3A_210, %add3A_215, %select_n3A_206 : vector<64x128xi1>, vector<64x128xi32>
    %get3A_217 = arith.constant 0 : index
    %get3A_218 = arith.constant 2688 : index
    %get3A_219 = vector.load %arg1[%get3A_217, %get3A_218] : memref<64x7936xf32, #tpu.memory_space<vmem>>, vector<64x128xf32>
    %gt3A_220 = arith.cmpf ogt, %get3A_219, %select_n3A_211 : vector<64x128xf32>
    %select_n3A_221 = arith.select %gt3A_220, %get3A_219, %select_n3A_211 : vector<64x128xi1>, vector<64x128xf32>
    %add3A_222 = arith.constant 2688 : i32
    %add3A_223 = arith.addi %add3A_3, %add3A_222 : i32
    %add3A_224 = vector.broadcast %add3A_223 : i32 to vector<64x128xi32>
    %add3A_225 = arith.addi %add3A_224, %iota3A : vector<64x128xi32>
    %select_n3A_226 = arith.select %gt3A_220, %add3A_225, %select_n3A_216 : vector<64x128xi1>, vector<64x128xi32>
    %get3A_227 = arith.constant 0 : index
    %get3A_228 = arith.constant 2816 : index
    %get3A_229 = vector.load %arg1[%get3A_227, %get3A_228] : memref<64x7936xf32, #tpu.memory_space<vmem>>, vector<64x128xf32>
    %gt3A_230 = arith.cmpf ogt, %get3A_229, %select_n3A_221 : vector<64x128xf32>
    %select_n3A_231 = arith.select %gt3A_230, %get3A_229, %select_n3A_221 : vector<64x128xi1>, vector<64x128xf32>
    %add3A_232 = arith.constant 2816 : i32
    %add3A_233 = arith.addi %add3A_3, %add3A_232 : i32
    %add3A_234 = vector.broadcast %add3A_233 : i32 to vector<64x128xi32>
    %add3A_235 = arith.addi %add3A_234, %iota3A : vector<64x128xi32>
    %select_n3A_236 = arith.select %gt3A_230, %add3A_235, %select_n3A_226 : vector<64x128xi1>, vector<64x128xi32>
    %get3A_237 = arith.constant 0 : index
    %get3A_238 = arith.constant 2944 : index
    %get3A_239 = vector.load %arg1[%get3A_237, %get3A_238] : memref<64x7936xf32, #tpu.memory_space<vmem>>, vector<64x128xf32>
    %gt3A_240 = arith.cmpf ogt, %get3A_239, %select_n3A_231 : vector<64x128xf32>
    %select_n3A_241 = arith.select %gt3A_240, %get3A_239, %select_n3A_231 : vector<64x128xi1>, vector<64x128xf32>
    %add3A_242 = arith.constant 2944 : i32
    %add3A_243 = arith.addi %add3A_3, %add3A_242 : i32
    %add3A_244 = vector.broadcast %add3A_243 : i32 to vector<64x128xi32>
    %add3A_245 = arith.addi %add3A_244, %iota3A : vector<64x128xi32>
    %select_n3A_246 = arith.select %gt3A_240, %add3A_245, %select_n3A_236 : vector<64x128xi1>, vector<64x128xi32>
    %get3A_247 = arith.constant 0 : index
    %get3A_248 = arith.constant 3072 : index
    %get3A_249 = vector.load %arg1[%get3A_247, %get3A_248] : memref<64x7936xf32, #tpu.memory_space<vmem>>, vector<64x128xf32>
    %gt3A_250 = arith.cmpf ogt, %get3A_249, %select_n3A_241 : vector<64x128xf32>
    %select_n3A_251 = arith.select %gt3A_250, %get3A_249, %select_n3A_241 : vector<64x128xi1>, vector<64x128xf32>
    %add3A_252 = arith.constant 3072 : i32
    %add3A_253 = arith.addi %add3A_3, %add3A_252 : i32
    %add3A_254 = vector.broadcast %add3A_253 : i32 to vector<64x128xi32>
    %add3A_255 = arith.addi %add3A_254, %iota3A : vector<64x128xi32>
    %select_n3A_256 = arith.select %gt3A_250, %add3A_255, %select_n3A_246 : vector<64x128xi1>, vector<64x128xi32>
    %get3A_257 = arith.constant 0 : index
    %get3A_258 = arith.constant 3200 : index
    %get3A_259 = vector.load %arg1[%get3A_257, %get3A_258] : memref<64x7936xf32, #tpu.memory_space<vmem>>, vector<64x128xf32>
    %gt3A_260 = arith.cmpf ogt, %get3A_259, %select_n3A_251 : vector<64x128xf32>
    %select_n3A_261 = arith.select %gt3A_260, %get3A_259, %select_n3A_251 : vector<64x128xi1>, vector<64x128xf32>
    %add3A_262 = arith.constant 3200 : i32
    %add3A_263 = arith.addi %add3A_3, %add3A_262 : i32
    %add3A_264 = vector.broadcast %add3A_263 : i32 to vector<64x128xi32>
    %add3A_265 = arith.addi %add3A_264, %iota3A : vector<64x128xi32>
    %select_n3A_266 = arith.select %gt3A_260, %add3A_265, %select_n3A_256 : vector<64x128xi1>, vector<64x128xi32>
    %get3A_267 = arith.constant 0 : index
    %get3A_268 = arith.constant 3328 : index
    %get3A_269 = vector.load %arg1[%get3A_267, %get3A_268] : memref<64x7936xf32, #tpu.memory_space<vmem>>, vector<64x128xf32>
    %gt3A_270 = arith.cmpf ogt, %get3A_269, %select_n3A_261 : vector<64x128xf32>
    %select_n3A_271 = arith.select %gt3A_270, %get3A_269, %select_n3A_261 : vector<64x128xi1>, vector<64x128xf32>
    %add3A_272 = arith.constant 3328 : i32
    %add3A_273 = arith.addi %add3A_3, %add3A_272 : i32
    %add3A_274 = vector.broadcast %add3A_273 : i32 to vector<64x128xi32>
    %add3A_275 = arith.addi %add3A_274, %iota3A : vector<64x128xi32>
    %select_n3A_276 = arith.select %gt3A_270, %add3A_275, %select_n3A_266 : vector<64x128xi1>, vector<64x128xi32>
    %get3A_277 = arith.constant 0 : index
    %get3A_278 = arith.constant 3456 : index
    %get3A_279 = vector.load %arg1[%get3A_277, %get3A_278] : memref<64x7936xf32, #tpu.memory_space<vmem>>, vector<64x128xf32>
    %gt3A_280 = arith.cmpf ogt, %get3A_279, %select_n3A_271 : vector<64x128xf32>
    %select_n3A_281 = arith.select %gt3A_280, %get3A_279, %select_n3A_271 : vector<64x128xi1>, vector<64x128xf32>
    %add3A_282 = arith.constant 3456 : i32
    %add3A_283 = arith.addi %add3A_3, %add3A_282 : i32
    %add3A_284 = vector.broadcast %add3A_283 : i32 to vector<64x128xi32>
    %add3A_285 = arith.addi %add3A_284, %iota3A : vector<64x128xi32>
    %select_n3A_286 = arith.select %gt3A_280, %add3A_285, %select_n3A_276 : vector<64x128xi1>, vector<64x128xi32>
    %get3A_287 = arith.constant 0 : index
    %get3A_288 = arith.constant 3584 : index
    %get3A_289 = vector.load %arg1[%get3A_287, %get3A_288] : memref<64x7936xf32, #tpu.memory_space<vmem>>, vector<64x128xf32>
    %gt3A_290 = arith.cmpf ogt, %get3A_289, %select_n3A_281 : vector<64x128xf32>
    %select_n3A_291 = arith.select %gt3A_290, %get3A_289, %select_n3A_281 : vector<64x128xi1>, vector<64x128xf32>
    %add3A_292 = arith.constant 3584 : i32
    %add3A_293 = arith.addi %add3A_3, %add3A_292 : i32
    %add3A_294 = vector.broadcast %add3A_293 : i32 to vector<64x128xi32>
    %add3A_295 = arith.addi %add3A_294, %iota3A : vector<64x128xi32>
    %select_n3A_296 = arith.select %gt3A_290, %add3A_295, %select_n3A_286 : vector<64x128xi1>, vector<64x128xi32>
    %get3A_297 = arith.constant 0 : index
    %get3A_298 = arith.constant 3712 : index
    %get3A_299 = vector.load %arg1[%get3A_297, %get3A_298] : memref<64x7936xf32, #tpu.memory_space<vmem>>, vector<64x128xf32>
    %gt3A_300 = arith.cmpf ogt, %get3A_299, %select_n3A_291 : vector<64x128xf32>
    %select_n3A_301 = arith.select %gt3A_300, %get3A_299, %select_n3A_291 : vector<64x128xi1>, vector<64x128xf32>
    %add3A_302 = arith.constant 3712 : i32
    %add3A_303 = arith.addi %add3A_3, %add3A_302 : i32
    %add3A_304 = vector.broadcast %add3A_303 : i32 to vector<64x128xi32>
    %add3A_305 = arith.addi %add3A_304, %iota3A : vector<64x128xi32>
    %select_n3A_306 = arith.select %gt3A_300, %add3A_305, %select_n3A_296 : vector<64x128xi1>, vector<64x128xi32>
    %get3A_307 = arith.constant 0 : index
    %get3A_308 = arith.constant 3840 : index
    %get3A_309 = vector.load %arg1[%get3A_307, %get3A_308] : memref<64x7936xf32, #tpu.memory_space<vmem>>, vector<64x128xf32>
    %gt3A_310 = arith.cmpf ogt, %get3A_309, %select_n3A_301 : vector<64x128xf32>
    %select_n3A_311 = arith.select %gt3A_310, %get3A_309, %select_n3A_301 : vector<64x128xi1>, vector<64x128xf32>
    %add3A_312 = arith.constant 3840 : i32
    %add3A_313 = arith.addi %add3A_3, %add3A_312 : i32
    %add3A_314 = vector.broadcast %add3A_313 : i32 to vector<64x128xi32>
    %add3A_315 = arith.addi %add3A_314, %iota3A : vector<64x128xi32>
    %select_n3A_316 = arith.select %gt3A_310, %add3A_315, %select_n3A_306 : vector<64x128xi1>, vector<64x128xi32>
    %get3A_317 = arith.constant 0 : index
    %get3A_318 = arith.constant 3968 : index
    %get3A_319 = vector.load %arg1[%get3A_317, %get3A_318] : memref<64x7936xf32, #tpu.memory_space<vmem>>, vector<64x128xf32>
    %gt3A_320 = arith.cmpf ogt, %get3A_319, %select_n3A_311 : vector<64x128xf32>
    %select_n3A_321 = arith.select %gt3A_320, %get3A_319, %select_n3A_311 : vector<64x128xi1>, vector<64x128xf32>
    %add3A_322 = arith.constant 3968 : i32
    %add3A_323 = arith.addi %add3A_3, %add3A_322 : i32
    %add3A_324 = vector.broadcast %add3A_323 : i32 to vector<64x128xi32>
    %add3A_325 = arith.addi %add3A_324, %iota3A : vector<64x128xi32>
    %select_n3A_326 = arith.select %gt3A_320, %add3A_325, %select_n3A_316 : vector<64x128xi1>, vector<64x128xi32>
    %get3A_327 = arith.constant 0 : index
    %get3A_328 = arith.constant 4096 : index
    %get3A_329 = vector.load %arg1[%get3A_327, %get3A_328] : memref<64x7936xf32, #tpu.memory_space<vmem>>, vector<64x128xf32>
    %gt3A_330 = arith.cmpf ogt, %get3A_329, %select_n3A_321 : vector<64x128xf32>
    %select_n3A_331 = arith.select %gt3A_330, %get3A_329, %select_n3A_321 : vector<64x128xi1>, vector<64x128xf32>
    %add3A_332 = arith.constant 4096 : i32
    %add3A_333 = arith.addi %add3A_3, %add3A_332 : i32
    %add3A_334 = vector.broadcast %add3A_333 : i32 to vector<64x128xi32>
    %add3A_335 = arith.addi %add3A_334, %iota3A : vector<64x128xi32>
    %select_n3A_336 = arith.select %gt3A_330, %add3A_335, %select_n3A_326 : vector<64x128xi1>, vector<64x128xi32>
    %get3A_337 = arith.constant 0 : index
    %get3A_338 = arith.constant 4224 : index
    %get3A_339 = vector.load %arg1[%get3A_337, %get3A_338] : memref<64x7936xf32, #tpu.memory_space<vmem>>, vector<64x128xf32>
    %gt3A_340 = arith.cmpf ogt, %get3A_339, %select_n3A_331 : vector<64x128xf32>
    %select_n3A_341 = arith.select %gt3A_340, %get3A_339, %select_n3A_331 : vector<64x128xi1>, vector<64x128xf32>
    %add3A_342 = arith.constant 4224 : i32
    %add3A_343 = arith.addi %add3A_3, %add3A_342 : i32
    %add3A_344 = vector.broadcast %add3A_343 : i32 to vector<64x128xi32>
    %add3A_345 = arith.addi %add3A_344, %iota3A : vector<64x128xi32>
    %select_n3A_346 = arith.select %gt3A_340, %add3A_345, %select_n3A_336 : vector<64x128xi1>, vector<64x128xi32>
    %get3A_347 = arith.constant 0 : index
    %get3A_348 = arith.constant 4352 : index
    %get3A_349 = vector.load %arg1[%get3A_347, %get3A_348] : memref<64x7936xf32, #tpu.memory_space<vmem>>, vector<64x128xf32>
    %gt3A_350 = arith.cmpf ogt, %get3A_349, %select_n3A_341 : vector<64x128xf32>
    %select_n3A_351 = arith.select %gt3A_350, %get3A_349, %select_n3A_341 : vector<64x128xi1>, vector<64x128xf32>
    %add3A_352 = arith.constant 4352 : i32
    %add3A_353 = arith.addi %add3A_3, %add3A_352 : i32
    %add3A_354 = vector.broadcast %add3A_353 : i32 to vector<64x128xi32>
    %add3A_355 = arith.addi %add3A_354, %iota3A : vector<64x128xi32>
    %select_n3A_356 = arith.select %gt3A_350, %add3A_355, %select_n3A_346 : vector<64x128xi1>, vector<64x128xi32>
    %get3A_357 = arith.constant 0 : index
    %get3A_358 = arith.constant 4480 : index
    %get3A_359 = vector.load %arg1[%get3A_357, %get3A_358] : memref<64x7936xf32, #tpu.memory_space<vmem>>, vector<64x128xf32>
    %gt3A_360 = arith.cmpf ogt, %get3A_359, %select_n3A_351 : vector<64x128xf32>
    %select_n3A_361 = arith.select %gt3A_360, %get3A_359, %select_n3A_351 : vector<64x128xi1>, vector<64x128xf32>
    %add3A_362 = arith.constant 4480 : i32
    %add3A_363 = arith.addi %add3A_3, %add3A_362 : i32
    %add3A_364 = vector.broadcast %add3A_363 : i32 to vector<64x128xi32>
    %add3A_365 = arith.addi %add3A_364, %iota3A : vector<64x128xi32>
    %select_n3A_366 = arith.select %gt3A_360, %add3A_365, %select_n3A_356 : vector<64x128xi1>, vector<64x128xi32>
    %get3A_367 = arith.constant 0 : index
    %get3A_368 = arith.constant 4608 : index
    %get3A_369 = vector.load %arg1[%get3A_367, %get3A_368] : memref<64x7936xf32, #tpu.memory_space<vmem>>, vector<64x128xf32>
    %gt3A_370 = arith.cmpf ogt, %get3A_369, %select_n3A_361 : vector<64x128xf32>
    %select_n3A_371 = arith.select %gt3A_370, %get3A_369, %select_n3A_361 : vector<64x128xi1>, vector<64x128xf32>
    %add3A_372 = arith.constant 4608 : i32
    %add3A_373 = arith.addi %add3A_3, %add3A_372 : i32
    %add3A_374 = vector.broadcast %add3A_373 : i32 to vector<64x128xi32>
    %add3A_375 = arith.addi %add3A_374, %iota3A : vector<64x128xi32>
    %select_n3A_376 = arith.select %gt3A_370, %add3A_375, %select_n3A_366 : vector<64x128xi1>, vector<64x128xi32>
    %get3A_377 = arith.constant 0 : index
    %get3A_378 = arith.constant 4736 : index
    %get3A_379 = vector.load %arg1[%get3A_377, %get3A_378] : memref<64x7936xf32, #tpu.memory_space<vmem>>, vector<64x128xf32>
    %gt3A_380 = arith.cmpf ogt, %get3A_379, %select_n3A_371 : vector<64x128xf32>
    %select_n3A_381 = arith.select %gt3A_380, %get3A_379, %select_n3A_371 : vector<64x128xi1>, vector<64x128xf32>
    %add3A_382 = arith.constant 4736 : i32
    %add3A_383 = arith.addi %add3A_3, %add3A_382 : i32
    %add3A_384 = vector.broadcast %add3A_383 : i32 to vector<64x128xi32>
    %add3A_385 = arith.addi %add3A_384, %iota3A : vector<64x128xi32>
    %select_n3A_386 = arith.select %gt3A_380, %add3A_385, %select_n3A_376 : vector<64x128xi1>, vector<64x128xi32>
    %get3A_387 = arith.constant 0 : index
    %get3A_388 = arith.constant 4864 : index
    %get3A_389 = vector.load %arg1[%get3A_387, %get3A_388] : memref<64x7936xf32, #tpu.memory_space<vmem>>, vector<64x128xf32>
    %gt3A_390 = arith.cmpf ogt, %get3A_389, %select_n3A_381 : vector<64x128xf32>
    %select_n3A_391 = arith.select %gt3A_390, %get3A_389, %select_n3A_381 : vector<64x128xi1>, vector<64x128xf32>
    %add3A_392 = arith.constant 4864 : i32
    %add3A_393 = arith.addi %add3A_3, %add3A_392 : i32
    %add3A_394 = vector.broadcast %add3A_393 : i32 to vector<64x128xi32>
    %add3A_395 = arith.addi %add3A_394, %iota3A : vector<64x128xi32>
    %select_n3A_396 = arith.select %gt3A_390, %add3A_395, %select_n3A_386 : vector<64x128xi1>, vector<64x128xi32>
    %get3A_397 = arith.constant 0 : index
    %get3A_398 = arith.constant 4992 : index
    %get3A_399 = vector.load %arg1[%get3A_397, %get3A_398] : memref<64x7936xf32, #tpu.memory_space<vmem>>, vector<64x128xf32>
    %gt3A_400 = arith.cmpf ogt, %get3A_399, %select_n3A_391 : vector<64x128xf32>
    %select_n3A_401 = arith.select %gt3A_400, %get3A_399, %select_n3A_391 : vector<64x128xi1>, vector<64x128xf32>
    %add3A_402 = arith.constant 4992 : i32
    %add3A_403 = arith.addi %add3A_3, %add3A_402 : i32
    %add3A_404 = vector.broadcast %add3A_403 : i32 to vector<64x128xi32>
    %add3A_405 = arith.addi %add3A_404, %iota3A : vector<64x128xi32>
    %select_n3A_406 = arith.select %gt3A_400, %add3A_405, %select_n3A_396 : vector<64x128xi1>, vector<64x128xi32>
    %get3A_407 = arith.constant 0 : index
    %get3A_408 = arith.constant 5120 : index
    %get3A_409 = vector.load %arg1[%get3A_407, %get3A_408] : memref<64x7936xf32, #tpu.memory_space<vmem>>, vector<64x128xf32>
    %gt3A_410 = arith.cmpf ogt, %get3A_409, %select_n3A_401 : vector<64x128xf32>
    %select_n3A_411 = arith.select %gt3A_410, %get3A_409, %select_n3A_401 : vector<64x128xi1>, vector<64x128xf32>
    %add3A_412 = arith.constant 5120 : i32
    %add3A_413 = arith.addi %add3A_3, %add3A_412 : i32
    %add3A_414 = vector.broadcast %add3A_413 : i32 to vector<64x128xi32>
    %add3A_415 = arith.addi %add3A_414, %iota3A : vector<64x128xi32>
    %select_n3A_416 = arith.select %gt3A_410, %add3A_415, %select_n3A_406 : vector<64x128xi1>, vector<64x128xi32>
    %get3A_417 = arith.constant 0 : index
    %get3A_418 = arith.constant 5248 : index
    %get3A_419 = vector.load %arg1[%get3A_417, %get3A_418] : memref<64x7936xf32, #tpu.memory_space<vmem>>, vector<64x128xf32>
    %gt3A_420 = arith.cmpf ogt, %get3A_419, %select_n3A_411 : vector<64x128xf32>
    %select_n3A_421 = arith.select %gt3A_420, %get3A_419, %select_n3A_411 : vector<64x128xi1>, vector<64x128xf32>
    %add3A_422 = arith.constant 5248 : i32
    %add3A_423 = arith.addi %add3A_3, %add3A_422 : i32
    %add3A_424 = vector.broadcast %add3A_423 : i32 to vector<64x128xi32>
    %add3A_425 = arith.addi %add3A_424, %iota3A : vector<64x128xi32>
    %select_n3A_426 = arith.select %gt3A_420, %add3A_425, %select_n3A_416 : vector<64x128xi1>, vector<64x128xi32>
    %get3A_427 = arith.constant 0 : index
    %get3A_428 = arith.constant 5376 : index
    %get3A_429 = vector.load %arg1[%get3A_427, %get3A_428] : memref<64x7936xf32, #tpu.memory_space<vmem>>, vector<64x128xf32>
    %gt3A_430 = arith.cmpf ogt, %get3A_429, %select_n3A_421 : vector<64x128xf32>
    %select_n3A_431 = arith.select %gt3A_430, %get3A_429, %select_n3A_421 : vector<64x128xi1>, vector<64x128xf32>
    %add3A_432 = arith.constant 5376 : i32
    %add3A_433 = arith.addi %add3A_3, %add3A_432 : i32
    %add3A_434 = vector.broadcast %add3A_433 : i32 to vector<64x128xi32>
    %add3A_435 = arith.addi %add3A_434, %iota3A : vector<64x128xi32>
    %select_n3A_436 = arith.select %gt3A_430, %add3A_435, %select_n3A_426 : vector<64x128xi1>, vector<64x128xi32>
    %get3A_437 = arith.constant 0 : index
    %get3A_438 = arith.constant 5504 : index
    %get3A_439 = vector.load %arg1[%get3A_437, %get3A_438] : memref<64x7936xf32, #tpu.memory_space<vmem>>, vector<64x128xf32>
    %gt3A_440 = arith.cmpf ogt, %get3A_439, %select_n3A_431 : vector<64x128xf32>
    %select_n3A_441 = arith.select %gt3A_440, %get3A_439, %select_n3A_431 : vector<64x128xi1>, vector<64x128xf32>
    %add3A_442 = arith.constant 5504 : i32
    %add3A_443 = arith.addi %add3A_3, %add3A_442 : i32
    %add3A_444 = vector.broadcast %add3A_443 : i32 to vector<64x128xi32>
    %add3A_445 = arith.addi %add3A_444, %iota3A : vector<64x128xi32>
    %select_n3A_446 = arith.select %gt3A_440, %add3A_445, %select_n3A_436 : vector<64x128xi1>, vector<64x128xi32>
    %get3A_447 = arith.constant 0 : index
    %get3A_448 = arith.constant 5632 : index
    %get3A_449 = vector.load %arg1[%get3A_447, %get3A_448] : memref<64x7936xf32, #tpu.memory_space<vmem>>, vector<64x128xf32>
    %gt3A_450 = arith.cmpf ogt, %get3A_449, %select_n3A_441 : vector<64x128xf32>
    %select_n3A_451 = arith.select %gt3A_450, %get3A_449, %select_n3A_441 : vector<64x128xi1>, vector<64x128xf32>
    %add3A_452 = arith.constant 5632 : i32
    %add3A_453 = arith.addi %add3A_3, %add3A_452 : i32
    %add3A_454 = vector.broadcast %add3A_453 : i32 to vector<64x128xi32>
    %add3A_455 = arith.addi %add3A_454, %iota3A : vector<64x128xi32>
    %select_n3A_456 = arith.select %gt3A_450, %add3A_455, %select_n3A_446 : vector<64x128xi1>, vector<64x128xi32>
    %get3A_457 = arith.constant 0 : index
    %get3A_458 = arith.constant 5760 : index
    %get3A_459 = vector.load %arg1[%get3A_457, %get3A_458] : memref<64x7936xf32, #tpu.memory_space<vmem>>, vector<64x128xf32>
    %gt3A_460 = arith.cmpf ogt, %get3A_459, %select_n3A_451 : vector<64x128xf32>
    %select_n3A_461 = arith.select %gt3A_460, %get3A_459, %select_n3A_451 : vector<64x128xi1>, vector<64x128xf32>
    %add3A_462 = arith.constant 5760 : i32
    %add3A_463 = arith.addi %add3A_3, %add3A_462 : i32
    %add3A_464 = vector.broadcast %add3A_463 : i32 to vector<64x128xi32>
    %add3A_465 = arith.addi %add3A_464, %iota3A : vector<64x128xi32>
    %select_n3A_466 = arith.select %gt3A_460, %add3A_465, %select_n3A_456 : vector<64x128xi1>, vector<64x128xi32>
    %get3A_467 = arith.constant 0 : index
    %get3A_468 = arith.constant 5888 : index
    %get3A_469 = vector.load %arg1[%get3A_467, %get3A_468] : memref<64x7936xf32, #tpu.memory_space<vmem>>, vector<64x128xf32>
    %gt3A_470 = arith.cmpf ogt, %get3A_469, %select_n3A_461 : vector<64x128xf32>
    %select_n3A_471 = arith.select %gt3A_470, %get3A_469, %select_n3A_461 : vector<64x128xi1>, vector<64x128xf32>
    %add3A_472 = arith.constant 5888 : i32
    %add3A_473 = arith.addi %add3A_3, %add3A_472 : i32
    %add3A_474 = vector.broadcast %add3A_473 : i32 to vector<64x128xi32>
    %add3A_475 = arith.addi %add3A_474, %iota3A : vector<64x128xi32>
    %select_n3A_476 = arith.select %gt3A_470, %add3A_475, %select_n3A_466 : vector<64x128xi1>, vector<64x128xi32>
    %get3A_477 = arith.constant 0 : index
    %get3A_478 = arith.constant 6016 : index
    %get3A_479 = vector.load %arg1[%get3A_477, %get3A_478] : memref<64x7936xf32, #tpu.memory_space<vmem>>, vector<64x128xf32>
    %gt3A_480 = arith.cmpf ogt, %get3A_479, %select_n3A_471 : vector<64x128xf32>
    %select_n3A_481 = arith.select %gt3A_480, %get3A_479, %select_n3A_471 : vector<64x128xi1>, vector<64x128xf32>
    %add3A_482 = arith.constant 6016 : i32
    %add3A_483 = arith.addi %add3A_3, %add3A_482 : i32
    %add3A_484 = vector.broadcast %add3A_483 : i32 to vector<64x128xi32>
    %add3A_485 = arith.addi %add3A_484, %iota3A : vector<64x128xi32>
    %select_n3A_486 = arith.select %gt3A_480, %add3A_485, %select_n3A_476 : vector<64x128xi1>, vector<64x128xi32>
    %get3A_487 = arith.constant 0 : index
    %get3A_488 = arith.constant 6144 : index
    %get3A_489 = vector.load %arg1[%get3A_487, %get3A_488] : memref<64x7936xf32, #tpu.memory_space<vmem>>, vector<64x128xf32>
    %gt3A_490 = arith.cmpf ogt, %get3A_489, %select_n3A_481 : vector<64x128xf32>
    %select_n3A_491 = arith.select %gt3A_490, %get3A_489, %select_n3A_481 : vector<64x128xi1>, vector<64x128xf32>
    %add3A_492 = arith.constant 6144 : i32
    %add3A_493 = arith.addi %add3A_3, %add3A_492 : i32
    %add3A_494 = vector.broadcast %add3A_493 : i32 to vector<64x128xi32>
    %add3A_495 = arith.addi %add3A_494, %iota3A : vector<64x128xi32>
    %select_n3A_496 = arith.select %gt3A_490, %add3A_495, %select_n3A_486 : vector<64x128xi1>, vector<64x128xi32>
    %get3A_497 = arith.constant 0 : index
    %get3A_498 = arith.constant 6272 : index
    %get3A_499 = vector.load %arg1[%get3A_497, %get3A_498] : memref<64x7936xf32, #tpu.memory_space<vmem>>, vector<64x128xf32>
    %gt3A_500 = arith.cmpf ogt, %get3A_499, %select_n3A_491 : vector<64x128xf32>
    %select_n3A_501 = arith.select %gt3A_500, %get3A_499, %select_n3A_491 : vector<64x128xi1>, vector<64x128xf32>
    %add3A_502 = arith.constant 6272 : i32
    %add3A_503 = arith.addi %add3A_3, %add3A_502 : i32
    %add3A_504 = vector.broadcast %add3A_503 : i32 to vector<64x128xi32>
    %add3A_505 = arith.addi %add3A_504, %iota3A : vector<64x128xi32>
    %select_n3A_506 = arith.select %gt3A_500, %add3A_505, %select_n3A_496 : vector<64x128xi1>, vector<64x128xi32>
    %get3A_507 = arith.constant 0 : index
    %get3A_508 = arith.constant 6400 : index
    %get3A_509 = vector.load %arg1[%get3A_507, %get3A_508] : memref<64x7936xf32, #tpu.memory_space<vmem>>, vector<64x128xf32>
    %gt3A_510 = arith.cmpf ogt, %get3A_509, %select_n3A_501 : vector<64x128xf32>
    %select_n3A_511 = arith.select %gt3A_510, %get3A_509, %select_n3A_501 : vector<64x128xi1>, vector<64x128xf32>
    %add3A_512 = arith.constant 6400 : i32
    %add3A_513 = arith.addi %add3A_3, %add3A_512 : i32
    %add3A_514 = vector.broadcast %add3A_513 : i32 to vector<64x128xi32>
    %add3A_515 = arith.addi %add3A_514, %iota3A : vector<64x128xi32>
    %select_n3A_516 = arith.select %gt3A_510, %add3A_515, %select_n3A_506 : vector<64x128xi1>, vector<64x128xi32>
    %get3A_517 = arith.constant 0 : index
    %get3A_518 = arith.constant 6528 : index
    %get3A_519 = vector.load %arg1[%get3A_517, %get3A_518] : memref<64x7936xf32, #tpu.memory_space<vmem>>, vector<64x128xf32>
    %gt3A_520 = arith.cmpf ogt, %get3A_519, %select_n3A_511 : vector<64x128xf32>
    %select_n3A_521 = arith.select %gt3A_520, %get3A_519, %select_n3A_511 : vector<64x128xi1>, vector<64x128xf32>
    %add3A_522 = arith.constant 6528 : i32
    %add3A_523 = arith.addi %add3A_3, %add3A_522 : i32
    %add3A_524 = vector.broadcast %add3A_523 : i32 to vector<64x128xi32>
    %add3A_525 = arith.addi %add3A_524, %iota3A : vector<64x128xi32>
    %select_n3A_526 = arith.select %gt3A_520, %add3A_525, %select_n3A_516 : vector<64x128xi1>, vector<64x128xi32>
    %get3A_527 = arith.constant 0 : index
    %get3A_528 = arith.constant 6656 : index
    %get3A_529 = vector.load %arg1[%get3A_527, %get3A_528] : memref<64x7936xf32, #tpu.memory_space<vmem>>, vector<64x128xf32>
    %gt3A_530 = arith.cmpf ogt, %get3A_529, %select_n3A_521 : vector<64x128xf32>
    %select_n3A_531 = arith.select %gt3A_530, %get3A_529, %select_n3A_521 : vector<64x128xi1>, vector<64x128xf32>
    %add3A_532 = arith.constant 6656 : i32
    %add3A_533 = arith.addi %add3A_3, %add3A_532 : i32
    %add3A_534 = vector.broadcast %add3A_533 : i32 to vector<64x128xi32>
    %add3A_535 = arith.addi %add3A_534, %iota3A : vector<64x128xi32>
    %select_n3A_536 = arith.select %gt3A_530, %add3A_535, %select_n3A_526 : vector<64x128xi1>, vector<64x128xi32>
    %get3A_537 = arith.constant 0 : index
    %get3A_538 = arith.constant 6784 : index
    %get3A_539 = vector.load %arg1[%get3A_537, %get3A_538] : memref<64x7936xf32, #tpu.memory_space<vmem>>, vector<64x128xf32>
    %gt3A_540 = arith.cmpf ogt, %get3A_539, %select_n3A_531 : vector<64x128xf32>
    %select_n3A_541 = arith.select %gt3A_540, %get3A_539, %select_n3A_531 : vector<64x128xi1>, vector<64x128xf32>
    %add3A_542 = arith.constant 6784 : i32
    %add3A_543 = arith.addi %add3A_3, %add3A_542 : i32
    %add3A_544 = vector.broadcast %add3A_543 : i32 to vector<64x128xi32>
    %add3A_545 = arith.addi %add3A_544, %iota3A : vector<64x128xi32>
    %select_n3A_546 = arith.select %gt3A_540, %add3A_545, %select_n3A_536 : vector<64x128xi1>, vector<64x128xi32>
    %get3A_547 = arith.constant 0 : index
    %get3A_548 = arith.constant 6912 : index
    %get3A_549 = vector.load %arg1[%get3A_547, %get3A_548] : memref<64x7936xf32, #tpu.memory_space<vmem>>, vector<64x128xf32>
    %gt3A_550 = arith.cmpf ogt, %get3A_549, %select_n3A_541 : vector<64x128xf32>
    %select_n3A_551 = arith.select %gt3A_550, %get3A_549, %select_n3A_541 : vector<64x128xi1>, vector<64x128xf32>
    %add3A_552 = arith.constant 6912 : i32
    %add3A_553 = arith.addi %add3A_3, %add3A_552 : i32
    %add3A_554 = vector.broadcast %add3A_553 : i32 to vector<64x128xi32>
    %add3A_555 = arith.addi %add3A_554, %iota3A : vector<64x128xi32>
    %select_n3A_556 = arith.select %gt3A_550, %add3A_555, %select_n3A_546 : vector<64x128xi1>, vector<64x128xi32>
    %get3A_557 = arith.constant 0 : index
    %get3A_558 = arith.constant 7040 : index
    %get3A_559 = vector.load %arg1[%get3A_557, %get3A_558] : memref<64x7936xf32, #tpu.memory_space<vmem>>, vector<64x128xf32>
    %gt3A_560 = arith.cmpf ogt, %get3A_559, %select_n3A_551 : vector<64x128xf32>
    %select_n3A_561 = arith.select %gt3A_560, %get3A_559, %select_n3A_551 : vector<64x128xi1>, vector<64x128xf32>
    %add3A_562 = arith.constant 7040 : i32
    %add3A_563 = arith.addi %add3A_3, %add3A_562 : i32
    %add3A_564 = vector.broadcast %add3A_563 : i32 to vector<64x128xi32>
    %add3A_565 = arith.addi %add3A_564, %iota3A : vector<64x128xi32>
    %select_n3A_566 = arith.select %gt3A_560, %add3A_565, %select_n3A_556 : vector<64x128xi1>, vector<64x128xi32>
    %get3A_567 = arith.constant 0 : index
    %get3A_568 = arith.constant 7168 : index
    %get3A_569 = vector.load %arg1[%get3A_567, %get3A_568] : memref<64x7936xf32, #tpu.memory_space<vmem>>, vector<64x128xf32>
    %gt3A_570 = arith.cmpf ogt, %get3A_569, %select_n3A_561 : vector<64x128xf32>
    %select_n3A_571 = arith.select %gt3A_570, %get3A_569, %select_n3A_561 : vector<64x128xi1>, vector<64x128xf32>
    %add3A_572 = arith.constant 7168 : i32
    %add3A_573 = arith.addi %add3A_3, %add3A_572 : i32
    %add3A_574 = vector.broadcast %add3A_573 : i32 to vector<64x128xi32>
    %add3A_575 = arith.addi %add3A_574, %iota3A : vector<64x128xi32>
    %select_n3A_576 = arith.select %gt3A_570, %add3A_575, %select_n3A_566 : vector<64x128xi1>, vector<64x128xi32>
    %get3A_577 = arith.constant 0 : index
    %get3A_578 = arith.constant 7296 : index
    %get3A_579 = vector.load %arg1[%get3A_577, %get3A_578] : memref<64x7936xf32, #tpu.memory_space<vmem>>, vector<64x128xf32>
    %gt3A_580 = arith.cmpf ogt, %get3A_579, %select_n3A_571 : vector<64x128xf32>
    %select_n3A_581 = arith.select %gt3A_580, %get3A_579, %select_n3A_571 : vector<64x128xi1>, vector<64x128xf32>
    %add3A_582 = arith.constant 7296 : i32
    %add3A_583 = arith.addi %add3A_3, %add3A_582 : i32
    %add3A_584 = vector.broadcast %add3A_583 : i32 to vector<64x128xi32>
    %add3A_585 = arith.addi %add3A_584, %iota3A : vector<64x128xi32>
    %select_n3A_586 = arith.select %gt3A_580, %add3A_585, %select_n3A_576 : vector<64x128xi1>, vector<64x128xi32>
    %get3A_587 = arith.constant 0 : index
    %get3A_588 = arith.constant 7424 : index
    %get3A_589 = vector.load %arg1[%get3A_587, %get3A_588] : memref<64x7936xf32, #tpu.memory_space<vmem>>, vector<64x128xf32>
    %gt3A_590 = arith.cmpf ogt, %get3A_589, %select_n3A_581 : vector<64x128xf32>
    %select_n3A_591 = arith.select %gt3A_590, %get3A_589, %select_n3A_581 : vector<64x128xi1>, vector<64x128xf32>
    %add3A_592 = arith.constant 7424 : i32
    %add3A_593 = arith.addi %add3A_3, %add3A_592 : i32
    %add3A_594 = vector.broadcast %add3A_593 : i32 to vector<64x128xi32>
    %add3A_595 = arith.addi %add3A_594, %iota3A : vector<64x128xi32>
    %select_n3A_596 = arith.select %gt3A_590, %add3A_595, %select_n3A_586 : vector<64x128xi1>, vector<64x128xi32>
    %get3A_597 = arith.constant 0 : index
    %get3A_598 = arith.constant 7552 : index
    %get3A_599 = vector.load %arg1[%get3A_597, %get3A_598] : memref<64x7936xf32, #tpu.memory_space<vmem>>, vector<64x128xf32>
    %gt3A_600 = arith.cmpf ogt, %get3A_599, %select_n3A_591 : vector<64x128xf32>
    %select_n3A_601 = arith.select %gt3A_600, %get3A_599, %select_n3A_591 : vector<64x128xi1>, vector<64x128xf32>
    %add3A_602 = arith.constant 7552 : i32
    %add3A_603 = arith.addi %add3A_3, %add3A_602 : i32
    %add3A_604 = vector.broadcast %add3A_603 : i32 to vector<64x128xi32>
    %add3A_605 = arith.addi %add3A_604, %iota3A : vector<64x128xi32>
    %select_n3A_606 = arith.select %gt3A_600, %add3A_605, %select_n3A_596 : vector<64x128xi1>, vector<64x128xi32>
    %get3A_607 = arith.constant 0 : index
    %get3A_608 = arith.constant 7680 : index
    %get3A_609 = vector.load %arg1[%get3A_607, %get3A_608] : memref<64x7936xf32, #tpu.memory_space<vmem>>, vector<64x128xf32>
    %gt3A_610 = arith.cmpf ogt, %get3A_609, %select_n3A_601 : vector<64x128xf32>
    %select_n3A_611 = arith.select %gt3A_610, %get3A_609, %select_n3A_601 : vector<64x128xi1>, vector<64x128xf32>
    %add3A_612 = arith.constant 7680 : i32
    %add3A_613 = arith.addi %add3A_3, %add3A_612 : i32
    %add3A_614 = vector.broadcast %add3A_613 : i32 to vector<64x128xi32>
    %add3A_615 = arith.addi %add3A_614, %iota3A : vector<64x128xi32>
    %select_n3A_616 = arith.select %gt3A_610, %add3A_615, %select_n3A_606 : vector<64x128xi1>, vector<64x128xi32>
    %get3A_617 = arith.constant 0 : index
    %get3A_618 = arith.constant 7808 : index
    %get3A_619 = vector.load %arg1[%get3A_617, %get3A_618] : memref<64x7936xf32, #tpu.memory_space<vmem>>, vector<64x128xf32>
    %gt3A_620 = arith.cmpf ogt, %get3A_619, %select_n3A_611 : vector<64x128xf32>
    %select_n3A_621 = arith.select %gt3A_620, %get3A_619, %select_n3A_611 : vector<64x128xi1>, vector<64x128xf32>
    %add3A_622 = arith.constant 7808 : i32
    %add3A_623 = arith.addi %add3A_3, %add3A_622 : i32
    %add3A_624 = vector.broadcast %add3A_623 : i32 to vector<64x128xi32>
    %add3A_625 = arith.addi %add3A_624, %iota3A : vector<64x128xi32>
    %select_n3A_626 = arith.select %gt3A_620, %add3A_625, %select_n3A_616 : vector<64x128xi1>, vector<64x128xi32>
    %swap3A = arith.constant 0 : index
    %swap3A_627 = arith.constant 0 : index
    %swap3A_628 = vector.load %arg4[%swap3A, %swap3A_627] : memref<64x128xf32, #tpu.memory_space<vmem>>, vector<64x128xf32>
    tpu.vector_store %arg4[%swap3A, %swap3A_627], %select_n3A_621 {strides = array<i32>} : memref<64x128xf32, #tpu.memory_space<vmem>>, vector<64x128xf32>,
    %swap3A_629 = arith.constant 0 : index
    %swap3A_630 = arith.constant 0 : index
    %swap3A_631 = vector.load %arg5[%swap3A_629, %swap3A_630] : memref<64x128xi32, #tpu.memory_space<vmem>>, vector<64x128xi32>
    tpu.vector_store %arg5[%swap3A_629, %swap3A_630], %select_n3A_626 {strides = array<i32>} : memref<64x128xi32, #tpu.memory_space<vmem>>, vector<64x128xi32>,
    %eq3A_632 = arith.constant 47 : i32
    %eq3A_633 = arith.cmpi eq, %arg0, %eq3A_632 : i32
    %convert_element_type3A_634 = arith.extui %eq3A_633 : i1 to i32
    %cond3A_635 = arith.constant 0 : i32
    %cond3A_636 = arith.cmpi ne, %convert_element_type3A_634, %cond3A_635 : i32
    scf.if %cond3A_636 {
      %reduce_max3A = arith.constant dense<0xFF800000> : vector<64xf32>
      %reduce_max3A_637 = vector.multi_reduction <maximumf>, %select_n3A_621, %reduce_max3A [1] : vector<64x128xf32> to vector<64xf32>
      %broadcast_in_dim3A = vector.shape_cast %reduce_max3A_637 : vector<64xf32> to vector<64x1xf32>
      %eq3A_638 = vector.broadcast %broadcast_in_dim3A : vector<64x1xf32> to vector<64x128xf32>
      %eq3A_639 = arith.cmpf oeq, %select_n3A_621, %eq3A_638 : vector<64x128xf32>
      %jit3A = arith.constant 2147483647 : i32
      %broadcast_in_dim3A_640 = vector.broadcast %jit3A : i32 to vector<64x128xi32>
      %select_n3A_641 = arith.select %eq3A_639, %select_n3A_626, %broadcast_in_dim3A_640 : vector<64x128xi1>, vector<64x128xi32>
      %reduce_min3A = arith.constant dense<2147483647> : vector<64xi32>
      %reduce_min3A_642 = vector.multi_reduction <minsi>, %select_n3A_641, %reduce_min3A [1] : vector<64x128xi32> to vector<64xi32>
      %broadcast_in_dim3A_643 = vector.shape_cast %reduce_min3A_642 : vector<64xi32> to vector<64x1xi32>
      %swap3A_644 = arith.constant 0 : index
      %swap3A_645 = arith.constant 0 : index
      %swap3A_646 = vector.load %arg2[%swap3A_644, %swap3A_645] : memref<64x1xf32, #tpu.memory_space<vmem>>, vector<64x1xf32>
      tpu.vector_store %arg2[%swap3A_644, %swap3A_645], %broadcast_in_dim3A {strides = array<i32>} : memref<64x1xf32, #tpu.memory_space<vmem>>, vector<64x1xf32>,
      %swap3A_647 = arith.constant 0 : index
      %swap3A_648 = arith.constant 0 : index
      %swap3A_649 = vector.load %arg3[%swap3A_647, %swap3A_648] : memref<64x1xi32, #tpu.memory_space<vmem>>, vector<64x1xi32>
      tpu.vector_store %arg3[%swap3A_647, %swap3A_648], %broadcast_in_dim3A_643 {strides = array<i32>} : memref<64x1xi32, #tpu.memory_space<vmem>>, vector<64x1xi32>,
    } else {
    }
    return
  }
  func.func @transform_0(%arg0: i32) -> (i32, i32) {
    %add3A = arith.constant 78 : i32
    %add3A_0 = arith.addi %add3A, %arg0 : i32
    %c0_i32 = arith.constant 0 : i32
    %c0_i32_1 = arith.constant 0 : i32
    return %c0_i32, %add3A_0 : i32, i32
  }
  func.func @transform_1(%arg0: i32) -> (i32, i32) {
    %c0_i32 = arith.constant 0 : i32
    %c0_i32_0 = arith.constant 0 : i32
    %c0_i32_1 = arith.constant 0 : i32
    return %c0_i32, %c0_i32_0 : i32, i32
  }
  func.func @transform_2(%arg0: i32) -> (i32, i32) {
    %c0_i32 = arith.constant 0 : i32
    %c0_i32_0 = arith.constant 0 : i32
    %c0_i32_1 = arith.constant 0 : i32
    return %c0_i32, %c0_i32_0 : i32, i32
  }
}

module attributes {stable_mosaic.version = 14 : i64} {
  func.func @_merge_body(%arg0: memref<4x64xf32, #tpu.memory_space<vmem>>, %arg1: memref<4x64xi32, #tpu.memory_space<vmem>>, %arg2: memref<64x1xf32, #tpu.memory_space<vmem>>, %arg3: memref<64x1xi32, #tpu.memory_space<vmem>>, %arg4: memref<1x64xi32, #tpu.memory_space<vmem>>, %arg5: memref<64x1xi32, #tpu.memory_space<vmem>>, %arg6: memref<64x64xi32, #tpu.memory_space<vmem>>) attributes {dimension_semantics = [], scalar_prefetch = 0 : i64, scratch_operands = 0 : i64, tpu.core_type = #tpu.core_type<tc>} {
    %get3A = arith.constant 0 : index
    %get3A_0 = arith.constant 0 : index
    %get3A_1 = vector.load %arg0[%get3A, %get3A_0] : memref<4x64xf32, #tpu.memory_space<vmem>>, vector<4x64xf32>
    %reduce_max3A = arith.constant dense<0xFF800000> : vector<64xf32>
    %reduce_max3A_2 = vector.multi_reduction <maximumf>, %get3A_1, %reduce_max3A [0] : vector<4x64xf32> to vector<64xf32>
    %broadcast_in_dim3A = vector.shape_cast %reduce_max3A_2 : vector<64xf32> to vector<1x64xf32>
    %eq3A = vector.broadcast %broadcast_in_dim3A : vector<1x64xf32> to vector<4x64xf32>
    %eq3A_3 = arith.cmpf oeq, %get3A_1, %eq3A : vector<4x64xf32>
    %get3A_4 = arith.constant 0 : index
    %get3A_5 = arith.constant 0 : index
    %get3A_6 = vector.load %arg1[%get3A_4, %get3A_5] : memref<4x64xi32, #tpu.memory_space<vmem>>, vector<4x64xi32>
    %jit3A = arith.constant 2147483647 : i32
    %broadcast_in_dim3A_7 = vector.broadcast %jit3A : i32 to vector<4x64xi32>
    %select_n3A = arith.select %eq3A_3, %get3A_6, %broadcast_in_dim3A_7 : vector<4x64xi1>, vector<4x64xi32>
    %reduce_min3A = arith.constant dense<2147483647> : vector<64xi32>
    %reduce_min3A_8 = vector.multi_reduction <minsi>, %select_n3A, %reduce_min3A [0] : vector<4x64xi32> to vector<64xi32>
    %broadcast_in_dim3A_9 = vector.shape_cast %reduce_min3A_8 : vector<64xi32> to vector<1x64xi32>
    %iota3A = tpu.iota {dimensions = array<i32: 0>} : vector<64x64xi32>
    %iota3A_10 = tpu.iota {dimensions = array<i32: 1>} : vector<64x64xi32>
    %eq3A_11 = arith.cmpi eq, %iota3A, %iota3A_10 : vector<64x64xi32>
    %convert_element_type3A = arith.extui %eq3A_11 : vector<64x64xi1> to vector<64x64xi32>
    %convert_element_type3A_12 = arith.sitofp %convert_element_type3A : vector<64x64xi32> to vector<64x64xf32>
    %dot_general3A = arith.constant dense<0.000000e+00> : vector<64x1xf32>
    %dot_general3A_13 = tpu.matmul %convert_element_type3A_12, %broadcast_in_dim3A, %dot_general3A {dimension_numbers = #tpu.dot_dimension_numbers<[1], [1], [0], [0], [0, 0, 1, 0], [], []>, precision = #tpu.contract_precision<fp32>, transpose_lhs_hint = false} : vector<64x64xf32>, vector<1x64xf32>, vector<64x1xf32> -> vector<64x1xf32>
    %convert_element_type3A_14 = arith.sitofp %broadcast_in_dim3A_9 : vector<1x64xi32> to vector<1x64xf32>
    %dot_general3A_15 = arith.constant dense<0.000000e+00> : vector<64x1xf32>
    %dot_general3A_16 = tpu.matmul %convert_element_type3A_12, %convert_element_type3A_14, %dot_general3A_15 {dimension_numbers = #tpu.dot_dimension_numbers<[1], [1], [0], [0], [0, 0, 1, 0], [], []>, precision = #tpu.contract_precision<fp32>, transpose_lhs_hint = false} : vector<64x64xf32>, vector<1x64xf32>, vector<64x1xf32> -> vector<64x1xf32>
    %convert_element_type3A_17 = arith.fptosi %dot_general3A_16 : vector<64x1xf32> to vector<64x1xi32>
    %get3A_18 = arith.constant 0 : index
    %get3A_19 = arith.constant 0 : index
    %get3A_20 = vector.load %arg2[%get3A_18, %get3A_19] : memref<64x1xf32, #tpu.memory_space<vmem>>, vector<64x1xf32>
    %concatenate3A = tpu.concatenate %dot_general3A_13, %get3A_20 in 1 : vector<64x1xf32>, vector<64x1xf32> -> vector<64x2xf32>
    %get3A_21 = arith.constant 0 : index
    %get3A_22 = arith.constant 0 : index
    %get3A_23 = vector.load %arg3[%get3A_21, %get3A_22] : memref<64x1xi32, #tpu.memory_space<vmem>>, vector<64x1xi32>
    %concatenate3A_24 = tpu.concatenate %convert_element_type3A_17, %get3A_23 in 1 : vector<64x1xi32>, vector<64x1xi32> -> vector<64x2xi32>
    %reduce_max3A_25 = arith.constant dense<0xFF800000> : vector<64xf32>
    %reduce_max3A_26 = vector.multi_reduction <maximumf>, %concatenate3A, %reduce_max3A_25 [1] : vector<64x2xf32> to vector<64xf32>
    %broadcast_in_dim3A_27 = vector.shape_cast %reduce_max3A_26 : vector<64xf32> to vector<64x1xf32>
    %eq3A_28 = vector.broadcast %broadcast_in_dim3A_27 : vector<64x1xf32> to vector<64x2xf32>
    %eq3A_29 = arith.cmpf oeq, %concatenate3A, %eq3A_28 : vector<64x2xf32>
    %jit3A_30 = arith.constant 2147483647 : i32
    %broadcast_in_dim3A_31 = vector.broadcast %jit3A_30 : i32 to vector<64x2xi32>
    %select_n3A_32 = arith.select %eq3A_29, %concatenate3A_24, %broadcast_in_dim3A_31 : vector<64x2xi1>, vector<64x2xi32>
    %reduce_min3A_33 = arith.constant dense<2147483647> : vector<64xi32>
    %reduce_min3A_34 = vector.multi_reduction <minsi>, %select_n3A_32, %reduce_min3A_33 [1] : vector<64x2xi32> to vector<64xi32>
    %broadcast_in_dim3A_35 = vector.shape_cast %reduce_min3A_34 : vector<64xi32> to vector<64x1xi32>
    %get3A_36 = arith.constant 0 : index
    %get3A_37 = arith.constant 0 : index
    %get3A_38 = vector.load %arg5[%get3A_36, %get3A_37] : memref<64x1xi32, #tpu.memory_space<vmem>>, vector<64x1xi32>
    %ne3A = arith.constant 0 : i32
    %ne3A_39 = vector.broadcast %ne3A : i32 to vector<64x1xi32>
    %ne3A_40 = arith.cmpi ne, %get3A_38, %ne3A_39 : vector<64x1xi32>
    %get3A_41 = arith.constant 0 : index
    %get3A_42 = arith.constant 0 : index
    %get3A_43 = vector.load %arg4[%get3A_41, %get3A_42] : memref<1x64xi32, #tpu.memory_space<vmem>>, vector<1x64xi32>
    %broadcast_in_dim3A_44 = vector.shape_cast %ne3A_40 : vector<64x1xi1> to vector<64x1xi1>
    %broadcast_in_dim3A_45 = vector.broadcast %broadcast_in_dim3A_44 : vector<64x1xi1> to vector<64x64xi1>
    %broadcast_in_dim3A_46 = vector.shape_cast %broadcast_in_dim3A_35 : vector<64x1xi32> to vector<64x1xi32>
    %broadcast_in_dim3A_47 = vector.broadcast %broadcast_in_dim3A_46 : vector<64x1xi32> to vector<64x64xi32>
    %broadcast_in_dim3A_48 = vector.shape_cast %get3A_43 : vector<1x64xi32> to vector<1x64xi32>
    %broadcast_in_dim3A_49 = vector.broadcast %broadcast_in_dim3A_48 : vector<1x64xi32> to vector<64x64xi32>
    %select_n3A_50 = arith.select %broadcast_in_dim3A_45, %broadcast_in_dim3A_47, %broadcast_in_dim3A_49 : vector<64x64xi1>, vector<64x64xi32>
    %swap3A = arith.constant 0 : index
    %swap3A_51 = arith.constant 0 : index
    %swap3A_52 = vector.load %arg6[%swap3A, %swap3A_51] : memref<64x64xi32, #tpu.memory_space<vmem>>, vector<64x64xi32>
    tpu.vector_store %arg6[%swap3A, %swap3A_51], %select_n3A_50 {strides = array<i32>} : memref<64x64xi32, #tpu.memory_space<vmem>>, vector<64x64xi32>,
    return
  }
}

</mosaic_0001>

<sc_bundles>
// kernel: kernel.5.cloned.1.call-start
scs
__scs_entry_jumppad:
0x0: {  	(pc) =	sbr.rel $0x88, $3  }
0x1: {  	(tag) =	ssettag $0x0;
	lr =	simm.s32 $0x1  }
0x2: {  	[smem:$0x3FA0] =	sst lr;
	_ =	strace $0xD0000000  }
0x3: {  	_ = 	snop  }
0x4: {  	_ = 	snop  }
0x5: {  	_ = 	snop  }
0x6: {  	_ = 	snop  }
0x7: {  	_ = 	snop  }
__scs_overlays_trampoline_lowered:
0x8: {  	[smem:$0x3FAF] =	sst s0  }
0x9: {  	[smem:$0x3FB0] =	sst s1  }
0xa: {  	[smem:$0x3FB1] =	sst s2  }
0xb: {  	[smem:$0x3FB2] =	sst s3  }
0xc: {  	[smem:$0x3FB3] =	sst s4  }
0xd: {  	[smem:$0x3FB4] =	sst s5  }
0xe: {  	[smem:$0x3FB5] =	sst s6  }
0xf: {  	[smem:$0x3FB6] =	sst s7  }
0x10: {  	[smem:$0x3FB7] =	sst s8  }
0x11: {  	[smem:$0x3FB8] =	sst s9;
	s0 =	simm.s32 @!p0 $0x0  }
0x12: {  	s1 =	sld [smem:$0x3F9E];
	s0 =	simm.s32 @p0 $0x1  }
0x13: {  	[smem:$0x3FB9] =	sst s0;
	s0 =	simm.s32 @!p1 $0x0  }
0x14: {  	s2 =	sld [smem:$0x3F9D];
	s0 =	simm.s32 @p1 $0x1  }
0x15: {  	[smem:$0x3FBA] =	sst s0;
	s0 =	simm.s32 @!p2 $0x0  }
0x16: {  	s3 =	sld [smem:$0x3FDB];
	s0 =	simm.s32 @p2 $0x1  }
0x17: {  	s4 =	simm.s32 $0x1BF5;
	[smem:$0x3FBC] =	sst s0  }
0x18: {  	s0 =	sld [smem:$0x3F9F];
	_ =	swait.ge [sflag:s4], $0x0  }
0x19: {  	s7 =	sld [smem:$0x3FA0]  }
0x1a: {  	s8 =	sadd.s32 $0xFFFFE003, lr  }
0x1b: {  	s9 =	sadd.s32 $0xFFFFFEF7, lr;
	s5 =	simm.s32 $0xFFFFFFFF;
	p2 =	slt.u32 s8, $0xFFFFF086  }
0x1c: {  	p1 =	slt.u32 s9, $0xF7A;
	s5 =	simm.s32 @!p2 $0x0  }
0x1d: {  	s5 =	simm.s32 @p1 $0x1;
	p0 =	seq.s32 s7, s2  }
0x1e: {  	s7 =	smul.u32 @!p0 $0xF7A, s2;
	p2 =	seq.s32 @!p0 s5, $0x0  }
0x1f: {  	s9 =	smul.u32 $0xF7A, s1;
	s8 =	simm.s32 @!p0 $0x1BF5;
	p2 =	por !p2, p0  }
0x20: {  	[sflag:s8] =	ssyncset.s32 @!p0 $0xFFFFF086;
	s6 =	sadd.s32 @!p0 s3, s7;
	s7 =	simm.s32 @!p0 $0x108  }
0x21: {  	s3 =	sadd.s32 s3, s9;
	s6 =	sadd.s32 @!p0 $0x88, s6;
	s7 =	simm.s32 @p2 $0x1082  }
0x22: {  	[simem:s7], [sflag:s8] =	dma.local @!p0 [hbm:s6], $0xF7A  }
0x23: {  	s9 =	sor.u32 $0xD0000000, s2;
	s6 =	simm.s32 $0x108;
	_ =	swait.ge @!p0 [sflag:s8], $0x0  }
0x24: {  	s3 =	sadd.s32 $0x88, s3;
	s6 =	simm.s32 @!p1 $0x1082;
	[sflag:s4] =	ssyncset.s32 $0xFFFFF086  }
0x25: {  	[simem:s6], [sflag:s4] =	dma.local [hbm:s3], $0xF7A  }
0x26: {  	[smem:$0x3FA0] =	sst s1;
	(tag) =	ssettag s2;
	_ =	strace s9  }
0x27: {  	s1 =	sld [smem:$0x3FB0]  }
0x28: {  	s2 =	sld [smem:$0x3FB1]  }
0x29: {  	s4 =	sld [smem:$0x3FB3]  }
0x2a: {  	p0 =	seq.s32 s5, $0x0;
	s5 =	sld [smem:$0x3FB4]  }
0x2b: {  	s6 =	sld [smem:$0x3FB5]  }
0x2c: {  	s7 =	sld [smem:$0x3FB6]  }
0x2d: {  	s3 =	simm.s32 $0x108;
	s8 =	sld [smem:$0x3FB7]  }
0x2e: {  	s3 =	simm.s32 @!p0 $0x1082;
	s9 =	sld [smem:$0x3FB8]  }
0x2f: {  	lr =	sadd.s32 s0, s3;
	s0 =	sld [smem:$0x3FAF]  }
0x30: {  	s3 =	sld [smem:$0x3FB2]  }
0x31: {  	[smem:$0x3FBB] =	sst s10  }
0x32: {  	s10 =	sld [smem:$0x3FB9];
	_ =	sdelay $0x3  }
0x33: {  	p0 =	seq.s32 s10, $0x1;
	s10 =	sld [smem:$0x3FBB];
	_ =	sdelay $0x3  }
0x34: {  	[smem:$0x3FBB] =	sst s10  }
0x35: {  	s10 =	sld [smem:$0x3FBA];
	_ =	sdelay $0x3  }
0x36: {  	p1 =	seq.s32 s10, $0x1;
	s10 =	sld [smem:$0x3FBB];
	_ =	sdelay $0x3  }
0x37: {  	[smem:$0x3FBB] =	sst s10  }
0x38: {  	s10 =	sld [smem:$0x3FBC]  }
0x39: {  	_ = 	snop;
	(pc) =	sbr.ind lr, $3  }
0x3a: {  	_ = 	snop  }
0x3b: {  	_ = 	snop  }
0x3c: {  	p2 =	seq.s32 s10, $0x1;
	s10 =	sld [smem:$0x3FBB]  }
0x3d: {  	_ =	shalt  }
0x3e: {  	_ =	shalt  }
0x3f: {  	_ =	shalt  }
0x40: {  	_ =	shalt  }
0x41: {  	_ =	shalt  }
0x42: {  	_ =	shalt  }
0x43: {  	_ =	shalt  }
0x44: {  	_ =	shalt  }
0x45: {  	_ =	shalt  }
0x46: {  	_ =	shalt  }
0x47: {  	_ =	shalt  }
0x48: {  	_ =	shalt  }
0x49: {  	_ =	shalt  }
0x4a: {  	_ =	shalt  }
0x4b: {  	_ =	shalt  }
0x4c: {  	_ =	shalt  }
0x4d: {  	_ =	shalt  }
0x4e: {  	_ =	shalt  }
0x4f: {  	_ =	shalt  }
0x50: {  	_ =	shalt  }
0x51: {  	_ =	shalt  }
0x52: {  	_ =	shalt  }
0x53: {  	_ =	shalt  }
0x54: {  	_ =	shalt  }
0x55: {  	_ =	shalt  }
0x56: {  	_ =	shalt  }
0x57: {  	_ =	shalt  }
0x58: {  	_ =	shalt  }
0x59: {  	_ =	shalt  }
0x5a: {  	_ =	shalt  }
0x5b: {  	_ =	shalt  }
0x5c: {  	_ =	shalt  }
0x5d: {  	_ =	shalt  }
0x5e: {  	_ =	shalt  }
0x5f: {  	_ =	shalt  }
0x60: {  	_ =	shalt  }
0x61: {  	_ =	shalt  }
0x62: {  	_ =	shalt  }
0x63: {  	_ =	shalt  }
0x64: {  	_ =	shalt  }
0x65: {  	_ =	shalt  }
0x66: {  	_ =	shalt  }
0x67: {  	_ =	shalt  }
0x68: {  	_ =	shalt  }
0x69: {  	_ =	shalt  }
0x6a: {  	_ =	shalt  }
0x6b: {  	_ =	shalt  }
0x6c: {  	_ =	shalt  }
0x6d: {  	_ =	shalt  }
0x6e: {  	_ =	shalt  }
0x6f: {  	_ =	shalt  }
0x70: {  	_ =	shalt  }
0x71: {  	_ =	shalt  }
0x72: {  	_ =	shalt  }
0x73: {  	_ =	shalt  }
0x74: {  	_ =	shalt  }
0x75: {  	_ =	shalt  }
0x76: {  	_ =	shalt  }
0x77: {  	_ =	shalt  }
0x78: {  	_ =	shalt  }
0x79: {  	_ =	shalt  }
0x7a: {  	_ =	shalt  }
0x7b: {  	_ =	shalt  }
0x7c: {  	_ =	shalt  }
0x7d: {  	_ =	shalt  }
0x7e: {  	_ =	shalt  }
0x7f: {  	_ =	shalt  }
0x80: {  	_ =	shalt  }
0x81: {  	_ =	shalt  }
0x82: {  	_ =	shalt  }
0x83: {  	_ =	shalt  }
0x84: {  	_ =	shalt  }
0x85: {  	_ =	shalt  }
0x86: {  	_ =	shalt  }
0x87: {  	_ =	shalt  }
.Lfunc_end0:
.L_simem_size_0:
called_computation_lowered:
.L_overlay_start_0:
0x88: {  	s2 =	sld [smem:$0x3FD9]  }
0x89: {  	s3 =	sld [smem:$0x3FFE];
	_ =	sdelay $0x1  }
0x8a: {  	s1 =	srdreg.scid  }
0x8b: {  	s0 =	sand.u32 $0x1, s1  }
0x8c: {  	s17 =	sshll.u32 s0, $0xA;
	s2 =	sadd.s32 s3, s2  }
0x8d: {  	s2 =	sadd.s32 s2, s17  }
0x8e: {  	[smem:$0x3FC7] =	sst s2  }
0x8f: {  	_ = 	snop  }
0x90: {  	s2 =	sld [smem:$0x3FC9]  }
0x91: {  	s18 =	sld [smem:$0x3FD0];
	(tm) =	ssettm $0x1  }
0x92: {  	s4 =	sld [smem:$0x3FFB];
	_ =	sdelay $0x3  }
0x93: {  	_ =	strace s4  }
0x94: {  	s4 =	sld [smem:$0x3FFC];
	_ =	sdelay $0x3  }
0x95: {  	_ =	strace s4  }
0x96: {  	s4 =	sld [smem:$0x3FFD];
	_ =	sdelay $0x3  }
0x97: {  	_ =	strace s4  }
0x98: {  	_ =	strace $0x8FFFFFFF  }
0x99: {  	s19 =	sld [smem:$0x3FDB];
	_ =	sdelay $0x1  }
0x9a: {  	s5 =	simm.s32 $_scs_section_size  }
0x9b: {  	s6 =	simm.s32 $_size__tile_overlayer_lowered;
	s7 =	simm.s32 $_tile_overlayer_lowered  }
0x9c: {  	s22 =	simm.s32 $0x1BFF;
	s21 =	sshll.u32 s7, $0x1;
	s4 =	sadd.s32 s5, s19  }
0x9d: {  	s8 =	simm.s32 $0x0;
	s20 =	sshll.u32 s6, $0x1;
	s6 =	sadd.s32 s21, s4  }
0x9e: {  	[timem:s8], [sflag:s22] =	dma.local [hbm:s6], s20  }
0x9f: {  	_ =	swait.ge [sflag:s22], s20  }
0xa0: {  	s5 =	ssub.s32 $0x0, s20;
	[sflag:s22] =	ssyncset.done $0x0  }
0xa1: {  	[sflag:s22] =	ssyncadd.s32 s5;
	_ =	sdelay $0x1  }
0xa2: {  	s23 =	simm.s32 $0x1B8B  }
0xa3: {  	_ =	swait.ge [sflag:s23], $0x1  }
0xa4: {  	[sflag:s23] =	ssyncset.done $0x0  }
0xa5: {  	s25 =	simm.s32 $0x1B8E;
	s24 =	sld [smem:$0x3FFE];
	[sflag:s23] =	ssyncadd.s32 $0xFFFFFFFF  }
0xa6: {  	s26 =	simm.s32 $execute0_lowered;
	[smem:$0x3FD2] =	sst s25  }
0xa7: {  	s6 =	sshll.u32 s26, $0x1;
	_ =	strace $0x80000046;
	[dreg:$0x1] =	wrdreg $0xFFFFFFFF  }
0xa8: {  	s28 =	simm.s32 $_size_execute0_lowered;
	s4 =	sadd.s32 s4, s6;
	[dreg:$0x0] =	wrdreg $0x0  }
0xa9: {  	s6 =	sshll.u32 s28, $0x1;
	[dreg:$0x2] =	wrdreg s4  }
0xaa: {  	[dreg:$0x3] =	wrdreg s6  }
0xab: {  	[dreg:$0x4] =	wrdreg $0xC0  }
0xac: {  	_ =	task [dreg:s8], $0x5FFFF  }
0xad: {  	[dreg:$0x1] =	wrdreg $0xFFFFFFFF  }
0xae: {  	[dreg:$0x0] =	wrdreg $0x60  }
0xaf: {  	[dreg:$0x2] =	wrdreg s2  }
0xb0: {  	[dreg:$0x3] =	wrdreg s18  }
0xb1: {  	[dreg:$0x4] =	wrdreg s24  }
0xb2: {  	[dreg:$0x5] =	wrdreg $0x9  }
0xb3: {  	_ =	task.clear_ibuf [dreg:s8], $0x6FFFF;
	_ =	strace $0x90000046  }
0xb4: {  	s29 =	simm.s32 $0x9;
	_ =	strace $0x80000048  }
0xb5: {  	_ =	swait.ge [sflag:s29], $0x1  }
0xb6: {  	[sflag:s29] =	ssyncadd.s32 $0xFFFFFFFF  }
0xb7: {  	_ =	strace $0x90000048  }
0xb8: {  	_ =	sfence  }
0xb9: {  	s30 =	sld [smem:$0x0];
	_ =	sdelay $0x2  }
0xba: {  	s31 =	sshll.u32 s1, $0xD;
	s1 =	sshrl.u32 s1, $0x2  }
0xbb: {  	s3 =	sand.u32 $0x4000, s31;
	s1 =	sadd.s32 s1, s30  }
0xbc: {  	s0 =	sor.u32 s3, s0;
	s1 =	sshll.u32 s1, $0x11  }
0xbd: {  	s0 =	sor.u32 s1, s0  }
0xbe: {  	s0 =	sadd.s32 $0x8F2B, s0  }
0xbf: {  	[sflag:s0] =	ssyncadd.remote.s32 $0x1  }
0xc0: {  	_ =	sfence.sel $0xFFFF  }
0xc1: {  	[dreg:$0x0] =	wrdreg $0xFFFFFFFF;
	(pc) =	sbr.abs _section_cstart, $3  }
0xc2: {  	[dreg:$0x1] =	wrdreg $0xFFFFFFFF  }
0xc3: {  	_ =	task.clear_ibuf [dreg:s8], $0x2FFFF;
	_ =	strace $0x9FFFFFFF  }
0xc4: {  	(tm) =	ssettm $0x7FFFFFFF  }
0xc5: {  	_ =	shalt  }
tec
execute0_lowered:
.L_overlay_start_1:
0x0: {  	(tag) =	ssettag $0x1  }
0x1: {  	s1 =	rddreg [dreg:$0x0]  }
0x2: {  	s0 =	srdreg.scid;
	s12 =	rddreg [dreg:$0x1]  }
0x3: {  	s6 =	stileid.u32;
	s4 =	rddreg [dreg:$0x2];
	s16 =	simm.s32 $0xF800  }
0x4: {  	s17 =	simm.s32 $0x1;
	s18 =	simm.s32 $0x2;
	s19 =	simm.s32 $0x3  }
0x5: {  	v0 =	vimm.s32 $0xEFCDAB89;
	v1 =	vimm.s32 $0x67452301;
	s21 =	simm.s32 $0x4;
	s22 =	simm.s32 $0x17800;
	s23 =	simm.s32 $0x17880  }
0x6: {  	s24 =	simm.s32 $0x0;
	s0 =	sand.u32 $0x1, s0;
	s2 =	sshll.u32 s6, $0x1;
	v0 =	vunpack.c.l.s4.s8 v0;
	v1 =	vunpack.c.l.s4.s8 v1  }
0x7: {  	s6 =	sand.u32 $0x3, s6;
	s3 =	sshll.u32 s0, $0x5;
	s2 =	sand.u32 $0x18, s2  }
0x8: {  	v2 =	vimm.s32 $0xDCFE98BA;
	s7 =	sshll.u32 s6, $0x7;
	s8 =	smul.u32 $0x12E400, s6;
	s0 =	ssub.s32 $0x2, s0;
	v0 =	vunpack.c.0.s8.s32 v0;
	v1 =	vunpack.c.0.s8.s32 v1  }
0x9: {  	v4 =	vimm.s32 $0x32107654;
	v5 =	vimm.s32 $0xFEDCBA98;
	v2 =	vunpack.c.l.s4.s8 v2;
	p0 =	seq.s32 s6, $0x3;
	s3 =	sor.u32 s3, s2;
	s2 =	simm.s32 $0x0  }
0xa: {  	v6 =	vimm.s32 $0x76543210;
	v4 =	vunpack.c.l.s4.s8 v4;
	s29 =	sshrl.u32 s0, $0x1;
	s5 =	sshrl.u32 s3, $0x3;
	[smem:$0x7FF] =	sst s2;
	v3 =	vcombine.low v1, v0  }
0xb: {  	s3 =	sor.u32 s7, s3;
	s0 =	ssub.s32 s0, s29;
	s5 =	smul.u32 $0x7A1400, s5;
	v0 =	vunpack.c.0.s8.s32 v2;
	v1 =	vimm.s32 $0x54761032;
	v2 =	vimm.s32 $0xBA98FEDC  }
0xc: {  	v5 =	vunpack.c.l.s4.s8 v5;
	_ =	strace $0x80000047;
	s13 =	sshrl.u32 s3, $0x3;
	s3 =	smul.u32 $0x25C80, s6;
	v1 =	vunpack.c.l.s4.s8 v1;
	v2 =	vunpack.c.l.s4.s8 v2  }
0xd: {  	v6 =	vunpack.c.l.s4.s8 v6;
	v4 =	vunpack.c.0.s8.s32 v4;
	s14 =	sadd.s32 s13, s4;
	s12 =	sadd.s32 s12, s13;
	s30 =	sadd.s32 s8, s5  }
0xe: {  	v5 =	vunpack.c.0.s8.s32 v5;
	s5 =	sshrl.u32 s5, $0x3;
	s7 =	sadd.s32 $0x1F00, s3;
	s9 =	sadd.s32 $0xF80, s3;
	v1 =	vunpack.c.0.s8.s32 v1;
	v2 =	vunpack.c.0.s8.s32 v2  }
0xf: {  	v6 =	vunpack.c.0.s8.s32 v6;
	s13 =	sadd.s32 $0x1200, s14;
	s14 =	smax.u32 s0, $0x1;
	s31 =	sshrl.u32 s30, $0x3  }
0x10: {  	v5 =	vand.u32 $0xF, v5;
	s5 =	sadd.s32 s1, s5;
	s4 =	sadd.s32 s1, s31;
	s1 =	simm.f32 $0.0e+00;
	v7 =	vcombine.low v1, v0;
	v4 =	vcombine.low v4, v2  }
0x11: {  	v5 =	vcombine.low v5, v6;
	s10 =	sadd.s32 s3, s5;
	s11 =	sadd.s32 $0xF4200, s5;
	s1 =	simm.s32 @!p0 $0xFF800000;
	v1 =	vlaneseq.u32;
	v2 =	vand.u32 $0xF, v3  }
0x12: {  	s6 =	sadd.s32 $0xF80, s4;
	s8 =	sadd.s32 $0x2E80, s10;
	s10 =	sadd.s32 $0x3E00, s10;
	v0 =	vmov s1;
	v3 =	vand.u32 $0xF, v7;
	v4 =	vand.u32 $0xF, v4  }
.LBB2_1:
0x13: {  	v12 =	vimm.f32 $-Inf  }
0x14: {  	v6 =	vimm.s32 $0x0;
	v9 =	vimm.s32 $0x0;
	v11 =	vimm.s32 $0x0  }
0x15: {  	v7 =	vimm.s32 $0x0;
	v8 =	vimm.s32 $0x0;
	v10 =	vimm.s32 $0x0  }
0x16: {  	[tilespmem:s2], [sflag:$0x1] =	stream.linear.gather [hbm4b:s4+s2], $0x7C00, $0x38;
	v19 =	vimm.s32 $0x0;
	v27 =	vimm.s32 $0x0;
	v14 =	vimm.f32 $-Inf;
	[tilespmem:$0x17900] =	vst v63  }
0x17: {  	s0 =	simm.s32 $0x7C00;
	v18 =	vimm.f32 $-Inf;
	v13 =	vimm.f32 $-Inf;
	v16 =	vimm.f32 $-Inf;
	s25 =	simm.s32 $0x0  }
0x18: {  	v17 =	vimm.f32 $-Inf;
	v23 =	vimm.f32 $-Inf;
	v25 =	vimm.f32 $-Inf;
	[tilespmem:s0], [sflag:$0x2] =	stream.linear.gather [hbm4b:s6+s2], $0x7C00, $0x38;
	[tilespmem:$0x17900] =	vst v63  }
.LBB2_2:
0x19: {  	s28 =	smul.u32 $0x2E80, s25;
	_ =	sdelay $0x1  }
0x1a: {  	s26 =	sadd.s32 s28, s7  }
0x1b: {  	s29 =	simm.s32 $0x0;
	s0 =	sadd.s32 s26, s5  }
0x1c: {  	[tilespmem:s16], [sflag:$0x3] =	stream.linear.gather [hbm4b:s0+s29], $0x7C00, $0x38;
	[tilespmem:$0x17900] =	vst v63  }
0x1d: {  	_ =	swait.ge [sflag:s17], $0x7C00  }
0x1e: {  	s15 =	sand.u32 $0x40, s29;
	s1 =	sand.u32 $0x7C00, s29;
	[sflag:s17] =	ssyncset.done $0x0  }
0x1f: {  	s0 =	sor.u32 s15, s1;
	[sflag:s17] =	ssyncadd.s32 $0xFFFF8400  }
0x20: {  	v28 =	vld [tilespmem:s0+$0x30]  }
0x21: {  	v31 =	vld [tilespmem:s0+$0xB0]  }
0x22: {  	v21 =	vld [tilespmem:s0+$0x130]  }
0x23: {  	v22 =	vld [tilespmem:s0+$0x1B0]  }
0x24: {  	v30 =	vld [tilespmem:s0+$0x20]  }
0x25: {  	v32 =	vld [tilespmem:s0+$0xA0]  }
0x26: {  	v33 =	vld [tilespmem:s0+$0x120]  }
0x27: {  	v34 =	vld [tilespmem:s0+$0x1A0]  }
0x28: {  	v29 =	vld [tilespmem:s0+$0x0]  }
0x29: {  	v38 =	vld [tilespmem:s0+$0x80]  }
0x2a: {  	v39 =	vld [tilespmem:s0+$0x10]  }
0x2b: {  	p0 =	por $0x0, $0x0;
	s20 =	sadd.s32 s3, s28;
	s15 =	simm.s32 $0x1;
	v40 =	vld [tilespmem:s0+$0x90]  }
0x2c: {  	v24 =	vor.u32 s20, v1;
	s15 =	simm.s32 @!p0 $0x0;
	v35 =	vld [tilespmem:s0+$0x110]  }
0x2d: {  	v20 =	vadd.s32 $0x20, v24;
	v15 =	vadd.s32 $0x30, v24;
	s15 =	sshll.u32 s15, $0x6;
	v36 =	vld [tilespmem:s0+$0x190]  }
0x2e: {  	v26 =	vadd.s32 $0x10, v24;
	s15 =	sadd.s32 $0x0, s15;
	v37 =	vld [tilespmem:s0+$0x100];
	vm0 =	vgt.f32 v29, v25;
	vm1 =	vgt.f32 v38, v23  }
0x2f: {  	s20 =	sor.u32 $0x200, s15;
	v25 =	vsel vm0, v29, v25;
	v29 =	vsel vm1, v38, v23;
	v41 =	vsel vm1, v24, v19;
	v23 =	vld [tilespmem:s0+$0x180]  }
0x30: {  	s1 =	sor.u32 $0x280, s15;
	v27 =	vsel vm0, v24, v27;
	v38 =	vld [tilespmem:s20+$0x0];
	vm7 =	vgt.f32 v39, v25;
	vm8 =	vgt.f32 v40, v29  }
0x31: {  	v19 =	vld [tilespmem:s1+$0x0];
	s20 =	sor.u32 $0x300, s15;
	s1 =	sadd.s32 $0x10, s15;
	v25 =	vsel vm7, v39, v25;
	v63 =	vsel vm8, v40, v29;
	v41 =	vsel vm8, v26, v41  }
0x32: {  	v29 =	vld [tilespmem:s20+$0x0];
	v27 =	vsel vm7, v26, v27;
	s20 =	sor.u32 $0x200, s1;
	vm9 =	vgt.f32 v30, v25;
	vm10 =	vgt.f32 v32, v63  }
0x33: {  	s30 =	sor.u32 $0x380, s15;
	s0 =	sadd.s32 $0x20, s15;
	v40 =	vld [tilespmem:s20+$0x0];
	v25 =	vsel vm9, v30, v25;
	v42 =	vsel vm10, v32, v63;
	v41 =	vsel vm10, v20, v41  }
0x34: {  	s31 =	sadd.s32 $0x30, s15;
	v30 =	vld [tilespmem:s30+$0x0];
	v32 =	vsel vm9, v20, v27;
	s30 =	sor.u32 $0x200, s0;
	vm15 =	vgt.f32 v28, v25;
	vm11 =	vgt.f32 v31, v42  }
0x35: {  	s15 =	sor.u32 $0x200, s31;
	v39 =	vld [tilespmem:s30+$0x0];
	s30 =	simm.s32 $0x40;
	v25 =	vsel vm15, v28, v25;
	v27 =	vsel vm11, v31, v42;
	v28 =	vsel vm11, v15, v41  }
.LBB2_3:
0x36: {  	vm0 =	vgt.f32 v37, v17;
	v31 =	vimm.s32 $0x0  }
0x37: {  	v31 =	vsel vm0, $0xFFFFFFFF, v31  }
0x38: {  	vm2 =	vgt.f32 v23, v16;
	[tilespmem:$0x1FF70] =	vst v31;
	v31 =	vimm.s32 $0x0  }
0x39: {  	v31 =	vsel vm2, $0xFFFFFFFF, v31  }
0x3a: {  	vm3 =	vgt.f32 v38, v13;
	[tilespmem:$0x1FF80] =	vst v31;
	v31 =	vimm.s32 $0x0  }
0x3b: {  	v31 =	vsel vm3, $0xFFFFFFFF, v31  }
0x3c: {  	v51 =	vimm.s32 $0x0;
	v52 =	vimm.s32 $0x0;
	v53 =	vimm.s32 $0x0;
	[tilespmem:$0x1FF90] =	vst v31;
	v31 =	vld [tilespmem:s15+$0x0];
	s15 =	sor.u32 $0x280, s31  }
0x3d: {  	v57 =	vimm.s32 $0x0;
	v58 =	vimm.s32 $0x0;
	v16 =	vsel vm2, v23, v16;
	v23 =	vld [tilespmem:s15+$0x0];
	s15 =	sor.u32 $0x280, s1  }
0x3e: {  	v59 =	vimm.s32 $0x0;
	vm11 =	vgt.f32 v19, v18;
	v17 =	vsel vm0, v37, v17;
	v55 =	vld [tilespmem:s15+$0x0]  }
0x3f: {  	s20 =	sor.u32 $0x280, s0;
	v18 =	vsel vm11, v19, v18;
	v13 =	vsel vm3, v38, v13;
	vm0 =	vgt.f32 v35, v17  }
0x40: {  	v54 =	vld [tilespmem:s20+$0x0];
	v37 =	vsel vm0, $0xFFFFFFFF, v51;
	vm2 =	vgt.f32 v36, v16;
	v17 =	vsel vm0, v35, v17  }
0x41: {  	[tilespmem:$0x1FFA0] =	vst v37;
	v37 =	vsel vm2, $0xFFFFFFFF, v52;
	v16 =	vsel vm2, v36, v16;
	vm0 =	vgt.f32 v33, v17  }
0x42: {  	vm3 =	vgt.f32 v40, v13;
	v38 =	vsel vm0, $0xFFFFFFFF, v57;
	vm2 =	vgt.f32 v34, v16  }
0x43: {  	[tilespmem:$0x1FFB0] =	vst v37;
	v37 =	vsel vm3, $0xFFFFFFFF, v53;
	v13 =	vsel vm3, v40, v13;
	vm7 =	vgt.f32 v55, v18  }
0x44: {  	s20 =	sor.u32 $0x300, s1;
	[tilespmem:$0x1FFD0] =	vst v38;
	v38 =	vsel vm2, $0xFFFFFFFF, v58;
	vm3 =	vgt.f32 v39, v13;
	v18 =	vsel vm7, v55, v18  }
0x45: {  	v56 =	vld [tilespmem:s20+$0x0];
	[tilespmem:$0x1FFE0] =	vst v38;
	v38 =	vsel vm3, $0xFFFFFFFF, v59;
	v13 =	vsel vm3, v39, v13;
	vm3 =	vgt.f32 v54, v18  }
0x46: {  	s20 =	sor.u32 $0x300, s0;
	v18 =	vsel vm3, v54, v18  }
0x47: {  	v61 =	vld [tilespmem:s20+$0x0];
	v17 =	vsel vm0, v33, v17;
	vm0 =	vgt.f32 v23, v18  }
0x48: {  	vm9 =	vgt.f32 v29, v14;
	v18 =	vsel vm0, v23, v18;
	v23 =	vld [tilespmem:$0x1FF70]  }
0x49: {  	v14 =	vsel vm9, v29, v14;
	v29 =	vld [tilespmem:$0x1FFA0];
	s15 =	sor.u32 $0x380, s1  }
0x4a: {  	vm6 =	vgt.f32 v56, v14;
	v60 =	vld [tilespmem:s15+$0x0]  }
0x4b: {  	v11 =	vsel vm11, v24, v11;
	v9 =	vsel vm9, v24, v9;
	v14 =	vsel vm6, v56, v14;
	s15 =	sor.u32 $0x380, s0  }
0x4c: {  	vm10 =	vgt.f32 v30, v12;
	v9 =	vsel vm6, v26, v9;
	vm4 =	vgt.f32 v61, v14;
	v62 =	vld [tilespmem:s15+$0x0]  }
0x4d: {  	v14 =	vsel vm4, v61, v14;
	v9 =	vsel vm4, v20, v9;
	vm4 =	vnez.u8 v23;
	v23 =	vld [tilespmem:$0x1FF80]  }
0x4e: {  	v12 =	vsel vm10, v30, v12;
	v11 =	vsel vm7, v26, v11;
	vm7 =	vnez.u8 v29;
	v29 =	vld [tilespmem:$0x1FFB0]  }
0x4f: {  	s1 =	sor.u32 $0x380, s31;
	vm8 =	vgt.f32 v60, v12  }
0x50: {  	s20 =	sor.u32 $0x300, s31;
	v6 =	vsel vm10, v24, v6;
	v19 =	vld [tilespmem:s1+$0x0];
	vm13 =	vgt.f32 v31, v13;
	v12 =	vsel vm8, v60, v12  }
0x51: {  	s29 =	sadd.s32 $0x200, s29;
	v13 =	vsel vm13, v31, v13;
	v31 =	vld [tilespmem:s20+$0x0];
	v6 =	vsel vm8, v26, v6;
	vm5 =	vgt.f32 v62, v12  }
0x52: {  	[tilespmem:$0x1FFC0] =	vst v37;
	s15 =	sand.u32 $0x40, s30;
	s20 =	sand.u32 $0x7C00, s29;
	v12 =	vsel vm5, v62, v12;
	v6 =	vsel vm5, v20, v6;
	vm5 =	vnez.u8 v23;
	v23 =	vld [tilespmem:$0x1FF90]  }
0x53: {  	s1 =	sor.u32 s15, s20;
	vm8 =	vnez.u8 v29;
	v29 =	vld [tilespmem:$0x1FFC0]  }
0x54: {  	v16 =	vsel vm2, v34, v16;
	v41 =	vld [tilespmem:s1+$0x30]  }
0x55: {  	vm14 =	vgt.f32 v21, v17;
	vm12 =	vgt.f32 v22, v16;
	v42 =	vld [tilespmem:s1+$0xB0]  }
0x56: {  	v17 =	vsel vm14, v21, v17;
	v16 =	vsel vm12, v22, v16;
	v21 =	vld [tilespmem:s1+$0x130]  }
0x57: {  	v22 =	vld [tilespmem:s1+$0x1B0];
	vm2 =	vgt.f32 v19, v12;
	v10 =	vsel vm4, v24, v10;
	vm6 =	vnez.u8 v23  }
0x58: {  	v30 =	vld [tilespmem:s1+$0x20];
	vm9 =	vnez.u8 v29;
	v8 =	vsel vm5, v24, v8;
	v7 =	vsel vm6, v24, v7  }
0x59: {  	v10 =	vsel vm7, v26, v10;
	v8 =	vsel vm8, v26, v8;
	v7 =	vsel vm9, v26, v7;
	v26 =	vld [tilespmem:$0x1FFD0]  }
0x5a: {  	v12 =	vsel vm2, v19, v12;
	v19 =	vld [tilespmem:s1+$0x0]  }
0x5b: {  	v33 =	vld [tilespmem:s1+$0x120]  }
0x5c: {  	v29 =	vld [tilespmem:s1+$0x10]  }
0x5d: {  	v23 =	vld [tilespmem:s1+$0x80]  }
0x5e: {  	vm10 =	vnez.u8 v26;
	v26 =	vld [tilespmem:$0x1FFE0]  }
0x5f: {  	v32 =	vsel vm15, v15, v32;
	v63 =	vld [tilespmem:s1+$0x90];
	vm1 =	vgt.f32 v31, v14;
	vm5 =	vgt.f32 v19, v25  }
0x60: {  	v34 =	vld [tilespmem:s1+$0x1A0];
	v11 =	vsel vm3, v20, v11;
	v14 =	vsel vm1, v31, v14;
	v25 =	vsel vm5, v19, v25  }
0x61: {  	p0 =	por !p0, !p0;
	s0 =	simm.s32 $0x1;
	v31 =	vld [tilespmem:s1+$0xA0];
	v11 =	vsel vm0, v15, v11;
	v9 =	vsel vm1, v15, v9;
	vm7 =	vgt.f32 v29, v25  }
0x62: {  	[tilespmem:$0x1FFF0] =	vst v38;
	s0 =	simm.s32 @!p0 $0x0;
	v35 =	vld [tilespmem:s1+$0x110];
	v6 =	vsel vm2, v15, v6;
	v25 =	vsel vm7, v29, v25;
	vm6 =	vgt.f32 v23, v27  }
0x63: {  	s0 =	sshll.u32 s0, $0x6;
	vm9 =	vgt.f32 v30, v25;
	v27 =	vsel vm6, v23, v27;
	vm11 =	vnez.u8 v26;
	v26 =	vld [tilespmem:$0x1FFF0]  }
0x64: {  	s15 =	sadd.s32 s0, s29;
	v36 =	vld [tilespmem:s1+$0x190];
	v24 =	vadd.s32 $0x40, v24;
	v25 =	vsel vm9, v30, v25;
	vm8 =	vgt.f32 v63, v27  }
0x65: {  	v37 =	vld [tilespmem:s1+$0x100];
	s0 =	sor.u32 $0x200, s15;
	v32 =	vsel vm5, v24, v32;
	vm15 =	vgt.f32 v41, v25;
	v27 =	vsel vm8, v63, v27  }
0x66: {  	v38 =	vld [tilespmem:s0+$0x0];
	v25 =	vsel vm15, v41, v25;
	v10 =	vsel vm10, v20, v10;
	vm10 =	vgt.f32 v31, v27  }
0x67: {  	p1 =	sne.s32 s30, $0xF40;
	v28 =	vsel vm6, v24, v28;
	v23 =	vld [tilespmem:s1+$0x180];
	s1 =	sor.u32 $0x280, s15;
	v10 =	vsel vm14, v15, v10;
	v27 =	vsel vm10, v31, v27  }
.Ltmp0:
0x68: {  	s20 =	sor.u32 $0x300, s15;
	v19 =	vld [tilespmem:s1+$0x0];
	s1 =	sadd.s32 $0x10, s15;
	v8 =	vsel vm11, v20, v8;
	vm11 =	vgt.f32 v42, v27;
	vm4 =	vnez.u8 v26;
	(pc) =	sbr.rel @p1 .LBB2_3-.Ltmp0, $4  }
0x69: {  	v29 =	vld [tilespmem:s20+$0x0];
	s0 =	sor.u32 $0x200, s1;
	v8 =	vsel vm12, v15, v8;
	v26 =	vadd.s32 $0x10, v24;
	v7 =	vsel vm4, v20, v7  }
0x6a: {  	s20 =	sor.u32 $0x380, s15;
	v40 =	vld [tilespmem:s0+$0x0];
	s0 =	sadd.s32 $0x20, s15;
	v20 =	vadd.s32 $0x20, v24;
	v28 =	vsel vm8, v26, v28;
	v32 =	vsel vm7, v26, v32  }
0x6b: {  	s31 =	sadd.s32 $0x30, s15;
	v30 =	vld [tilespmem:s20+$0x0];
	s20 =	sor.u32 $0x200, s0;
	v7 =	vsel vm13, v15, v7;
	v15 =	vadd.s32 $0x30, v24;
	v28 =	vsel vm10, v20, v28  }
0x6c: {  	s30 =	sadd.s32 $0x40, s30;
	s15 =	sor.u32 $0x200, s31;
	v39 =	vld [tilespmem:s20+$0x0];
	v27 =	vsel vm11, v42, v27;
	v32 =	vsel vm9, v20, v32;
	v28 =	vsel vm11, v15, v28  }
0x6d: {  	s20 =	sor.u32 $0x280, s1  }
0x6e: {  	v31 =	vld [tilespmem:s20+$0x0];
	s20 =	sor.u32 $0x300, s1  }
0x6f: {  	s1 =	sor.u32 $0x380, s1;
	v41 =	vld [tilespmem:s20+$0x0]  }
0x70: {  	vm0 =	vgt.f32 v19, v18;
	v42 =	vld [tilespmem:s1+$0x0]  }
0x71: {  	v32 =	vsel vm15, v15, v32;
	v18 =	vsel vm0, v19, v18;
	vm7 =	vgt.f32 v29, v14;
	s20 =	sor.u32 $0x280, s0  }
0x72: {  	v11 =	vsel vm0, v24, v11;
	v14 =	vsel vm7, v29, v14;
	v19 =	vld [tilespmem:s20+$0x0];
	s20 =	sor.u32 $0x300, s0;
	vm8 =	vgt.f32 v30, v12  }
0x73: {  	s1 =	sor.u32 $0x380, s0;
	v9 =	vsel vm7, v24, v9;
	v29 =	vld [tilespmem:s20+$0x0];
	v12 =	vsel vm8, v30, v12;
	vm9 =	vgt.f32 v31, v18  }
0x74: {  	v30 =	vld [tilespmem:s1+$0x0];
	v6 =	vsel vm8, v24, v6;
	v18 =	vsel vm9, v31, v18;
	vm10 =	vgt.f32 v41, v14  }
0x75: {  	v43 =	vld [tilespmem:s15+$0x0];
	s20 =	sor.u32 $0x280, s31;
	v11 =	vsel vm9, v26, v11;
	vm11 =	vgt.f32 v42, v12;
	v14 =	vsel vm10, v41, v14  }
0x76: {  	p0 =	seq.s32 s25, $0xC;
	s1 =	sor.u32 $0x300, s31;
	v31 =	vld [tilespmem:s20+$0x0];
	v9 =	vsel vm10, v26, v9;
	v12 =	vsel vm11, v42, v12;
	v6 =	vsel vm11, v26, v6  }
0x77: {  	s0 =	sadd.s32 @!p0 s28, s8;
	v58 =	vld [tilespmem:s1+$0x0];
	s1 =	simm.s32 @!p0 $0x0;
	s20 =	sor.u32 $0x380, s31;
	vm4 =	vgt.f32 v19, v18;
	vm10 =	vgt.f32 v37, v17;
	vm11 =	vgt.f32 v23, v16  }
0x78: {  	v59 =	vld [tilespmem:s20+$0x0];
	[tilespmem:s1], [sflag:$0x1] =	stream.linear.gather @!p0 [hbm4b:s0+s1], $0x7C00, $0x38;
	v18 =	vsel vm4, v19, v18;
	v11 =	vsel vm4, v20, v11;
	vm5 =	vgt.f32 v29, v14  }
0x79: {  	s29 =	simm.s32 $0x0;
	vm6 =	vgt.f32 v30, v12;
	_ =	swait.ge [sflag:s18], $0x7C00;
	v10 =	vsel vm10, v24, v10;
	vm4 =	vgt.f32 v38, v13  }
0x7a: {  	s15 =	sand.u32 $0x7C00, s29;
	s1 =	sand.u32 $0x40, s29;
	v19 =	vsel vm5, v29, v14;
	v9 =	vsel vm5, v20, v9;
	v12 =	vsel vm6, v30, v12;
	[sflag:s18] =	ssyncset.done $0x0  }
0x7b: {  	s0 =	sor.u32 s1, s15;
	v6 =	vsel vm6, v20, v6;
	v13 =	vsel vm4, v38, v13;
	[sflag:s18] =	ssyncadd.s32 $0xFFFF8400;
	vm7 =	vgt.f32 v31, v18  }
0x7c: {  	v7 =	vsel vm4, v24, v7;
	vm8 =	vgt.f32 v58, v19;
	v60 =	vld [tilespmem:s0+$0x7C30];
	v29 =	vsel vm7, v31, v18  }
0x7d: {  	v61 =	vld [tilespmem:s0+$0x7CB0];
	v14 =	vsel vm7, v15, v11;
	v31 =	vsel vm8, v58, v19;
	v18 =	vsel vm8, v15, v9  }
0x7e: {  	v44 =	vld [tilespmem:s0+$0x7C20];
	vm9 =	vgt.f32 v59, v12;
	v9 =	vsel vm10, v37, v17;
	v11 =	vsel vm11, v23, v16  }
0x7f: {  	v45 =	vld [tilespmem:s0+$0x7CA0];
	vm7 =	vgt.f32 v40, v13;
	v30 =	vsel vm9, v59, v12;
	v19 =	vsel vm9, v15, v6  }
0x80: {  	v62 =	vld [tilespmem:s0+$0x7C90];
	v12 =	vsel vm11, v24, v8;
	vm5 =	vgt.f32 v35, v9;
	vm6 =	vgt.f32 v36, v11  }
0x81: {  	v16 =	vld [tilespmem:s0+$0x7C00];
	v13 =	vsel vm7, v40, v13;
	v7 =	vsel vm7, v26, v7;
	v9 =	vsel vm5, v35, v9  }
0x82: {  	v17 =	vld [tilespmem:s0+$0x7C80];
	v10 =	vsel vm5, v26, v10;
	v11 =	vsel vm6, v36, v11;
	v12 =	vsel vm6, v26, v12  }
0x83: {  	v23 =	vld [tilespmem:s0+$0x7D20];
	vm10 =	vgt.f32 v39, v13;
	vm8 =	vgt.f32 v33, v9;
	vm9 =	vgt.f32 v34, v11  }
0x84: {  	v6 =	vld [tilespmem:s0+$0x7D30];
	v13 =	vsel vm10, v39, v13;
	v7 =	vsel vm10, v20, v7;
	v9 =	vsel vm8, v33, v9  }
0x85: {  	v8 =	vld [tilespmem:s0+$0x7DB0];
	v10 =	vsel vm8, v20, v10;
	v11 =	vsel vm9, v34, v11;
	v12 =	vsel vm9, v20, v12  }
0x86: {  	v24 =	vld [tilespmem:s0+$0x7DA0];
	vm5 =	vgt.f32 v43, v13;
	vm11 =	vgt.f32 v21, v9;
	vm4 =	vgt.f32 v22, v11  }
0x87: {  	p1 =	por $0x0, $0x0;
	s15 =	simm.s32 $0x1;
	v26 =	vld [tilespmem:s0+$0x7C10];
	vm6 =	vgt.f32 v16, v25;
	vm1 =	vgt.f32 v17, v27;
	v20 =	vsel vm11, v21, v9  }
0x88: {  	s20 =	sadd.s32 s28, s9;
	s15 =	simm.s32 @!p1 $0x0;
	v35 =	vld [tilespmem:s0+$0x7D00];
	v10 =	vsel vm11, v15, v10;
	v21 =	vsel vm4, v22, v11;
	v12 =	vsel vm4, v15, v12  }
0x89: {  	s15 =	sshll.u32 s15, $0x6;
	v36 =	vld [tilespmem:s0+$0x7D80];
	v22 =	vsel vm5, v43, v13;
	v13 =	vsel vm5, v15, v7;
	v11 =	vor.u32 s20, v1  }
0x8a: {  	s15 =	sadd.s32 $0x0, s15;
	v33 =	vld [tilespmem:s0+$0x7D10];
	v25 =	vsel vm6, v16, v25;
	v17 =	vsel vm1, v17, v27;
	v9 =	vadd.s32 $0x20, v11  }
0x8b: {  	s1 =	sor.u32 $0x280, s15;
	v34 =	vld [tilespmem:s0+$0x7D90];
	v7 =	vadd.s32 $0x30, v11;
	v15 =	vadd.s32 $0x10, v11;
	v27 =	vsel vm1, v11, v28  }
0x8c: {  	s20 =	sor.u32 $0x200, s15;
	v16 =	vld [tilespmem:s1+$0x7C00];
	v28 =	vsel vm6, v11, v32;
	vm7 =	vgt.f32 v26, v25;
	vm8 =	vgt.f32 v62, v17  }
0x8d: {  	s1 =	sadd.s32 $0x10, s15;
	v37 =	vld [tilespmem:s20+$0x7C00];
	s20 =	sor.u32 $0x300, s15;
	v25 =	vsel vm7, v26, v25;
	v26 =	vsel vm8, v62, v17;
	v27 =	vsel vm8, v15, v27  }
0x8e: {  	s0 =	sor.u32 $0x200, s1;
	v17 =	vld [tilespmem:s20+$0x7C00];
	v32 =	vsel vm7, v15, v28;
	vm9 =	vgt.f32 v44, v25;
	vm10 =	vgt.f32 v45, v26  }
0x8f: {  	s20 =	sor.u32 $0x380, s15;
	v38 =	vld [tilespmem:s0+$0x7C00];
	s0 =	sadd.s32 $0x20, s15;
	v63 =	vsel vm9, v44, v25;
	v25 =	vsel vm10, v45, v26;
	v26 =	vsel vm10, v9, v27  }
0x90: {  	s31 =	sadd.s32 $0x30, s15;
	v28 =	vld [tilespmem:s20+$0x7C00];
	s20 =	sor.u32 $0x200, s0;
	v32 =	vsel vm9, v9, v32;
	vm15 =	vgt.f32 v60, v63;
	vm11 =	vgt.f32 v61, v25  }
0x91: {  	s30 =	simm.s32 $0x40;
	s15 =	sor.u32 $0x200, s31;
	v39 =	vld [tilespmem:s20+$0x7C00];
	v25 =	vsel vm11, v61, v25;
	v26 =	vsel vm11, v7, v26;
	v27 =	vsel vm15, v60, v63  }
.LBB2_5:
0x92: {  	vm0 =	vgt.f32 v35, v20;
	v40 =	vimm.s32 $0x0;
	vm2 =	vgt.f32 v36, v21  }
0x93: {  	v62 =	vimm.s32 $0x0;
	v46 =	vimm.s32 $0x0;
	v47 =	vimm.s32 $0x0  }
0x94: {  	v44 =	vld [tilespmem:s15+$0x7C00];
	s15 =	sor.u32 $0x280, s31;
	v40 =	vsel vm0, $0xFFFFFFFF, v40;
	v20 =	vsel vm0, v35, v20;
	v21 =	vsel vm2, v36, v21  }
0x95: {  	v45 =	vld [tilespmem:s15+$0x7C00];
	s15 =	sor.u32 $0x280, s1;
	[tilespmem:$0x1FEE0] =	vst v40;
	v40 =	vsel vm2, $0xFFFFFFFF, v62;
	vm0 =	vgt.f32 v33, v20;
	vm2 =	vgt.f32 v34, v21  }
0x96: {  	v50 =	vld [tilespmem:s15+$0x7C00];
	s15 =	sor.u32 $0x380, s1;
	v36 =	vsel vm0, $0xFFFFFFFF, v46;
	v20 =	vsel vm0, v33, v20;
	v21 =	vsel vm2, v34, v21  }
0x97: {  	v55 =	vld [tilespmem:s15+$0x7C00];
	[tilespmem:$0x1FF10] =	vst v36;
	v36 =	vsel vm2, $0xFFFFFFFF, v47;
	vm0 =	vgt.f32 v23, v20;
	vm2 =	vgt.f32 v24, v21  }
0x98: {  	vm11 =	vgt.f32 v16, v29;
	s15 =	sor.u32 $0x380, s0;
	v20 =	vsel vm0, v23, v20;
	v21 =	vsel vm2, v24, v21  }
0x99: {  	s20 =	sor.u32 $0x280, s0;
	vm9 =	vgt.f32 v17, v31;
	v24 =	vld [tilespmem:s15+$0x7C00];
	vm14 =	vgt.f32 v6, v20;
	vm12 =	vgt.f32 v8, v21  }
0x9a: {  	v49 =	vld [tilespmem:s20+$0x7C00];
	s20 =	sor.u32 $0x300, s1;
	s1 =	sor.u32 $0x380, s31;
	vm10 =	vgt.f32 v28, v30;
	v20 =	vsel vm14, v6, v20;
	v21 =	vsel vm12, v8, v21  }
0x9b: {  	v6 =	vsel vm11, v16, v29;
	v8 =	vsel vm9, v17, v31;
	v16 =	vsel vm10, v28, v30;
	v17 =	vld [tilespmem:s1+$0x7C00]  }
0x9c: {  	vm8 =	vgt.f32 v55, v16  }
0x9d: {  	v52 =	vimm.s32 $0x0;
	v16 =	vsel vm8, v55, v16  }
0x9e: {  	v53 =	vimm.s32 $0x0;
	vm3 =	vgt.f32 v37, v22;
	vm5 =	vgt.f32 v24, v16  }
0x9f: {  	v22 =	vsel vm3, v37, v22;
	v37 =	vsel vm0, $0xFFFFFFFF, v52;
	v16 =	vsel vm5, v24, v16  }
0xa0: {  	[tilespmem:$0x1FF40] =	vst v37;
	v37 =	vsel vm2, $0xFFFFFFFF, v53;
	vm2 =	vgt.f32 v17, v16  }
0xa1: {  	v51 =	vld [tilespmem:s20+$0x7C00];
	v30 =	vsel vm2, v17, v16;
	v17 =	vsel vm10, v11, v19  }
0xa2: {  	s20 =	sor.u32 $0x300, s0;
	v17 =	vsel vm8, v15, v17  }
0xa3: {  	v23 =	vld [tilespmem:s20+$0x7C00];
	v17 =	vsel vm5, v9, v17  }
0xa4: {  	v19 =	vsel vm2, v7, v17;
	v17 =	vld [tilespmem:$0x1FEE0];
	_ =	sdelay $0x1  }
0xa5: {  	vm6 =	vgt.f32 v51, v8  }
0xa6: {  	v8 =	vsel vm6, v51, v8;
	v16 =	vsel vm9, v11, v18  }
0xa7: {  	v63 =	vimm.s32 $0x0;
	[tilespmem:$0x1FEF0] =	vst v40;
	vm4 =	vgt.f32 v23, v8;
	v16 =	vsel vm6, v15, v16  }
0xa8: {  	v23 =	vsel vm4, v23, v8;
	v16 =	vsel vm4, v9, v16;
	vm4 =	vnez.u8 v17;
	v17 =	vld [tilespmem:$0x1FEF0]  }
0xa9: {  	v48 =	vimm.s32 $0x0;
	v40 =	vsel vm3, $0xFFFFFFFF, v63;
	vm3 =	vgt.f32 v38, v22;
	s20 =	sor.u32 $0x300, s31;
	v59 =	vld [tilespmem:$0x1FF10]  }
0xaa: {  	[tilespmem:$0x1FF20] =	vst v36;
	v36 =	vsel vm3, $0xFFFFFFFF, v48;
	v56 =	vld [tilespmem:s20+$0x7C00]  }
0xab: {  	[tilespmem:$0x1FF30] =	vst v36;
	v60 =	vld [tilespmem:$0x1FF20]  }
0xac: {  	s29 =	sadd.s32 $0x200, s29;
	[tilespmem:$0x1FF00] =	vst v40;
	v61 =	vld [tilespmem:$0x1FF30]  }
0xad: {  	v22 =	vsel vm3, v38, v22;
	s15 =	sand.u32 $0x40, s30;
	s20 =	sand.u32 $0x7C00, s29;
	vm5 =	vnez.u8 v17;
	v17 =	vld [tilespmem:$0x1FF00]  }
0xae: {  	v54 =	vimm.s32 $0x0;
	vm3 =	vgt.f32 v39, v22;
	s1 =	sor.u32 s15, s20;
	vm7 =	vgt.f32 v50, v6  }
0xaf: {  	v14 =	vsel vm11, v11, v14;
	v22 =	vsel vm3, v39, v22;
	v57 =	vld [tilespmem:s1+$0x7C30];
	v6 =	vsel vm7, v50, v6  }
0xb0: {  	[tilespmem:$0x1FF50] =	vst v37;
	v37 =	vsel vm3, $0xFFFFFFFF, v54;
	v41 =	vld [tilespmem:s1+$0x7CB0];
	v14 =	vsel vm7, v15, v14;
	vm3 =	vgt.f32 v49, v6  }
0xb1: {  	v58 =	vld [tilespmem:s1+$0x7CA0];
	vm7 =	vnez.u8 v59;
	vm1 =	vgt.f32 v56, v23;
	vm9 =	vnez.u8 v61  }
0xb2: {  	v62 =	vld [tilespmem:s1+$0x7C10];
	vm8 =	vnez.u8 v60;
	v18 =	vsel vm1, v7, v16;
	vm6 =	vnez.u8 v17  }
0xb3: {  	v16 =	vld [tilespmem:s1+$0x7C00];
	v10 =	vsel vm4, v11, v10;
	v12 =	vsel vm5, v11, v12;
	v13 =	vsel vm6, v11, v13  }
0xb4: {  	v10 =	vsel vm7, v15, v10;
	v12 =	vsel vm8, v15, v12;
	v13 =	vsel vm9, v15, v13;
	v15 =	vld [tilespmem:$0x1FF40]  }
0xb5: {  	v42 =	vld [tilespmem:s1+$0x7C90];
	v28 =	vsel vm3, v49, v6  }
0xb6: {  	v33 =	vld [tilespmem:s1+$0x7D10];
	vm0 =	vgt.f32 v45, v28  }
0xb7: {  	v29 =	vsel vm0, v45, v28;
	v28 =	vld [tilespmem:s1+$0x7C20]  }
0xb8: {  	v17 =	vld [tilespmem:s1+$0x7C80]  }
0xb9: {  	vm5 =	vgt.f32 v16, v27;
	vm10 =	vnez.u8 v15;
	v15 =	vld [tilespmem:$0x1FF50]  }
0xba: {  	v34 =	vld [tilespmem:s1+$0x7D90];
	v27 =	vsel vm5, v16, v27  }
0xbb: {  	v32 =	vsel vm15, v7, v32;
	vm13 =	vgt.f32 v44, v22;
	v35 =	vld [tilespmem:s1+$0x7D00];
	vm7 =	vgt.f32 v62, v27  }
0xbc: {  	v22 =	vsel vm13, v44, v22;
	v36 =	vld [tilespmem:s1+$0x7D80];
	v14 =	vsel vm3, v9, v14;
	v27 =	vsel vm7, v62, v27  }
0xbd: {  	p1 =	por !p1, !p1;
	s0 =	simm.s32 $0x1;
	[tilespmem:$0x1FF60] =	vst v37;
	v6 =	vld [tilespmem:s1+$0x7D30];
	v31 =	vsel vm1, v56, v23;
	vm9 =	vgt.f32 v28, v27;
	vm6 =	vgt.f32 v17, v25  }
0xbe: {  	s0 =	simm.s32 @!p1 $0x0;
	v27 =	vsel vm9, v28, v27;
	v17 =	vsel vm6, v17, v25;
	vm11 =	vnez.u8 v15;
	v15 =	vld [tilespmem:$0x1FF60]  }
0xbf: {  	s0 =	sshll.u32 s0, $0x6;
	v8 =	vld [tilespmem:s1+$0x7DB0];
	v14 =	vsel vm0, v7, v14;
	vm15 =	vgt.f32 v57, v27;
	vm8 =	vgt.f32 v42, v17  }
0xc0: {  	s15 =	sadd.s32 s0, s29;
	v24 =	vld [tilespmem:s1+$0x7DA0];
	v11 =	vadd.s32 $0x40, v11;
	v27 =	vsel vm15, v57, v27;
	v63 =	vsel vm8, v42, v17  }
0xc1: {  	v23 =	vld [tilespmem:s1+$0x7D20];
	s1 =	sor.u32 $0x280, s15;
	v25 =	vsel vm6, v11, v26;
	v10 =	vsel vm10, v9, v10;
	vm10 =	vgt.f32 v58, v63  }
0xc2: {  	p2 =	sne.s32 s30, $0xF40;
	s0 =	sor.u32 $0x200, s15;
	v16 =	vld [tilespmem:s1+$0x7C00];
	s1 =	sadd.s32 $0x10, s15;
	v26 =	vsel vm5, v11, v32;
	v10 =	vsel vm14, v7, v10;
	v42 =	vsel vm10, v58, v63  }
.Ltmp1:
0xc3: {  	v37 =	vld [tilespmem:s0+$0x7C00];
	s0 =	sor.u32 $0x200, s1;
	v12 =	vsel vm11, v9, v12;
	vm11 =	vgt.f32 v41, v42;
	vm4 =	vnez.u8 v15;
	(pc) =	sbr.rel @p2 .LBB2_5-.Ltmp1, $4  }
0xc4: {  	s20 =	sor.u32 $0x300, s15;
	v38 =	vld [tilespmem:s0+$0x7C00];
	v12 =	vsel vm12, v7, v12;
	v15 =	vadd.s32 $0x10, v11;
	v9 =	vsel vm4, v9, v13  }
0xc5: {  	s0 =	sadd.s32 $0x20, s15;
	v17 =	vld [tilespmem:s20+$0x7C00];
	s20 =	sor.u32 $0x380, s15;
	v25 =	vsel vm8, v15, v25;
	v13 =	vsel vm13, v7, v9;
	v9 =	vadd.s32 $0x20, v11  }
0xc6: {  	s31 =	sadd.s32 $0x30, s15;
	v28 =	vld [tilespmem:s20+$0x7C00];
	s20 =	sor.u32 $0x200, s0;
	v26 =	vsel vm7, v15, v26;
	v7 =	vadd.s32 $0x30, v11;
	v43 =	vsel vm10, v9, v25  }
0xc7: {  	s30 =	sadd.s32 $0x40, s30;
	s15 =	sor.u32 $0x200, s31;
	v39 =	vld [tilespmem:s20+$0x7C00];
	v32 =	vsel vm9, v9, v26;
	v25 =	vsel vm11, v41, v42;
	v26 =	vsel vm11, v7, v43  }
0xc8: {  	s20 =	sor.u32 $0x280, s1  }
0xc9: {  	v40 =	vld [tilespmem:s20+$0x7C00];
	s20 =	sor.u32 $0x300, s1  }
0xca: {  	s1 =	sor.u32 $0x380, s1;
	v41 =	vld [tilespmem:s20+$0x7C00]  }
0xcb: {  	vm0 =	vgt.f32 v16, v29;
	s20 =	sor.u32 $0x280, s0;
	v42 =	vld [tilespmem:s1+$0x7C00]  }
0xcc: {  	v16 =	vsel vm0, v16, v29;
	v14 =	vsel vm0, v11, v14;
	vm7 =	vgt.f32 v17, v31;
	v29 =	vld [tilespmem:s20+$0x7C00];
	s20 =	sor.u32 $0x300, s0  }
0xcd: {  	s1 =	sor.u32 $0x380, s0;
	v17 =	vsel vm7, v17, v31;
	v18 =	vsel vm7, v11, v18;
	vm8 =	vgt.f32 v28, v30;
	v31 =	vld [tilespmem:s20+$0x7C00]  }
0xce: {  	v28 =	vsel vm8, v28, v30;
	v30 =	vld [tilespmem:s1+$0x7C00];
	v19 =	vsel vm8, v11, v19;
	vm9 =	vgt.f32 v40, v16  }
0xcf: {  	v16 =	vsel vm9, v40, v16;
	v14 =	vsel vm9, v15, v14;
	vm10 =	vgt.f32 v41, v17  }
0xd0: {  	v43 =	vld [tilespmem:s15+$0x7C00];
	s20 =	sor.u32 $0x280, s31;
	vm11 =	vgt.f32 v42, v28;
	v17 =	vsel vm10, v41, v17;
	v18 =	vsel vm10, v15, v18  }
0xd1: {  	s15 =	simm.s32 @!p0 $0x7C00;
	v58 =	vld [tilespmem:s20+$0x7C00];
	s20 =	sor.u32 $0x300, s31;
	v28 =	vsel vm11, v42, v28;
	v19 =	vsel vm11, v15, v19;
	vm4 =	vgt.f32 v29, v16  }
0xd2: {  	s0 =	sadd.s32 @!p0 s28, s10;
	s1 =	simm.s32 @!p0 $0x0;
	s31 =	sor.u32 $0x380, s31;
	v59 =	vld [tilespmem:s20+$0x7C00];
	vm10 =	vgt.f32 v35, v20;
	vm11 =	vgt.f32 v36, v21;
	v16 =	vsel vm4, v29, v16  }
0xd3: {  	v60 =	vld [tilespmem:s31+$0x7C00];
	[tilespmem:s15], [sflag:$0x2] =	stream.linear.gather @!p0 [hbm4b:s0+s1], $0x7C00, $0x38;
	v14 =	vsel vm4, v9, v14;
	vm5 =	vgt.f32 v31, v17;
	vm6 =	vgt.f32 v30, v28  }
0xd4: {  	s28 =	simm.s32 $0x0;
	_ =	swait.ge [sflag:s19], $0x7C00;
	v21 =	vsel vm11, v36, v21;
	v12 =	vsel vm11, v11, v12;
	vm4 =	vgt.f32 v37, v22  }
0xd5: {  	s1 =	sand.u32 $0x40, s28;
	s15 =	sand.u32 $0x7C00, s28;
	[sflag:s19] =	ssyncset.done $0x0;
	v17 =	vsel vm5, v31, v17;
	v31 =	vsel vm5, v9, v18;
	v28 =	vsel vm6, v30, v28  }
0xd6: {  	s0 =	sor.u32 s1, s15;
	[sflag:s19] =	ssyncadd.s32 $0xFFFF8400;
	v19 =	vsel vm6, v9, v19;
	vm7 =	vgt.f32 v58, v16;
	v22 =	vsel vm4, v37, v22  }
0xd7: {  	v61 =	vld [tilespmem:s0+$0xF830];
	vm6 =	vgt.f32 v34, v21;
	v18 =	vsel vm7, v58, v16;
	v14 =	vsel vm7, v7, v14  }
0xd8: {  	v62 =	vld [tilespmem:s0+$0xF8B0];
	vm8 =	vgt.f32 v59, v17;
	vm9 =	vgt.f32 v60, v28;
	v21 =	vsel vm6, v34, v21  }
0xd9: {  	v63 =	vld [tilespmem:s0+$0xF820];
	v12 =	vsel vm6, v15, v12;
	vm7 =	vgt.f32 v38, v22;
	v29 =	vsel vm8, v59, v17  }
0xda: {  	v44 =	vld [tilespmem:s0+$0xF8A0];
	v16 =	vsel vm8, v7, v31;
	v28 =	vsel vm9, v60, v28;
	v17 =	vsel vm9, v7, v19  }
0xdb: {  	v36 =	vld [tilespmem:s0+$0xF910];
	v19 =	vsel vm10, v35, v20;
	v20 =	vsel vm10, v11, v10;
	v11 =	vsel vm4, v11, v13  }
0xdc: {  	v37 =	vld [tilespmem:s0+$0xF900];
	v22 =	vsel vm7, v38, v22;
	vm9 =	vgt.f32 v24, v21;
	vm5 =	vgt.f32 v33, v19  }
0xdd: {  	v10 =	vld [tilespmem:s0+$0xF930];
	v11 =	vsel vm7, v15, v11;
	v21 =	vsel vm9, v24, v21;
	v19 =	vsel vm5, v33, v19  }
0xde: {  	v13 =	vld [tilespmem:s0+$0xF9B0];
	v12 =	vsel vm9, v9, v12;
	vm10 =	vgt.f32 v39, v22;
	vm8 =	vgt.f32 v23, v19  }
0xdf: {  	p0 =	por $0x0, $0x0;
	s1 =	simm.s32 $0x1;
	v20 =	vsel vm5, v15, v20;
	v22 =	vsel vm10, v39, v22;
	v15 =	vsel vm8, v23, v19;
	v23 =	vld [tilespmem:s0+$0xF800]  }
0xe0: {  	s1 =	simm.s32 @!p0 $0x0;
	vm4 =	vgt.f32 v8, v21;
	v19 =	vsel vm8, v9, v20;
	v9 =	vsel vm10, v9, v11;
	v11 =	vld [tilespmem:s0+$0xF880]  }
0xe1: {  	s1 =	sshll.u32 s1, $0x6;
	v31 =	vsel vm4, v8, v21;
	v21 =	vsel vm4, v7, v12;
	v12 =	vld [tilespmem:s0+$0xF890];
	vm11 =	vgt.f32 v6, v15  }
0xe2: {  	s15 =	sadd.s32 $0x0, s1;
	vm5 =	vgt.f32 v43, v22;
	v8 =	vor.u32 s26, v1;
	v20 =	vsel vm11, v7, v19;
	v19 =	vld [tilespmem:s0+$0xF810]  }
0xe3: {  	s20 =	sor.u32 $0x200, s15;
	v35 =	vld [tilespmem:s0+$0xF9A0];
	v34 =	vsel vm5, v43, v22;
	v24 =	vadd.s32 $0x10, v8;
	v22 =	vsel vm5, v7, v9  }
0xe4: {  	s1 =	sadd.s32 $0x10, s15;
	v38 =	vld [tilespmem:s20+$0xF800];
	v30 =	vsel vm11, v6, v15;
	v6 =	vsel vm15, v7, v32;
	v7 =	vadd.s32 $0x20, v8  }
0xe5: {  	s20 =	sor.u32 $0x200, s1;
	v33 =	vld [tilespmem:s0+$0xF920];
	v15 =	vadd.s32 $0x30, v8;
	vm6 =	vgt.f32 v23, v27;
	vm1 =	vgt.f32 v11, v25  }
0xe6: {  	v39 =	vld [tilespmem:s20+$0xF800];
	v9 =	vsel vm6, v23, v27;
	v11 =	vsel vm1, v11, v25;
	v23 =	vsel vm1, v8, v26  }
0xe7: {  	v32 =	vld [tilespmem:s0+$0xF990];
	v25 =	vsel vm6, v8, v6;
	vm7 =	vgt.f32 v19, v9;
	vm8 =	vgt.f32 v12, v11  }
0xe8: {  	s26 =	sor.u32 $0x280, s15;
	v27 =	vld [tilespmem:s0+$0xF980];
	v19 =	vsel vm7, v19, v9;
	v11 =	vsel vm8, v12, v11;
	v12 =	vsel vm8, v24, v23  }
0xe9: {  	s31 =	sor.u32 $0x300, s15;
	v6 =	vld [tilespmem:s26+$0xF800];
	s0 =	sadd.s32 $0x20, s15;
	v23 =	vsel vm7, v24, v25;
	vm9 =	vgt.f32 v63, v19;
	vm10 =	vgt.f32 v44, v11  }
0xea: {  	v9 =	vld [tilespmem:s31+$0xF800];
	s31 =	sor.u32 $0x200, s0;
	v25 =	vsel vm9, v63, v19;
	v19 =	vsel vm10, v44, v11;
	v12 =	vsel vm10, v7, v12  }
0xeb: {  	s29 =	sadd.s32 $0x30, s15;
	s26 =	sor.u32 $0x380, s15;
	v40 =	vld [tilespmem:s31+$0xF800];
	v26 =	vsel vm9, v7, v23;
	vm15 =	vgt.f32 v61, v25;
	vm11 =	vgt.f32 v62, v19  }
0xec: {  	s30 =	sor.u32 $0x200, s29;
	v11 =	vld [tilespmem:s26+$0xF800];
	s26 =	simm.s32 $0x40;
	v23 =	vsel vm11, v62, v19;
	v19 =	vsel vm11, v15, v12;
	v25 =	vsel vm15, v61, v25  }
.LBB2_7:
0xed: {  	v12 =	vimm.s32 $0x0;
	v49 =	vimm.s32 $0x0;
	vm0 =	vgt.f32 v37, v30  }
0xee: {  	v50 =	vimm.s32 $0x0;
	v51 =	vimm.s32 $0x0;
	v12 =	vsel vm0, $0xFFFFFFFF, v12  }
0xef: {  	v55 =	vimm.s32 $0x0;
	vm2 =	vgt.f32 v27, v31;
	[tilespmem:$0x1FE50] =	vst v12;
	v12 =	vimm.s32 $0x0  }
0xf0: {  	v56 =	vimm.s32 $0x0;
	vm3 =	vgt.f32 v38, v34;
	v12 =	vsel vm2, $0xFFFFFFFF, v12  }
0xf1: {  	s15 =	sor.u32 $0x280, s29;
	v30 =	vsel vm0, v37, v30;
	v27 =	vsel vm2, v27, v31;
	[tilespmem:$0x1FE60] =	vst v12;
	v12 =	vimm.s32 $0x0  }
0xf2: {  	v48 =	vld [tilespmem:s15+$0xF800];
	v31 =	vsel vm3, v38, v34;
	vm0 =	vgt.f32 v36, v30;
	v12 =	vsel vm3, $0xFFFFFFFF, v12  }
0xf3: {  	s31 =	sor.u32 $0x280, s1;
	v34 =	vsel vm0, $0xFFFFFFFF, v49;
	vm2 =	vgt.f32 v32, v27;
	v30 =	vsel vm0, v36, v30;
	[tilespmem:$0x1FE70] =	vst v12;
	v12 =	vld [tilespmem:s30+$0xF800]  }
0xf4: {  	v53 =	vld [tilespmem:s31+$0xF800];
	s31 =	sor.u32 $0x300, s1;
	[tilespmem:$0x1FE80] =	vst v34;
	v34 =	vsel vm2, $0xFFFFFFFF, v50;
	v27 =	vsel vm2, v32, v27;
	vm3 =	vgt.f32 v39, v31  }
0xf5: {  	s20 =	sor.u32 $0x280, s0;
	v54 =	vld [tilespmem:s31+$0xF800];
	vm0 =	vgt.f32 v33, v30;
	[tilespmem:$0x1FE90] =	vst v34;
	v34 =	vsel vm3, $0xFFFFFFFF, v51;
	v31 =	vsel vm3, v39, v31  }
0xf6: {  	v52 =	vld [tilespmem:s20+$0xF800];
	s31 =	sor.u32 $0x300, s0;
	vm2 =	vgt.f32 v35, v27;
	[tilespmem:$0x1FEA0] =	vst v34;
	v34 =	vsel vm0, $0xFFFFFFFF, v55;
	vm3 =	vgt.f32 v40, v31  }
0xf7: {  	v57 =	vimm.s32 $0x0;
	s20 =	sor.u32 $0x380, s1;
	v60 =	vld [tilespmem:s31+$0xF800];
	[tilespmem:$0x1FEB0] =	vst v34;
	v34 =	vsel vm2, $0xFFFFFFFF, v56;
	v59 =	vsel vm3, v40, v31  }
0xf8: {  	v58 =	vld [tilespmem:s20+$0xF800];
	s20 =	sor.u32 $0x300, s29;
	vm9 =	vgt.f32 v9, v29;
	[tilespmem:$0x1FEC0] =	vst v34;
	v34 =	vsel vm3, $0xFFFFFFFF, v57;
	vm13 =	vgt.f32 v12, v59  }
0xf9: {  	s15 =	sor.u32 $0x380, s0;
	v9 =	vsel vm9, v9, v29;
	[tilespmem:$0x1FED0] =	vst v34;
	v34 =	vsel vm13, v12, v59;
	v12 =	vld [tilespmem:s20+$0xF800]  }
0xfa: {  	v61 =	vld [tilespmem:s15+$0xF800];
	v30 =	vsel vm0, v33, v30;
	vm6 =	vgt.f32 v54, v9  }
0xfb: {  	vm10 =	vgt.f32 v11, v28;
	s31 =	sor.u32 $0x380, s29;
	vm14 =	vgt.f32 v10, v30;
	v9 =	vsel vm6, v54, v9  }
0xfc: {  	v30 =	vsel vm14, v10, v30;
	v10 =	vsel vm10, v11, v28;
	v11 =	vld [tilespmem:s31+$0xF800];
	vm4 =	vgt.f32 v60, v9  }
0xfd: {  	v27 =	vsel vm2, v35, v27;
	vm8 =	vgt.f32 v58, v10;
	v9 =	vsel vm4, v60, v9  }
0xfe: {  	vm12 =	vgt.f32 v13, v27;
	v10 =	vsel vm8, v58, v10;
	vm1 =	vgt.f32 v12, v9  }
0xff: {  	vm5 =	vgt.f32 v61, v10;
	v29 =	vsel vm1, v12, v9;
	v12 =	vsel vm10, v8, v17  }
0x100: {  	v31 =	vsel vm12, v13, v27;
	v27 =	vsel vm5, v61, v10;
	v12 =	vsel vm8, v24, v12  }
0x101: {  	vm2 =	vgt.f32 v11, v27;
	v12 =	vsel vm5, v7, v12  }
0x102: {  	v17 =	vsel vm2, v15, v12;
	v12 =	vld [tilespmem:$0x1FE60];
	_ =	sdelay $0x2  }
0x103: {  	vm11 =	vgt.f32 v6, v18  }
0x104: {  	v6 =	vsel vm11, v6, v18  }
0x105: {  	vm7 =	vgt.f32 v53, v6;
	vm5 =	vnez.u8 v12  }
0x106: {  	v6 =	vsel vm7, v53, v6;
	v12 =	vsel vm5, v8, v21;
	v21 =	vld [tilespmem:$0x1FE80]  }
0x107: {  	vm3 =	vgt.f32 v52, v6  }
0x108: {  	v6 =	vsel vm3, v52, v6  }
0x109: {  	vm0 =	vgt.f32 v48, v6  }
0x10a: {  	v18 =	vsel vm0, v48, v6;
	v6 =	vsel vm11, v8, v14  }
0x10b: {  	v6 =	vsel vm7, v24, v6;
	vm7 =	vnez.u8 v21;
	v21 =	vld [tilespmem:$0x1FE90]  }
0x10c: {  	s28 =	sadd.s32 $0x200, s28  }
0x10d: {  	s1 =	sand.u32 $0x40, s26;
	s15 =	sand.u32 $0x7C00, s28  }
0x10e: {  	s1 =	sor.u32 s1, s15;
	v9 =	vsel vm9, v8, v16  }
0x10f: {  	v41 =	vld [tilespmem:s1+$0xF830];
	v9 =	vsel vm6, v24, v9  }
0x110: {  	v9 =	vsel vm4, v7, v9;
	vm8 =	vnez.u8 v21;
	v21 =	vld [tilespmem:$0x1FEA0]  }
0x111: {  	v16 =	vsel vm1, v15, v9;
	v9 =	vld [tilespmem:$0x1FE50]  }
0x112: {  	v42 =	vld [tilespmem:s1+$0xF8B0]  }
0x113: {  	v62 =	vld [tilespmem:s1+$0xF8A0]  }
0x114: {  	v63 =	vld [tilespmem:s1+$0xF810]  }
0x115: {  	vm9 =	vnez.u8 v21;
	v21 =	vld [tilespmem:$0x1FEB0]  }
0x116: {  	v43 =	vld [tilespmem:s1+$0xF890];
	vm4 =	vnez.u8 v9  }
0x117: {  	v9 =	vsel vm4, v8, v20;
	v20 =	vld [tilespmem:$0x1FE70]  }
0x118: {  	v28 =	vsel vm2, v11, v27;
	v27 =	vld [tilespmem:s1+$0xF880];
	v6 =	vsel vm3, v7, v6  }
0x119: {  	v14 =	vsel vm0, v15, v6;
	v6 =	vld [tilespmem:s1+$0xF800]  }
0x11a: {  	vm10 =	vnez.u8 v21;
	v21 =	vld [tilespmem:$0x1FEC0]  }
0x11b: {  	p0 =	por !p0, !p0;
	s0 =	simm.s32 $0x1;
	v37 =	vld [tilespmem:s1+$0xF900]  }
0x11c: {  	s0 =	simm.s32 @!p0 $0x0;
	v36 =	vld [tilespmem:s1+$0xF910];
	vm6 =	vnez.u8 v20  }
0x11d: {  	s0 =	sshll.u32 s0, $0x6;
	v32 =	vld [tilespmem:s1+$0xF990];
	v20 =	vsel vm6, v8, v22;
	vm6 =	vgt.f32 v27, v23  }
0x11e: {  	s15 =	sadd.s32 s0, s28;
	v33 =	vld [tilespmem:s1+$0xF920];
	vm5 =	vgt.f32 v6, v25;
	v23 =	vsel vm6, v27, v23  }
0x11f: {  	s0 =	sor.u32 $0x200, s15;
	v12 =	vsel vm8, v24, v12;
	vm8 =	vgt.f32 v43, v23;
	vm11 =	vnez.u8 v21;
	v21 =	vld [tilespmem:$0x1FED0]  }
0x120: {  	v38 =	vld [tilespmem:s0+$0xF800];
	v9 =	vsel vm7, v24, v9;
	v8 =	vadd.s32 $0x40, v8;
	v23 =	vsel vm8, v43, v23  }
0x121: {  	v35 =	vld [tilespmem:s1+$0xF9A0];
	v19 =	vsel vm6, v8, v19;
	v9 =	vsel vm10, v7, v9;
	vm10 =	vgt.f32 v62, v23  }
0x122: {  	v11 =	vld [tilespmem:s1+$0xF820];
	v20 =	vsel vm9, v24, v20;
	v24 =	vadd.s32 $0x10, v8;
	v23 =	vsel vm10, v62, v23  }
0x123: {  	v13 =	vld [tilespmem:s1+$0xF9B0];
	v19 =	vsel vm8, v24, v19;
	v12 =	vsel vm11, v7, v12;
	vm11 =	vgt.f32 v42, v23  }
0x124: {  	v10 =	vld [tilespmem:s1+$0xF930];
	vm4 =	vnez.u8 v21;
	v21 =	vsel vm12, v15, v12;
	v12 =	vsel vm5, v6, v25  }
0x125: {  	p1 =	sne.s32 s26, $0xF40;
	s20 =	sor.u32 $0x280, s15;
	v27 =	vld [tilespmem:s1+$0xF980];
	s1 =	sadd.s32 $0x10, s15;
	v23 =	vsel vm11, v42, v23;
	v7 =	vsel vm4, v7, v20;
	vm7 =	vgt.f32 v63, v12  }
.Ltmp2:
0x126: {  	v6 =	vld [tilespmem:s20+$0xF800];
	s20 =	sor.u32 $0x200, s1;
	v20 =	vsel vm14, v15, v9;
	v9 =	vsel vm15, v15, v26;
	v12 =	vsel vm7, v63, v12;
	(pc) =	sbr.rel @p1 .LBB2_7-.Ltmp2, $4  }
0x127: {  	s31 =	sor.u32 $0x300, s15;
	v39 =	vld [tilespmem:s20+$0xF800];
	v22 =	vsel vm13, v15, v7;
	v7 =	vadd.s32 $0x20, v8;
	vm9 =	vgt.f32 v11, v12  }
0x128: {  	s0 =	sadd.s32 $0x20, s15;
	v15 =	vadd.s32 $0x30, v8;
	v25 =	vsel vm5, v8, v9;
	v9 =	vld [tilespmem:s31+$0xF800];
	s31 =	sor.u32 $0x380, s15;
	v12 =	vsel vm9, v11, v12  }
0x129: {  	s29 =	sadd.s32 $0x30, s15;
	v25 =	vsel vm7, v24, v25;
	v19 =	vsel vm10, v7, v19;
	v11 =	vld [tilespmem:s31+$0xF800];
	s31 =	sor.u32 $0x200, s0;
	vm15 =	vgt.f32 v41, v12  }
0x12a: {  	s26 =	sadd.s32 $0x40, s26;
	s30 =	sor.u32 $0x200, s29;
	v26 =	vsel vm9, v7, v25;
	v19 =	vsel vm11, v15, v19;
	v40 =	vld [tilespmem:s31+$0xF800];
	v25 =	vsel vm15, v41, v12  }
0x12b: {  	s15 =	sor.u32 $0x280, s1  }
0x12c: {  	s26 =	sor.u32 $0x300, s1;
	v12 =	vld [tilespmem:s15+$0xF800]  }
0x12d: {  	s28 =	sor.u32 $0x380, s1;
	v41 =	vld [tilespmem:s26+$0xF800]  }
0x12e: {  	s31 =	sor.u32 $0x280, s0;
	vm0 =	vgt.f32 v6, v18;
	v42 =	vld [tilespmem:s28+$0xF800]  }
0x12f: {  	v6 =	vsel vm0, v6, v18;
	v18 =	vld [tilespmem:s31+$0xF800];
	v14 =	vsel vm0, v8, v14;
	s28 =	sor.u32 $0x300, s29;
	vm14 =	vgt.f32 v9, v29  }
0x130: {  	s15 =	sor.u32 $0x300, s0;
	v62 =	vld [tilespmem:s28+$0xF800];
	v9 =	vsel vm14, v9, v29;
	v16 =	vsel vm14, v8, v16;
	vm4 =	vgt.f32 v11, v28  }
0x131: {  	s20 =	sor.u32 $0x380, s0;
	v29 =	vld [tilespmem:s15+$0xF800];
	v11 =	vsel vm4, v11, v28;
	v17 =	vsel vm4, v8, v17;
	vm4 =	vgt.f32 v27, v31  }
0x132: {  	s31 =	sor.u32 $0x380, s29;
	vm14 =	vgt.f32 v37, v30;
	v28 =	vld [tilespmem:s20+$0xF800];
	v21 =	vsel vm4, v8, v21;
	vm5 =	vgt.f32 v12, v6  }
0x133: {  	s26 =	sor.u32 $0x280, s29;
	v63 =	vld [tilespmem:s31+$0xF800];
	vm6 =	vgt.f32 v41, v9;
	vm7 =	vgt.f32 v42, v11;
	v6 =	vsel vm5, v12, v6  }
0x134: {  	v12 =	vld [tilespmem:s26+$0xF800];
	v14 =	vsel vm5, v24, v14;
	v9 =	vsel vm6, v41, v9;
	v16 =	vsel vm6, v24, v16  }
0x135: {  	v11 =	vsel vm7, v42, v11;
	v17 =	vsel vm7, v24, v17;
	vm8 =	vgt.f32 v18, v6  }
0x136: {  	vm5 =	vgt.f32 v38, v34;
	vm9 =	vgt.f32 v29, v9;
	v6 =	vsel vm8, v18, v6  }
0x137: {  	v14 =	vsel vm8, v7, v14;
	v9 =	vsel vm9, v29, v9;
	vm10 =	vgt.f32 v28, v11  }
0x138: {  	v16 =	vsel vm9, v7, v16;
	v28 =	vsel vm10, v28, v11;
	v17 =	vsel vm10, v7, v17  }
0x139: {  	vm12 =	vgt.f32 v62, v9;
	vm13 =	vgt.f32 v63, v28;
	vm11 =	vgt.f32 v12, v6  }
0x13a: {  	v18 =	vsel vm11, v12, v6;
	v11 =	vsel vm11, v15, v14;
	v14 =	vsel vm12, v62, v9  }
0x13b: {  	v9 =	vsel vm12, v15, v16;
	v12 =	vsel vm13, v63, v28;
	v6 =	vsel vm13, v15, v17  }
0x13c: {  	v16 =	vsel vm14, v37, v30;
	v17 =	vsel vm14, v8, v20;
	v20 =	vsel vm4, v27, v31  }
0x13d: {  	v27 =	vsel vm5, v38, v34;
	v8 =	vsel vm5, v8, v22;
	vm6 =	vgt.f32 v36, v16  }
0x13e: {  	vm7 =	vgt.f32 v32, v20;
	vm8 =	vgt.f32 v39, v27;
	v16 =	vsel vm6, v36, v16  }
0x13f: {  	v22 =	vld [tilespmem:s30+$0xF800];
	v17 =	vsel vm6, v24, v17;
	v20 =	vsel vm7, v32, v20;
	v21 =	vsel vm7, v24, v21  }
0x140: {  	s25 =	sadd.s32 $0x1, s25;
	v27 =	vsel vm8, v39, v27;
	v8 =	vsel vm8, v24, v8;
	vm9 =	vgt.f32 v33, v16  }
0x141: {  	p0 =	sne.s32 s25, $0xD;
	vm10 =	vgt.f32 v35, v20;
	vm11 =	vgt.f32 v40, v27;
	v16 =	vsel vm9, v33, v16  }
.Ltmp3:
0x142: {  	v24 =	vsel vm9, v7, v17;
	v20 =	vsel vm10, v35, v20;
	v21 =	vsel vm10, v7, v21;
	(pc) =	sbr.rel @p0 .LBB2_2-.Ltmp3, $4  }
0x143: {  	v27 =	vsel vm11, v40, v27;
	v7 =	vsel vm11, v7, v8;
	vm12 =	vgt.f32 v10, v16  }
0x144: {  	vm13 =	vgt.f32 v13, v20;
	vm14 =	vgt.f32 v22, v27;
	v17 =	vsel vm12, v10, v16  }
0x145: {  	v10 =	vsel vm12, v15, v24;
	v16 =	vsel vm13, v13, v20;
	v8 =	vsel vm13, v15, v21  }
0x146: {  	v13 =	vsel vm14, v22, v27;
	v7 =	vsel vm14, v15, v7;
	v27 =	vsel vm15, v15, v26  }
0x147: {  	s0 =	simm.s32 $0x17400  }
0x148: {  	[tilespmem:s0], [sflag:$0x4] =	stream.linear.gather [hbm4b:s11+s2], $0x400, $0x38;
	[tilespmem:$0x17900] =	vst v63  }
0x149: {  	_ =	swait.ge [sflag:s21], $0x400  }
0x14a: {  	[sflag:s21] =	ssyncset.done $0x0  }
0x14b: {  	[sflag:s21] =	ssyncadd.s32 $0xFFFFFC00  }
0x14c: {  	v15 =	vld [tilespmem:$0x17400]  }
0x14d: {  	v20 =	vld [tilespmem:$0x17480]  }
0x14e: {  	v21 =	vld [tilespmem:$0x17500]  }
0x14f: {  	v22 =	vld [tilespmem:$0x17580]  }
0x150: {  	v24 =	vld [tilespmem:$0x17600]  }
0x151: {  	v26 =	vld [tilespmem:$0x17680]  }
0x152: {  	v63 =	vld [tilespmem:$0x17700]  }
0x153: {  	v29 =	vld [tilespmem:$0x17780]  }
0x154: {  	v39 =	vld [tilespmem:$0x17590]  }
0x155: {  	v40 =	vld [tilespmem:$0x17610]  }
0x156: {  	v43 =	vld [tilespmem:$0x17710]  }
0x157: {  	v49 =	vld [tilespmem:$0x17520]  }
0x158: {  	v50 =	vld [tilespmem:$0x175A0];
	v15 =	vadd.f32 v15, v0;
	v20 =	vadd.f32 v20, v0  }
0x159: {  	v52 =	vld [tilespmem:$0x176A0];
	v21 =	vadd.f32 v21, v0;
	v22 =	vadd.f32 v22, v0  }
0x15a: {  	v53 =	vld [tilespmem:$0x17720];
	v33 =	vadd.f32 v24, v0;
	v34 =	vadd.f32 v26, v0  }
0x15b: {  	v36 =	vadd.f32 v63, v0;
	v38 =	vadd.f32 v29, v0  }
0x15c: {  	v28 =	vor.u32 $0xF4200, v1;
	v44 =	vadd.f32 v39, v0;
	v26 =	vadd.f32 v40, v0  }
0x15d: {  	v42 =	vor.u32 $0xF4210, v1;
	v48 =	vadd.f32 v43, v0;
	v54 =	vadd.f32 v49, v0  }
0x15e: {  	v55 =	vor.u32 $0xF4220, v1;
	v56 =	vadd.f32 v50, v0;
	v58 =	vadd.f32 v52, v0  }
0x15f: {  	v32 =	vld [tilespmem:$0x17410];
	v59 =	vadd.f32 v53, v0;
	vm0 =	vgt.f32 v15, v25;
	vm10 =	vgt.f32 v20, v23  }
0x160: {  	v35 =	vld [tilespmem:$0x17490];
	vm1 =	vgt.f32 v21, v17;
	vm11 =	vgt.f32 v22, v16;
	vm12 =	vgt.f32 v33, v13  }
0x161: {  	v37 =	vld [tilespmem:$0x17510];
	vm13 =	vgt.f32 v34, v18;
	vm14 =	vgt.f32 v36, v14;
	vm15 =	vgt.f32 v38, v12  }
0x162: {  	v45 =	vld [tilespmem:$0x17790];
	v15 =	vsel vm0, v15, v25;
	v62 =	vsel vm0, v28, v27;
	v20 =	vsel vm10, v20, v23  }
0x163: {  	v57 =	vld [tilespmem:$0x177A0];
	v19 =	vsel vm10, v28, v19;
	v17 =	vsel vm1, v21, v17;
	v10 =	vsel vm1, v28, v10  }
0x164: {  	v61 =	vld [tilespmem:$0x174B0];
	v16 =	vsel vm11, v22, v16;
	v8 =	vsel vm11, v28, v8;
	v13 =	vsel vm12, v33, v13  }
0x165: {  	v7 =	vsel vm12, v28, v7;
	v18 =	vsel vm13, v34, v18;
	v21 =	vadd.f32 v32, v0  }
0x166: {  	v11 =	vsel vm13, v28, v11;
	v14 =	vsel vm14, v36, v14;
	v9 =	vsel vm14, v28, v9  }
0x167: {  	v22 =	vadd.f32 v35, v0;
	v12 =	vsel vm15, v38, v12;
	v23 =	vadd.f32 v37, v0  }
0x168: {  	v6 =	vsel vm15, v28, v6;
	v27 =	vadd.f32 v45, v0;
	v32 =	vadd.f32 v57, v0  }
0x169: {  	v49 =	vld [tilespmem:$0x177B0];
	v34 =	vadd.f32 v61, v0;
	v36 =	vor.u32 $0xF4230, v1;
	vm7 =	vgt.f32 v44, v16  }
0x16a: {  	v41 =	vld [tilespmem:$0x17690];
	vm8 =	vgt.f32 v26, v13;
	vm10 =	vgt.f32 v48, v14;
	vm4 =	vgt.f32 v21, v15  }
0x16b: {  	v46 =	vld [tilespmem:$0x17420];
	vm5 =	vgt.f32 v22, v20;
	vm6 =	vgt.f32 v23, v17;
	v16 =	vsel vm7, v44, v16  }
0x16c: {  	v47 =	vld [tilespmem:$0x174A0];
	v8 =	vsel vm7, v42, v8;
	v13 =	vsel vm8, v26, v13;
	v7 =	vsel vm8, v42, v7  }
0x16d: {  	v60 =	vld [tilespmem:$0x17430];
	v14 =	vsel vm10, v48, v14;
	vm11 =	vgt.f32 v27, v12;
	v9 =	vsel vm10, v42, v9  }
0x16e: {  	v52 =	vadd.f32 v49, v0;
	v15 =	vsel vm4, v21, v15;
	v25 =	vsel vm4, v42, v62  }
0x16f: {  	v20 =	vsel vm5, v22, v20;
	v19 =	vsel vm5, v42, v19;
	v17 =	vsel vm6, v23, v17  }
0x170: {  	v10 =	vsel vm6, v42, v10;
	v21 =	vadd.f32 v41, v0;
	v23 =	vadd.f32 v46, v0  }
0x171: {  	v33 =	vld [tilespmem:$0x175B0];
	v12 =	vsel vm11, v27, v12;
	v22 =	vadd.f32 v47, v0;
	v6 =	vsel vm11, v42, v6  }
0x172: {  	v35 =	vld [tilespmem:$0x17630];
	vm14 =	vgt.f32 v56, v16;
	vm4 =	vgt.f32 v59, v14;
	v27 =	vadd.f32 v60, v0  }
0x173: {  	v37 =	vld [tilespmem:$0x176B0];
	vm2 =	vgt.f32 v54, v17;
	v16 =	vsel vm14, v56, v16;
	v63 =	vsel vm4, v59, v14  }
0x174: {  	v8 =	vsel vm14, v55, v8;
	vm5 =	vgt.f32 v32, v12;
	v9 =	vsel vm4, v55, v9  }
0x175: {  	v51 =	vld [tilespmem:$0x17620];
	vm9 =	vgt.f32 v21, v18;
	vm12 =	vgt.f32 v23, v15;
	vm13 =	vgt.f32 v22, v20  }
0x176: {  	v17 =	vsel vm2, v54, v17;
	v10 =	vsel vm2, v55, v10;
	v12 =	vsel vm5, v32, v12  }
0x177: {  	v6 =	vsel vm5, v55, v6;
	v26 =	vadd.f32 v33, v0;
	v41 =	vadd.f32 v35, v0  }
0x178: {  	v43 =	vadd.f32 v37, v0;
	v18 =	vsel vm9, v21, v18;
	v11 =	vsel vm9, v42, v11  }
0x179: {  	v15 =	vsel vm12, v23, v15;
	v20 =	vsel vm13, v22, v20;
	v25 =	vsel vm12, v55, v25  }
0x17a: {  	v21 =	vadd.f32 v51, v0;
	v19 =	vsel vm13, v55, v19;
	vm3 =	vgt.f32 v58, v18  }
0x17b: {  	v62 =	vld [tilespmem:$0x17530];
	vm6 =	vgt.f32 v27, v15;
	vm7 =	vgt.f32 v34, v20;
	vm9 =	vgt.f32 v26, v16  }
0x17c: {  	vm15 =	vgt.f32 v21, v13;
	v18 =	vsel vm3, v58, v18;
	v11 =	vsel vm3, v55, v11  }
0x17d: {  	v15 =	vsel vm6, v27, v15;
	v25 =	vsel vm6, v36, v25;
	v20 =	vsel vm7, v34, v20  }
0x17e: {  	v26 =	vsel vm9, v26, v16;
	v19 =	vsel vm7, v36, v19;
	v42 =	vsel vm9, v36, v8  }
0x17f: {  	v13 =	vsel vm15, v21, v13;
	v7 =	vsel vm15, v55, v7;
	v39 =	vperm.xlane v15, v2  }
0x180: {  	v38 =	vld [tilespmem:$0x17730];
	v21 =	vadd.f32 v62, v0;
	v40 =	vperm.xlane v25, v2;
	v48 =	vperm.xlane v19, v2  }
0x181: {  	vm14 =	vgt.f32 v43, v18;
	v33 =	vperm.xlane v26, v2;
	v34 =	vperm.xlane v42, v2  }
0x182: {  	vm12 =	vgt.f32 v41, v13;
	v14 =	vsel vm14, v43, v18;
	vm8 =	vgt.f32 v21, v17  }
0x183: {  	vm10 =	veq.f32 v39, v15;
	vm11 =	vlt.s32 v40, v25;
	vm13 =	vgt.f32 v39, v15  }
0x184: {  	v16 =	vsel vm12, v41, v13;
	v21 =	vsel vm8, v21, v17;
	v30 =	vsel vm8, v36, v10  }
0x185: {  	vm0 =	vmand vm10, vm11;
	v17 =	vsel vm12, v36, v7;
	v7 =	vadd.f32 v38, v0  }
0x186: {  	vm8 =	vlt.s32 v48, v19;
	v41 =	vperm.xlane v16, v2;
	vm0 =	vmor vm13, vm0  }
0x187: {  	v57 =	vperm.xlane v21, v2;
	v44 =	vsel vm0, v39, v15;
	v45 =	vsel vm0, v40, v25  }
0x188: {  	vm15 =	vgt.f32 v7, v63;
	v46 =	vperm.xlane v44, v3;
	v47 =	vperm.xlane v45, v3  }
0x189: {  	v58 =	vperm.xlane v30, v2;
	v8 =	vsel vm15, v7, v63;
	v7 =	vperm.xlane v20, v2  }
0x18a: {  	v15 =	vsel vm14, v36, v11;
	vm4 =	veq.f32 v46, v44;
	vm5 =	vlt.s32 v47, v45  }
0x18b: {  	vm6 =	vgt.f32 v46, v44;
	vm7 =	veq.f32 v7, v20;
	vm1 =	vmand vm4, vm5  }
0x18c: {  	vm9 =	vgt.f32 v7, v20;
	vm0 =	vmor vm6, vm1;
	vm1 =	vmand vm7, vm8  }
0x18d: {  	v10 =	vsel vm0, v46, v44;
	v13 =	vsel vm0, v47, v45;
	vm10 =	vmor vm9, vm1  }
0x18e: {  	v50 =	vperm.xlane v10, v4;
	v51 =	vperm.xlane v13, v4;
	v7 =	vsel vm10, v7, v20  }
0x18f: {  	v9 =	vsel vm15, v36, v9;
	v11 =	vsel vm10, v48, v19;
	v20 =	vperm.xlane v7, v3  }
0x190: {  	v53 =	vperm.xlane v11, v3;
	vm12 =	veq.f32 v50, v10;
	vm13 =	vlt.s32 v51, v13  }
0x191: {  	vm7 =	vgt.f32 v52, v12;
	vm11 =	vgt.f32 v50, v10;
	vm1 =	vmand vm12, vm13  }
0x192: {  	vm14 =	veq.f32 v20, v7;
	vm15 =	vlt.s32 v53, v11;
	vm6 =	vgt.f32 v20, v7  }
0x193: {  	vm13 =	veq.f32 v57, v21;
	vm0 =	vmor vm11, vm1;
	vm2 =	vmand vm14, vm15  }
0x194: {  	vm14 =	vlt.s32 v58, v30;
	v18 =	vsel vm0, v50, v10;
	vm1 =	vmor vm6, vm2  }
0x195: {  	v13 =	vsel vm0, v51, v13;
	v10 =	vsel vm7, v52, v12;
	v50 =	vperm.xlane v14, v2  }
0x196: {  	vm6 =	veq.f32 v41, v16;
	v51 =	vperm.xlane v15, v2;
	v54 =	vperm.xlane v18, v5  }
0x197: {  	v7 =	vsel vm1, v20, v7;
	v55 =	vperm.xlane v13, v5;
	v24 =	vsel vm1, v53, v11  }
0x198: {  	v11 =	vsel vm7, v36, v6;
	v56 =	vperm.xlane v7, v4;
	v6 =	vperm.xlane v24, v4  }
0x199: {  	vm7 =	vgt.f32 v57, v21;
	vm8 =	veq.f32 v54, v18;
	vm9 =	vlt.s32 v55, v13  }
0x19a: {  	vm15 =	vgt.f32 v54, v18;
	vm10 =	veq.f32 v56, v7;
	vm11 =	vlt.s32 v6, v24  }
0x19b: {  	vm0 =	vmand vm8, vm9;
	vm12 =	vgt.f32 v56, v7;
	vm2 =	vmand vm10, vm11  }
0x19c: {  	vm0 =	vmor vm15, vm0;
	vm1 =	vmor vm12, vm2;
	vm2 =	vmand vm13, vm14  }
0x19d: {  	vm13 =	veq.f32 v33, v26;
	vm14 =	vlt.s32 v34, v42;
	v59 =	vsel vm1, v56, v7  }
0x19e: {  	v60 =	vsel vm1, v6, v24;
	v6 =	vsel vm0, v55, v13;
	v55 =	vperm.xlane v8, v2  }
0x19f: {  	vm2 =	vmor vm7, vm2;
	v56 =	vperm.xlane v9, v2;
	v27 =	vperm.xlane v59, v5  }
0x1a0: {  	v12 =	vsel vm2, v57, v21;
	v19 =	vsel vm2, v58, v30;
	v63 =	vperm.xlane v60, v5  }
0x1a1: {  	v7 =	vsel vm0, v54, v18;
	v61 =	vperm.xlane v12, v3;
	v62 =	vperm.xlane v19, v3  }
0x1a2: {  	vm8 =	veq.f32 v27, v59;
	vm10 =	vlt.s32 v63, v60;
	vm12 =	vgt.f32 v27, v59  }
0x1a3: {  	vm9 =	veq.f32 v61, v12;
	vm2 =	vlt.s32 v62, v19;
	vm0 =	vmand vm8, vm10  }
0x1a4: {  	vm11 =	vgt.f32 v61, v12;
	vm1 =	vmand vm9, vm2;
	vm0 =	vmor vm12, vm0  }
0x1a5: {  	vm8 =	vgt.f32 v33, v26;
	vm1 =	vmor vm11, vm1;
	v38 =	vsel vm0, v27, v59  }
0x1a6: {  	v39 =	vsel vm0, v63, v60;
	v59 =	vperm.xlane v10, v2;
	v60 =	vperm.xlane v11, v2  }
0x1a7: {  	v32 =	vsel vm1, v61, v12;
	v19 =	vsel vm1, v62, v19;
	vm1 =	vmand vm13, vm14  }
0x1a8: {  	v24 =	vperm.xlane v32, v4;
	v35 =	vperm.xlane v19, v4;
	vm1 =	vmor vm8, vm1  }
0x1a9: {  	vm8 =	vgt.f32 v41, v16;
	vm4 =	veq.f32 v59, v10;
	v26 =	vsel vm1, v33, v26  }
0x1aa: {  	v22 =	vsel vm1, v34, v42;
	v42 =	vperm.xlane v17, v2;
	vm9 =	veq.f32 v24, v32  }
0x1ab: {  	vm10 =	vlt.s32 v35, v19;
	v36 =	vperm.xlane v26, v3;
	v37 =	vperm.xlane v22, v3  }
0x1ac: {  	vm5 =	vlt.s32 v60, v11;
	vm15 =	vgt.f32 v24, v32;
	vm2 =	vmand vm9, vm10  }
0x1ad: {  	vm7 =	vlt.s32 v42, v17;
	vm12 =	veq.f32 v36, v26;
	vm13 =	vlt.s32 v37, v22  }
0x1ae: {  	vm11 =	vmor vm15, vm2;
	vm14 =	vgt.f32 v36, v26;
	vm0 =	vmand vm12, vm13  }
0x1af: {  	v40 =	vsel vm11, v24, v32;
	v19 =	vsel vm11, v35, v19;
	vm0 =	vmor vm14, vm0  }
0x1b0: {  	v20 =	vperm.xlane v40, v5;
	v43 =	vperm.xlane v19, v5;
	v44 =	vsel vm0, v36, v26  }
0x1b1: {  	v22 =	vsel vm0, v37, v22;
	vm0 =	vmand vm6, vm7;
	vm6 =	vgt.f32 v59, v10  }
0x1b2: {  	vm15 =	veq.f32 v20, v40;
	v26 =	vperm.xlane v44, v4;
	vm0 =	vmor vm8, vm0  }
0x1b3: {  	vm9 =	vlt.s32 v43, v19;
	v45 =	vperm.xlane v22, v4;
	v16 =	vsel vm0, v41, v16  }
0x1b4: {  	v17 =	vsel vm0, v42, v17;
	vm1 =	vmand vm15, vm9;
	vm15 =	vgt.f32 v20, v40  }
0x1b5: {  	vm10 =	veq.f32 v26, v44;
	vm11 =	vlt.s32 v45, v22;
	v21 =	vperm.xlane v16, v3  }
0x1b6: {  	v23 =	vperm.xlane v17, v3;
	vm12 =	vgt.f32 v26, v44;
	vm1 =	vmor vm15, vm1  }
0x1b7: {  	vm0 =	vmand vm10, vm11;
	v47 =	vsel vm1, v20, v40;
	v48 =	vsel vm1, v43, v19  }
0x1b8: {  	vm0 =	vmor vm12, vm0;
	vm13 =	veq.f32 v21, v16;
	vm14 =	vlt.s32 v23, v17  }
0x1b9: {  	vm7 =	vgt.f32 v21, v16;
	vm2 =	vmand vm13, vm14;
	v25 =	vsel vm0, v26, v44  }
0x1ba: {  	v22 =	vsel vm0, v45, v22;
	vm2 =	vmor vm7, vm2;
	v26 =	vperm.xlane v25, v5  }
0x1bb: {  	v27 =	vperm.xlane v22, v5;
	v21 =	vsel vm2, v21, v16;
	v23 =	vsel vm2, v23, v17  }
0x1bc: {  	vm13 =	veq.f32 v50, v14;
	v46 =	vperm.xlane v21, v4;
	v49 =	vperm.xlane v23, v4  }
0x1bd: {  	vm14 =	vlt.s32 v51, v15;
	vm8 =	veq.f32 v26, v25;
	vm9 =	vlt.s32 v27, v22  }
0x1be: {  	vm15 =	vgt.f32 v26, v25;
	vm10 =	veq.f32 v46, v21;
	vm11 =	vlt.s32 v49, v23  }
0x1bf: {  	vm0 =	vmand vm8, vm9;
	vm12 =	vgt.f32 v46, v21;
	vm2 =	vmand vm10, vm11  }
0x1c0: {  	vm8 =	vgt.f32 v50, v14;
	vm0 =	vmor vm15, vm0;
	vm1 =	vmor vm12, vm2  }
0x1c1: {  	vm15 =	vlt.s32 v56, v9;
	vm2 =	vmand vm13, vm14;
	v21 =	vsel vm1, v46, v21  }
0x1c2: {  	vm2 =	vmor vm8, vm2;
	v18 =	vsel vm1, v49, v23;
	v52 =	vperm.xlane v21, v5  }
0x1c3: {  	v14 =	vsel vm2, v50, v14;
	v15 =	vsel vm2, v51, v15;
	v54 =	vperm.xlane v18, v5  }
0x1c4: {  	v53 =	vsel vm0, v26, v25;
	v19 =	vperm.xlane v14, v3;
	v20 =	vperm.xlane v15, v3  }
0x1c5: {  	v22 =	vsel vm0, v27, v22;
	vm14 =	veq.f32 v55, v8;
	vm9 =	veq.f32 v52, v21  }
0x1c6: {  	vm11 =	vlt.s32 v54, v18;
	vm10 =	veq.f32 v19, v14;
	vm2 =	vlt.s32 v20, v15  }
0x1c7: {  	vm13 =	vgt.f32 v52, v21;
	vm12 =	vgt.f32 v19, v14;
	vm1 =	vmand vm10, vm2  }
0x1c8: {  	vm0 =	vmand vm9, vm11;
	vm9 =	vgt.f32 v55, v8;
	vm1 =	vmor vm12, vm1  }
0x1c9: {  	v14 =	vsel vm1, v19, v14;
	v15 =	vsel vm1, v20, v15;
	vm1 =	vmand vm14, vm15  }
0x1ca: {  	v57 =	vperm.xlane v14, v4;
	v58 =	vperm.xlane v15, v4;
	vm1 =	vmor vm9, vm1  }
0x1cb: {  	vm0 =	vmor vm13, vm0;
	v8 =	vsel vm1, v55, v8;
	v9 =	vsel vm1, v56, v9  }
0x1cc: {  	vm8 =	vgt.f32 v57, v14;
	vm10 =	veq.f32 v57, v14;
	vm11 =	vlt.s32 v58, v15  }
0x1cd: {  	v19 =	vperm.xlane v8, v3;
	v26 =	vperm.xlane v9, v3;
	vm2 =	vmand vm10, vm11  }
0x1ce: {  	v21 =	vsel vm0, v52, v21;
	v18 =	vsel vm0, v54, v18;
	vm12 =	vmor vm8, vm2  }
0x1cf: {  	vm13 =	veq.f32 v19, v8;
	vm14 =	vlt.s32 v26, v9;
	vm15 =	vgt.f32 v19, v8  }
0x1d0: {  	v14 =	vsel vm12, v57, v14;
	v15 =	vsel vm12, v58, v15;
	vm0 =	vmand vm13, vm14  }
0x1d1: {  	v20 =	vperm.xlane v14, v5;
	vm0 =	vmor vm15, vm0;
	v27 =	vperm.xlane v15, v5  }
0x1d2: {  	v8 =	vsel vm0, v19, v8;
	v9 =	vsel vm0, v26, v9;
	vm0 =	vmand vm4, vm5  }
0x1d3: {  	vm5 =	vmmov $0x1;
	v19 =	vperm.xlane v8, v4;
	v26 =	vperm.xlane v9, v4  }
0x1d4: {  	vm0 =	vmor vm6, vm0;
	vm11 =	vgt.f32 v20, v14;
	vm12 =	veq.f32 v20, v14  }
0x1d5: {  	v7 =	vnsel vm5, $0xFF800000, v7;
	v10 =	vsel vm0, v59, v10;
	v11 =	vsel vm0, v60, v11  }
0x1d6: {  	vm7 =	vgt.f32 v19, v8;
	vm8 =	veq.f32 v19, v8;
	vm9 =	vlt.s32 v26, v9  }
0x1d7: {  	v24 =	vperm.xlane v10, v3;
	v25 =	vperm.xlane v11, v3;
	vm10 =	vmand vm8, vm9  }
0x1d8: {  	v6 =	vnsel vm5, $0x0, v6;
	vm8 =	vlt.s32 v27, v15;
	vm0 =	vmor vm7, vm10  }
0x1d9: {  	vm13 =	veq.f32 v24, v10;
	vm14 =	vlt.s32 v25, v11;
	vm15 =	vgt.f32 v24, v10  }
0x1da: {  	vm9 =	vmand vm12, vm8;
	vm7 =	vcmask $0x320;
	v8 =	vsel vm0, v19, v8  }
0x1db: {  	v9 =	vsel vm0, v26, v9;
	vm1 =	vmand vm13, vm14;
	v7 =	vsel vm7, v7, v38  }
0x1dc: {  	v6 =	vsel vm7, v6, v39;
	v19 =	vperm.xlane v8, v5;
	vm0 =	vmor vm15, vm1  }
0x1dd: {  	v26 =	vperm.xlane v9, v5;
	v10 =	vsel vm0, v24, v10;
	v11 =	vsel vm0, v25, v11  }
0x1de: {  	vm0 =	vmor vm11, vm9;
	vm9 =	vcmask $0x720;
	v24 =	vperm.xlane v10, v4  }
0x1df: {  	v25 =	vperm.xlane v11, v4;
	vm10 =	veq.f32 v19, v8;
	vm11 =	vlt.s32 v26, v9  }
0x1e0: {  	vm14 =	vgt.f32 v19, v8;
	v14 =	vsel vm0, v20, v14;
	v15 =	vsel vm0, v27, v15  }
0x1e1: {  	v7 =	vsel vm9, v7, v47;
	v6 =	vsel vm9, v6, v48;
	vm1 =	vmand vm10, vm11  }
0x1e2: {  	vm11 =	vcmask $0xB20;
	vm12 =	veq.f32 v24, v10;
	vm13 =	vlt.s32 v25, v11  }
0x1e3: {  	vm15 =	vgt.f32 v24, v10;
	vm1 =	vmor vm14, vm1;
	vm2 =	vmand vm12, vm13  }
0x1e4: {  	v7 =	vsel vm11, v7, v53;
	v6 =	vsel vm11, v6, v22;
	vm2 =	vmor vm15, vm2  }
0x1e5: {  	vm14 =	vcmask $0x1720;
	v10 =	vsel vm2, v24, v10;
	v11 =	vsel vm2, v25, v11  }
0x1e6: {  	v8 =	vsel vm1, v19, v8;
	v61 =	vperm.xlane v10, v5;
	v62 =	vperm.xlane v11, v5  }
0x1e7: {  	v9 =	vsel vm1, v26, v9;
	vm12 =	vcmask $0xF20;
	vm13 =	vcmask $0x1320  }
0x1e8: {  	v7 =	vsel vm12, v7, v21;
	vm8 =	veq.f32 v61, v10;
	vm10 =	vlt.s32 v62, v11  }
0x1e9: {  	v6 =	vsel vm12, v6, v18;
	vm6 =	vgt.f32 v61, v10;
	vm0 =	vmand vm8, vm10  }
0x1ea: {  	vm15 =	vcmask $0x1B20;
	v7 =	vsel vm13, v7, v14;
	vm0 =	vmor vm6, vm0  }
0x1eb: {  	v6 =	vsel vm13, v6, v15;
	v7 =	vsel vm14, v7, v8;
	v10 =	vsel vm0, v61, v10  }
0x1ec: {  	v6 =	vsel vm14, v6, v9;
	v63 =	vsel vm0, v62, v11;
	v7 =	vsel vm15, v7, v10  }
0x1ed: {  	v6 =	vsel vm15, v6, v63;
	[tilespmem:$0x17800] =	vst v7  }
0x1ee: {  	[tilespmem:$0x17880] =	vst v6  }
0x1ef: {  	[hbm4b:s12+s2] =	stream.linear.scatter [tilespmem:s22], [sflag:$0x4], $0x8, $0x38;
	[tilespmem:$0x17900] =	vst v63  }
0x1f0: {  	s24 =	sadd.s32 $0x1, s24;
	_ =	swait.ge [sflag:s21], $0x8  }
0x1f1: {  	p0 =	sne.s32 s24, s14;
	[sflag:s21] =	ssyncset.done $0x0  }
.Ltmp4:
0x1f2: {  	[sflag:s21] =	ssyncadd.s32 $0xFFFFFFF8;
	(pc) =	sbr.rel @p0 .LBB2_1-.Ltmp4, $4  }
0x1f3: {  	[hbm4b:s13+s2] =	stream.linear.scatter [tilespmem:s23], [sflag:$0x4], $0x8, $0x38;
	[tilespmem:$0x17900] =	vst v63  }
0x1f4: {  	_ =	swait.ge [sflag:s21], $0x8  }
0x1f5: {  	[sflag:s21] =	ssyncset.done $0x0  }
0x1f6: {  	[sflag:s21] =	ssyncadd.s32 $0xFFFFFFF8  }
0x1f7: {  	_ =	sfence.sel $0x180000  }
0x1f8: {  	[bflag:$0x0] =	sbarrier.arrive $0xFFFF  }
0x1f9: {  	_ =	strace $0x90000047  }
0x1fa: {  	s0 =	stileid.u32;
	[bflag:$0x2] =	sbarrier.arrive $0xFFFF  }
0x1fb: {  	p0 =	sne.s32 s0, $0x0;
	s0 =	rddreg [dreg:$0x3]  }
0x1fc: {  	s0 =	sadd.s32 @!p0 $0x100000, s0  }
0x1fd: {  	[sflag:s0] =	ssyncadd.tile.s32 @!p0 $0x1;
	_ =	shalt  }
.Lfunc_end2:
_tile_overlayer_lowered:
.L_overlay_start_2:
0x1fe: {  	(tag) =	ssettag $0x2  }
0x1ff: {  	s0 =	rddreg [dreg:$0x0];
	s2 =	stileid.u32  }
0x200: {  	s1 =	rddreg [dreg:$0x1];
	p0 =	sne.s32 s2, $0x0  }
0x201: {  	s3 =	rddreg [dreg:$0x2];
	[bflag:$0x3] =	sbarrier.arrive $0xFFFF;
	s2 =	simm.s32 @!p0 $0x1C04  }
0x202: {  	[timem:s3], [sflag:s2] =	dma.local @!p0 [hbm:s0], s1  }
0x203: {  	s0 =	simm.s32 @!p0 $0x4  }
0x204: {  	_ =	swait.ge @!p0 [sflag:s0], s1  }
0x205: {  	s1 =	ssub.s32 @!p0 $0x0, s1;
	[sflag:s0] =	ssyncset.done @!p0 $0x0  }
0x206: {  	[sflag:s0] =	ssyncadd.s32 @!p0 s1  }
0x207: {  	[bflag:$0x3] =	sbarrier.arrive $0xFFFF  }
0x208: {  	_ =	shalt  }

</sc_bundles>
